<compile_context>
chip_gen: v7x
topology: tpu7x:2x2x1
jax: 0.10.2.dev20260603
libtpu: 0.0.44.dev20260713+nightly
codegen_flags: <defaults>
</compile_context>

<pallas_src>
import functools

import jax
import jax.numpy as jnp
from jax import lax
from jax.experimental import pallas as pl
from jax.experimental.pallas import tpu as pltpu
from jax.experimental.pallas import tpu_sc as plsc

T = 2048
D = 1024
H = 16
KV = 8
HD = 64
E = 8
K = 2
F = 512
THETA = 1000000.0
EPS = 1e-6
BT = 256
BM = 256
NBUF = T * K + E * BM
NB = NBUF // BM
DW = D // 2


def _rmsnorm(x, w):
    var = jnp.mean(x * x, axis=-1, keepdims=True)
    return x * jax.lax.rsqrt(var + EPS) * w


def _rope(x, cos, sin, nh):
    parts = []
    for h in range(nh):
        x1 = x[:, h * HD : h * HD + HD // 2]
        x2 = x[:, h * HD + HD // 2 : (h + 1) * HD]
        parts.append(x2)
        parts.append(x1)
    xs = jnp.concatenate(parts, axis=1)
    cosf = jnp.concatenate([cos] * nh, axis=1)
    sinf = jnp.concatenate([sin] * nh, axis=1)
    return x * cosf + xs * sinf


def _qkv_body(hid_ref, ln1_ref, cos_ref, sin_ref, wq_ref, wk_ref, wv_ref,
              bq_ref, bk_ref, bv_ref, qo_ref, ko_ref, vo_ref):
    x = hid_ref[...]
    xn = _rmsnorm(x, ln1_ref[...]).astype(jnp.bfloat16)
    cos = cos_ref[...]
    sin = sin_ref[...]
    q = jnp.dot(xn, wq_ref[...], preferred_element_type=jnp.float32) + bq_ref[...]
    k = jnp.dot(xn, wk_ref[...], preferred_element_type=jnp.float32) + bk_ref[...]
    v = jnp.dot(xn, wv_ref[...], preferred_element_type=jnp.float32) + bv_ref[...]
    qo_ref[...] = _rope(q, cos, sin, H).astype(jnp.bfloat16)
    ko_ref[...] = _rope(k, cos, sin, KV).astype(jnp.bfloat16)
    vo_ref[...] = v.astype(jnp.bfloat16)


def _attn_body(q_ref, k_ref, v_ref, o_ref, *, kext, qbase):
    qi = pl.program_id(0)
    rows = (qbase + qi) * BT + jax.lax.broadcasted_iota(jnp.int32, (BT, kext), 0)
    cols = jax.lax.broadcasted_iota(jnp.int32, (BT, kext), 1)
    causal = rows >= cols
    qb = q_ref[...]
    kb = k_ref[...]
    vb = v_ref[...]
    outs = []
    for h in range(H):
        qh = qb[:, h * HD : (h + 1) * HD]
        kvh = h // (H // KV)
        kh = kb[:, kvh * HD : (kvh + 1) * HD]
        vh = vb[:, kvh * HD : (kvh + 1) * HD]
        s = jax.lax.dot_general(qh, kh, (((1,), (1,)), ((), ())),
                                preferred_element_type=jnp.float32)
        s = s * (HD ** -0.5)
        s = jnp.where(causal, s, -1e30)
        m = jnp.max(s, axis=-1, keepdims=True)
        p = jnp.exp(s - m)
        denom = jnp.sum(p, axis=-1, keepdims=True)
        o = jnp.dot(p.astype(jnp.bfloat16), vh,
                    preferred_element_type=jnp.float32)
        outs.append((o / denom).astype(jnp.bfloat16))
    o_ref[...] = jnp.concatenate(outs, axis=1)


def _post_body(attn_ref, wo_ref, hid_ref, ln2_ref, wg_ref,
               h_ref, x2_ref, er_ref, rk_ref, wts_ref, cnt_ref, cnt_s):
    i = pl.program_id(0)
    a = attn_ref[...]
    ho = jnp.dot(a, wo_ref[...], preferred_element_type=jnp.float32)
    h = hid_ref[...] + ho
    h_ref[...] = h
    x2 = _rmsnorm(h, ln2_ref[...])
    x2_ref[...] = x2
    logits = jnp.dot(x2, wg_ref[...], preferred_element_type=jnp.float32)
    mx = jnp.max(logits, axis=-1, keepdims=True)
    pr = jnp.exp(logits - mx)
    pr = pr / jnp.sum(pr, axis=-1, keepdims=True)
    lanes = jax.lax.broadcasted_iota(jnp.int32, (BT, E), 1)
    m1 = jnp.max(pr, axis=-1, keepdims=True)
    idx1 = jnp.min(jnp.where(pr == m1, lanes, 127), axis=-1, keepdims=True)
    sel1 = lanes == idx1
    pr2 = jnp.where(sel1, -1.0, pr)
    m2 = jnp.max(pr2, axis=-1, keepdims=True)
    idx2 = jnp.min(jnp.where(pr2 == m2, lanes, 127), axis=-1, keepdims=True)
    sel2 = lanes == idx2
    msk = (sel1 | sel2).astype(jnp.bfloat16)
    rio = jax.lax.broadcasted_iota(jnp.int32, (BT, BT), 0)
    cio = jax.lax.broadcasted_iota(jnp.int32, (BT, BT), 1)
    ltri = (rio > cio).astype(jnp.bfloat16)
    rank_local = jnp.dot(ltri, msk, preferred_element_type=jnp.float32)

    @pl.when(i == 0)
    def _():
        cnt_s[...] = jnp.zeros((8, 128), jnp.float32)

    cnt_prev = cnt_s[0:1, 0:E]
    rank_g = rank_local + cnt_prev
    new_cnt = cnt_prev + jnp.sum(msk.astype(jnp.float32), axis=0, keepdims=True)
    cnt_s[0:1, 0:E] = new_cnt
    cnt_ref[...] = new_cnt
    sel1f = sel1.astype(jnp.float32)
    sel2f = sel2.astype(jnp.float32)
    rk1 = jnp.sum(rank_g * sel1f, axis=-1, keepdims=True)
    rk2 = jnp.sum(rank_g * sel2f, axis=-1, keepdims=True)
    rk_ref[...] = jnp.concatenate([rk1, rk2], axis=1)
    er_ref[...] = jnp.concatenate([idx1, idx2], axis=1)
    s12 = m1 + m2
    wts_ref[...] = jnp.concatenate([m1 / s12, m2 / s12], axis=1)


def _dest_body(cnt_ref, er_ref, rk_ref, dest_ref, bexp_ref):
    cnts = cnt_ref[...]
    pcnt = jnp.floor((cnts + (BM - 1)) / BM) * BM
    rio = jax.lax.broadcasted_iota(jnp.int32, (E, E), 0)
    cio = jax.lax.broadcasted_iota(jnp.int32, (E, E), 1)
    tri = (rio < cio).astype(jnp.float32)
    starts = jnp.dot(pcnt, tri, preferred_element_type=jnp.float32)
    er = er_ref[...]
    rk = rk_ref[...]
    dest = rk
    bcols = jax.lax.broadcasted_iota(jnp.int32, (1, 32), 1)
    bexp = jnp.full((1, 32), E, jnp.int32)
    for e in range(E):
        se = starts[0:1, e : e + 1]
        dest = dest + jnp.where(er == e,
                                jax.lax.broadcast_in_dim(se, (T, K), (0, 1)),
                                0.0)
        sb = (se / BM).astype(jnp.int32)
        nb = (pcnt[0:1, e : e + 1] / BM).astype(jnp.int32)
        inblk = (bcols >= sb) & (bcols < sb + nb)
        bexp = jnp.where(inblk, e, bexp)
    dest_ref[...] = dest.astype(jnp.int32)
    bexp_ref[...] = bexp


def _gmm_body(bexp_ref, xs_ref, wg_ref, wu_ref, wd_ref, ys_ref):
    be = bexp_ref[pl.program_id(0)]

    @pl.when(be < E)
    def _():
        x = xs_ref[...].astype(jnp.bfloat16)
        w1 = wg_ref[0].astype(jnp.bfloat16)
        w2 = wu_ref[0].astype(jnp.bfloat16)
        w3 = wd_ref[0].astype(jnp.bfloat16)
        g = jnp.dot(x, w1, preferred_element_type=jnp.float32)
        u = jnp.dot(x, w2, preferred_element_type=jnp.float32)
        inter = (g * jax.lax.logistic(g) * u).astype(jnp.bfloat16)
        ys_ref[...] = jnp.dot(inter, w3, preferred_element_type=jnp.float32)


def _combine_body(h_ref, g0_ref, g1_ref, wts_ref, o_ref):
    h = h_ref[...]
    w = wts_ref[...]
    o_ref[...] = h + w[:, 0:1] * g0_ref[...] + w[:, 1:2] * g1_ref[...]


def _sc_dispatch(x2i, dflat):
    info = plsc.get_sparse_core_info()
    nc, ns = info.num_cores, info.num_subcores
    nw = nc * ns
    spw = (T * K) // nw
    mesh = plsc.VectorSubcoreMesh(core_axis_name="c", subcore_axis_name="s")

    hw = spw // 2

    @functools.partial(
        pl.kernel, mesh=mesh,
        out_type=jax.ShapeDtypeStruct((NBUF, D), jnp.float32),
        scratch_types=[
            pltpu.VMEM((spw,), jnp.int32),
            pltpu.VMEM((hw, D), jnp.float32),
            pltpu.SemaphoreType.DMA,
        ],
    )
    def k(x2_hbm, df_hbm, xs_hbm, didx_v, rows_v, sem):
        wid = lax.axis_index("s") * nc + lax.axis_index("c")
        base = wid * spw
        tok_base = (wid * spw) % T
        pltpu.sync_copy(df_hbm.at[pl.ds(base, spw)], didx_v)
        for cch in range(2):
            pltpu.sync_copy(x2_hbm.at[pl.ds(tok_base + cch * hw, hw)], rows_v)
            pltpu.async_copy(rows_v, xs_hbm.at[didx_v.at[pl.ds(cch * hw, hw)]],
                             sem).wait()

    return k(x2i, dflat)


def _sc_collect(ysi, dflat):
    info = plsc.get_sparse_core_info()
    nc, ns = info.num_cores, info.num_subcores
    nw = nc * ns
    spw = (T * K) // nw
    mesh = plsc.VectorSubcoreMesh(core_axis_name="c", subcore_axis_name="s")

    hw = spw // 2

    @functools.partial(
        pl.kernel, mesh=mesh,
        out_type=jax.ShapeDtypeStruct((T * K, D), jnp.float32),
        scratch_types=[
            pltpu.VMEM((spw,), jnp.int32),
            pltpu.VMEM((hw, D), jnp.float32),
            pltpu.SemaphoreType.DMA,
        ],
    )
    def k(ys_hbm, df_hbm, g_hbm, didx_v, rows_v, sem):
        wid = lax.axis_index("s") * nc + lax.axis_index("c")
        base = wid * spw
        pltpu.sync_copy(df_hbm.at[pl.ds(base, spw)], didx_v)
        for cch in range(2):
            pltpu.async_copy(ys_hbm.at[didx_v.at[pl.ds(cch * hw, hw)]], rows_v,
                             sem).wait()
            pltpu.sync_copy(rows_v, g_hbm.at[pl.ds(base + cch * hw, hw)])

    return k(ysi, dflat)


def kernel(positions, hidden_states, ln1_w, ln2_w, Wq, bq, Wk, bk, Wv, bv,
           Wo, Wg, w_gate, w_up, w_down):
    f32 = jnp.float32
    bf16 = jnp.bfloat16
    half = HD // 2
    inv_freq = 1.0 / (THETA ** (jnp.arange(0, half, dtype=f32) / half))
    freqs = positions.astype(f32)[:, None] * inv_freq[None, :]
    c = jnp.cos(freqs)
    s = jnp.sin(freqs)
    cosA = jnp.concatenate([c, c], axis=1)
    sinA = jnp.concatenate([-s, s], axis=1)

    ln1 = ln1_w.reshape(1, D)
    ln2 = ln2_w.reshape(1, D)
    bq2 = bq.reshape(1, H * HD)
    bk2 = bk.reshape(1, KV * HD)
    bv2 = bv.reshape(1, KV * HD)
    wq_b = Wq.astype(bf16)
    wk_b = Wk.astype(bf16)
    wv_b = Wv.astype(bf16)
    wo_b = Wo.astype(bf16)

    nt = T // BT
    q, k, v = pl.pallas_call(
        _qkv_body,
        grid=(nt,),
        in_specs=[
            pl.BlockSpec((BT, D), lambda i: (i, 0)),
            pl.BlockSpec((1, D), lambda i: (0, 0)),
            pl.BlockSpec((BT, HD), lambda i: (i, 0)),
            pl.BlockSpec((BT, HD), lambda i: (i, 0)),
            pl.BlockSpec((D, H * HD), lambda i: (0, 0)),
            pl.BlockSpec((D, KV * HD), lambda i: (0, 0)),
            pl.BlockSpec((D, KV * HD), lambda i: (0, 0)),
            pl.BlockSpec((1, H * HD), lambda i: (0, 0)),
            pl.BlockSpec((1, KV * HD), lambda i: (0, 0)),
            pl.BlockSpec((1, KV * HD), lambda i: (0, 0)),
        ],
        out_specs=[
            pl.BlockSpec((BT, H * HD), lambda i: (i, 0)),
            pl.BlockSpec((BT, KV * HD), lambda i: (i, 0)),
            pl.BlockSpec((BT, KV * HD), lambda i: (i, 0)),
        ],
        out_shape=[
            jax.ShapeDtypeStruct((T, H * HD), bf16),
            jax.ShapeDtypeStruct((T, KV * HD), bf16),
            jax.ShapeDtypeStruct((T, KV * HD), bf16),
        ],
    )(hidden_states, ln1, cosA, sinA, wq_b, wk_b, wv_b, bq2, bk2, bv2)

    attn_parts = []
    GRP = 2
    for g in range(nt // GRP):
        qbase = g * GRP
        kext = (qbase + GRP) * BT
        part = pl.pallas_call(
            functools.partial(_attn_body, kext=kext, qbase=qbase),
            grid=(GRP,),
            in_specs=[
                pl.BlockSpec((BT, H * HD), lambda i, qb=qbase: (qb + i, 0)),
                pl.BlockSpec((kext, KV * HD), lambda i: (0, 0)),
                pl.BlockSpec((kext, KV * HD), lambda i: (0, 0)),
            ],
            out_specs=pl.BlockSpec((BT, H * HD), lambda i: (i, 0)),
            out_shape=jax.ShapeDtypeStruct((GRP * BT, H * HD), bf16),
        )(q, k, v)
        attn_parts.append(part)
    attn = jnp.concatenate(attn_parts, axis=0)

    h, x2b, er, rk, wts, cnt = pl.pallas_call(
        _post_body,
        grid=(nt,),
        in_specs=[
            pl.BlockSpec((BT, H * HD), lambda i: (i, 0)),
            pl.BlockSpec((H * HD, D), lambda i: (0, 0)),
            pl.BlockSpec((BT, D), lambda i: (i, 0)),
            pl.BlockSpec((1, D), lambda i: (0, 0)),
            pl.BlockSpec((D, E), lambda i: (0, 0)),
        ],
        out_specs=[
            pl.BlockSpec((BT, D), lambda i: (i, 0)),
            pl.BlockSpec((BT, D), lambda i: (i, 0)),
            pl.BlockSpec((BT, K), lambda i: (i, 0)),
            pl.BlockSpec((BT, K), lambda i: (i, 0)),
            pl.BlockSpec((BT, K), lambda i: (i, 0)),
            pl.BlockSpec((1, E), lambda i: (0, 0)),
        ],
        out_shape=[
            jax.ShapeDtypeStruct((T, D), f32),
            jax.ShapeDtypeStruct((T, D), f32),
            jax.ShapeDtypeStruct((T, K), jnp.int32),
            jax.ShapeDtypeStruct((T, K), f32),
            jax.ShapeDtypeStruct((T, K), f32),
            jax.ShapeDtypeStruct((1, E), f32),
        ],
        scratch_shapes=[pltpu.VMEM((8, 128), f32)],
    )(attn, wo_b, hidden_states, ln2, Wg)

    dest, bexp = pl.pallas_call(
        _dest_body,
        grid=(1,),
        in_specs=[
            pl.BlockSpec((1, E), lambda i: (0, 0)),
            pl.BlockSpec((T, K), lambda i: (0, 0)),
            pl.BlockSpec((T, K), lambda i: (0, 0)),
        ],
        out_specs=[
            pl.BlockSpec((T, K), lambda i: (0, 0)),
            pl.BlockSpec((1, 32), lambda i: (0, 0)),
        ],
        out_shape=[
            jax.ShapeDtypeStruct((T, K), jnp.int32),
            jax.ShapeDtypeStruct((1, 32), jnp.int32),
        ],
    )(cnt, er, rk)

    dflat = jnp.concatenate([dest[:, 0], dest[:, 1]], axis=0)
    bexp1 = bexp.reshape(32)

    xs = _sc_dispatch(x2b, dflat)

    ys = pl.pallas_call(
        _gmm_body,
        grid_spec=pltpu.PrefetchScalarGridSpec(
            num_scalar_prefetch=1,
            grid=(NB,),
            in_specs=[
                pl.BlockSpec((BM, D), lambda b, be: (b, 0)),
                pl.BlockSpec((1, D, F),
                             lambda b, be: (jnp.minimum(be[b], E - 1), 0, 0)),
                pl.BlockSpec((1, D, F),
                             lambda b, be: (jnp.minimum(be[b], E - 1), 0, 0)),
                pl.BlockSpec((1, F, D),
                             lambda b, be: (jnp.minimum(be[b], E - 1), 0, 0)),
            ],
            out_specs=pl.BlockSpec((BM, D), lambda b, be: (b, 0)),
        ),
        out_shape=jax.ShapeDtypeStruct((NBUF, D), f32),
    )(bexp1, xs, w_gate, w_up, w_down)

    gg = _sc_collect(ys, dflat)

    out = pl.pallas_call(
        _combine_body,
        grid=(nt,),
        in_specs=[
            pl.BlockSpec((BT, D), lambda i: (i, 0)),
            pl.BlockSpec((BT, D), lambda i: (i, 0)),
            pl.BlockSpec((BT, D), lambda i: (i + T // BT, 0)),
            pl.BlockSpec((BT, K), lambda i: (i, 0)),
        ],
        out_specs=pl.BlockSpec((BT, D), lambda i: (i, 0)),
        out_shape=jax.ShapeDtypeStruct((T, D), f32),
    )(h, gg, gg, wts)

    return out

# --- scband reference (transcript-rebuilt; emitter-appended) ---
"""Pipeline reference for scband-mi-mo-moe-decoder-layer-68753836474422 (READ-ONLY COPY).

The authoritative reference and input builder live on the scoring server;
editing this copy changes nothing except your own understanding.
"""

import jax, jax.numpy as jnp
import numpy as np

T = 2048
D = 1024
H = 16
KV = 8
HD = 64
E = 8
K = 2
F = 512
THETA = 1000000.0
EPS = 1e-6


def setup_inputs(seed: int = 0) -> dict:
    key = jax.random.key(seed)
    ks = jax.random.split(key, 12)
    s = 0.02
    return {
        "positions": jnp.arange(T, dtype=jnp.int32),
        "hidden_states": jax.random.normal(ks[0], (T, D), dtype=jnp.float32),
        "ln1_w": jnp.ones((D,), dtype=jnp.float32),
        "ln2_w": jnp.ones((D,), dtype=jnp.float32),
        "Wq": jax.random.normal(ks[1], (D, H * HD), dtype=jnp.float32) * s,
        "bq": jnp.zeros((H * HD,), dtype=jnp.float32),
        "Wk": jax.random.normal(ks[2], (D, KV * HD), dtype=jnp.float32) * s,
        "bk": jnp.zeros((KV * HD,), dtype=jnp.float32),
        "Wv": jax.random.normal(ks[3], (D, KV * HD), dtype=jnp.float32) * s,
        "bv": jnp.zeros((KV * HD,), dtype=jnp.float32),
        "Wo": jax.random.normal(ks[4], (H * HD, D), dtype=jnp.float32) * s,
        "Wg": jax.random.normal(ks[5], (D, E), dtype=jnp.float32) * s,
        "w_gate": jax.random.normal(ks[6], (E, D, F), dtype=jnp.float32) * s,
        "w_up": jax.random.normal(ks[7], (E, D, F), dtype=jnp.float32) * s,
        "w_down": jax.random.normal(ks[8], (E, F, D), dtype=jnp.float32) * s,
    }


def _rmsnorm(x, w):
    var = jnp.mean(jnp.square(x), axis=-1, keepdims=True)
    return x * jax.lax.rsqrt(var + EPS) * w


def _apply_rope(x, positions):
    # neox-style rotary embedding over full head_dim
    half = HD // 2
    inv_freq = 1.0 / (THETA ** (jnp.arange(0, half, dtype=jnp.float32) / half))
    freqs = positions.astype(jnp.float32)[:, None] * inv_freq[None, :]  # [T, half]
    cos = jnp.cos(freqs)[:, None, :]
    sin = jnp.sin(freqs)[:, None, :]
    x1 = x[..., :half]
    x2 = x[..., half:]
    return jnp.concatenate([x1 * cos - x2 * sin, x2 * cos + x1 * sin], axis=-1)


def _decoder_layer(positions, hidden_states, ln1_w, ln2_w, Wq, bq, Wk, bk, Wv, bv, Wo, Wg, w_gate, w_up, w_down):
    # --- self attention block ---
    x = _rmsnorm(hidden_states, ln1_w)
    q = (x @ Wq + bq).reshape(T, H, HD)
    k = (x @ Wk + bk).reshape(T, KV, HD)
    v = (x @ Wv + bv).reshape(T, KV, HD)
    q = _apply_rope(q, positions)
    k = _apply_rope(k, positions)
    rep = H // KV
    k = jnp.repeat(k, rep, axis=1)
    v = jnp.repeat(v, rep, axis=1)
    scale = HD ** -0.5
    scores = jnp.einsum("thd,shd->hts", q, k) * scale
    idx = jnp.arange(T)
    causal = idx[:, None] >= idx[None, :]
    scores = jnp.where(causal[None, :, :], scores, jnp.float32(-1e30))
    probs = jax.nn.softmax(scores, axis=-1)
    attn = jnp.einsum("hts,shd->thd", probs, v).reshape(T, H * HD)
    attn_out = attn @ Wo
    h = hidden_states + attn_out
    # --- MoE block ---
    x2 = _rmsnorm(h, ln2_w)
    router_logits = x2 @ Wg
    router_probs = jax.nn.softmax(router_logits, axis=-1)
    topk_w, topk_ids = jax.lax.top_k(router_probs, K)
    topk_w = topk_w / jnp.sum(topk_w, axis=-1, keepdims=True)  # renormalize
    combine = jnp.sum(jax.nn.one_hot(topk_ids, E, dtype=x2.dtype) * topk_w[..., None], axis=1)  # [T, E]
    g = jnp.einsum("td,edf->tef", x2, w_gate)
    u = jnp.einsum("td,edf->tef", x2, w_up)
    inter = jax.nn.silu(g) * u
    expert_out = jnp.einsum("tef,efd->ted", inter, w_down)
    moe_out = jnp.einsum("ted,te->td", expert_out, combine)
    return h + moe_out


def reference(positions, hidden_states, ln1_w, ln2_w, Wq, bq, Wk, bk, Wv, bv, Wo, Wg, w_gate, w_up, w_down):
    return _decoder_layer(positions, hidden_states, ln1_w, ln2_w, Wq, bq, Wk, bk, Wv, bv, Wo, Wg, w_gate, w_up, w_down)

if __name__ == "__main__":
    import jax
    _d = setup_inputs()
    print(jax.jit(kernel)(*tuple(_d.values())))

</pallas_src>

<mosaic_0001>
#map = affine_map<(d0, d1) -> (0, 0)>
#map1 = affine_map<(d0, d1) -> (0)>
module attributes {stable_mosaic.version = 14 : i64} {
  func.func @k(%arg0: i32, %arg1: i32, %arg2: memref<2048x1024xf32, #tpu.memory_space<hbm>>, %arg3: memref<4096xi32, #tpu.memory_space<hbm>>, %arg4: memref<6144x1024xf32, #tpu.memory_space<hbm>>, %arg5: memref<128xi32, #tpu.memory_space<vmem>>, %arg6: memref<64x1024xf32, #tpu.memory_space<vmem>>, %arg7: memref<!tpu.dma_semaphore, #tpu.memory_space<semaphore_mem>>) attributes {dimension_semantics = [#tpu.dimension_semantics<core_parallel>, #tpu.dimension_semantics<subcore_parallel>], iteration_bounds = array<i64: 2, 16>, scalar_prefetch = 0 : i64, scratch_operands = 3 : i64, tpu.core_type = #tpu.core_type<sc_vector_subcore>, window_params = [{transform_indices = #map}, {transform_indices = #map1}, {transform_indices = #map}]} {
    %mul3A = arith.constant 2 : i32
    %mul3A_0 = arith.muli %arg1, %mul3A : i32
    %add3A = arith.addi %mul3A_0, %arg0 : i32
    %mul3A_1 = arith.constant 128 : i32
    %mul3A_2 = arith.muli %add3A, %mul3A_1 : i32
    %mul3A_3 = arith.constant 128 : i32
    %mul3A_4 = arith.muli %add3A, %mul3A_3 : i32
    %jit3A = arith.constant 2048 : i32
    %eq3A = arith.constant 0 : i32
    %eq3A_5 = arith.cmpi eq, %jit3A, %eq3A : i32
    %jit3A_6 = arith.constant 1 : i32
    %select_n3A = arith.select %eq3A_5, %jit3A_6, %jit3A : i32
    %rem3A = arith.remsi %mul3A_4, %select_n3A : i32
    %ne3A = arith.constant 0 : i32
    %ne3A_7 = arith.cmpi ne, %rem3A, %ne3A : i32
    %lt3A = arith.constant 0 : i32
    %lt3A_8 = arith.cmpi slt, %rem3A, %lt3A : i32
    %lt3A_9 = arith.constant 0 : i32
    %lt3A_10 = arith.cmpi slt, %select_n3A, %lt3A_9 : i32
    %ne3A_11 = arith.xori %lt3A_8, %lt3A_10 : i1
    %and3A = arith.andi %ne3A_11, %ne3A_7 : i1
    %add3A_12 = arith.addi %rem3A, %select_n3A : i32
    %select_n3A_13 = arith.select %and3A, %add3A_12, %rem3A : i32
    "tpu.region"() ({
      %run_scoped3A = tpu.sem_alloc : memref<!tpu.dma_semaphore, #tpu.memory_space<semaphore_mem>>
      %dma_start3A_36 = tpu.memref_slice %arg3[%mul3A_2] : memref<4096xi32, #tpu.memory_space<hbm>> -> memref<128xi32, #tpu.memory_space<hbm>>
      %dma_start3A_37 = tpu.memref_slice %arg3[%mul3A_2] : memref<4096xi32, #tpu.memory_space<hbm>> -> memref<128xi32, #tpu.memory_space<hbm>>
      tpu.enqueue_dma source(%dma_start3A_37 : memref<128xi32, #tpu.memory_space<hbm>>) target(%arg5 : memref<128xi32, #tpu.memory_space<vmem>>) target_semaphore(%run_scoped3A : memref<!tpu.dma_semaphore, #tpu.memory_space<semaphore_mem>>)
      %dma_wait3A_38 = tpu.memref_slice %arg3[%mul3A_2] : memref<4096xi32, #tpu.memory_space<hbm>> -> memref<128xi32, #tpu.memory_space<hbm>>
      %dma_wait3A_39 = tpu.memref_slice %arg3[%mul3A_2] : memref<4096xi32, #tpu.memory_space<hbm>> -> memref<128xi32, #tpu.memory_space<hbm>>
      tpu.wait_dma2 semaphore(%run_scoped3A : memref<!tpu.dma_semaphore, #tpu.memory_space<semaphore_mem>>) src(%dma_wait3A_39 : memref<128xi32, #tpu.memory_space<hbm>>) dst(%arg5 : memref<128xi32, #tpu.memory_space<vmem>>)
      tpu.yield
    }) : () -> ()
    %add3A_14 = arith.constant 0 : i32
    %add3A_15 = arith.addi %select_n3A_13, %add3A_14 : i32
    "tpu.region"() ({
      %run_scoped3A = tpu.sem_alloc : memref<!tpu.dma_semaphore, #tpu.memory_space<semaphore_mem>>
      %dma_start3A_36 = arith.constant 0 : i32
      %dma_start3A_37 = tpu.memref_slice %arg2[%add3A_15, %dma_start3A_36] : memref<2048x1024xf32, #tpu.memory_space<hbm>> -> memref<64x1024xf32, #tpu.memory_space<hbm>>
      %dma_start3A_38 = arith.constant 0 : i32
      %dma_start3A_39 = tpu.memref_slice %arg2[%add3A_15, %dma_start3A_38] : memref<2048x1024xf32, #tpu.memory_space<hbm>> -> memref<64x1024xf32, #tpu.memory_space<hbm>>
      tpu.enqueue_dma source(%dma_start3A_39 : memref<64x1024xf32, #tpu.memory_space<hbm>>) target(%arg6 : memref<64x1024xf32, #tpu.memory_space<vmem>>) target_semaphore(%run_scoped3A : memref<!tpu.dma_semaphore, #tpu.memory_space<semaphore_mem>>)
      %dma_wait3A_40 = arith.constant 0 : i32
      %dma_wait3A_41 = tpu.memref_slice %arg2[%add3A_15, %dma_wait3A_40] : memref<2048x1024xf32, #tpu.memory_space<hbm>> -> memref<64x1024xf32, #tpu.memory_space<hbm>>
      %dma_wait3A_42 = arith.constant 0 : i32
      %dma_wait3A_43 = tpu.memref_slice %arg2[%add3A_15, %dma_wait3A_42] : memref<2048x1024xf32, #tpu.memory_space<hbm>> -> memref<64x1024xf32, #tpu.memory_space<hbm>>
      tpu.wait_dma2 semaphore(%run_scoped3A : memref<!tpu.dma_semaphore, #tpu.memory_space<semaphore_mem>>) src(%dma_wait3A_43 : memref<64x1024xf32, #tpu.memory_space<hbm>>) dst(%arg6 : memref<64x1024xf32, #tpu.memory_space<vmem>>)
      tpu.yield
    }) : () -> ()
    %dma_start3A = arith.constant 0 : i32
    %dma_start3A_16 = tpu.memref_slice %arg5[%dma_start3A] : memref<128xi32, #tpu.memory_space<vmem>> -> memref<64xi32, #tpu.memory_space<vmem>>
    %dma_start3A_17 = arith.constant 0 : i32
    %dma_start3A_18 = arith.constant 0 : i32
    %dma_start3A_19 = tpu.memref_slice %arg4[%dma_start3A_17, %dma_start3A_18] : memref<6144x1024xf32, #tpu.memory_space<hbm>> -> memref<6144x1024xf32, #tpu.memory_space<hbm>>
    tpu.enqueue_indirect_dma source(%arg6 : memref<64x1024xf32, #tpu.memory_space<vmem>>) target(%dma_start3A_19 : memref<6144x1024xf32, #tpu.memory_space<hbm>>) offsets(%dma_start3A_16 : memref<64xi32, #tpu.memory_space<vmem>>) semaphore(%arg7 : memref<!tpu.dma_semaphore, #tpu.memory_space<semaphore_mem>>)
    %dma_wait3A = arith.constant 0 : i32
    %dma_wait3A_20 = tpu.memref_slice %arg5[%dma_wait3A] : memref<128xi32, #tpu.memory_space<vmem>> -> memref<64xi32, #tpu.memory_space<vmem>>
    %dma_wait3A_21 = arith.constant 0 : i32
    %dma_wait3A_22 = arith.constant 0 : i32
    %dma_wait3A_23 = tpu.memref_slice %arg4[%dma_wait3A_21, %dma_wait3A_22] : memref<6144x1024xf32, #tpu.memory_space<hbm>> -> memref<6144x1024xf32, #tpu.memory_space<hbm>>
    tpu.wait_indirect_dma semaphore(%arg7 : memref<!tpu.dma_semaphore, #tpu.memory_space<semaphore_mem>>) src(%arg6 : memref<64x1024xf32, #tpu.memory_space<vmem>>) dst(%dma_wait3A_23 : memref<6144x1024xf32, #tpu.memory_space<hbm>>)
    %add3A_24 = arith.constant 64 : i32
    %add3A_25 = arith.addi %select_n3A_13, %add3A_24 : i32
    "tpu.region"() ({
      %run_scoped3A = tpu.sem_alloc : memref<!tpu.dma_semaphore, #tpu.memory_space<semaphore_mem>>
      %dma_start3A_36 = arith.constant 0 : i32
      %dma_start3A_37 = tpu.memref_slice %arg2[%add3A_25, %dma_start3A_36] : memref<2048x1024xf32, #tpu.memory_space<hbm>> -> memref<64x1024xf32, #tpu.memory_space<hbm>>
      %dma_start3A_38 = arith.constant 0 : i32
      %dma_start3A_39 = tpu.memref_slice %arg2[%add3A_25, %dma_start3A_38] : memref<2048x1024xf32, #tpu.memory_space<hbm>> -> memref<64x1024xf32, #tpu.memory_space<hbm>>
      tpu.enqueue_dma source(%dma_start3A_39 : memref<64x1024xf32, #tpu.memory_space<hbm>>) target(%arg6 : memref<64x1024xf32, #tpu.memory_space<vmem>>) target_semaphore(%run_scoped3A : memref<!tpu.dma_semaphore, #tpu.memory_space<semaphore_mem>>)
      %dma_wait3A_40 = arith.constant 0 : i32
      %dma_wait3A_41 = tpu.memref_slice %arg2[%add3A_25, %dma_wait3A_40] : memref<2048x1024xf32, #tpu.memory_space<hbm>> -> memref<64x1024xf32, #tpu.memory_space<hbm>>
      %dma_wait3A_42 = arith.constant 0 : i32
      %dma_wait3A_43 = tpu.memref_slice %arg2[%add3A_25, %dma_wait3A_42] : memref<2048x1024xf32, #tpu.memory_space<hbm>> -> memref<64x1024xf32, #tpu.memory_space<hbm>>
      tpu.wait_dma2 semaphore(%run_scoped3A : memref<!tpu.dma_semaphore, #tpu.memory_space<semaphore_mem>>) src(%dma_wait3A_43 : memref<64x1024xf32, #tpu.memory_space<hbm>>) dst(%arg6 : memref<64x1024xf32, #tpu.memory_space<vmem>>)
      tpu.yield
    }) : () -> ()
    %dma_start3A_26 = arith.constant 64 : i32
    %dma_start3A_27 = tpu.memref_slice %arg5[%dma_start3A_26] : memref<128xi32, #tpu.memory_space<vmem>> -> memref<64xi32, #tpu.memory_space<vmem>>
    %dma_start3A_28 = arith.constant 0 : i32
    %dma_start3A_29 = arith.constant 0 : i32
    %dma_start3A_30 = tpu.memref_slice %arg4[%dma_start3A_28, %dma_start3A_29] : memref<6144x1024xf32, #tpu.memory_space<hbm>> -> memref<6144x1024xf32, #tpu.memory_space<hbm>>
    tpu.enqueue_indirect_dma source(%arg6 : memref<64x1024xf32, #tpu.memory_space<vmem>>) target(%dma_start3A_30 : memref<6144x1024xf32, #tpu.memory_space<hbm>>) offsets(%dma_start3A_27 : memref<64xi32, #tpu.memory_space<vmem>>) semaphore(%arg7 : memref<!tpu.dma_semaphore, #tpu.memory_space<semaphore_mem>>)
    %dma_wait3A_31 = arith.constant 64 : i32
    %dma_wait3A_32 = tpu.memref_slice %arg5[%dma_wait3A_31] : memref<128xi32, #tpu.memory_space<vmem>> -> memref<64xi32, #tpu.memory_space<vmem>>
    %dma_wait3A_33 = arith.constant 0 : i32
    %dma_wait3A_34 = arith.constant 0 : i32
    %dma_wait3A_35 = tpu.memref_slice %arg4[%dma_wait3A_33, %dma_wait3A_34] : memref<6144x1024xf32, #tpu.memory_space<hbm>> -> memref<6144x1024xf32, #tpu.memory_space<hbm>>
    tpu.wait_indirect_dma semaphore(%arg7 : memref<!tpu.dma_semaphore, #tpu.memory_space<semaphore_mem>>) src(%arg6 : memref<64x1024xf32, #tpu.memory_space<vmem>>) dst(%dma_wait3A_35 : memref<6144x1024xf32, #tpu.memory_space<hbm>>)
    return
  }
}

#map = affine_map<(d0, d1) -> (0, 0)>
#map1 = affine_map<(d0, d1) -> (0)>
module attributes {stable_mosaic.version = 14 : i64} {
  func.func @k(%arg0: i32, %arg1: i32, %arg2: memref<6144x1024xf32, #tpu.memory_space<hbm>>, %arg3: memref<4096xi32, #tpu.memory_space<hbm>>, %arg4: memref<4096x1024xf32, #tpu.memory_space<hbm>>, %arg5: memref<128xi32, #tpu.memory_space<vmem>>, %arg6: memref<64x1024xf32, #tpu.memory_space<vmem>>, %arg7: memref<!tpu.dma_semaphore, #tpu.memory_space<semaphore_mem>>) attributes {dimension_semantics = [#tpu.dimension_semantics<core_parallel>, #tpu.dimension_semantics<subcore_parallel>], iteration_bounds = array<i64: 2, 16>, scalar_prefetch = 0 : i64, scratch_operands = 3 : i64, tpu.core_type = #tpu.core_type<sc_vector_subcore>, window_params = [{transform_indices = #map}, {transform_indices = #map1}, {transform_indices = #map}]} {
    %mul3A = arith.constant 2 : i32
    %mul3A_0 = arith.muli %arg1, %mul3A : i32
    %add3A = arith.addi %mul3A_0, %arg0 : i32
    %mul3A_1 = arith.constant 128 : i32
    %mul3A_2 = arith.muli %add3A, %mul3A_1 : i32
    "tpu.region"() ({
      %run_scoped3A = tpu.sem_alloc : memref<!tpu.dma_semaphore, #tpu.memory_space<semaphore_mem>>
      %dma_start3A_25 = tpu.memref_slice %arg3[%mul3A_2] : memref<4096xi32, #tpu.memory_space<hbm>> -> memref<128xi32, #tpu.memory_space<hbm>>
      %dma_start3A_26 = tpu.memref_slice %arg3[%mul3A_2] : memref<4096xi32, #tpu.memory_space<hbm>> -> memref<128xi32, #tpu.memory_space<hbm>>
      tpu.enqueue_dma source(%dma_start3A_26 : memref<128xi32, #tpu.memory_space<hbm>>) target(%arg5 : memref<128xi32, #tpu.memory_space<vmem>>) target_semaphore(%run_scoped3A : memref<!tpu.dma_semaphore, #tpu.memory_space<semaphore_mem>>)
      %dma_wait3A_27 = tpu.memref_slice %arg3[%mul3A_2] : memref<4096xi32, #tpu.memory_space<hbm>> -> memref<128xi32, #tpu.memory_space<hbm>>
      %dma_wait3A_28 = tpu.memref_slice %arg3[%mul3A_2] : memref<4096xi32, #tpu.memory_space<hbm>> -> memref<128xi32, #tpu.memory_space<hbm>>
      tpu.wait_dma2 semaphore(%run_scoped3A : memref<!tpu.dma_semaphore, #tpu.memory_space<semaphore_mem>>) src(%dma_wait3A_28 : memref<128xi32, #tpu.memory_space<hbm>>) dst(%arg5 : memref<128xi32, #tpu.memory_space<vmem>>)
      tpu.yield
    }) : () -> ()
    %dma_start3A = arith.constant 0 : i32
    %dma_start3A_3 = tpu.memref_slice %arg5[%dma_start3A] : memref<128xi32, #tpu.memory_space<vmem>> -> memref<64xi32, #tpu.memory_space<vmem>>
    %dma_start3A_4 = arith.constant 0 : i32
    %dma_start3A_5 = arith.constant 0 : i32
    %dma_start3A_6 = tpu.memref_slice %arg2[%dma_start3A_4, %dma_start3A_5] : memref<6144x1024xf32, #tpu.memory_space<hbm>> -> memref<6144x1024xf32, #tpu.memory_space<hbm>>
    tpu.enqueue_indirect_dma source(%dma_start3A_6 : memref<6144x1024xf32, #tpu.memory_space<hbm>>) target(%arg6 : memref<64x1024xf32, #tpu.memory_space<vmem>>) offsets(%dma_start3A_3 : memref<64xi32, #tpu.memory_space<vmem>>) semaphore(%arg7 : memref<!tpu.dma_semaphore, #tpu.memory_space<semaphore_mem>>)
    %dma_wait3A = arith.constant 0 : i32
    %dma_wait3A_7 = tpu.memref_slice %arg5[%dma_wait3A] : memref<128xi32, #tpu.memory_space<vmem>> -> memref<64xi32, #tpu.memory_space<vmem>>
    %dma_wait3A_8 = arith.constant 0 : i32
    %dma_wait3A_9 = arith.constant 0 : i32
    %dma_wait3A_10 = tpu.memref_slice %arg2[%dma_wait3A_8, %dma_wait3A_9] : memref<6144x1024xf32, #tpu.memory_space<hbm>> -> memref<6144x1024xf32, #tpu.memory_space<hbm>>
    tpu.wait_indirect_dma semaphore(%arg7 : memref<!tpu.dma_semaphore, #tpu.memory_space<semaphore_mem>>) src(%dma_wait3A_10 : memref<6144x1024xf32, #tpu.memory_space<hbm>>) dst(%arg6 : memref<64x1024xf32, #tpu.memory_space<vmem>>)
    %add3A_11 = arith.constant 0 : i32
    %add3A_12 = arith.addi %mul3A_2, %add3A_11 : i32
    "tpu.region"() ({
      %run_scoped3A = tpu.sem_alloc : memref<!tpu.dma_semaphore, #tpu.memory_space<semaphore_mem>>
      %dma_start3A_25 = arith.constant 0 : i32
      %dma_start3A_26 = tpu.memref_slice %arg4[%add3A_12, %dma_start3A_25] : memref<4096x1024xf32, #tpu.memory_space<hbm>> -> memref<64x1024xf32, #tpu.memory_space<hbm>>
      %dma_start3A_27 = arith.constant 0 : i32
      %dma_start3A_28 = tpu.memref_slice %arg4[%add3A_12, %dma_start3A_27] : memref<4096x1024xf32, #tpu.memory_space<hbm>> -> memref<64x1024xf32, #tpu.memory_space<hbm>>
      tpu.enqueue_dma source(%arg6 : memref<64x1024xf32, #tpu.memory_space<vmem>>) target(%dma_start3A_28 : memref<64x1024xf32, #tpu.memory_space<hbm>>) target_semaphore(%run_scoped3A : memref<!tpu.dma_semaphore, #tpu.memory_space<semaphore_mem>>)
      %dma_wait3A_29 = arith.constant 0 : i32
      %dma_wait3A_30 = tpu.memref_slice %arg4[%add3A_12, %dma_wait3A_29] : memref<4096x1024xf32, #tpu.memory_space<hbm>> -> memref<64x1024xf32, #tpu.memory_space<hbm>>
      %dma_wait3A_31 = arith.constant 0 : i32
      %dma_wait3A_32 = tpu.memref_slice %arg4[%add3A_12, %dma_wait3A_31] : memref<4096x1024xf32, #tpu.memory_space<hbm>> -> memref<64x1024xf32, #tpu.memory_space<hbm>>
      tpu.wait_dma2 semaphore(%run_scoped3A : memref<!tpu.dma_semaphore, #tpu.memory_space<semaphore_mem>>) src(%arg6 : memref<64x1024xf32, #tpu.memory_space<vmem>>) dst(%dma_wait3A_32 : memref<64x1024xf32, #tpu.memory_space<hbm>>)
      tpu.yield
    }) : () -> ()
    %dma_start3A_13 = arith.constant 64 : i32
    %dma_start3A_14 = tpu.memref_slice %arg5[%dma_start3A_13] : memref<128xi32, #tpu.memory_space<vmem>> -> memref<64xi32, #tpu.memory_space<vmem>>
    %dma_start3A_15 = arith.constant 0 : i32
    %dma_start3A_16 = arith.constant 0 : i32
    %dma_start3A_17 = tpu.memref_slice %arg2[%dma_start3A_15, %dma_start3A_16] : memref<6144x1024xf32, #tpu.memory_space<hbm>> -> memref<6144x1024xf32, #tpu.memory_space<hbm>>
    tpu.enqueue_indirect_dma source(%dma_start3A_17 : memref<6144x1024xf32, #tpu.memory_space<hbm>>) target(%arg6 : memref<64x1024xf32, #tpu.memory_space<vmem>>) offsets(%dma_start3A_14 : memref<64xi32, #tpu.memory_space<vmem>>) semaphore(%arg7 : memref<!tpu.dma_semaphore, #tpu.memory_space<semaphore_mem>>)
    %dma_wait3A_18 = arith.constant 64 : i32
    %dma_wait3A_19 = tpu.memref_slice %arg5[%dma_wait3A_18] : memref<128xi32, #tpu.memory_space<vmem>> -> memref<64xi32, #tpu.memory_space<vmem>>
    %dma_wait3A_20 = arith.constant 0 : i32
    %dma_wait3A_21 = arith.constant 0 : i32
    %dma_wait3A_22 = tpu.memref_slice %arg2[%dma_wait3A_20, %dma_wait3A_21] : memref<6144x1024xf32, #tpu.memory_space<hbm>> -> memref<6144x1024xf32, #tpu.memory_space<hbm>>
    tpu.wait_indirect_dma semaphore(%arg7 : memref<!tpu.dma_semaphore, #tpu.memory_space<semaphore_mem>>) src(%dma_wait3A_22 : memref<6144x1024xf32, #tpu.memory_space<hbm>>) dst(%arg6 : memref<64x1024xf32, #tpu.memory_space<vmem>>)
    %add3A_23 = arith.constant 64 : i32
    %add3A_24 = arith.addi %mul3A_2, %add3A_23 : i32
    "tpu.region"() ({
      %run_scoped3A = tpu.sem_alloc : memref<!tpu.dma_semaphore, #tpu.memory_space<semaphore_mem>>
      %dma_start3A_25 = arith.constant 0 : i32
      %dma_start3A_26 = tpu.memref_slice %arg4[%add3A_24, %dma_start3A_25] : memref<4096x1024xf32, #tpu.memory_space<hbm>> -> memref<64x1024xf32, #tpu.memory_space<hbm>>
      %dma_start3A_27 = arith.constant 0 : i32
      %dma_start3A_28 = tpu.memref_slice %arg4[%add3A_24, %dma_start3A_27] : memref<4096x1024xf32, #tpu.memory_space<hbm>> -> memref<64x1024xf32, #tpu.memory_space<hbm>>
      tpu.enqueue_dma source(%arg6 : memref<64x1024xf32, #tpu.memory_space<vmem>>) target(%dma_start3A_28 : memref<64x1024xf32, #tpu.memory_space<hbm>>) target_semaphore(%run_scoped3A : memref<!tpu.dma_semaphore, #tpu.memory_space<semaphore_mem>>)
      %dma_wait3A_29 = arith.constant 0 : i32
      %dma_wait3A_30 = tpu.memref_slice %arg4[%add3A_24, %dma_wait3A_29] : memref<4096x1024xf32, #tpu.memory_space<hbm>> -> memref<64x1024xf32, #tpu.memory_space<hbm>>
      %dma_wait3A_31 = arith.constant 0 : i32
      %dma_wait3A_32 = tpu.memref_slice %arg4[%add3A_24, %dma_wait3A_31] : memref<4096x1024xf32, #tpu.memory_space<hbm>> -> memref<64x1024xf32, #tpu.memory_space<hbm>>
      tpu.wait_dma2 semaphore(%run_scoped3A : memref<!tpu.dma_semaphore, #tpu.memory_space<semaphore_mem>>) src(%arg6 : memref<64x1024xf32, #tpu.memory_space<vmem>>) dst(%dma_wait3A_32 : memref<64x1024xf32, #tpu.memory_space<hbm>>)
      tpu.yield
    }) : () -> ()
    return
  }
}

module attributes {stable_mosaic.version = 14 : i64} {
  func.func @_qkv_body(%arg0: i32, %arg1: memref<256x1024xf32, #tpu.memory_space<vmem>>, %arg2: memref<1x1024xf32, #tpu.memory_space<vmem>>, %arg3: memref<256x64xf32, #tpu.memory_space<vmem>>, %arg4: memref<256x64xf32, #tpu.memory_space<vmem>>, %arg5: memref<1024x1024xbf16, #tpu.memory_space<vmem>>, %arg6: memref<1024x512xbf16, #tpu.memory_space<vmem>>, %arg7: memref<1024x512xbf16, #tpu.memory_space<vmem>>, %arg8: memref<1x1024xf32, #tpu.memory_space<vmem>>, %arg9: memref<1x512xf32, #tpu.memory_space<vmem>>, %arg10: memref<1x512xf32, #tpu.memory_space<vmem>>, %arg11: memref<256x1024xbf16, #tpu.memory_space<vmem>>, %arg12: memref<256x512xbf16, #tpu.memory_space<vmem>>, %arg13: memref<256x512xbf16, #tpu.memory_space<vmem>>) attributes {dimension_semantics = [#tpu.dimension_semantics<arbitrary>], iteration_bounds = array<i64: 8>, scalar_prefetch = 0 : i64, scratch_operands = 0 : i64, tpu.core_type = #tpu.core_type<tc>, window_params = [{transform_indices = @transform_0, window_bounds = array<i64: 256, 1024>}, {pipeline_mode = #tpu.pipeline_mode<synchronous>, transform_indices = @transform_1, window_bounds = array<i64: 1, 1024>}, {transform_indices = @transform_2, window_bounds = array<i64: 256, 64>}, {transform_indices = @transform_3, window_bounds = array<i64: 256, 64>}, {pipeline_mode = #tpu.pipeline_mode<synchronous>, transform_indices = @transform_4, window_bounds = array<i64: 1024, 1024>}, {pipeline_mode = #tpu.pipeline_mode<synchronous>, transform_indices = @transform_5, window_bounds = array<i64: 1024, 512>}, {pipeline_mode = #tpu.pipeline_mode<synchronous>, transform_indices = @transform_6, window_bounds = array<i64: 1024, 512>}, {pipeline_mode = #tpu.pipeline_mode<synchronous>, transform_indices = @transform_7, window_bounds = array<i64: 1, 1024>}, {pipeline_mode = #tpu.pipeline_mode<synchronous>, transform_indices = @transform_8, window_bounds = array<i64: 1, 512>}, {pipeline_mode = #tpu.pipeline_mode<synchronous>, transform_indices = @transform_9, window_bounds = array<i64: 1, 512>}, {transform_indices = @transform_10, window_bounds = array<i64: 256, 1024>}, {transform_indices = @transform_11, window_bounds = array<i64: 256, 512>}, {transform_indices = @transform_12, window_bounds = array<i64: 256, 512>}]} {
    %get3A = arith.constant 0 : index
    %get3A_0 = arith.constant 0 : index
    %get3A_1 = vector.load %arg1[%get3A, %get3A_0] : memref<256x1024xf32, #tpu.memory_space<vmem>>, vector<256x1024xf32>
    %get3A_2 = arith.constant 0 : index
    %get3A_3 = arith.constant 0 : index
    %get3A_4 = vector.load %arg2[%get3A_2, %get3A_3] : memref<1x1024xf32, #tpu.memory_space<vmem>>, vector<1x1024xf32>
    %square3A = arith.mulf %get3A_1, %get3A_1 : vector<256x1024xf32>
    %reduce_sum3A = arith.constant dense<0.000000e+00> : vector<256xf32>
    %reduce_sum3A_5 = vector.multi_reduction <add>, %square3A, %reduce_sum3A [1] : vector<256x1024xf32> to vector<256xf32>
    %broadcast_in_dim3A = vector.shape_cast %reduce_sum3A_5 : vector<256xf32> to vector<256x1xf32>
    %div3A = arith.constant 1.024000e+03 : f32
    %div3A_6 = vector.broadcast %div3A : f32 to vector<256x1xf32>
    %div3A_7 = arith.divf %broadcast_in_dim3A, %div3A_6 : vector<256x1xf32>
    %add3A = arith.constant 9.99999997E-7 : f32
    %add3A_8 = vector.broadcast %add3A : f32 to vector<256x1xf32>
    %add3A_9 = arith.addf %div3A_7, %add3A_8 : vector<256x1xf32>
    %rsqrt3A = math.rsqrt %add3A_9 : vector<256x1xf32>
    %mul3A = vector.broadcast %rsqrt3A : vector<256x1xf32> to vector<256x1024xf32>
    %mul3A_10 = arith.mulf %get3A_1, %mul3A : vector<256x1024xf32>
    %mul3A_11 = vector.broadcast %get3A_4 : vector<1x1024xf32> to vector<256x1024xf32>
    %mul3A_12 = arith.mulf %mul3A_10, %mul3A_11 : vector<256x1024xf32>
    %convert_element_type3A = arith.truncf %mul3A_12 : vector<256x1024xf32> to vector<256x1024xbf16>
    %get3A_13 = arith.constant 0 : index
    %get3A_14 = arith.constant 0 : index
    %get3A_15 = vector.load %arg3[%get3A_13, %get3A_14] : memref<256x64xf32, #tpu.memory_space<vmem>>, vector<256x64xf32>
    %get3A_16 = arith.constant 0 : index
    %get3A_17 = arith.constant 0 : index
    %get3A_18 = vector.load %arg4[%get3A_16, %get3A_17] : memref<256x64xf32, #tpu.memory_space<vmem>>, vector<256x64xf32>
    %get3A_19 = arith.constant 0 : index
    %get3A_20 = arith.constant 0 : index
    %get3A_21 = vector.load %arg5[%get3A_19, %get3A_20] : memref<1024x1024xbf16, #tpu.memory_space<vmem>>, vector<1024x1024xbf16>
    %dot_general3A = arith.constant dense<0.000000e+00> : vector<256x1024xf32>
    %dot_general3A_22 = tpu.matmul %convert_element_type3A, %get3A_21, %dot_general3A {dimension_numbers = #tpu.dot_dimension_numbers<[1], [0], [0], [1], [0, 0, 1, 1], [], []>, transpose_lhs_hint = false} : vector<256x1024xbf16>, vector<1024x1024xbf16>, vector<256x1024xf32> -> vector<256x1024xf32>
    %get3A_23 = arith.constant 0 : index
    %get3A_24 = arith.constant 0 : index
    %get3A_25 = vector.load %arg8[%get3A_23, %get3A_24] : memref<1x1024xf32, #tpu.memory_space<vmem>>, vector<1x1024xf32>
    %add3A_26 = vector.broadcast %get3A_25 : vector<1x1024xf32> to vector<256x1024xf32>
    %add3A_27 = arith.addf %dot_general3A_22, %add3A_26 : vector<256x1024xf32>
    %get3A_28 = arith.constant 0 : index
    %get3A_29 = arith.constant 0 : index
    %get3A_30 = vector.load %arg6[%get3A_28, %get3A_29] : memref<1024x512xbf16, #tpu.memory_space<vmem>>, vector<1024x512xbf16>
    %dot_general3A_31 = arith.constant dense<0.000000e+00> : vector<256x512xf32>
    %dot_general3A_32 = tpu.matmul %convert_element_type3A, %get3A_30, %dot_general3A_31 {dimension_numbers = #tpu.dot_dimension_numbers<[1], [0], [0], [1], [0, 0, 1, 1], [], []>, transpose_lhs_hint = false} : vector<256x1024xbf16>, vector<1024x512xbf16>, vector<256x512xf32> -> vector<256x512xf32>
    %get3A_33 = arith.constant 0 : index
    %get3A_34 = arith.constant 0 : index
    %get3A_35 = vector.load %arg9[%get3A_33, %get3A_34] : memref<1x512xf32, #tpu.memory_space<vmem>>, vector<1x512xf32>
    %add3A_36 = vector.broadcast %get3A_35 : vector<1x512xf32> to vector<256x512xf32>
    %add3A_37 = arith.addf %dot_general3A_32, %add3A_36 : vector<256x512xf32>
    %get3A_38 = arith.constant 0 : index
    %get3A_39 = arith.constant 0 : index
    %get3A_40 = vector.load %arg7[%get3A_38, %get3A_39] : memref<1024x512xbf16, #tpu.memory_space<vmem>>, vector<1024x512xbf16>
    %dot_general3A_41 = arith.constant dense<0.000000e+00> : vector<256x512xf32>
    %dot_general3A_42 = tpu.matmul %convert_element_type3A, %get3A_40, %dot_general3A_41 {dimension_numbers = #tpu.dot_dimension_numbers<[1], [0], [0], [1], [0, 0, 1, 1], [], []>, transpose_lhs_hint = false} : vector<256x1024xbf16>, vector<1024x512xbf16>, vector<256x512xf32> -> vector<256x512xf32>
    %get3A_43 = arith.constant 0 : index
    %get3A_44 = arith.constant 0 : index
    %get3A_45 = vector.load %arg10[%get3A_43, %get3A_44] : memref<1x512xf32, #tpu.memory_space<vmem>>, vector<1x512xf32>
    %add3A_46 = vector.broadcast %get3A_45 : vector<1x512xf32> to vector<256x512xf32>
    %add3A_47 = arith.addf %dot_general3A_42, %add3A_46 : vector<256x512xf32>
    %slice3A = vector.extract_strided_slice %add3A_27 {offsets = [0, 0], sizes = [256, 32], strides = [1, 1]} : vector<256x1024xf32> to vector<256x32xf32>
    %slice3A_48 = vector.extract_strided_slice %add3A_27 {offsets = [0, 32], sizes = [256, 32], strides = [1, 1]} : vector<256x1024xf32> to vector<256x32xf32>
    %slice3A_49 = vector.extract_strided_slice %add3A_27 {offsets = [0, 64], sizes = [256, 32], strides = [1, 1]} : vector<256x1024xf32> to vector<256x32xf32>
    %slice3A_50 = vector.extract_strided_slice %add3A_27 {offsets = [0, 96], sizes = [256, 32], strides = [1, 1]} : vector<256x1024xf32> to vector<256x32xf32>
    %slice3A_51 = vector.extract_strided_slice %add3A_27 {offsets = [0, 128], sizes = [256, 32], strides = [1, 1]} : vector<256x1024xf32> to vector<256x32xf32>
    %slice3A_52 = vector.extract_strided_slice %add3A_27 {offsets = [0, 160], sizes = [256, 32], strides = [1, 1]} : vector<256x1024xf32> to vector<256x32xf32>
    %slice3A_53 = vector.extract_strided_slice %add3A_27 {offsets = [0, 192], sizes = [256, 32], strides = [1, 1]} : vector<256x1024xf32> to vector<256x32xf32>
    %slice3A_54 = vector.extract_strided_slice %add3A_27 {offsets = [0, 224], sizes = [256, 32], strides = [1, 1]} : vector<256x1024xf32> to vector<256x32xf32>
    %slice3A_55 = vector.extract_strided_slice %add3A_27 {offsets = [0, 256], sizes = [256, 32], strides = [1, 1]} : vector<256x1024xf32> to vector<256x32xf32>
    %slice3A_56 = vector.extract_strided_slice %add3A_27 {offsets = [0, 288], sizes = [256, 32], strides = [1, 1]} : vector<256x1024xf32> to vector<256x32xf32>
    %slice3A_57 = vector.extract_strided_slice %add3A_27 {offsets = [0, 320], sizes = [256, 32], strides = [1, 1]} : vector<256x1024xf32> to vector<256x32xf32>
    %slice3A_58 = vector.extract_strided_slice %add3A_27 {offsets = [0, 352], sizes = [256, 32], strides = [1, 1]} : vector<256x1024xf32> to vector<256x32xf32>
    %slice3A_59 = vector.extract_strided_slice %add3A_27 {offsets = [0, 384], sizes = [256, 32], strides = [1, 1]} : vector<256x1024xf32> to vector<256x32xf32>
    %slice3A_60 = vector.extract_strided_slice %add3A_27 {offsets = [0, 416], sizes = [256, 32], strides = [1, 1]} : vector<256x1024xf32> to vector<256x32xf32>
    %slice3A_61 = vector.extract_strided_slice %add3A_27 {offsets = [0, 448], sizes = [256, 32], strides = [1, 1]} : vector<256x1024xf32> to vector<256x32xf32>
    %slice3A_62 = vector.extract_strided_slice %add3A_27 {offsets = [0, 480], sizes = [256, 32], strides = [1, 1]} : vector<256x1024xf32> to vector<256x32xf32>
    %slice3A_63 = vector.extract_strided_slice %add3A_27 {offsets = [0, 512], sizes = [256, 32], strides = [1, 1]} : vector<256x1024xf32> to vector<256x32xf32>
    %slice3A_64 = vector.extract_strided_slice %add3A_27 {offsets = [0, 544], sizes = [256, 32], strides = [1, 1]} : vector<256x1024xf32> to vector<256x32xf32>
    %slice3A_65 = vector.extract_strided_slice %add3A_27 {offsets = [0, 576], sizes = [256, 32], strides = [1, 1]} : vector<256x1024xf32> to vector<256x32xf32>
    %slice3A_66 = vector.extract_strided_slice %add3A_27 {offsets = [0, 608], sizes = [256, 32], strides = [1, 1]} : vector<256x1024xf32> to vector<256x32xf32>
    %slice3A_67 = vector.extract_strided_slice %add3A_27 {offsets = [0, 640], sizes = [256, 32], strides = [1, 1]} : vector<256x1024xf32> to vector<256x32xf32>
    %slice3A_68 = vector.extract_strided_slice %add3A_27 {offsets = [0, 672], sizes = [256, 32], strides = [1, 1]} : vector<256x1024xf32> to vector<256x32xf32>
    %slice3A_69 = vector.extract_strided_slice %add3A_27 {offsets = [0, 704], sizes = [256, 32], strides = [1, 1]} : vector<256x1024xf32> to vector<256x32xf32>
    %slice3A_70 = vector.extract_strided_slice %add3A_27 {offsets = [0, 736], sizes = [256, 32], strides = [1, 1]} : vector<256x1024xf32> to vector<256x32xf32>
    %slice3A_71 = vector.extract_strided_slice %add3A_27 {offsets = [0, 768], sizes = [256, 32], strides = [1, 1]} : vector<256x1024xf32> to vector<256x32xf32>
    %slice3A_72 = vector.extract_strided_slice %add3A_27 {offsets = [0, 800], sizes = [256, 32], strides = [1, 1]} : vector<256x1024xf32> to vector<256x32xf32>
    %slice3A_73 = vector.extract_strided_slice %add3A_27 {offsets = [0, 832], sizes = [256, 32], strides = [1, 1]} : vector<256x1024xf32> to vector<256x32xf32>
    %slice3A_74 = vector.extract_strided_slice %add3A_27 {offsets = [0, 864], sizes = [256, 32], strides = [1, 1]} : vector<256x1024xf32> to vector<256x32xf32>
    %slice3A_75 = vector.extract_strided_slice %add3A_27 {offsets = [0, 896], sizes = [256, 32], strides = [1, 1]} : vector<256x1024xf32> to vector<256x32xf32>
    %slice3A_76 = vector.extract_strided_slice %add3A_27 {offsets = [0, 928], sizes = [256, 32], strides = [1, 1]} : vector<256x1024xf32> to vector<256x32xf32>
    %slice3A_77 = vector.extract_strided_slice %add3A_27 {offsets = [0, 960], sizes = [256, 32], strides = [1, 1]} : vector<256x1024xf32> to vector<256x32xf32>
    %slice3A_78 = vector.extract_strided_slice %add3A_27 {offsets = [0, 992], sizes = [256, 32], strides = [1, 1]} : vector<256x1024xf32> to vector<256x32xf32>
    %concatenate3A = tpu.concatenate %slice3A_48, %slice3A, %slice3A_50, %slice3A_49, %slice3A_52, %slice3A_51, %slice3A_54, %slice3A_53, %slice3A_56, %slice3A_55, %slice3A_58, %slice3A_57, %slice3A_60, %slice3A_59, %slice3A_62, %slice3A_61, %slice3A_64, %slice3A_63, %slice3A_66, %slice3A_65, %slice3A_68, %slice3A_67, %slice3A_70, %slice3A_69, %slice3A_72, %slice3A_71, %slice3A_74, %slice3A_73, %slice3A_76, %slice3A_75, %slice3A_78, %slice3A_77 in 1 : vector<256x32xf32>, vector<256x32xf32>, vector<256x32xf32>, vector<256x32xf32>, vector<256x32xf32>, vector<256x32xf32>, vector<256x32xf32>, vector<256x32xf32>, vector<256x32xf32>, vector<256x32xf32>, vector<256x32xf32>, vector<256x32xf32>, vector<256x32xf32>, vector<256x32xf32>, vector<256x32xf32>, vector<256x32xf32>, vector<256x32xf32>, vector<256x32xf32>, vector<256x32xf32>, vector<256x32xf32>, vector<256x32xf32>, vector<256x32xf32>, vector<256x32xf32>, vector<256x32xf32>, vector<256x32xf32>, vector<256x32xf32>, vector<256x32xf32>, vector<256x32xf32>, vector<256x32xf32>, vector<256x32xf32>, vector<256x32xf32>, vector<256x32xf32> -> vector<256x1024xf32>
    %concatenate3A_79 = tpu.concatenate %get3A_15, %get3A_15, %get3A_15, %get3A_15, %get3A_15, %get3A_15, %get3A_15, %get3A_15, %get3A_15, %get3A_15, %get3A_15, %get3A_15, %get3A_15, %get3A_15, %get3A_15, %get3A_15 in 1 : vector<256x64xf32>, vector<256x64xf32>, vector<256x64xf32>, vector<256x64xf32>, vector<256x64xf32>, vector<256x64xf32>, vector<256x64xf32>, vector<256x64xf32>, vector<256x64xf32>, vector<256x64xf32>, vector<256x64xf32>, vector<256x64xf32>, vector<256x64xf32>, vector<256x64xf32>, vector<256x64xf32>, vector<256x64xf32> -> vector<256x1024xf32>
    %concatenate3A_80 = tpu.concatenate %get3A_18, %get3A_18, %get3A_18, %get3A_18, %get3A_18, %get3A_18, %get3A_18, %get3A_18, %get3A_18, %get3A_18, %get3A_18, %get3A_18, %get3A_18, %get3A_18, %get3A_18, %get3A_18 in 1 : vector<256x64xf32>, vector<256x64xf32>, vector<256x64xf32>, vector<256x64xf32>, vector<256x64xf32>, vector<256x64xf32>, vector<256x64xf32>, vector<256x64xf32>, vector<256x64xf32>, vector<256x64xf32>, vector<256x64xf32>, vector<256x64xf32>, vector<256x64xf32>, vector<256x64xf32>, vector<256x64xf32>, vector<256x64xf32> -> vector<256x1024xf32>
    %mul3A_81 = arith.mulf %add3A_27, %concatenate3A_79 : vector<256x1024xf32>
    %mul3A_82 = arith.mulf %concatenate3A, %concatenate3A_80 : vector<256x1024xf32>
    %add3A_83 = arith.addf %mul3A_81, %mul3A_82 : vector<256x1024xf32>
    %convert_element_type3A_84 = arith.truncf %add3A_83 : vector<256x1024xf32> to vector<256x1024xbf16>
    %swap3A = arith.constant 0 : index
    %swap3A_85 = arith.constant 0 : index
    %swap3A_86 = vector.load %arg11[%swap3A, %swap3A_85] : memref<256x1024xbf16, #tpu.memory_space<vmem>>, vector<256x1024xbf16>
    tpu.vector_store %arg11[%swap3A, %swap3A_85], %convert_element_type3A_84 {strides = array<i32>} : memref<256x1024xbf16, #tpu.memory_space<vmem>>, vector<256x1024xbf16>,
    %slice3A_87 = vector.extract_strided_slice %add3A_37 {offsets = [0, 0], sizes = [256, 32], strides = [1, 1]} : vector<256x512xf32> to vector<256x32xf32>
    %slice3A_88 = vector.extract_strided_slice %add3A_37 {offsets = [0, 32], sizes = [256, 32], strides = [1, 1]} : vector<256x512xf32> to vector<256x32xf32>
    %slice3A_89 = vector.extract_strided_slice %add3A_37 {offsets = [0, 64], sizes = [256, 32], strides = [1, 1]} : vector<256x512xf32> to vector<256x32xf32>
    %slice3A_90 = vector.extract_strided_slice %add3A_37 {offsets = [0, 96], sizes = [256, 32], strides = [1, 1]} : vector<256x512xf32> to vector<256x32xf32>
    %slice3A_91 = vector.extract_strided_slice %add3A_37 {offsets = [0, 128], sizes = [256, 32], strides = [1, 1]} : vector<256x512xf32> to vector<256x32xf32>
    %slice3A_92 = vector.extract_strided_slice %add3A_37 {offsets = [0, 160], sizes = [256, 32], strides = [1, 1]} : vector<256x512xf32> to vector<256x32xf32>
    %slice3A_93 = vector.extract_strided_slice %add3A_37 {offsets = [0, 192], sizes = [256, 32], strides = [1, 1]} : vector<256x512xf32> to vector<256x32xf32>
    %slice3A_94 = vector.extract_strided_slice %add3A_37 {offsets = [0, 224], sizes = [256, 32], strides = [1, 1]} : vector<256x512xf32> to vector<256x32xf32>
    %slice3A_95 = vector.extract_strided_slice %add3A_37 {offsets = [0, 256], sizes = [256, 32], strides = [1, 1]} : vector<256x512xf32> to vector<256x32xf32>
    %slice3A_96 = vector.extract_strided_slice %add3A_37 {offsets = [0, 288], sizes = [256, 32], strides = [1, 1]} : vector<256x512xf32> to vector<256x32xf32>
    %slice3A_97 = vector.extract_strided_slice %add3A_37 {offsets = [0, 320], sizes = [256, 32], strides = [1, 1]} : vector<256x512xf32> to vector<256x32xf32>
    %slice3A_98 = vector.extract_strided_slice %add3A_37 {offsets = [0, 352], sizes = [256, 32], strides = [1, 1]} : vector<256x512xf32> to vector<256x32xf32>
    %slice3A_99 = vector.extract_strided_slice %add3A_37 {offsets = [0, 384], sizes = [256, 32], strides = [1, 1]} : vector<256x512xf32> to vector<256x32xf32>
    %slice3A_100 = vector.extract_strided_slice %add3A_37 {offsets = [0, 416], sizes = [256, 32], strides = [1, 1]} : vector<256x512xf32> to vector<256x32xf32>
    %slice3A_101 = vector.extract_strided_slice %add3A_37 {offsets = [0, 448], sizes = [256, 32], strides = [1, 1]} : vector<256x512xf32> to vector<256x32xf32>
    %slice3A_102 = vector.extract_strided_slice %add3A_37 {offsets = [0, 480], sizes = [256, 32], strides = [1, 1]} : vector<256x512xf32> to vector<256x32xf32>
    %concatenate3A_103 = tpu.concatenate %slice3A_88, %slice3A_87, %slice3A_90, %slice3A_89, %slice3A_92, %slice3A_91, %slice3A_94, %slice3A_93, %slice3A_96, %slice3A_95, %slice3A_98, %slice3A_97, %slice3A_100, %slice3A_99, %slice3A_102, %slice3A_101 in 1 : vector<256x32xf32>, vector<256x32xf32>, vector<256x32xf32>, vector<256x32xf32>, vector<256x32xf32>, vector<256x32xf32>, vector<256x32xf32>, vector<256x32xf32>, vector<256x32xf32>, vector<256x32xf32>, vector<256x32xf32>, vector<256x32xf32>, vector<256x32xf32>, vector<256x32xf32>, vector<256x32xf32>, vector<256x32xf32> -> vector<256x512xf32>
    %concatenate3A_104 = tpu.concatenate %get3A_15, %get3A_15, %get3A_15, %get3A_15, %get3A_15, %get3A_15, %get3A_15, %get3A_15 in 1 : vector<256x64xf32>, vector<256x64xf32>, vector<256x64xf32>, vector<256x64xf32>, vector<256x64xf32>, vector<256x64xf32>, vector<256x64xf32>, vector<256x64xf32> -> vector<256x512xf32>
    %concatenate3A_105 = tpu.concatenate %get3A_18, %get3A_18, %get3A_18, %get3A_18, %get3A_18, %get3A_18, %get3A_18, %get3A_18 in 1 : vector<256x64xf32>, vector<256x64xf32>, vector<256x64xf32>, vector<256x64xf32>, vector<256x64xf32>, vector<256x64xf32>, vector<256x64xf32>, vector<256x64xf32> -> vector<256x512xf32>
    %mul3A_106 = arith.mulf %add3A_37, %concatenate3A_104 : vector<256x512xf32>
    %mul3A_107 = arith.mulf %concatenate3A_103, %concatenate3A_105 : vector<256x512xf32>
    %add3A_108 = arith.addf %mul3A_106, %mul3A_107 : vector<256x512xf32>
    %convert_element_type3A_109 = arith.truncf %add3A_108 : vector<256x512xf32> to vector<256x512xbf16>
    %swap3A_110 = arith.constant 0 : index
    %swap3A_111 = arith.constant 0 : index
    %swap3A_112 = vector.load %arg12[%swap3A_110, %swap3A_111] : memref<256x512xbf16, #tpu.memory_space<vmem>>, vector<256x512xbf16>
    tpu.vector_store %arg12[%swap3A_110, %swap3A_111], %convert_element_type3A_109 {strides = array<i32>} : memref<256x512xbf16, #tpu.memory_space<vmem>>, vector<256x512xbf16>,
    %convert_element_type3A_113 = arith.truncf %add3A_47 : vector<256x512xf32> to vector<256x512xbf16>
    %swap3A_114 = arith.constant 0 : index
    %swap3A_115 = arith.constant 0 : index
    %swap3A_116 = vector.load %arg13[%swap3A_114, %swap3A_115] : memref<256x512xbf16, #tpu.memory_space<vmem>>, vector<256x512xbf16>
    tpu.vector_store %arg13[%swap3A_114, %swap3A_115], %convert_element_type3A_113 {strides = array<i32>} : memref<256x512xbf16, #tpu.memory_space<vmem>>, vector<256x512xbf16>,
    return
  }
  func.func @transform_0(%arg0: i32) -> (i32, i32) {
    %c0_i32 = arith.constant 0 : i32
    %c0_i32_0 = arith.constant 0 : i32
    return %arg0, %c0_i32 : i32, i32
  }
  func.func @transform_1(%arg0: i32) -> (i32, i32) {
    %c0_i32 = arith.constant 0 : i32
    %c0_i32_0 = arith.constant 0 : i32
    %c0_i32_1 = arith.constant 0 : i32
    return %c0_i32, %c0_i32_0 : i32, i32
  }
  func.func @transform_2(%arg0: i32) -> (i32, i32) {
    %c0_i32 = arith.constant 0 : i32
    %c0_i32_0 = arith.constant 0 : i32
    return %arg0, %c0_i32 : i32, i32
  }
  func.func @transform_3(%arg0: i32) -> (i32, i32) {
    %c0_i32 = arith.constant 0 : i32
    %c0_i32_0 = arith.constant 0 : i32
    return %arg0, %c0_i32 : i32, i32
  }
  func.func @transform_4(%arg0: i32) -> (i32, i32) {
    %c0_i32 = arith.constant 0 : i32
    %c0_i32_0 = arith.constant 0 : i32
    %c0_i32_1 = arith.constant 0 : i32
    return %c0_i32, %c0_i32_0 : i32, i32
  }
  func.func @transform_5(%arg0: i32) -> (i32, i32) {
    %c0_i32 = arith.constant 0 : i32
    %c0_i32_0 = arith.constant 0 : i32
    %c0_i32_1 = arith.constant 0 : i32
    return %c0_i32, %c0_i32_0 : i32, i32
  }
  func.func @transform_6(%arg0: i32) -> (i32, i32) {
    %c0_i32 = arith.constant 0 : i32
    %c0_i32_0 = arith.constant 0 : i32
    %c0_i32_1 = arith.constant 0 : i32
    return %c0_i32, %c0_i32_0 : i32, i32
  }
  func.func @transform_7(%arg0: i32) -> (i32, i32) {
    %c0_i32 = arith.constant 0 : i32
    %c0_i32_0 = arith.constant 0 : i32
    %c0_i32_1 = arith.constant 0 : i32
    return %c0_i32, %c0_i32_0 : i32, i32
  }
  func.func @transform_8(%arg0: i32) -> (i32, i32) {
    %c0_i32 = arith.constant 0 : i32
    %c0_i32_0 = arith.constant 0 : i32
    %c0_i32_1 = arith.constant 0 : i32
    return %c0_i32, %c0_i32_0 : i32, i32
  }
  func.func @transform_9(%arg0: i32) -> (i32, i32) {
    %c0_i32 = arith.constant 0 : i32
    %c0_i32_0 = arith.constant 0 : i32
    %c0_i32_1 = arith.constant 0 : i32
    return %c0_i32, %c0_i32_0 : i32, i32
  }
  func.func @transform_10(%arg0: i32) -> (i32, i32) {
    %c0_i32 = arith.constant 0 : i32
    %c0_i32_0 = arith.constant 0 : i32
    return %arg0, %c0_i32 : i32, i32
  }
  func.func @transform_11(%arg0: i32) -> (i32, i32) {
    %c0_i32 = arith.constant 0 : i32
    %c0_i32_0 = arith.constant 0 : i32
    return %arg0, %c0_i32 : i32, i32
  }
  func.func @transform_12(%arg0: i32) -> (i32, i32) {
    %c0_i32 = arith.constant 0 : i32
    %c0_i32_0 = arith.constant 0 : i32
    return %arg0, %c0_i32 : i32, i32
  }
}

module attributes {stable_mosaic.version = 14 : i64} {
  func.func @_attn_body(%arg0: i32, %arg1: memref<256x1024xbf16, #tpu.memory_space<vmem>>, %arg2: memref<2048x512xbf16, #tpu.memory_space<vmem>>, %arg3: memref<2048x512xbf16, #tpu.memory_space<vmem>>, %arg4: memref<256x1024xbf16, #tpu.memory_space<vmem>>) attributes {dimension_semantics = [#tpu.dimension_semantics<arbitrary>], iteration_bounds = array<i64: 2>, scalar_prefetch = 0 : i64, scratch_operands = 0 : i64, tpu.core_type = #tpu.core_type<tc>, window_params = [{transform_indices = @transform_0, window_bounds = array<i64: 256, 1024>}, {pipeline_mode = #tpu.pipeline_mode<synchronous>, transform_indices = @transform_1, window_bounds = array<i64: 2048, 512>}, {pipeline_mode = #tpu.pipeline_mode<synchronous>, transform_indices = @transform_2, window_bounds = array<i64: 2048, 512>}, {transform_indices = @transform_3, window_bounds = array<i64: 256, 1024>}]} {
    %add3A = arith.constant 6 : i32
    %add3A_0 = arith.addi %add3A, %arg0 : i32
    %mul3A = arith.constant 256 : i32
    %mul3A_1 = arith.muli %add3A_0, %mul3A : i32
    %iota3A = tpu.iota {dimensions = array<i32: 0>} : vector<256x2048xi32>
    %add3A_2 = vector.broadcast %mul3A_1 : i32 to vector<256x2048xi32>
    %add3A_3 = arith.addi %add3A_2, %iota3A : vector<256x2048xi32>
    %iota3A_4 = tpu.iota {dimensions = array<i32: 1>} : vector<256x2048xi32>
    %ge3A = arith.cmpi sge, %add3A_3, %iota3A_4 : vector<256x2048xi32>
    %get3A = arith.constant 0 : index
    %get3A_5 = arith.constant 0 : index
    %get3A_6 = vector.load %arg1[%get3A, %get3A_5] : memref<256x1024xbf16, #tpu.memory_space<vmem>>, vector<256x1024xbf16>
    %get3A_7 = arith.constant 0 : index
    %get3A_8 = arith.constant 0 : index
    %get3A_9 = vector.load %arg2[%get3A_7, %get3A_8] : memref<2048x512xbf16, #tpu.memory_space<vmem>>, vector<2048x512xbf16>
    %get3A_10 = arith.constant 0 : index
    %get3A_11 = arith.constant 0 : index
    %get3A_12 = vector.load %arg3[%get3A_10, %get3A_11] : memref<2048x512xbf16, #tpu.memory_space<vmem>>, vector<2048x512xbf16>
    %slice3A = vector.extract_strided_slice %get3A_6 {offsets = [0, 0], sizes = [256, 64], strides = [1, 1]} : vector<256x1024xbf16> to vector<256x64xbf16>
    %slice3A_13 = vector.extract_strided_slice %get3A_9 {offsets = [0, 0], sizes = [2048, 64], strides = [1, 1]} : vector<2048x512xbf16> to vector<2048x64xbf16>
    %slice3A_14 = vector.extract_strided_slice %get3A_12 {offsets = [0, 0], sizes = [2048, 64], strides = [1, 1]} : vector<2048x512xbf16> to vector<2048x64xbf16>
    %dot_general3A = arith.constant dense<0.000000e+00> : vector<256x2048xf32>
    %dot_general3A_15 = tpu.matmul %slice3A, %slice3A_13, %dot_general3A {dimension_numbers = #tpu.dot_dimension_numbers<[1], [1], [0], [0], [0, 0, 1, 0], [], []>, transpose_lhs_hint = false} : vector<256x64xbf16>, vector<2048x64xbf16>, vector<256x2048xf32> -> vector<256x2048xf32>
    %mul3A_16 = arith.constant 1.250000e-01 : f32
    %mul3A_17 = vector.broadcast %mul3A_16 : f32 to vector<256x2048xf32>
    %mul3A_18 = arith.mulf %dot_general3A_15, %mul3A_17 : vector<256x2048xf32>
    %jit3A = arith.constant -1.000000e+30 : f32
    %broadcast_in_dim3A = vector.broadcast %jit3A : f32 to vector<256x2048xf32>
    %select_n3A = arith.select %ge3A, %mul3A_18, %broadcast_in_dim3A : vector<256x2048xi1>, vector<256x2048xf32>
    %reduce_max3A = arith.constant dense<0xFF800000> : vector<256xf32>
    %reduce_max3A_19 = vector.multi_reduction <maximumf>, %select_n3A, %reduce_max3A [1] : vector<256x2048xf32> to vector<256xf32>
    %broadcast_in_dim3A_20 = vector.shape_cast %reduce_max3A_19 : vector<256xf32> to vector<256x1xf32>
    %sub3A = vector.broadcast %broadcast_in_dim3A_20 : vector<256x1xf32> to vector<256x2048xf32>
    %sub3A_21 = arith.subf %select_n3A, %sub3A : vector<256x2048xf32>
    %exp3A = math.exp %sub3A_21 : vector<256x2048xf32>
    %reduce_sum3A = arith.constant dense<0.000000e+00> : vector<256xf32>
    %reduce_sum3A_22 = vector.multi_reduction <add>, %exp3A, %reduce_sum3A [1] : vector<256x2048xf32> to vector<256xf32>
    %broadcast_in_dim3A_23 = vector.shape_cast %reduce_sum3A_22 : vector<256xf32> to vector<256x1xf32>
    %convert_element_type3A = arith.truncf %exp3A : vector<256x2048xf32> to vector<256x2048xbf16>
    %dot_general3A_24 = arith.constant dense<0.000000e+00> : vector<256x64xf32>
    %dot_general3A_25 = tpu.matmul %convert_element_type3A, %slice3A_14, %dot_general3A_24 {dimension_numbers = #tpu.dot_dimension_numbers<[1], [0], [0], [1], [0, 0, 1, 1], [], []>, transpose_lhs_hint = false} : vector<256x2048xbf16>, vector<2048x64xbf16>, vector<256x64xf32> -> vector<256x64xf32>
    %div3A = vector.broadcast %broadcast_in_dim3A_23 : vector<256x1xf32> to vector<256x64xf32>
    %div3A_26 = arith.divf %dot_general3A_25, %div3A : vector<256x64xf32>
    %convert_element_type3A_27 = arith.truncf %div3A_26 : vector<256x64xf32> to vector<256x64xbf16>
    %slice3A_28 = vector.extract_strided_slice %get3A_6 {offsets = [0, 64], sizes = [256, 64], strides = [1, 1]} : vector<256x1024xbf16> to vector<256x64xbf16>
    %slice3A_29 = vector.extract_strided_slice %get3A_9 {offsets = [0, 0], sizes = [2048, 64], strides = [1, 1]} : vector<2048x512xbf16> to vector<2048x64xbf16>
    %slice3A_30 = vector.extract_strided_slice %get3A_12 {offsets = [0, 0], sizes = [2048, 64], strides = [1, 1]} : vector<2048x512xbf16> to vector<2048x64xbf16>
    %dot_general3A_31 = arith.constant dense<0.000000e+00> : vector<256x2048xf32>
    %dot_general3A_32 = tpu.matmul %slice3A_28, %slice3A_29, %dot_general3A_31 {dimension_numbers = #tpu.dot_dimension_numbers<[1], [1], [0], [0], [0, 0, 1, 0], [], []>, transpose_lhs_hint = false} : vector<256x64xbf16>, vector<2048x64xbf16>, vector<256x2048xf32> -> vector<256x2048xf32>
    %mul3A_33 = arith.constant 1.250000e-01 : f32
    %mul3A_34 = vector.broadcast %mul3A_33 : f32 to vector<256x2048xf32>
    %mul3A_35 = arith.mulf %dot_general3A_32, %mul3A_34 : vector<256x2048xf32>
    %jit3A_36 = arith.constant -1.000000e+30 : f32
    %broadcast_in_dim3A_37 = vector.broadcast %jit3A_36 : f32 to vector<256x2048xf32>
    %select_n3A_38 = arith.select %ge3A, %mul3A_35, %broadcast_in_dim3A_37 : vector<256x2048xi1>, vector<256x2048xf32>
    %reduce_max3A_39 = arith.constant dense<0xFF800000> : vector<256xf32>
    %reduce_max3A_40 = vector.multi_reduction <maximumf>, %select_n3A_38, %reduce_max3A_39 [1] : vector<256x2048xf32> to vector<256xf32>
    %broadcast_in_dim3A_41 = vector.shape_cast %reduce_max3A_40 : vector<256xf32> to vector<256x1xf32>
    %sub3A_42 = vector.broadcast %broadcast_in_dim3A_41 : vector<256x1xf32> to vector<256x2048xf32>
    %sub3A_43 = arith.subf %select_n3A_38, %sub3A_42 : vector<256x2048xf32>
    %exp3A_44 = math.exp %sub3A_43 : vector<256x2048xf32>
    %reduce_sum3A_45 = arith.constant dense<0.000000e+00> : vector<256xf32>
    %reduce_sum3A_46 = vector.multi_reduction <add>, %exp3A_44, %reduce_sum3A_45 [1] : vector<256x2048xf32> to vector<256xf32>
    %broadcast_in_dim3A_47 = vector.shape_cast %reduce_sum3A_46 : vector<256xf32> to vector<256x1xf32>
    %convert_element_type3A_48 = arith.truncf %exp3A_44 : vector<256x2048xf32> to vector<256x2048xbf16>
    %dot_general3A_49 = arith.constant dense<0.000000e+00> : vector<256x64xf32>
    %dot_general3A_50 = tpu.matmul %convert_element_type3A_48, %slice3A_30, %dot_general3A_49 {dimension_numbers = #tpu.dot_dimension_numbers<[1], [0], [0], [1], [0, 0, 1, 1], [], []>, transpose_lhs_hint = false} : vector<256x2048xbf16>, vector<2048x64xbf16>, vector<256x64xf32> -> vector<256x64xf32>
    %div3A_51 = vector.broadcast %broadcast_in_dim3A_47 : vector<256x1xf32> to vector<256x64xf32>
    %div3A_52 = arith.divf %dot_general3A_50, %div3A_51 : vector<256x64xf32>
    %convert_element_type3A_53 = arith.truncf %div3A_52 : vector<256x64xf32> to vector<256x64xbf16>
    %slice3A_54 = vector.extract_strided_slice %get3A_6 {offsets = [0, 128], sizes = [256, 64], strides = [1, 1]} : vector<256x1024xbf16> to vector<256x64xbf16>
    %slice3A_55 = vector.extract_strided_slice %get3A_9 {offsets = [0, 64], sizes = [2048, 64], strides = [1, 1]} : vector<2048x512xbf16> to vector<2048x64xbf16>
    %slice3A_56 = vector.extract_strided_slice %get3A_12 {offsets = [0, 64], sizes = [2048, 64], strides = [1, 1]} : vector<2048x512xbf16> to vector<2048x64xbf16>
    %dot_general3A_57 = arith.constant dense<0.000000e+00> : vector<256x2048xf32>
    %dot_general3A_58 = tpu.matmul %slice3A_54, %slice3A_55, %dot_general3A_57 {dimension_numbers = #tpu.dot_dimension_numbers<[1], [1], [0], [0], [0, 0, 1, 0], [], []>, transpose_lhs_hint = false} : vector<256x64xbf16>, vector<2048x64xbf16>, vector<256x2048xf32> -> vector<256x2048xf32>
    %mul3A_59 = arith.constant 1.250000e-01 : f32
    %mul3A_60 = vector.broadcast %mul3A_59 : f32 to vector<256x2048xf32>
    %mul3A_61 = arith.mulf %dot_general3A_58, %mul3A_60 : vector<256x2048xf32>
    %jit3A_62 = arith.constant -1.000000e+30 : f32
    %broadcast_in_dim3A_63 = vector.broadcast %jit3A_62 : f32 to vector<256x2048xf32>
    %select_n3A_64 = arith.select %ge3A, %mul3A_61, %broadcast_in_dim3A_63 : vector<256x2048xi1>, vector<256x2048xf32>
    %reduce_max3A_65 = arith.constant dense<0xFF800000> : vector<256xf32>
    %reduce_max3A_66 = vector.multi_reduction <maximumf>, %select_n3A_64, %reduce_max3A_65 [1] : vector<256x2048xf32> to vector<256xf32>
    %broadcast_in_dim3A_67 = vector.shape_cast %reduce_max3A_66 : vector<256xf32> to vector<256x1xf32>
    %sub3A_68 = vector.broadcast %broadcast_in_dim3A_67 : vector<256x1xf32> to vector<256x2048xf32>
    %sub3A_69 = arith.subf %select_n3A_64, %sub3A_68 : vector<256x2048xf32>
    %exp3A_70 = math.exp %sub3A_69 : vector<256x2048xf32>
    %reduce_sum3A_71 = arith.constant dense<0.000000e+00> : vector<256xf32>
    %reduce_sum3A_72 = vector.multi_reduction <add>, %exp3A_70, %reduce_sum3A_71 [1] : vector<256x2048xf32> to vector<256xf32>
    %broadcast_in_dim3A_73 = vector.shape_cast %reduce_sum3A_72 : vector<256xf32> to vector<256x1xf32>
    %convert_element_type3A_74 = arith.truncf %exp3A_70 : vector<256x2048xf32> to vector<256x2048xbf16>
    %dot_general3A_75 = arith.constant dense<0.000000e+00> : vector<256x64xf32>
    %dot_general3A_76 = tpu.matmul %convert_element_type3A_74, %slice3A_56, %dot_general3A_75 {dimension_numbers = #tpu.dot_dimension_numbers<[1], [0], [0], [1], [0, 0, 1, 1], [], []>, transpose_lhs_hint = false} : vector<256x2048xbf16>, vector<2048x64xbf16>, vector<256x64xf32> -> vector<256x64xf32>
    %div3A_77 = vector.broadcast %broadcast_in_dim3A_73 : vector<256x1xf32> to vector<256x64xf32>
    %div3A_78 = arith.divf %dot_general3A_76, %div3A_77 : vector<256x64xf32>
    %convert_element_type3A_79 = arith.truncf %div3A_78 : vector<256x64xf32> to vector<256x64xbf16>
    %slice3A_80 = vector.extract_strided_slice %get3A_6 {offsets = [0, 192], sizes = [256, 64], strides = [1, 1]} : vector<256x1024xbf16> to vector<256x64xbf16>
    %slice3A_81 = vector.extract_strided_slice %get3A_9 {offsets = [0, 64], sizes = [2048, 64], strides = [1, 1]} : vector<2048x512xbf16> to vector<2048x64xbf16>
    %slice3A_82 = vector.extract_strided_slice %get3A_12 {offsets = [0, 64], sizes = [2048, 64], strides = [1, 1]} : vector<2048x512xbf16> to vector<2048x64xbf16>
    %dot_general3A_83 = arith.constant dense<0.000000e+00> : vector<256x2048xf32>
    %dot_general3A_84 = tpu.matmul %slice3A_80, %slice3A_81, %dot_general3A_83 {dimension_numbers = #tpu.dot_dimension_numbers<[1], [1], [0], [0], [0, 0, 1, 0], [], []>, transpose_lhs_hint = false} : vector<256x64xbf16>, vector<2048x64xbf16>, vector<256x2048xf32> -> vector<256x2048xf32>
    %mul3A_85 = arith.constant 1.250000e-01 : f32
    %mul3A_86 = vector.broadcast %mul3A_85 : f32 to vector<256x2048xf32>
    %mul3A_87 = arith.mulf %dot_general3A_84, %mul3A_86 : vector<256x2048xf32>
    %jit3A_88 = arith.constant -1.000000e+30 : f32
    %broadcast_in_dim3A_89 = vector.broadcast %jit3A_88 : f32 to vector<256x2048xf32>
    %select_n3A_90 = arith.select %ge3A, %mul3A_87, %broadcast_in_dim3A_89 : vector<256x2048xi1>, vector<256x2048xf32>
    %reduce_max3A_91 = arith.constant dense<0xFF800000> : vector<256xf32>
    %reduce_max3A_92 = vector.multi_reduction <maximumf>, %select_n3A_90, %reduce_max3A_91 [1] : vector<256x2048xf32> to vector<256xf32>
    %broadcast_in_dim3A_93 = vector.shape_cast %reduce_max3A_92 : vector<256xf32> to vector<256x1xf32>
    %sub3A_94 = vector.broadcast %broadcast_in_dim3A_93 : vector<256x1xf32> to vector<256x2048xf32>
    %sub3A_95 = arith.subf %select_n3A_90, %sub3A_94 : vector<256x2048xf32>
    %exp3A_96 = math.exp %sub3A_95 : vector<256x2048xf32>
    %reduce_sum3A_97 = arith.constant dense<0.000000e+00> : vector<256xf32>
    %reduce_sum3A_98 = vector.multi_reduction <add>, %exp3A_96, %reduce_sum3A_97 [1] : vector<256x2048xf32> to vector<256xf32>
    %broadcast_in_dim3A_99 = vector.shape_cast %reduce_sum3A_98 : vector<256xf32> to vector<256x1xf32>
    %convert_element_type3A_100 = arith.truncf %exp3A_96 : vector<256x2048xf32> to vector<256x2048xbf16>
    %dot_general3A_101 = arith.constant dense<0.000000e+00> : vector<256x64xf32>
    %dot_general3A_102 = tpu.matmul %convert_element_type3A_100, %slice3A_82, %dot_general3A_101 {dimension_numbers = #tpu.dot_dimension_numbers<[1], [0], [0], [1], [0, 0, 1, 1], [], []>, transpose_lhs_hint = false} : vector<256x2048xbf16>, vector<2048x64xbf16>, vector<256x64xf32> -> vector<256x64xf32>
    %div3A_103 = vector.broadcast %broadcast_in_dim3A_99 : vector<256x1xf32> to vector<256x64xf32>
    %div3A_104 = arith.divf %dot_general3A_102, %div3A_103 : vector<256x64xf32>
    %convert_element_type3A_105 = arith.truncf %div3A_104 : vector<256x64xf32> to vector<256x64xbf16>
    %slice3A_106 = vector.extract_strided_slice %get3A_6 {offsets = [0, 256], sizes = [256, 64], strides = [1, 1]} : vector<256x1024xbf16> to vector<256x64xbf16>
    %slice3A_107 = vector.extract_strided_slice %get3A_9 {offsets = [0, 128], sizes = [2048, 64], strides = [1, 1]} : vector<2048x512xbf16> to vector<2048x64xbf16>
    %slice3A_108 = vector.extract_strided_slice %get3A_12 {offsets = [0, 128], sizes = [2048, 64], strides = [1, 1]} : vector<2048x512xbf16> to vector<2048x64xbf16>
    %dot_general3A_109 = arith.constant dense<0.000000e+00> : vector<256x2048xf32>
    %dot_general3A_110 = tpu.matmul %slice3A_106, %slice3A_107, %dot_general3A_109 {dimension_numbers = #tpu.dot_dimension_numbers<[1], [1], [0], [0], [0, 0, 1, 0], [], []>, transpose_lhs_hint = false} : vector<256x64xbf16>, vector<2048x64xbf16>, vector<256x2048xf32> -> vector<256x2048xf32>
    %mul3A_111 = arith.constant 1.250000e-01 : f32
    %mul3A_112 = vector.broadcast %mul3A_111 : f32 to vector<256x2048xf32>
    %mul3A_113 = arith.mulf %dot_general3A_110, %mul3A_112 : vector<256x2048xf32>
    %jit3A_114 = arith.constant -1.000000e+30 : f32
    %broadcast_in_dim3A_115 = vector.broadcast %jit3A_114 : f32 to vector<256x2048xf32>
    %select_n3A_116 = arith.select %ge3A, %mul3A_113, %broadcast_in_dim3A_115 : vector<256x2048xi1>, vector<256x2048xf32>
    %reduce_max3A_117 = arith.constant dense<0xFF800000> : vector<256xf32>
    %reduce_max3A_118 = vector.multi_reduction <maximumf>, %select_n3A_116, %reduce_max3A_117 [1] : vector<256x2048xf32> to vector<256xf32>
    %broadcast_in_dim3A_119 = vector.shape_cast %reduce_max3A_118 : vector<256xf32> to vector<256x1xf32>
    %sub3A_120 = vector.broadcast %broadcast_in_dim3A_119 : vector<256x1xf32> to vector<256x2048xf32>
    %sub3A_121 = arith.subf %select_n3A_116, %sub3A_120 : vector<256x2048xf32>
    %exp3A_122 = math.exp %sub3A_121 : vector<256x2048xf32>
    %reduce_sum3A_123 = arith.constant dense<0.000000e+00> : vector<256xf32>
    %reduce_sum3A_124 = vector.multi_reduction <add>, %exp3A_122, %reduce_sum3A_123 [1] : vector<256x2048xf32> to vector<256xf32>
    %broadcast_in_dim3A_125 = vector.shape_cast %reduce_sum3A_124 : vector<256xf32> to vector<256x1xf32>
    %convert_element_type3A_126 = arith.truncf %exp3A_122 : vector<256x2048xf32> to vector<256x2048xbf16>
    %dot_general3A_127 = arith.constant dense<0.000000e+00> : vector<256x64xf32>
    %dot_general3A_128 = tpu.matmul %convert_element_type3A_126, %slice3A_108, %dot_general3A_127 {dimension_numbers = #tpu.dot_dimension_numbers<[1], [0], [0], [1], [0, 0, 1, 1], [], []>, transpose_lhs_hint = false} : vector<256x2048xbf16>, vector<2048x64xbf16>, vector<256x64xf32> -> vector<256x64xf32>
    %div3A_129 = vector.broadcast %broadcast_in_dim3A_125 : vector<256x1xf32> to vector<256x64xf32>
    %div3A_130 = arith.divf %dot_general3A_128, %div3A_129 : vector<256x64xf32>
    %convert_element_type3A_131 = arith.truncf %div3A_130 : vector<256x64xf32> to vector<256x64xbf16>
    %slice3A_132 = vector.extract_strided_slice %get3A_6 {offsets = [0, 320], sizes = [256, 64], strides = [1, 1]} : vector<256x1024xbf16> to vector<256x64xbf16>
    %slice3A_133 = vector.extract_strided_slice %get3A_9 {offsets = [0, 128], sizes = [2048, 64], strides = [1, 1]} : vector<2048x512xbf16> to vector<2048x64xbf16>
    %slice3A_134 = vector.extract_strided_slice %get3A_12 {offsets = [0, 128], sizes = [2048, 64], strides = [1, 1]} : vector<2048x512xbf16> to vector<2048x64xbf16>
    %dot_general3A_135 = arith.constant dense<0.000000e+00> : vector<256x2048xf32>
    %dot_general3A_136 = tpu.matmul %slice3A_132, %slice3A_133, %dot_general3A_135 {dimension_numbers = #tpu.dot_dimension_numbers<[1], [1], [0], [0], [0, 0, 1, 0], [], []>, transpose_lhs_hint = false} : vector<256x64xbf16>, vector<2048x64xbf16>, vector<256x2048xf32> -> vector<256x2048xf32>
    %mul3A_137 = arith.constant 1.250000e-01 : f32
    %mul3A_138 = vector.broadcast %mul3A_137 : f32 to vector<256x2048xf32>
    %mul3A_139 = arith.mulf %dot_general3A_136, %mul3A_138 : vector<256x2048xf32>
    %jit3A_140 = arith.constant -1.000000e+30 : f32
    %broadcast_in_dim3A_141 = vector.broadcast %jit3A_140 : f32 to vector<256x2048xf32>
    %select_n3A_142 = arith.select %ge3A, %mul3A_139, %broadcast_in_dim3A_141 : vector<256x2048xi1>, vector<256x2048xf32>
    %reduce_max3A_143 = arith.constant dense<0xFF800000> : vector<256xf32>
    %reduce_max3A_144 = vector.multi_reduction <maximumf>, %select_n3A_142, %reduce_max3A_143 [1] : vector<256x2048xf32> to vector<256xf32>
    %broadcast_in_dim3A_145 = vector.shape_cast %reduce_max3A_144 : vector<256xf32> to vector<256x1xf32>
    %sub3A_146 = vector.broadcast %broadcast_in_dim3A_145 : vector<256x1xf32> to vector<256x2048xf32>
    %sub3A_147 = arith.subf %select_n3A_142, %sub3A_146 : vector<256x2048xf32>
    %exp3A_148 = math.exp %sub3A_147 : vector<256x2048xf32>
    %reduce_sum3A_149 = arith.constant dense<0.000000e+00> : vector<256xf32>
    %reduce_sum3A_150 = vector.multi_reduction <add>, %exp3A_148, %reduce_sum3A_149 [1] : vector<256x2048xf32> to vector<256xf32>
    %broadcast_in_dim3A_151 = vector.shape_cast %reduce_sum3A_150 : vector<256xf32> to vector<256x1xf32>
    %convert_element_type3A_152 = arith.truncf %exp3A_148 : vector<256x2048xf32> to vector<256x2048xbf16>
    %dot_general3A_153 = arith.constant dense<0.000000e+00> : vector<256x64xf32>
    %dot_general3A_154 = tpu.matmul %convert_element_type3A_152, %slice3A_134, %dot_general3A_153 {dimension_numbers = #tpu.dot_dimension_numbers<[1], [0], [0], [1], [0, 0, 1, 1], [], []>, transpose_lhs_hint = false} : vector<256x2048xbf16>, vector<2048x64xbf16>, vector<256x64xf32> -> vector<256x64xf32>
    %div3A_155 = vector.broadcast %broadcast_in_dim3A_151 : vector<256x1xf32> to vector<256x64xf32>
    %div3A_156 = arith.divf %dot_general3A_154, %div3A_155 : vector<256x64xf32>
    %convert_element_type3A_157 = arith.truncf %div3A_156 : vector<256x64xf32> to vector<256x64xbf16>
    %slice3A_158 = vector.extract_strided_slice %get3A_6 {offsets = [0, 384], sizes = [256, 64], strides = [1, 1]} : vector<256x1024xbf16> to vector<256x64xbf16>
    %slice3A_159 = vector.extract_strided_slice %get3A_9 {offsets = [0, 192], sizes = [2048, 64], strides = [1, 1]} : vector<2048x512xbf16> to vector<2048x64xbf16>
    %slice3A_160 = vector.extract_strided_slice %get3A_12 {offsets = [0, 192], sizes = [2048, 64], strides = [1, 1]} : vector<2048x512xbf16> to vector<2048x64xbf16>
    %dot_general3A_161 = arith.constant dense<0.000000e+00> : vector<256x2048xf32>
    %dot_general3A_162 = tpu.matmul %slice3A_158, %slice3A_159, %dot_general3A_161 {dimension_numbers = #tpu.dot_dimension_numbers<[1], [1], [0], [0], [0, 0, 1, 0], [], []>, transpose_lhs_hint = false} : vector<256x64xbf16>, vector<2048x64xbf16>, vector<256x2048xf32> -> vector<256x2048xf32>
    %mul3A_163 = arith.constant 1.250000e-01 : f32
    %mul3A_164 = vector.broadcast %mul3A_163 : f32 to vector<256x2048xf32>
    %mul3A_165 = arith.mulf %dot_general3A_162, %mul3A_164 : vector<256x2048xf32>
    %jit3A_166 = arith.constant -1.000000e+30 : f32
    %broadcast_in_dim3A_167 = vector.broadcast %jit3A_166 : f32 to vector<256x2048xf32>
    %select_n3A_168 = arith.select %ge3A, %mul3A_165, %broadcast_in_dim3A_167 : vector<256x2048xi1>, vector<256x2048xf32>
    %reduce_max3A_169 = arith.constant dense<0xFF800000> : vector<256xf32>
    %reduce_max3A_170 = vector.multi_reduction <maximumf>, %select_n3A_168, %reduce_max3A_169 [1] : vector<256x2048xf32> to vector<256xf32>
    %broadcast_in_dim3A_171 = vector.shape_cast %reduce_max3A_170 : vector<256xf32> to vector<256x1xf32>
    %sub3A_172 = vector.broadcast %broadcast_in_dim3A_171 : vector<256x1xf32> to vector<256x2048xf32>
    %sub3A_173 = arith.subf %select_n3A_168, %sub3A_172 : vector<256x2048xf32>
    %exp3A_174 = math.exp %sub3A_173 : vector<256x2048xf32>
    %reduce_sum3A_175 = arith.constant dense<0.000000e+00> : vector<256xf32>
    %reduce_sum3A_176 = vector.multi_reduction <add>, %exp3A_174, %reduce_sum3A_175 [1] : vector<256x2048xf32> to vector<256xf32>
    %broadcast_in_dim3A_177 = vector.shape_cast %reduce_sum3A_176 : vector<256xf32> to vector<256x1xf32>
    %convert_element_type3A_178 = arith.truncf %exp3A_174 : vector<256x2048xf32> to vector<256x2048xbf16>
    %dot_general3A_179 = arith.constant dense<0.000000e+00> : vector<256x64xf32>
    %dot_general3A_180 = tpu.matmul %convert_element_type3A_178, %slice3A_160, %dot_general3A_179 {dimension_numbers = #tpu.dot_dimension_numbers<[1], [0], [0], [1], [0, 0, 1, 1], [], []>, transpose_lhs_hint = false} : vector<256x2048xbf16>, vector<2048x64xbf16>, vector<256x64xf32> -> vector<256x64xf32>
    %div3A_181 = vector.broadcast %broadcast_in_dim3A_177 : vector<256x1xf32> to vector<256x64xf32>
    %div3A_182 = arith.divf %dot_general3A_180, %div3A_181 : vector<256x64xf32>
    %convert_element_type3A_183 = arith.truncf %div3A_182 : vector<256x64xf32> to vector<256x64xbf16>
    %slice3A_184 = vector.extract_strided_slice %get3A_6 {offsets = [0, 448], sizes = [256, 64], strides = [1, 1]} : vector<256x1024xbf16> to vector<256x64xbf16>
    %slice3A_185 = vector.extract_strided_slice %get3A_9 {offsets = [0, 192], sizes = [2048, 64], strides = [1, 1]} : vector<2048x512xbf16> to vector<2048x64xbf16>
    %slice3A_186 = vector.extract_strided_slice %get3A_12 {offsets = [0, 192], sizes = [2048, 64], strides = [1, 1]} : vector<2048x512xbf16> to vector<2048x64xbf16>
    %dot_general3A_187 = arith.constant dense<0.000000e+00> : vector<256x2048xf32>
    %dot_general3A_188 = tpu.matmul %slice3A_184, %slice3A_185, %dot_general3A_187 {dimension_numbers = #tpu.dot_dimension_numbers<[1], [1], [0], [0], [0, 0, 1, 0], [], []>, transpose_lhs_hint = false} : vector<256x64xbf16>, vector<2048x64xbf16>, vector<256x2048xf32> -> vector<256x2048xf32>
    %mul3A_189 = arith.constant 1.250000e-01 : f32
    %mul3A_190 = vector.broadcast %mul3A_189 : f32 to vector<256x2048xf32>
    %mul3A_191 = arith.mulf %dot_general3A_188, %mul3A_190 : vector<256x2048xf32>
    %jit3A_192 = arith.constant -1.000000e+30 : f32
    %broadcast_in_dim3A_193 = vector.broadcast %jit3A_192 : f32 to vector<256x2048xf32>
    %select_n3A_194 = arith.select %ge3A, %mul3A_191, %broadcast_in_dim3A_193 : vector<256x2048xi1>, vector<256x2048xf32>
    %reduce_max3A_195 = arith.constant dense<0xFF800000> : vector<256xf32>
    %reduce_max3A_196 = vector.multi_reduction <maximumf>, %select_n3A_194, %reduce_max3A_195 [1] : vector<256x2048xf32> to vector<256xf32>
    %broadcast_in_dim3A_197 = vector.shape_cast %reduce_max3A_196 : vector<256xf32> to vector<256x1xf32>
    %sub3A_198 = vector.broadcast %broadcast_in_dim3A_197 : vector<256x1xf32> to vector<256x2048xf32>
    %sub3A_199 = arith.subf %select_n3A_194, %sub3A_198 : vector<256x2048xf32>
    %exp3A_200 = math.exp %sub3A_199 : vector<256x2048xf32>
    %reduce_sum3A_201 = arith.constant dense<0.000000e+00> : vector<256xf32>
    %reduce_sum3A_202 = vector.multi_reduction <add>, %exp3A_200, %reduce_sum3A_201 [1] : vector<256x2048xf32> to vector<256xf32>
    %broadcast_in_dim3A_203 = vector.shape_cast %reduce_sum3A_202 : vector<256xf32> to vector<256x1xf32>
    %convert_element_type3A_204 = arith.truncf %exp3A_200 : vector<256x2048xf32> to vector<256x2048xbf16>
    %dot_general3A_205 = arith.constant dense<0.000000e+00> : vector<256x64xf32>
    %dot_general3A_206 = tpu.matmul %convert_element_type3A_204, %slice3A_186, %dot_general3A_205 {dimension_numbers = #tpu.dot_dimension_numbers<[1], [0], [0], [1], [0, 0, 1, 1], [], []>, transpose_lhs_hint = false} : vector<256x2048xbf16>, vector<2048x64xbf16>, vector<256x64xf32> -> vector<256x64xf32>
    %div3A_207 = vector.broadcast %broadcast_in_dim3A_203 : vector<256x1xf32> to vector<256x64xf32>
    %div3A_208 = arith.divf %dot_general3A_206, %div3A_207 : vector<256x64xf32>
    %convert_element_type3A_209 = arith.truncf %div3A_208 : vector<256x64xf32> to vector<256x64xbf16>
    %slice3A_210 = vector.extract_strided_slice %get3A_6 {offsets = [0, 512], sizes = [256, 64], strides = [1, 1]} : vector<256x1024xbf16> to vector<256x64xbf16>
    %slice3A_211 = vector.extract_strided_slice %get3A_9 {offsets = [0, 256], sizes = [2048, 64], strides = [1, 1]} : vector<2048x512xbf16> to vector<2048x64xbf16>
    %slice3A_212 = vector.extract_strided_slice %get3A_12 {offsets = [0, 256], sizes = [2048, 64], strides = [1, 1]} : vector<2048x512xbf16> to vector<2048x64xbf16>
    %dot_general3A_213 = arith.constant dense<0.000000e+00> : vector<256x2048xf32>
    %dot_general3A_214 = tpu.matmul %slice3A_210, %slice3A_211, %dot_general3A_213 {dimension_numbers = #tpu.dot_dimension_numbers<[1], [1], [0], [0], [0, 0, 1, 0], [], []>, transpose_lhs_hint = false} : vector<256x64xbf16>, vector<2048x64xbf16>, vector<256x2048xf32> -> vector<256x2048xf32>
    %mul3A_215 = arith.constant 1.250000e-01 : f32
    %mul3A_216 = vector.broadcast %mul3A_215 : f32 to vector<256x2048xf32>
    %mul3A_217 = arith.mulf %dot_general3A_214, %mul3A_216 : vector<256x2048xf32>
    %jit3A_218 = arith.constant -1.000000e+30 : f32
    %broadcast_in_dim3A_219 = vector.broadcast %jit3A_218 : f32 to vector<256x2048xf32>
    %select_n3A_220 = arith.select %ge3A, %mul3A_217, %broadcast_in_dim3A_219 : vector<256x2048xi1>, vector<256x2048xf32>
    %reduce_max3A_221 = arith.constant dense<0xFF800000> : vector<256xf32>
    %reduce_max3A_222 = vector.multi_reduction <maximumf>, %select_n3A_220, %reduce_max3A_221 [1] : vector<256x2048xf32> to vector<256xf32>
    %broadcast_in_dim3A_223 = vector.shape_cast %reduce_max3A_222 : vector<256xf32> to vector<256x1xf32>
    %sub3A_224 = vector.broadcast %broadcast_in_dim3A_223 : vector<256x1xf32> to vector<256x2048xf32>
    %sub3A_225 = arith.subf %select_n3A_220, %sub3A_224 : vector<256x2048xf32>
    %exp3A_226 = math.exp %sub3A_225 : vector<256x2048xf32>
    %reduce_sum3A_227 = arith.constant dense<0.000000e+00> : vector<256xf32>
    %reduce_sum3A_228 = vector.multi_reduction <add>, %exp3A_226, %reduce_sum3A_227 [1] : vector<256x2048xf32> to vector<256xf32>
    %broadcast_in_dim3A_229 = vector.shape_cast %reduce_sum3A_228 : vector<256xf32> to vector<256x1xf32>
    %convert_element_type3A_230 = arith.truncf %exp3A_226 : vector<256x2048xf32> to vector<256x2048xbf16>
    %dot_general3A_231 = arith.constant dense<0.000000e+00> : vector<256x64xf32>
    %dot_general3A_232 = tpu.matmul %convert_element_type3A_230, %slice3A_212, %dot_general3A_231 {dimension_numbers = #tpu.dot_dimension_numbers<[1], [0], [0], [1], [0, 0, 1, 1], [], []>, transpose_lhs_hint = false} : vector<256x2048xbf16>, vector<2048x64xbf16>, vector<256x64xf32> -> vector<256x64xf32>
    %div3A_233 = vector.broadcast %broadcast_in_dim3A_229 : vector<256x1xf32> to vector<256x64xf32>
    %div3A_234 = arith.divf %dot_general3A_232, %div3A_233 : vector<256x64xf32>
    %convert_element_type3A_235 = arith.truncf %div3A_234 : vector<256x64xf32> to vector<256x64xbf16>
    %slice3A_236 = vector.extract_strided_slice %get3A_6 {offsets = [0, 576], sizes = [256, 64], strides = [1, 1]} : vector<256x1024xbf16> to vector<256x64xbf16>
    %slice3A_237 = vector.extract_strided_slice %get3A_9 {offsets = [0, 256], sizes = [2048, 64], strides = [1, 1]} : vector<2048x512xbf16> to vector<2048x64xbf16>
    %slice3A_238 = vector.extract_strided_slice %get3A_12 {offsets = [0, 256], sizes = [2048, 64], strides = [1, 1]} : vector<2048x512xbf16> to vector<2048x64xbf16>
    %dot_general3A_239 = arith.constant dense<0.000000e+00> : vector<256x2048xf32>
    %dot_general3A_240 = tpu.matmul %slice3A_236, %slice3A_237, %dot_general3A_239 {dimension_numbers = #tpu.dot_dimension_numbers<[1], [1], [0], [0], [0, 0, 1, 0], [], []>, transpose_lhs_hint = false} : vector<256x64xbf16>, vector<2048x64xbf16>, vector<256x2048xf32> -> vector<256x2048xf32>
    %mul3A_241 = arith.constant 1.250000e-01 : f32
    %mul3A_242 = vector.broadcast %mul3A_241 : f32 to vector<256x2048xf32>
    %mul3A_243 = arith.mulf %dot_general3A_240, %mul3A_242 : vector<256x2048xf32>
    %jit3A_244 = arith.constant -1.000000e+30 : f32
    %broadcast_in_dim3A_245 = vector.broadcast %jit3A_244 : f32 to vector<256x2048xf32>
    %select_n3A_246 = arith.select %ge3A, %mul3A_243, %broadcast_in_dim3A_245 : vector<256x2048xi1>, vector<256x2048xf32>
    %reduce_max3A_247 = arith.constant dense<0xFF800000> : vector<256xf32>
    %reduce_max3A_248 = vector.multi_reduction <maximumf>, %select_n3A_246, %reduce_max3A_247 [1] : vector<256x2048xf32> to vector<256xf32>
    %broadcast_in_dim3A_249 = vector.shape_cast %reduce_max3A_248 : vector<256xf32> to vector<256x1xf32>
    %sub3A_250 = vector.broadcast %broadcast_in_dim3A_249 : vector<256x1xf32> to vector<256x2048xf32>
    %sub3A_251 = arith.subf %select_n3A_246, %sub3A_250 : vector<256x2048xf32>
    %exp3A_252 = math.exp %sub3A_251 : vector<256x2048xf32>
    %reduce_sum3A_253 = arith.constant dense<0.000000e+00> : vector<256xf32>
    %reduce_sum3A_254 = vector.multi_reduction <add>, %exp3A_252, %reduce_sum3A_253 [1] : vector<256x2048xf32> to vector<256xf32>
    %broadcast_in_dim3A_255 = vector.shape_cast %reduce_sum3A_254 : vector<256xf32> to vector<256x1xf32>
    %convert_element_type3A_256 = arith.truncf %exp3A_252 : vector<256x2048xf32> to vector<256x2048xbf16>
    %dot_general3A_257 = arith.constant dense<0.000000e+00> : vector<256x64xf32>
    %dot_general3A_258 = tpu.matmul %convert_element_type3A_256, %slice3A_238, %dot_general3A_257 {dimension_numbers = #tpu.dot_dimension_numbers<[1], [0], [0], [1], [0, 0, 1, 1], [], []>, transpose_lhs_hint = false} : vector<256x2048xbf16>, vector<2048x64xbf16>, vector<256x64xf32> -> vector<256x64xf32>
    %div3A_259 = vector.broadcast %broadcast_in_dim3A_255 : vector<256x1xf32> to vector<256x64xf32>
    %div3A_260 = arith.divf %dot_general3A_258, %div3A_259 : vector<256x64xf32>
    %convert_element_type3A_261 = arith.truncf %div3A_260 : vector<256x64xf32> to vector<256x64xbf16>
    %slice3A_262 = vector.extract_strided_slice %get3A_6 {offsets = [0, 640], sizes = [256, 64], strides = [1, 1]} : vector<256x1024xbf16> to vector<256x64xbf16>
    %slice3A_263 = vector.extract_strided_slice %get3A_9 {offsets = [0, 320], sizes = [2048, 64], strides = [1, 1]} : vector<2048x512xbf16> to vector<2048x64xbf16>
    %slice3A_264 = vector.extract_strided_slice %get3A_12 {offsets = [0, 320], sizes = [2048, 64], strides = [1, 1]} : vector<2048x512xbf16> to vector<2048x64xbf16>
    %dot_general3A_265 = arith.constant dense<0.000000e+00> : vector<256x2048xf32>
    %dot_general3A_266 = tpu.matmul %slice3A_262, %slice3A_263, %dot_general3A_265 {dimension_numbers = #tpu.dot_dimension_numbers<[1], [1], [0], [0], [0, 0, 1, 0], [], []>, transpose_lhs_hint = false} : vector<256x64xbf16>, vector<2048x64xbf16>, vector<256x2048xf32> -> vector<256x2048xf32>
    %mul3A_267 = arith.constant 1.250000e-01 : f32
    %mul3A_268 = vector.broadcast %mul3A_267 : f32 to vector<256x2048xf32>
    %mul3A_269 = arith.mulf %dot_general3A_266, %mul3A_268 : vector<256x2048xf32>
    %jit3A_270 = arith.constant -1.000000e+30 : f32
    %broadcast_in_dim3A_271 = vector.broadcast %jit3A_270 : f32 to vector<256x2048xf32>
    %select_n3A_272 = arith.select %ge3A, %mul3A_269, %broadcast_in_dim3A_271 : vector<256x2048xi1>, vector<256x2048xf32>
    %reduce_max3A_273 = arith.constant dense<0xFF800000> : vector<256xf32>
    %reduce_max3A_274 = vector.multi_reduction <maximumf>, %select_n3A_272, %reduce_max3A_273 [1] : vector<256x2048xf32> to vector<256xf32>
    %broadcast_in_dim3A_275 = vector.shape_cast %reduce_max3A_274 : vector<256xf32> to vector<256x1xf32>
    %sub3A_276 = vector.broadcast %broadcast_in_dim3A_275 : vector<256x1xf32> to vector<256x2048xf32>
    %sub3A_277 = arith.subf %select_n3A_272, %sub3A_276 : vector<256x2048xf32>
    %exp3A_278 = math.exp %sub3A_277 : vector<256x2048xf32>
    %reduce_sum3A_279 = arith.constant dense<0.000000e+00> : vector<256xf32>
    %reduce_sum3A_280 = vector.multi_reduction <add>, %exp3A_278, %reduce_sum3A_279 [1] : vector<256x2048xf32> to vector<256xf32>
    %broadcast_in_dim3A_281 = vector.shape_cast %reduce_sum3A_280 : vector<256xf32> to vector<256x1xf32>
    %convert_element_type3A_282 = arith.truncf %exp3A_278 : vector<256x2048xf32> to vector<256x2048xbf16>
    %dot_general3A_283 = arith.constant dense<0.000000e+00> : vector<256x64xf32>
    %dot_general3A_284 = tpu.matmul %convert_element_type3A_282, %slice3A_264, %dot_general3A_283 {dimension_numbers = #tpu.dot_dimension_numbers<[1], [0], [0], [1], [0, 0, 1, 1], [], []>, transpose_lhs_hint = false} : vector<256x2048xbf16>, vector<2048x64xbf16>, vector<256x64xf32> -> vector<256x64xf32>
    %div3A_285 = vector.broadcast %broadcast_in_dim3A_281 : vector<256x1xf32> to vector<256x64xf32>
    %div3A_286 = arith.divf %dot_general3A_284, %div3A_285 : vector<256x64xf32>
    %convert_element_type3A_287 = arith.truncf %div3A_286 : vector<256x64xf32> to vector<256x64xbf16>
    %slice3A_288 = vector.extract_strided_slice %get3A_6 {offsets = [0, 704], sizes = [256, 64], strides = [1, 1]} : vector<256x1024xbf16> to vector<256x64xbf16>
    %slice3A_289 = vector.extract_strided_slice %get3A_9 {offsets = [0, 320], sizes = [2048, 64], strides = [1, 1]} : vector<2048x512xbf16> to vector<2048x64xbf16>
    %slice3A_290 = vector.extract_strided_slice %get3A_12 {offsets = [0, 320], sizes = [2048, 64], strides = [1, 1]} : vector<2048x512xbf16> to vector<2048x64xbf16>
    %dot_general3A_291 = arith.constant dense<0.000000e+00> : vector<256x2048xf32>
    %dot_general3A_292 = tpu.matmul %slice3A_288, %slice3A_289, %dot_general3A_291 {dimension_numbers = #tpu.dot_dimension_numbers<[1], [1], [0], [0], [0, 0, 1, 0], [], []>, transpose_lhs_hint = false} : vector<256x64xbf16>, vector<2048x64xbf16>, vector<256x2048xf32> -> vector<256x2048xf32>
    %mul3A_293 = arith.constant 1.250000e-01 : f32
    %mul3A_294 = vector.broadcast %mul3A_293 : f32 to vector<256x2048xf32>
    %mul3A_295 = arith.mulf %dot_general3A_292, %mul3A_294 : vector<256x2048xf32>
    %jit3A_296 = arith.constant -1.000000e+30 : f32
    %broadcast_in_dim3A_297 = vector.broadcast %jit3A_296 : f32 to vector<256x2048xf32>
    %select_n3A_298 = arith.select %ge3A, %mul3A_295, %broadcast_in_dim3A_297 : vector<256x2048xi1>, vector<256x2048xf32>
    %reduce_max3A_299 = arith.constant dense<0xFF800000> : vector<256xf32>
    %reduce_max3A_300 = vector.multi_reduction <maximumf>, %select_n3A_298, %reduce_max3A_299 [1] : vector<256x2048xf32> to vector<256xf32>
    %broadcast_in_dim3A_301 = vector.shape_cast %reduce_max3A_300 : vector<256xf32> to vector<256x1xf32>
    %sub3A_302 = vector.broadcast %broadcast_in_dim3A_301 : vector<256x1xf32> to vector<256x2048xf32>
    %sub3A_303 = arith.subf %select_n3A_298, %sub3A_302 : vector<256x2048xf32>
    %exp3A_304 = math.exp %sub3A_303 : vector<256x2048xf32>
    %reduce_sum3A_305 = arith.constant dense<0.000000e+00> : vector<256xf32>
    %reduce_sum3A_306 = vector.multi_reduction <add>, %exp3A_304, %reduce_sum3A_305 [1] : vector<256x2048xf32> to vector<256xf32>
    %broadcast_in_dim3A_307 = vector.shape_cast %reduce_sum3A_306 : vector<256xf32> to vector<256x1xf32>
    %convert_element_type3A_308 = arith.truncf %exp3A_304 : vector<256x2048xf32> to vector<256x2048xbf16>
    %dot_general3A_309 = arith.constant dense<0.000000e+00> : vector<256x64xf32>
    %dot_general3A_310 = tpu.matmul %convert_element_type3A_308, %slice3A_290, %dot_general3A_309 {dimension_numbers = #tpu.dot_dimension_numbers<[1], [0], [0], [1], [0, 0, 1, 1], [], []>, transpose_lhs_hint = false} : vector<256x2048xbf16>, vector<2048x64xbf16>, vector<256x64xf32> -> vector<256x64xf32>
    %div3A_311 = vector.broadcast %broadcast_in_dim3A_307 : vector<256x1xf32> to vector<256x64xf32>
    %div3A_312 = arith.divf %dot_general3A_310, %div3A_311 : vector<256x64xf32>
    %convert_element_type3A_313 = arith.truncf %div3A_312 : vector<256x64xf32> to vector<256x64xbf16>
    %slice3A_314 = vector.extract_strided_slice %get3A_6 {offsets = [0, 768], sizes = [256, 64], strides = [1, 1]} : vector<256x1024xbf16> to vector<256x64xbf16>
    %slice3A_315 = vector.extract_strided_slice %get3A_9 {offsets = [0, 384], sizes = [2048, 64], strides = [1, 1]} : vector<2048x512xbf16> to vector<2048x64xbf16>
    %slice3A_316 = vector.extract_strided_slice %get3A_12 {offsets = [0, 384], sizes = [2048, 64], strides = [1, 1]} : vector<2048x512xbf16> to vector<2048x64xbf16>
    %dot_general3A_317 = arith.constant dense<0.000000e+00> : vector<256x2048xf32>
    %dot_general3A_318 = tpu.matmul %slice3A_314, %slice3A_315, %dot_general3A_317 {dimension_numbers = #tpu.dot_dimension_numbers<[1], [1], [0], [0], [0, 0, 1, 0], [], []>, transpose_lhs_hint = false} : vector<256x64xbf16>, vector<2048x64xbf16>, vector<256x2048xf32> -> vector<256x2048xf32>
    %mul3A_319 = arith.constant 1.250000e-01 : f32
    %mul3A_320 = vector.broadcast %mul3A_319 : f32 to vector<256x2048xf32>
    %mul3A_321 = arith.mulf %dot_general3A_318, %mul3A_320 : vector<256x2048xf32>
    %jit3A_322 = arith.constant -1.000000e+30 : f32
    %broadcast_in_dim3A_323 = vector.broadcast %jit3A_322 : f32 to vector<256x2048xf32>
    %select_n3A_324 = arith.select %ge3A, %mul3A_321, %broadcast_in_dim3A_323 : vector<256x2048xi1>, vector<256x2048xf32>
    %reduce_max3A_325 = arith.constant dense<0xFF800000> : vector<256xf32>
    %reduce_max3A_326 = vector.multi_reduction <maximumf>, %select_n3A_324, %reduce_max3A_325 [1] : vector<256x2048xf32> to vector<256xf32>
    %broadcast_in_dim3A_327 = vector.shape_cast %reduce_max3A_326 : vector<256xf32> to vector<256x1xf32>
    %sub3A_328 = vector.broadcast %broadcast_in_dim3A_327 : vector<256x1xf32> to vector<256x2048xf32>
    %sub3A_329 = arith.subf %select_n3A_324, %sub3A_328 : vector<256x2048xf32>
    %exp3A_330 = math.exp %sub3A_329 : vector<256x2048xf32>
    %reduce_sum3A_331 = arith.constant dense<0.000000e+00> : vector<256xf32>
    %reduce_sum3A_332 = vector.multi_reduction <add>, %exp3A_330, %reduce_sum3A_331 [1] : vector<256x2048xf32> to vector<256xf32>
    %broadcast_in_dim3A_333 = vector.shape_cast %reduce_sum3A_332 : vector<256xf32> to vector<256x1xf32>
    %convert_element_type3A_334 = arith.truncf %exp3A_330 : vector<256x2048xf32> to vector<256x2048xbf16>
    %dot_general3A_335 = arith.constant dense<0.000000e+00> : vector<256x64xf32>
    %dot_general3A_336 = tpu.matmul %convert_element_type3A_334, %slice3A_316, %dot_general3A_335 {dimension_numbers = #tpu.dot_dimension_numbers<[1], [0], [0], [1], [0, 0, 1, 1], [], []>, transpose_lhs_hint = false} : vector<256x2048xbf16>, vector<2048x64xbf16>, vector<256x64xf32> -> vector<256x64xf32>
    %div3A_337 = vector.broadcast %broadcast_in_dim3A_333 : vector<256x1xf32> to vector<256x64xf32>
    %div3A_338 = arith.divf %dot_general3A_336, %div3A_337 : vector<256x64xf32>
    %convert_element_type3A_339 = arith.truncf %div3A_338 : vector<256x64xf32> to vector<256x64xbf16>
    %slice3A_340 = vector.extract_strided_slice %get3A_6 {offsets = [0, 832], sizes = [256, 64], strides = [1, 1]} : vector<256x1024xbf16> to vector<256x64xbf16>
    %slice3A_341 = vector.extract_strided_slice %get3A_9 {offsets = [0, 384], sizes = [2048, 64], strides = [1, 1]} : vector<2048x512xbf16> to vector<2048x64xbf16>
    %slice3A_342 = vector.extract_strided_slice %get3A_12 {offsets = [0, 384], sizes = [2048, 64], strides = [1, 1]} : vector<2048x512xbf16> to vector<2048x64xbf16>
    %dot_general3A_343 = arith.constant dense<0.000000e+00> : vector<256x2048xf32>
    %dot_general3A_344 = tpu.matmul %slice3A_340, %slice3A_341, %dot_general3A_343 {dimension_numbers = #tpu.dot_dimension_numbers<[1], [1], [0], [0], [0, 0, 1, 0], [], []>, transpose_lhs_hint = false} : vector<256x64xbf16>, vector<2048x64xbf16>, vector<256x2048xf32> -> vector<256x2048xf32>
    %mul3A_345 = arith.constant 1.250000e-01 : f32
    %mul3A_346 = vector.broadcast %mul3A_345 : f32 to vector<256x2048xf32>
    %mul3A_347 = arith.mulf %dot_general3A_344, %mul3A_346 : vector<256x2048xf32>
    %jit3A_348 = arith.constant -1.000000e+30 : f32
    %broadcast_in_dim3A_349 = vector.broadcast %jit3A_348 : f32 to vector<256x2048xf32>
    %select_n3A_350 = arith.select %ge3A, %mul3A_347, %broadcast_in_dim3A_349 : vector<256x2048xi1>, vector<256x2048xf32>
    %reduce_max3A_351 = arith.constant dense<0xFF800000> : vector<256xf32>
    %reduce_max3A_352 = vector.multi_reduction <maximumf>, %select_n3A_350, %reduce_max3A_351 [1] : vector<256x2048xf32> to vector<256xf32>
    %broadcast_in_dim3A_353 = vector.shape_cast %reduce_max3A_352 : vector<256xf32> to vector<256x1xf32>
    %sub3A_354 = vector.broadcast %broadcast_in_dim3A_353 : vector<256x1xf32> to vector<256x2048xf32>
    %sub3A_355 = arith.subf %select_n3A_350, %sub3A_354 : vector<256x2048xf32>
    %exp3A_356 = math.exp %sub3A_355 : vector<256x2048xf32>
    %reduce_sum3A_357 = arith.constant dense<0.000000e+00> : vector<256xf32>
    %reduce_sum3A_358 = vector.multi_reduction <add>, %exp3A_356, %reduce_sum3A_357 [1] : vector<256x2048xf32> to vector<256xf32>
    %broadcast_in_dim3A_359 = vector.shape_cast %reduce_sum3A_358 : vector<256xf32> to vector<256x1xf32>
    %convert_element_type3A_360 = arith.truncf %exp3A_356 : vector<256x2048xf32> to vector<256x2048xbf16>
    %dot_general3A_361 = arith.constant dense<0.000000e+00> : vector<256x64xf32>
    %dot_general3A_362 = tpu.matmul %convert_element_type3A_360, %slice3A_342, %dot_general3A_361 {dimension_numbers = #tpu.dot_dimension_numbers<[1], [0], [0], [1], [0, 0, 1, 1], [], []>, transpose_lhs_hint = false} : vector<256x2048xbf16>, vector<2048x64xbf16>, vector<256x64xf32> -> vector<256x64xf32>
    %div3A_363 = vector.broadcast %broadcast_in_dim3A_359 : vector<256x1xf32> to vector<256x64xf32>
    %div3A_364 = arith.divf %dot_general3A_362, %div3A_363 : vector<256x64xf32>
    %convert_element_type3A_365 = arith.truncf %div3A_364 : vector<256x64xf32> to vector<256x64xbf16>
    %slice3A_366 = vector.extract_strided_slice %get3A_6 {offsets = [0, 896], sizes = [256, 64], strides = [1, 1]} : vector<256x1024xbf16> to vector<256x64xbf16>
    %slice3A_367 = vector.extract_strided_slice %get3A_9 {offsets = [0, 448], sizes = [2048, 64], strides = [1, 1]} : vector<2048x512xbf16> to vector<2048x64xbf16>
    %slice3A_368 = vector.extract_strided_slice %get3A_12 {offsets = [0, 448], sizes = [2048, 64], strides = [1, 1]} : vector<2048x512xbf16> to vector<2048x64xbf16>
    %dot_general3A_369 = arith.constant dense<0.000000e+00> : vector<256x2048xf32>
    %dot_general3A_370 = tpu.matmul %slice3A_366, %slice3A_367, %dot_general3A_369 {dimension_numbers = #tpu.dot_dimension_numbers<[1], [1], [0], [0], [0, 0, 1, 0], [], []>, transpose_lhs_hint = false} : vector<256x64xbf16>, vector<2048x64xbf16>, vector<256x2048xf32> -> vector<256x2048xf32>
    %mul3A_371 = arith.constant 1.250000e-01 : f32
    %mul3A_372 = vector.broadcast %mul3A_371 : f32 to vector<256x2048xf32>
    %mul3A_373 = arith.mulf %dot_general3A_370, %mul3A_372 : vector<256x2048xf32>
    %jit3A_374 = arith.constant -1.000000e+30 : f32
    %broadcast_in_dim3A_375 = vector.broadcast %jit3A_374 : f32 to vector<256x2048xf32>
    %select_n3A_376 = arith.select %ge3A, %mul3A_373, %broadcast_in_dim3A_375 : vector<256x2048xi1>, vector<256x2048xf32>
    %reduce_max3A_377 = arith.constant dense<0xFF800000> : vector<256xf32>
    %reduce_max3A_378 = vector.multi_reduction <maximumf>, %select_n3A_376, %reduce_max3A_377 [1] : vector<256x2048xf32> to vector<256xf32>
    %broadcast_in_dim3A_379 = vector.shape_cast %reduce_max3A_378 : vector<256xf32> to vector<256x1xf32>
    %sub3A_380 = vector.broadcast %broadcast_in_dim3A_379 : vector<256x1xf32> to vector<256x2048xf32>
    %sub3A_381 = arith.subf %select_n3A_376, %sub3A_380 : vector<256x2048xf32>
    %exp3A_382 = math.exp %sub3A_381 : vector<256x2048xf32>
    %reduce_sum3A_383 = arith.constant dense<0.000000e+00> : vector<256xf32>
    %reduce_sum3A_384 = vector.multi_reduction <add>, %exp3A_382, %reduce_sum3A_383 [1] : vector<256x2048xf32> to vector<256xf32>
    %broadcast_in_dim3A_385 = vector.shape_cast %reduce_sum3A_384 : vector<256xf32> to vector<256x1xf32>
    %convert_element_type3A_386 = arith.truncf %exp3A_382 : vector<256x2048xf32> to vector<256x2048xbf16>
    %dot_general3A_387 = arith.constant dense<0.000000e+00> : vector<256x64xf32>
    %dot_general3A_388 = tpu.matmul %convert_element_type3A_386, %slice3A_368, %dot_general3A_387 {dimension_numbers = #tpu.dot_dimension_numbers<[1], [0], [0], [1], [0, 0, 1, 1], [], []>, transpose_lhs_hint = false} : vector<256x2048xbf16>, vector<2048x64xbf16>, vector<256x64xf32> -> vector<256x64xf32>
    %div3A_389 = vector.broadcast %broadcast_in_dim3A_385 : vector<256x1xf32> to vector<256x64xf32>
    %div3A_390 = arith.divf %dot_general3A_388, %div3A_389 : vector<256x64xf32>
    %convert_element_type3A_391 = arith.truncf %div3A_390 : vector<256x64xf32> to vector<256x64xbf16>
    %slice3A_392 = vector.extract_strided_slice %get3A_6 {offsets = [0, 960], sizes = [256, 64], strides = [1, 1]} : vector<256x1024xbf16> to vector<256x64xbf16>
    %slice3A_393 = vector.extract_strided_slice %get3A_9 {offsets = [0, 448], sizes = [2048, 64], strides = [1, 1]} : vector<2048x512xbf16> to vector<2048x64xbf16>
    %slice3A_394 = vector.extract_strided_slice %get3A_12 {offsets = [0, 448], sizes = [2048, 64], strides = [1, 1]} : vector<2048x512xbf16> to vector<2048x64xbf16>
    %dot_general3A_395 = arith.constant dense<0.000000e+00> : vector<256x2048xf32>
    %dot_general3A_396 = tpu.matmul %slice3A_392, %slice3A_393, %dot_general3A_395 {dimension_numbers = #tpu.dot_dimension_numbers<[1], [1], [0], [0], [0, 0, 1, 0], [], []>, transpose_lhs_hint = false} : vector<256x64xbf16>, vector<2048x64xbf16>, vector<256x2048xf32> -> vector<256x2048xf32>
    %mul3A_397 = arith.constant 1.250000e-01 : f32
    %mul3A_398 = vector.broadcast %mul3A_397 : f32 to vector<256x2048xf32>
    %mul3A_399 = arith.mulf %dot_general3A_396, %mul3A_398 : vector<256x2048xf32>
    %jit3A_400 = arith.constant -1.000000e+30 : f32
    %broadcast_in_dim3A_401 = vector.broadcast %jit3A_400 : f32 to vector<256x2048xf32>
    %select_n3A_402 = arith.select %ge3A, %mul3A_399, %broadcast_in_dim3A_401 : vector<256x2048xi1>, vector<256x2048xf32>
    %reduce_max3A_403 = arith.constant dense<0xFF800000> : vector<256xf32>
    %reduce_max3A_404 = vector.multi_reduction <maximumf>, %select_n3A_402, %reduce_max3A_403 [1] : vector<256x2048xf32> to vector<256xf32>
    %broadcast_in_dim3A_405 = vector.shape_cast %reduce_max3A_404 : vector<256xf32> to vector<256x1xf32>
    %sub3A_406 = vector.broadcast %broadcast_in_dim3A_405 : vector<256x1xf32> to vector<256x2048xf32>
    %sub3A_407 = arith.subf %select_n3A_402, %sub3A_406 : vector<256x2048xf32>
    %exp3A_408 = math.exp %sub3A_407 : vector<256x2048xf32>
    %reduce_sum3A_409 = arith.constant dense<0.000000e+00> : vector<256xf32>
    %reduce_sum3A_410 = vector.multi_reduction <add>, %exp3A_408, %reduce_sum3A_409 [1] : vector<256x2048xf32> to vector<256xf32>
    %broadcast_in_dim3A_411 = vector.shape_cast %reduce_sum3A_410 : vector<256xf32> to vector<256x1xf32>
    %convert_element_type3A_412 = arith.truncf %exp3A_408 : vector<256x2048xf32> to vector<256x2048xbf16>
    %dot_general3A_413 = arith.constant dense<0.000000e+00> : vector<256x64xf32>
    %dot_general3A_414 = tpu.matmul %convert_element_type3A_412, %slice3A_394, %dot_general3A_413 {dimension_numbers = #tpu.dot_dimension_numbers<[1], [0], [0], [1], [0, 0, 1, 1], [], []>, transpose_lhs_hint = false} : vector<256x2048xbf16>, vector<2048x64xbf16>, vector<256x64xf32> -> vector<256x64xf32>
    %div3A_415 = vector.broadcast %broadcast_in_dim3A_411 : vector<256x1xf32> to vector<256x64xf32>
    %div3A_416 = arith.divf %dot_general3A_414, %div3A_415 : vector<256x64xf32>
    %convert_element_type3A_417 = arith.truncf %div3A_416 : vector<256x64xf32> to vector<256x64xbf16>
    %concatenate3A = tpu.concatenate %convert_element_type3A_27, %convert_element_type3A_53, %convert_element_type3A_79, %convert_element_type3A_105, %convert_element_type3A_131, %convert_element_type3A_157, %convert_element_type3A_183, %convert_element_type3A_209, %convert_element_type3A_235, %convert_element_type3A_261, %convert_element_type3A_287, %convert_element_type3A_313, %convert_element_type3A_339, %convert_element_type3A_365, %convert_element_type3A_391, %convert_element_type3A_417 in 1 : vector<256x64xbf16>, vector<256x64xbf16>, vector<256x64xbf16>, vector<256x64xbf16>, vector<256x64xbf16>, vector<256x64xbf16>, vector<256x64xbf16>, vector<256x64xbf16>, vector<256x64xbf16>, vector<256x64xbf16>, vector<256x64xbf16>, vector<256x64xbf16>, vector<256x64xbf16>, vector<256x64xbf16>, vector<256x64xbf16>, vector<256x64xbf16> -> vector<256x1024xbf16>
    %swap3A = arith.constant 0 : index
    %swap3A_418 = arith.constant 0 : index
    %swap3A_419 = vector.load %arg4[%swap3A, %swap3A_418] : memref<256x1024xbf16, #tpu.memory_space<vmem>>, vector<256x1024xbf16>
    tpu.vector_store %arg4[%swap3A, %swap3A_418], %concatenate3A {strides = array<i32>} : memref<256x1024xbf16, #tpu.memory_space<vmem>>, vector<256x1024xbf16>,
    return
  }
  func.func @transform_0(%arg0: i32) -> (i32, i32) {
    %add3A = arith.constant 6 : i32
    %add3A_0 = arith.addi %add3A, %arg0 : i32
    %c0_i32 = arith.constant 0 : i32
    %c0_i32_1 = arith.constant 0 : i32
    return %add3A_0, %c0_i32 : i32, i32
  }
  func.func @transform_1(%arg0: i32) -> (i32, i32) {
    %c0_i32 = arith.constant 0 : i32
    %c0_i32_0 = arith.constant 0 : i32
    %c0_i32_1 = arith.constant 0 : i32
    return %c0_i32, %c0_i32_0 : i32, i32
  }
  func.func @transform_2(%arg0: i32) -> (i32, i32) {
    %c0_i32 = arith.constant 0 : i32
    %c0_i32_0 = arith.constant 0 : i32
    %c0_i32_1 = arith.constant 0 : i32
    return %c0_i32, %c0_i32_0 : i32, i32
  }
  func.func @transform_3(%arg0: i32) -> (i32, i32) {
    %c0_i32 = arith.constant 0 : i32
    %c0_i32_0 = arith.constant 0 : i32
    return %arg0, %c0_i32 : i32, i32
  }
}

module attributes {stable_mosaic.version = 14 : i64} {
  func.func @_attn_body(%arg0: i32, %arg1: memref<256x1024xbf16, #tpu.memory_space<vmem>>, %arg2: memref<1536x512xbf16, #tpu.memory_space<vmem>>, %arg3: memref<1536x512xbf16, #tpu.memory_space<vmem>>, %arg4: memref<256x1024xbf16, #tpu.memory_space<vmem>>) attributes {dimension_semantics = [#tpu.dimension_semantics<arbitrary>], iteration_bounds = array<i64: 2>, scalar_prefetch = 0 : i64, scratch_operands = 0 : i64, tpu.core_type = #tpu.core_type<tc>, window_params = [{transform_indices = @transform_0, window_bounds = array<i64: 256, 1024>}, {transform_indices = @transform_1, window_bounds = array<i64: 1536, 512>}, {transform_indices = @transform_2, window_bounds = array<i64: 1536, 512>}, {transform_indices = @transform_3, window_bounds = array<i64: 256, 1024>}]} {
    %add3A = arith.constant 4 : i32
    %add3A_0 = arith.addi %add3A, %arg0 : i32
    %mul3A = arith.constant 256 : i32
    %mul3A_1 = arith.muli %add3A_0, %mul3A : i32
    %iota3A = tpu.iota {dimensions = array<i32: 0>} : vector<256x1536xi32>
    %add3A_2 = vector.broadcast %mul3A_1 : i32 to vector<256x1536xi32>
    %add3A_3 = arith.addi %add3A_2, %iota3A : vector<256x1536xi32>
    %iota3A_4 = tpu.iota {dimensions = array<i32: 1>} : vector<256x1536xi32>
    %ge3A = arith.cmpi sge, %add3A_3, %iota3A_4 : vector<256x1536xi32>
    %get3A = arith.constant 0 : index
    %get3A_5 = arith.constant 0 : index
    %get3A_6 = vector.load %arg1[%get3A, %get3A_5] : memref<256x1024xbf16, #tpu.memory_space<vmem>>, vector<256x1024xbf16>
    %get3A_7 = arith.constant 0 : index
    %get3A_8 = arith.constant 0 : index
    %get3A_9 = vector.load %arg2[%get3A_7, %get3A_8] : memref<1536x512xbf16, #tpu.memory_space<vmem>>, vector<1536x512xbf16>
    %get3A_10 = arith.constant 0 : index
    %get3A_11 = arith.constant 0 : index
    %get3A_12 = vector.load %arg3[%get3A_10, %get3A_11] : memref<1536x512xbf16, #tpu.memory_space<vmem>>, vector<1536x512xbf16>
    %slice3A = vector.extract_strided_slice %get3A_6 {offsets = [0, 0], sizes = [256, 64], strides = [1, 1]} : vector<256x1024xbf16> to vector<256x64xbf16>
    %slice3A_13 = vector.extract_strided_slice %get3A_9 {offsets = [0, 0], sizes = [1536, 64], strides = [1, 1]} : vector<1536x512xbf16> to vector<1536x64xbf16>
    %slice3A_14 = vector.extract_strided_slice %get3A_12 {offsets = [0, 0], sizes = [1536, 64], strides = [1, 1]} : vector<1536x512xbf16> to vector<1536x64xbf16>
    %dot_general3A = arith.constant dense<0.000000e+00> : vector<256x1536xf32>
    %dot_general3A_15 = tpu.matmul %slice3A, %slice3A_13, %dot_general3A {dimension_numbers = #tpu.dot_dimension_numbers<[1], [1], [0], [0], [0, 0, 1, 0], [], []>, transpose_lhs_hint = false} : vector<256x64xbf16>, vector<1536x64xbf16>, vector<256x1536xf32> -> vector<256x1536xf32>
    %mul3A_16 = arith.constant 1.250000e-01 : f32
    %mul3A_17 = vector.broadcast %mul3A_16 : f32 to vector<256x1536xf32>
    %mul3A_18 = arith.mulf %dot_general3A_15, %mul3A_17 : vector<256x1536xf32>
    %jit3A = arith.constant -1.000000e+30 : f32
    %broadcast_in_dim3A = vector.broadcast %jit3A : f32 to vector<256x1536xf32>
    %select_n3A = arith.select %ge3A, %mul3A_18, %broadcast_in_dim3A : vector<256x1536xi1>, vector<256x1536xf32>
    %reduce_max3A = arith.constant dense<0xFF800000> : vector<256xf32>
    %reduce_max3A_19 = vector.multi_reduction <maximumf>, %select_n3A, %reduce_max3A [1] : vector<256x1536xf32> to vector<256xf32>
    %broadcast_in_dim3A_20 = vector.shape_cast %reduce_max3A_19 : vector<256xf32> to vector<256x1xf32>
    %sub3A = vector.broadcast %broadcast_in_dim3A_20 : vector<256x1xf32> to vector<256x1536xf32>
    %sub3A_21 = arith.subf %select_n3A, %sub3A : vector<256x1536xf32>
    %exp3A = math.exp %sub3A_21 : vector<256x1536xf32>
    %reduce_sum3A = arith.constant dense<0.000000e+00> : vector<256xf32>
    %reduce_sum3A_22 = vector.multi_reduction <add>, %exp3A, %reduce_sum3A [1] : vector<256x1536xf32> to vector<256xf32>
    %broadcast_in_dim3A_23 = vector.shape_cast %reduce_sum3A_22 : vector<256xf32> to vector<256x1xf32>
    %convert_element_type3A = arith.truncf %exp3A : vector<256x1536xf32> to vector<256x1536xbf16>
    %dot_general3A_24 = arith.constant dense<0.000000e+00> : vector<256x64xf32>
    %dot_general3A_25 = tpu.matmul %convert_element_type3A, %slice3A_14, %dot_general3A_24 {dimension_numbers = #tpu.dot_dimension_numbers<[1], [0], [0], [1], [0, 0, 1, 1], [], []>, transpose_lhs_hint = false} : vector<256x1536xbf16>, vector<1536x64xbf16>, vector<256x64xf32> -> vector<256x64xf32>
    %div3A = vector.broadcast %broadcast_in_dim3A_23 : vector<256x1xf32> to vector<256x64xf32>
    %div3A_26 = arith.divf %dot_general3A_25, %div3A : vector<256x64xf32>
    %convert_element_type3A_27 = arith.truncf %div3A_26 : vector<256x64xf32> to vector<256x64xbf16>
    %slice3A_28 = vector.extract_strided_slice %get3A_6 {offsets = [0, 64], sizes = [256, 64], strides = [1, 1]} : vector<256x1024xbf16> to vector<256x64xbf16>
    %slice3A_29 = vector.extract_strided_slice %get3A_9 {offsets = [0, 0], sizes = [1536, 64], strides = [1, 1]} : vector<1536x512xbf16> to vector<1536x64xbf16>
    %slice3A_30 = vector.extract_strided_slice %get3A_12 {offsets = [0, 0], sizes = [1536, 64], strides = [1, 1]} : vector<1536x512xbf16> to vector<1536x64xbf16>
    %dot_general3A_31 = arith.constant dense<0.000000e+00> : vector<256x1536xf32>
    %dot_general3A_32 = tpu.matmul %slice3A_28, %slice3A_29, %dot_general3A_31 {dimension_numbers = #tpu.dot_dimension_numbers<[1], [1], [0], [0], [0, 0, 1, 0], [], []>, transpose_lhs_hint = false} : vector<256x64xbf16>, vector<1536x64xbf16>, vector<256x1536xf32> -> vector<256x1536xf32>
    %mul3A_33 = arith.constant 1.250000e-01 : f32
    %mul3A_34 = vector.broadcast %mul3A_33 : f32 to vector<256x1536xf32>
    %mul3A_35 = arith.mulf %dot_general3A_32, %mul3A_34 : vector<256x1536xf32>
    %jit3A_36 = arith.constant -1.000000e+30 : f32
    %broadcast_in_dim3A_37 = vector.broadcast %jit3A_36 : f32 to vector<256x1536xf32>
    %select_n3A_38 = arith.select %ge3A, %mul3A_35, %broadcast_in_dim3A_37 : vector<256x1536xi1>, vector<256x1536xf32>
    %reduce_max3A_39 = arith.constant dense<0xFF800000> : vector<256xf32>
    %reduce_max3A_40 = vector.multi_reduction <maximumf>, %select_n3A_38, %reduce_max3A_39 [1] : vector<256x1536xf32> to vector<256xf32>
    %broadcast_in_dim3A_41 = vector.shape_cast %reduce_max3A_40 : vector<256xf32> to vector<256x1xf32>
    %sub3A_42 = vector.broadcast %broadcast_in_dim3A_41 : vector<256x1xf32> to vector<256x1536xf32>
    %sub3A_43 = arith.subf %select_n3A_38, %sub3A_42 : vector<256x1536xf32>
    %exp3A_44 = math.exp %sub3A_43 : vector<256x1536xf32>
    %reduce_sum3A_45 = arith.constant dense<0.000000e+00> : vector<256xf32>
    %reduce_sum3A_46 = vector.multi_reduction <add>, %exp3A_44, %reduce_sum3A_45 [1] : vector<256x1536xf32> to vector<256xf32>
    %broadcast_in_dim3A_47 = vector.shape_cast %reduce_sum3A_46 : vector<256xf32> to vector<256x1xf32>
    %convert_element_type3A_48 = arith.truncf %exp3A_44 : vector<256x1536xf32> to vector<256x1536xbf16>
    %dot_general3A_49 = arith.constant dense<0.000000e+00> : vector<256x64xf32>
    %dot_general3A_50 = tpu.matmul %convert_element_type3A_48, %slice3A_30, %dot_general3A_49 {dimension_numbers = #tpu.dot_dimension_numbers<[1], [0], [0], [1], [0, 0, 1, 1], [], []>, transpose_lhs_hint = false} : vector<256x1536xbf16>, vector<1536x64xbf16>, vector<256x64xf32> -> vector<256x64xf32>
    %div3A_51 = vector.broadcast %broadcast_in_dim3A_47 : vector<256x1xf32> to vector<256x64xf32>
    %div3A_52 = arith.divf %dot_general3A_50, %div3A_51 : vector<256x64xf32>
    %convert_element_type3A_53 = arith.truncf %div3A_52 : vector<256x64xf32> to vector<256x64xbf16>
    %slice3A_54 = vector.extract_strided_slice %get3A_6 {offsets = [0, 128], sizes = [256, 64], strides = [1, 1]} : vector<256x1024xbf16> to vector<256x64xbf16>
    %slice3A_55 = vector.extract_strided_slice %get3A_9 {offsets = [0, 64], sizes = [1536, 64], strides = [1, 1]} : vector<1536x512xbf16> to vector<1536x64xbf16>
    %slice3A_56 = vector.extract_strided_slice %get3A_12 {offsets = [0, 64], sizes = [1536, 64], strides = [1, 1]} : vector<1536x512xbf16> to vector<1536x64xbf16>
    %dot_general3A_57 = arith.constant dense<0.000000e+00> : vector<256x1536xf32>
    %dot_general3A_58 = tpu.matmul %slice3A_54, %slice3A_55, %dot_general3A_57 {dimension_numbers = #tpu.dot_dimension_numbers<[1], [1], [0], [0], [0, 0, 1, 0], [], []>, transpose_lhs_hint = false} : vector<256x64xbf16>, vector<1536x64xbf16>, vector<256x1536xf32> -> vector<256x1536xf32>
    %mul3A_59 = arith.constant 1.250000e-01 : f32
    %mul3A_60 = vector.broadcast %mul3A_59 : f32 to vector<256x1536xf32>
    %mul3A_61 = arith.mulf %dot_general3A_58, %mul3A_60 : vector<256x1536xf32>
    %jit3A_62 = arith.constant -1.000000e+30 : f32
    %broadcast_in_dim3A_63 = vector.broadcast %jit3A_62 : f32 to vector<256x1536xf32>
    %select_n3A_64 = arith.select %ge3A, %mul3A_61, %broadcast_in_dim3A_63 : vector<256x1536xi1>, vector<256x1536xf32>
    %reduce_max3A_65 = arith.constant dense<0xFF800000> : vector<256xf32>
    %reduce_max3A_66 = vector.multi_reduction <maximumf>, %select_n3A_64, %reduce_max3A_65 [1] : vector<256x1536xf32> to vector<256xf32>
    %broadcast_in_dim3A_67 = vector.shape_cast %reduce_max3A_66 : vector<256xf32> to vector<256x1xf32>
    %sub3A_68 = vector.broadcast %broadcast_in_dim3A_67 : vector<256x1xf32> to vector<256x1536xf32>
    %sub3A_69 = arith.subf %select_n3A_64, %sub3A_68 : vector<256x1536xf32>
    %exp3A_70 = math.exp %sub3A_69 : vector<256x1536xf32>
    %reduce_sum3A_71 = arith.constant dense<0.000000e+00> : vector<256xf32>
    %reduce_sum3A_72 = vector.multi_reduction <add>, %exp3A_70, %reduce_sum3A_71 [1] : vector<256x1536xf32> to vector<256xf32>
    %broadcast_in_dim3A_73 = vector.shape_cast %reduce_sum3A_72 : vector<256xf32> to vector<256x1xf32>
    %convert_element_type3A_74 = arith.truncf %exp3A_70 : vector<256x1536xf32> to vector<256x1536xbf16>
    %dot_general3A_75 = arith.constant dense<0.000000e+00> : vector<256x64xf32>
    %dot_general3A_76 = tpu.matmul %convert_element_type3A_74, %slice3A_56, %dot_general3A_75 {dimension_numbers = #tpu.dot_dimension_numbers<[1], [0], [0], [1], [0, 0, 1, 1], [], []>, transpose_lhs_hint = false} : vector<256x1536xbf16>, vector<1536x64xbf16>, vector<256x64xf32> -> vector<256x64xf32>
    %div3A_77 = vector.broadcast %broadcast_in_dim3A_73 : vector<256x1xf32> to vector<256x64xf32>
    %div3A_78 = arith.divf %dot_general3A_76, %div3A_77 : vector<256x64xf32>
    %convert_element_type3A_79 = arith.truncf %div3A_78 : vector<256x64xf32> to vector<256x64xbf16>
    %slice3A_80 = vector.extract_strided_slice %get3A_6 {offsets = [0, 192], sizes = [256, 64], strides = [1, 1]} : vector<256x1024xbf16> to vector<256x64xbf16>
    %slice3A_81 = vector.extract_strided_slice %get3A_9 {offsets = [0, 64], sizes = [1536, 64], strides = [1, 1]} : vector<1536x512xbf16> to vector<1536x64xbf16>
    %slice3A_82 = vector.extract_strided_slice %get3A_12 {offsets = [0, 64], sizes = [1536, 64], strides = [1, 1]} : vector<1536x512xbf16> to vector<1536x64xbf16>
    %dot_general3A_83 = arith.constant dense<0.000000e+00> : vector<256x1536xf32>
    %dot_general3A_84 = tpu.matmul %slice3A_80, %slice3A_81, %dot_general3A_83 {dimension_numbers = #tpu.dot_dimension_numbers<[1], [1], [0], [0], [0, 0, 1, 0], [], []>, transpose_lhs_hint = false} : vector<256x64xbf16>, vector<1536x64xbf16>, vector<256x1536xf32> -> vector<256x1536xf32>
    %mul3A_85 = arith.constant 1.250000e-01 : f32
    %mul3A_86 = vector.broadcast %mul3A_85 : f32 to vector<256x1536xf32>
    %mul3A_87 = arith.mulf %dot_general3A_84, %mul3A_86 : vector<256x1536xf32>
    %jit3A_88 = arith.constant -1.000000e+30 : f32
    %broadcast_in_dim3A_89 = vector.broadcast %jit3A_88 : f32 to vector<256x1536xf32>
    %select_n3A_90 = arith.select %ge3A, %mul3A_87, %broadcast_in_dim3A_89 : vector<256x1536xi1>, vector<256x1536xf32>
    %reduce_max3A_91 = arith.constant dense<0xFF800000> : vector<256xf32>
    %reduce_max3A_92 = vector.multi_reduction <maximumf>, %select_n3A_90, %reduce_max3A_91 [1] : vector<256x1536xf32> to vector<256xf32>
    %broadcast_in_dim3A_93 = vector.shape_cast %reduce_max3A_92 : vector<256xf32> to vector<256x1xf32>
    %sub3A_94 = vector.broadcast %broadcast_in_dim3A_93 : vector<256x1xf32> to vector<256x1536xf32>
    %sub3A_95 = arith.subf %select_n3A_90, %sub3A_94 : vector<256x1536xf32>
    %exp3A_96 = math.exp %sub3A_95 : vector<256x1536xf32>
    %reduce_sum3A_97 = arith.constant dense<0.000000e+00> : vector<256xf32>
    %reduce_sum3A_98 = vector.multi_reduction <add>, %exp3A_96, %reduce_sum3A_97 [1] : vector<256x1536xf32> to vector<256xf32>
    %broadcast_in_dim3A_99 = vector.shape_cast %reduce_sum3A_98 : vector<256xf32> to vector<256x1xf32>
    %convert_element_type3A_100 = arith.truncf %exp3A_96 : vector<256x1536xf32> to vector<256x1536xbf16>
    %dot_general3A_101 = arith.constant dense<0.000000e+00> : vector<256x64xf32>
    %dot_general3A_102 = tpu.matmul %convert_element_type3A_100, %slice3A_82, %dot_general3A_101 {dimension_numbers = #tpu.dot_dimension_numbers<[1], [0], [0], [1], [0, 0, 1, 1], [], []>, transpose_lhs_hint = false} : vector<256x1536xbf16>, vector<1536x64xbf16>, vector<256x64xf32> -> vector<256x64xf32>
    %div3A_103 = vector.broadcast %broadcast_in_dim3A_99 : vector<256x1xf32> to vector<256x64xf32>
    %div3A_104 = arith.divf %dot_general3A_102, %div3A_103 : vector<256x64xf32>
    %convert_element_type3A_105 = arith.truncf %div3A_104 : vector<256x64xf32> to vector<256x64xbf16>
    %slice3A_106 = vector.extract_strided_slice %get3A_6 {offsets = [0, 256], sizes = [256, 64], strides = [1, 1]} : vector<256x1024xbf16> to vector<256x64xbf16>
    %slice3A_107 = vector.extract_strided_slice %get3A_9 {offsets = [0, 128], sizes = [1536, 64], strides = [1, 1]} : vector<1536x512xbf16> to vector<1536x64xbf16>
    %slice3A_108 = vector.extract_strided_slice %get3A_12 {offsets = [0, 128], sizes = [1536, 64], strides = [1, 1]} : vector<1536x512xbf16> to vector<1536x64xbf16>
    %dot_general3A_109 = arith.constant dense<0.000000e+00> : vector<256x1536xf32>
    %dot_general3A_110 = tpu.matmul %slice3A_106, %slice3A_107, %dot_general3A_109 {dimension_numbers = #tpu.dot_dimension_numbers<[1], [1], [0], [0], [0, 0, 1, 0], [], []>, transpose_lhs_hint = false} : vector<256x64xbf16>, vector<1536x64xbf16>, vector<256x1536xf32> -> vector<256x1536xf32>
    %mul3A_111 = arith.constant 1.250000e-01 : f32
    %mul3A_112 = vector.broadcast %mul3A_111 : f32 to vector<256x1536xf32>
    %mul3A_113 = arith.mulf %dot_general3A_110, %mul3A_112 : vector<256x1536xf32>
    %jit3A_114 = arith.constant -1.000000e+30 : f32
    %broadcast_in_dim3A_115 = vector.broadcast %jit3A_114 : f32 to vector<256x1536xf32>
    %select_n3A_116 = arith.select %ge3A, %mul3A_113, %broadcast_in_dim3A_115 : vector<256x1536xi1>, vector<256x1536xf32>
    %reduce_max3A_117 = arith.constant dense<0xFF800000> : vector<256xf32>
    %reduce_max3A_118 = vector.multi_reduction <maximumf>, %select_n3A_116, %reduce_max3A_117 [1] : vector<256x1536xf32> to vector<256xf32>
    %broadcast_in_dim3A_119 = vector.shape_cast %reduce_max3A_118 : vector<256xf32> to vector<256x1xf32>
    %sub3A_120 = vector.broadcast %broadcast_in_dim3A_119 : vector<256x1xf32> to vector<256x1536xf32>
    %sub3A_121 = arith.subf %select_n3A_116, %sub3A_120 : vector<256x1536xf32>
    %exp3A_122 = math.exp %sub3A_121 : vector<256x1536xf32>
    %reduce_sum3A_123 = arith.constant dense<0.000000e+00> : vector<256xf32>
    %reduce_sum3A_124 = vector.multi_reduction <add>, %exp3A_122, %reduce_sum3A_123 [1] : vector<256x1536xf32> to vector<256xf32>
    %broadcast_in_dim3A_125 = vector.shape_cast %reduce_sum3A_124 : vector<256xf32> to vector<256x1xf32>
    %convert_element_type3A_126 = arith.truncf %exp3A_122 : vector<256x1536xf32> to vector<256x1536xbf16>
    %dot_general3A_127 = arith.constant dense<0.000000e+00> : vector<256x64xf32>
    %dot_general3A_128 = tpu.matmul %convert_element_type3A_126, %slice3A_108, %dot_general3A_127 {dimension_numbers = #tpu.dot_dimension_numbers<[1], [0], [0], [1], [0, 0, 1, 1], [], []>, transpose_lhs_hint = false} : vector<256x1536xbf16>, vector<1536x64xbf16>, vector<256x64xf32> -> vector<256x64xf32>
    %div3A_129 = vector.broadcast %broadcast_in_dim3A_125 : vector<256x1xf32> to vector<256x64xf32>
    %div3A_130 = arith.divf %dot_general3A_128, %div3A_129 : vector<256x64xf32>
    %convert_element_type3A_131 = arith.truncf %div3A_130 : vector<256x64xf32> to vector<256x64xbf16>
    %slice3A_132 = vector.extract_strided_slice %get3A_6 {offsets = [0, 320], sizes = [256, 64], strides = [1, 1]} : vector<256x1024xbf16> to vector<256x64xbf16>
    %slice3A_133 = vector.extract_strided_slice %get3A_9 {offsets = [0, 128], sizes = [1536, 64], strides = [1, 1]} : vector<1536x512xbf16> to vector<1536x64xbf16>
    %slice3A_134 = vector.extract_strided_slice %get3A_12 {offsets = [0, 128], sizes = [1536, 64], strides = [1, 1]} : vector<1536x512xbf16> to vector<1536x64xbf16>
    %dot_general3A_135 = arith.constant dense<0.000000e+00> : vector<256x1536xf32>
    %dot_general3A_136 = tpu.matmul %slice3A_132, %slice3A_133, %dot_general3A_135 {dimension_numbers = #tpu.dot_dimension_numbers<[1], [1], [0], [0], [0, 0, 1, 0], [], []>, transpose_lhs_hint = false} : vector<256x64xbf16>, vector<1536x64xbf16>, vector<256x1536xf32> -> vector<256x1536xf32>
    %mul3A_137 = arith.constant 1.250000e-01 : f32
    %mul3A_138 = vector.broadcast %mul3A_137 : f32 to vector<256x1536xf32>
    %mul3A_139 = arith.mulf %dot_general3A_136, %mul3A_138 : vector<256x1536xf32>
    %jit3A_140 = arith.constant -1.000000e+30 : f32
    %broadcast_in_dim3A_141 = vector.broadcast %jit3A_140 : f32 to vector<256x1536xf32>
    %select_n3A_142 = arith.select %ge3A, %mul3A_139, %broadcast_in_dim3A_141 : vector<256x1536xi1>, vector<256x1536xf32>
    %reduce_max3A_143 = arith.constant dense<0xFF800000> : vector<256xf32>
    %reduce_max3A_144 = vector.multi_reduction <maximumf>, %select_n3A_142, %reduce_max3A_143 [1] : vector<256x1536xf32> to vector<256xf32>
    %broadcast_in_dim3A_145 = vector.shape_cast %reduce_max3A_144 : vector<256xf32> to vector<256x1xf32>
    %sub3A_146 = vector.broadcast %broadcast_in_dim3A_145 : vector<256x1xf32> to vector<256x1536xf32>
    %sub3A_147 = arith.subf %select_n3A_142, %sub3A_146 : vector<256x1536xf32>
    %exp3A_148 = math.exp %sub3A_147 : vector<256x1536xf32>
    %reduce_sum3A_149 = arith.constant dense<0.000000e+00> : vector<256xf32>
    %reduce_sum3A_150 = vector.multi_reduction <add>, %exp3A_148, %reduce_sum3A_149 [1] : vector<256x1536xf32> to vector<256xf32>
    %broadcast_in_dim3A_151 = vector.shape_cast %reduce_sum3A_150 : vector<256xf32> to vector<256x1xf32>
    %convert_element_type3A_152 = arith.truncf %exp3A_148 : vector<256x1536xf32> to vector<256x1536xbf16>
    %dot_general3A_153 = arith.constant dense<0.000000e+00> : vector<256x64xf32>
    %dot_general3A_154 = tpu.matmul %convert_element_type3A_152, %slice3A_134, %dot_general3A_153 {dimension_numbers = #tpu.dot_dimension_numbers<[1], [0], [0], [1], [0, 0, 1, 1], [], []>, transpose_lhs_hint = false} : vector<256x1536xbf16>, vector<1536x64xbf16>, vector<256x64xf32> -> vector<256x64xf32>
    %div3A_155 = vector.broadcast %broadcast_in_dim3A_151 : vector<256x1xf32> to vector<256x64xf32>
    %div3A_156 = arith.divf %dot_general3A_154, %div3A_155 : vector<256x64xf32>
    %convert_element_type3A_157 = arith.truncf %div3A_156 : vector<256x64xf32> to vector<256x64xbf16>
    %slice3A_158 = vector.extract_strided_slice %get3A_6 {offsets = [0, 384], sizes = [256, 64], strides = [1, 1]} : vector<256x1024xbf16> to vector<256x64xbf16>
    %slice3A_159 = vector.extract_strided_slice %get3A_9 {offsets = [0, 192], sizes = [1536, 64], strides = [1, 1]} : vector<1536x512xbf16> to vector<1536x64xbf16>
    %slice3A_160 = vector.extract_strided_slice %get3A_12 {offsets = [0, 192], sizes = [1536, 64], strides = [1, 1]} : vector<1536x512xbf16> to vector<1536x64xbf16>
    %dot_general3A_161 = arith.constant dense<0.000000e+00> : vector<256x1536xf32>
    %dot_general3A_162 = tpu.matmul %slice3A_158, %slice3A_159, %dot_general3A_161 {dimension_numbers = #tpu.dot_dimension_numbers<[1], [1], [0], [0], [0, 0, 1, 0], [], []>, transpose_lhs_hint = false} : vector<256x64xbf16>, vector<1536x64xbf16>, vector<256x1536xf32> -> vector<256x1536xf32>
    %mul3A_163 = arith.constant 1.250000e-01 : f32
    %mul3A_164 = vector.broadcast %mul3A_163 : f32 to vector<256x1536xf32>
    %mul3A_165 = arith.mulf %dot_general3A_162, %mul3A_164 : vector<256x1536xf32>
    %jit3A_166 = arith.constant -1.000000e+30 : f32
    %broadcast_in_dim3A_167 = vector.broadcast %jit3A_166 : f32 to vector<256x1536xf32>
    %select_n3A_168 = arith.select %ge3A, %mul3A_165, %broadcast_in_dim3A_167 : vector<256x1536xi1>, vector<256x1536xf32>
    %reduce_max3A_169 = arith.constant dense<0xFF800000> : vector<256xf32>
    %reduce_max3A_170 = vector.multi_reduction <maximumf>, %select_n3A_168, %reduce_max3A_169 [1] : vector<256x1536xf32> to vector<256xf32>
    %broadcast_in_dim3A_171 = vector.shape_cast %reduce_max3A_170 : vector<256xf32> to vector<256x1xf32>
    %sub3A_172 = vector.broadcast %broadcast_in_dim3A_171 : vector<256x1xf32> to vector<256x1536xf32>
    %sub3A_173 = arith.subf %select_n3A_168, %sub3A_172 : vector<256x1536xf32>
    %exp3A_174 = math.exp %sub3A_173 : vector<256x1536xf32>
    %reduce_sum3A_175 = arith.constant dense<0.000000e+00> : vector<256xf32>
    %reduce_sum3A_176 = vector.multi_reduction <add>, %exp3A_174, %reduce_sum3A_175 [1] : vector<256x1536xf32> to vector<256xf32>
    %broadcast_in_dim3A_177 = vector.shape_cast %reduce_sum3A_176 : vector<256xf32> to vector<256x1xf32>
    %convert_element_type3A_178 = arith.truncf %exp3A_174 : vector<256x1536xf32> to vector<256x1536xbf16>
    %dot_general3A_179 = arith.constant dense<0.000000e+00> : vector<256x64xf32>
    %dot_general3A_180 = tpu.matmul %convert_element_type3A_178, %slice3A_160, %dot_general3A_179 {dimension_numbers = #tpu.dot_dimension_numbers<[1], [0], [0], [1], [0, 0, 1, 1], [], []>, transpose_lhs_hint = false} : vector<256x1536xbf16>, vector<1536x64xbf16>, vector<256x64xf32> -> vector<256x64xf32>
    %div3A_181 = vector.broadcast %broadcast_in_dim3A_177 : vector<256x1xf32> to vector<256x64xf32>
    %div3A_182 = arith.divf %dot_general3A_180, %div3A_181 : vector<256x64xf32>
    %convert_element_type3A_183 = arith.truncf %div3A_182 : vector<256x64xf32> to vector<256x64xbf16>
    %slice3A_184 = vector.extract_strided_slice %get3A_6 {offsets = [0, 448], sizes = [256, 64], strides = [1, 1]} : vector<256x1024xbf16> to vector<256x64xbf16>
    %slice3A_185 = vector.extract_strided_slice %get3A_9 {offsets = [0, 192], sizes = [1536, 64], strides = [1, 1]} : vector<1536x512xbf16> to vector<1536x64xbf16>
    %slice3A_186 = vector.extract_strided_slice %get3A_12 {offsets = [0, 192], sizes = [1536, 64], strides = [1, 1]} : vector<1536x512xbf16> to vector<1536x64xbf16>
    %dot_general3A_187 = arith.constant dense<0.000000e+00> : vector<256x1536xf32>
    %dot_general3A_188 = tpu.matmul %slice3A_184, %slice3A_185, %dot_general3A_187 {dimension_numbers = #tpu.dot_dimension_numbers<[1], [1], [0], [0], [0, 0, 1, 0], [], []>, transpose_lhs_hint = false} : vector<256x64xbf16>, vector<1536x64xbf16>, vector<256x1536xf32> -> vector<256x1536xf32>
    %mul3A_189 = arith.constant 1.250000e-01 : f32
    %mul3A_190 = vector.broadcast %mul3A_189 : f32 to vector<256x1536xf32>
    %mul3A_191 = arith.mulf %dot_general3A_188, %mul3A_190 : vector<256x1536xf32>
    %jit3A_192 = arith.constant -1.000000e+30 : f32
    %broadcast_in_dim3A_193 = vector.broadcast %jit3A_192 : f32 to vector<256x1536xf32>
    %select_n3A_194 = arith.select %ge3A, %mul3A_191, %broadcast_in_dim3A_193 : vector<256x1536xi1>, vector<256x1536xf32>
    %reduce_max3A_195 = arith.constant dense<0xFF800000> : vector<256xf32>
    %reduce_max3A_196 = vector.multi_reduction <maximumf>, %select_n3A_194, %reduce_max3A_195 [1] : vector<256x1536xf32> to vector<256xf32>
    %broadcast_in_dim3A_197 = vector.shape_cast %reduce_max3A_196 : vector<256xf32> to vector<256x1xf32>
    %sub3A_198 = vector.broadcast %broadcast_in_dim3A_197 : vector<256x1xf32> to vector<256x1536xf32>
    %sub3A_199 = arith.subf %select_n3A_194, %sub3A_198 : vector<256x1536xf32>
    %exp3A_200 = math.exp %sub3A_199 : vector<256x1536xf32>
    %reduce_sum3A_201 = arith.constant dense<0.000000e+00> : vector<256xf32>
    %reduce_sum3A_202 = vector.multi_reduction <add>, %exp3A_200, %reduce_sum3A_201 [1] : vector<256x1536xf32> to vector<256xf32>
    %broadcast_in_dim3A_203 = vector.shape_cast %reduce_sum3A_202 : vector<256xf32> to vector<256x1xf32>
    %convert_element_type3A_204 = arith.truncf %exp3A_200 : vector<256x1536xf32> to vector<256x1536xbf16>
    %dot_general3A_205 = arith.constant dense<0.000000e+00> : vector<256x64xf32>
    %dot_general3A_206 = tpu.matmul %convert_element_type3A_204, %slice3A_186, %dot_general3A_205 {dimension_numbers = #tpu.dot_dimension_numbers<[1], [0], [0], [1], [0, 0, 1, 1], [], []>, transpose_lhs_hint = false} : vector<256x1536xbf16>, vector<1536x64xbf16>, vector<256x64xf32> -> vector<256x64xf32>
    %div3A_207 = vector.broadcast %broadcast_in_dim3A_203 : vector<256x1xf32> to vector<256x64xf32>
    %div3A_208 = arith.divf %dot_general3A_206, %div3A_207 : vector<256x64xf32>
    %convert_element_type3A_209 = arith.truncf %div3A_208 : vector<256x64xf32> to vector<256x64xbf16>
    %slice3A_210 = vector.extract_strided_slice %get3A_6 {offsets = [0, 512], sizes = [256, 64], strides = [1, 1]} : vector<256x1024xbf16> to vector<256x64xbf16>
    %slice3A_211 = vector.extract_strided_slice %get3A_9 {offsets = [0, 256], sizes = [1536, 64], strides = [1, 1]} : vector<1536x512xbf16> to vector<1536x64xbf16>
    %slice3A_212 = vector.extract_strided_slice %get3A_12 {offsets = [0, 256], sizes = [1536, 64], strides = [1, 1]} : vector<1536x512xbf16> to vector<1536x64xbf16>
    %dot_general3A_213 = arith.constant dense<0.000000e+00> : vector<256x1536xf32>
    %dot_general3A_214 = tpu.matmul %slice3A_210, %slice3A_211, %dot_general3A_213 {dimension_numbers = #tpu.dot_dimension_numbers<[1], [1], [0], [0], [0, 0, 1, 0], [], []>, transpose_lhs_hint = false} : vector<256x64xbf16>, vector<1536x64xbf16>, vector<256x1536xf32> -> vector<256x1536xf32>
    %mul3A_215 = arith.constant 1.250000e-01 : f32
    %mul3A_216 = vector.broadcast %mul3A_215 : f32 to vector<256x1536xf32>
    %mul3A_217 = arith.mulf %dot_general3A_214, %mul3A_216 : vector<256x1536xf32>
    %jit3A_218 = arith.constant -1.000000e+30 : f32
    %broadcast_in_dim3A_219 = vector.broadcast %jit3A_218 : f32 to vector<256x1536xf32>
    %select_n3A_220 = arith.select %ge3A, %mul3A_217, %broadcast_in_dim3A_219 : vector<256x1536xi1>, vector<256x1536xf32>
    %reduce_max3A_221 = arith.constant dense<0xFF800000> : vector<256xf32>
    %reduce_max3A_222 = vector.multi_reduction <maximumf>, %select_n3A_220, %reduce_max3A_221 [1] : vector<256x1536xf32> to vector<256xf32>
    %broadcast_in_dim3A_223 = vector.shape_cast %reduce_max3A_222 : vector<256xf32> to vector<256x1xf32>
    %sub3A_224 = vector.broadcast %broadcast_in_dim3A_223 : vector<256x1xf32> to vector<256x1536xf32>
    %sub3A_225 = arith.subf %select_n3A_220, %sub3A_224 : vector<256x1536xf32>
    %exp3A_226 = math.exp %sub3A_225 : vector<256x1536xf32>
    %reduce_sum3A_227 = arith.constant dense<0.000000e+00> : vector<256xf32>
    %reduce_sum3A_228 = vector.multi_reduction <add>, %exp3A_226, %reduce_sum3A_227 [1] : vector<256x1536xf32> to vector<256xf32>
    %broadcast_in_dim3A_229 = vector.shape_cast %reduce_sum3A_228 : vector<256xf32> to vector<256x1xf32>
    %convert_element_type3A_230 = arith.truncf %exp3A_226 : vector<256x1536xf32> to vector<256x1536xbf16>
    %dot_general3A_231 = arith.constant dense<0.000000e+00> : vector<256x64xf32>
    %dot_general3A_232 = tpu.matmul %convert_element_type3A_230, %slice3A_212, %dot_general3A_231 {dimension_numbers = #tpu.dot_dimension_numbers<[1], [0], [0], [1], [0, 0, 1, 1], [], []>, transpose_lhs_hint = false} : vector<256x1536xbf16>, vector<1536x64xbf16>, vector<256x64xf32> -> vector<256x64xf32>
    %div3A_233 = vector.broadcast %broadcast_in_dim3A_229 : vector<256x1xf32> to vector<256x64xf32>
    %div3A_234 = arith.divf %dot_general3A_232, %div3A_233 : vector<256x64xf32>
    %convert_element_type3A_235 = arith.truncf %div3A_234 : vector<256x64xf32> to vector<256x64xbf16>
    %slice3A_236 = vector.extract_strided_slice %get3A_6 {offsets = [0, 576], sizes = [256, 64], strides = [1, 1]} : vector<256x1024xbf16> to vector<256x64xbf16>
    %slice3A_237 = vector.extract_strided_slice %get3A_9 {offsets = [0, 256], sizes = [1536, 64], strides = [1, 1]} : vector<1536x512xbf16> to vector<1536x64xbf16>
    %slice3A_238 = vector.extract_strided_slice %get3A_12 {offsets = [0, 256], sizes = [1536, 64], strides = [1, 1]} : vector<1536x512xbf16> to vector<1536x64xbf16>
    %dot_general3A_239 = arith.constant dense<0.000000e+00> : vector<256x1536xf32>
    %dot_general3A_240 = tpu.matmul %slice3A_236, %slice3A_237, %dot_general3A_239 {dimension_numbers = #tpu.dot_dimension_numbers<[1], [1], [0], [0], [0, 0, 1, 0], [], []>, transpose_lhs_hint = false} : vector<256x64xbf16>, vector<1536x64xbf16>, vector<256x1536xf32> -> vector<256x1536xf32>
    %mul3A_241 = arith.constant 1.250000e-01 : f32
    %mul3A_242 = vector.broadcast %mul3A_241 : f32 to vector<256x1536xf32>
    %mul3A_243 = arith.mulf %dot_general3A_240, %mul3A_242 : vector<256x1536xf32>
    %jit3A_244 = arith.constant -1.000000e+30 : f32
    %broadcast_in_dim3A_245 = vector.broadcast %jit3A_244 : f32 to vector<256x1536xf32>
    %select_n3A_246 = arith.select %ge3A, %mul3A_243, %broadcast_in_dim3A_245 : vector<256x1536xi1>, vector<256x1536xf32>
    %reduce_max3A_247 = arith.constant dense<0xFF800000> : vector<256xf32>
    %reduce_max3A_248 = vector.multi_reduction <maximumf>, %select_n3A_246, %reduce_max3A_247 [1] : vector<256x1536xf32> to vector<256xf32>
    %broadcast_in_dim3A_249 = vector.shape_cast %reduce_max3A_248 : vector<256xf32> to vector<256x1xf32>
    %sub3A_250 = vector.broadcast %broadcast_in_dim3A_249 : vector<256x1xf32> to vector<256x1536xf32>
    %sub3A_251 = arith.subf %select_n3A_246, %sub3A_250 : vector<256x1536xf32>
    %exp3A_252 = math.exp %sub3A_251 : vector<256x1536xf32>
    %reduce_sum3A_253 = arith.constant dense<0.000000e+00> : vector<256xf32>
    %reduce_sum3A_254 = vector.multi_reduction <add>, %exp3A_252, %reduce_sum3A_253 [1] : vector<256x1536xf32> to vector<256xf32>
    %broadcast_in_dim3A_255 = vector.shape_cast %reduce_sum3A_254 : vector<256xf32> to vector<256x1xf32>
    %convert_element_type3A_256 = arith.truncf %exp3A_252 : vector<256x1536xf32> to vector<256x1536xbf16>
    %dot_general3A_257 = arith.constant dense<0.000000e+00> : vector<256x64xf32>
    %dot_general3A_258 = tpu.matmul %convert_element_type3A_256, %slice3A_238, %dot_general3A_257 {dimension_numbers = #tpu.dot_dimension_numbers<[1], [0], [0], [1], [0, 0, 1, 1], [], []>, transpose_lhs_hint = false} : vector<256x1536xbf16>, vector<1536x64xbf16>, vector<256x64xf32> -> vector<256x64xf32>
    %div3A_259 = vector.broadcast %broadcast_in_dim3A_255 : vector<256x1xf32> to vector<256x64xf32>
    %div3A_260 = arith.divf %dot_general3A_258, %div3A_259 : vector<256x64xf32>
    %convert_element_type3A_261 = arith.truncf %div3A_260 : vector<256x64xf32> to vector<256x64xbf16>
    %slice3A_262 = vector.extract_strided_slice %get3A_6 {offsets = [0, 640], sizes = [256, 64], strides = [1, 1]} : vector<256x1024xbf16> to vector<256x64xbf16>
    %slice3A_263 = vector.extract_strided_slice %get3A_9 {offsets = [0, 320], sizes = [1536, 64], strides = [1, 1]} : vector<1536x512xbf16> to vector<1536x64xbf16>
    %slice3A_264 = vector.extract_strided_slice %get3A_12 {offsets = [0, 320], sizes = [1536, 64], strides = [1, 1]} : vector<1536x512xbf16> to vector<1536x64xbf16>
    %dot_general3A_265 = arith.constant dense<0.000000e+00> : vector<256x1536xf32>
    %dot_general3A_266 = tpu.matmul %slice3A_262, %slice3A_263, %dot_general3A_265 {dimension_numbers = #tpu.dot_dimension_numbers<[1], [1], [0], [0], [0, 0, 1, 0], [], []>, transpose_lhs_hint = false} : vector<256x64xbf16>, vector<1536x64xbf16>, vector<256x1536xf32> -> vector<256x1536xf32>
    %mul3A_267 = arith.constant 1.250000e-01 : f32
    %mul3A_268 = vector.broadcast %mul3A_267 : f32 to vector<256x1536xf32>
    %mul3A_269 = arith.mulf %dot_general3A_266, %mul3A_268 : vector<256x1536xf32>
    %jit3A_270 = arith.constant -1.000000e+30 : f32
    %broadcast_in_dim3A_271 = vector.broadcast %jit3A_270 : f32 to vector<256x1536xf32>
    %select_n3A_272 = arith.select %ge3A, %mul3A_269, %broadcast_in_dim3A_271 : vector<256x1536xi1>, vector<256x1536xf32>
    %reduce_max3A_273 = arith.constant dense<0xFF800000> : vector<256xf32>
    %reduce_max3A_274 = vector.multi_reduction <maximumf>, %select_n3A_272, %reduce_max3A_273 [1] : vector<256x1536xf32> to vector<256xf32>
    %broadcast_in_dim3A_275 = vector.shape_cast %reduce_max3A_274 : vector<256xf32> to vector<256x1xf32>
    %sub3A_276 = vector.broadcast %broadcast_in_dim3A_275 : vector<256x1xf32> to vector<256x1536xf32>
    %sub3A_277 = arith.subf %select_n3A_272, %sub3A_276 : vector<256x1536xf32>
    %exp3A_278 = math.exp %sub3A_277 : vector<256x1536xf32>
    %reduce_sum3A_279 = arith.constant dense<0.000000e+00> : vector<256xf32>
    %reduce_sum3A_280 = vector.multi_reduction <add>, %exp3A_278, %reduce_sum3A_279 [1] : vector<256x1536xf32> to vector<256xf32>
    %broadcast_in_dim3A_281 = vector.shape_cast %reduce_sum3A_280 : vector<256xf32> to vector<256x1xf32>
    %convert_element_type3A_282 = arith.truncf %exp3A_278 : vector<256x1536xf32> to vector<256x1536xbf16>
    %dot_general3A_283 = arith.constant dense<0.000000e+00> : vector<256x64xf32>
    %dot_general3A_284 = tpu.matmul %convert_element_type3A_282, %slice3A_264, %dot_general3A_283 {dimension_numbers = #tpu.dot_dimension_numbers<[1], [0], [0], [1], [0, 0, 1, 1], [], []>, transpose_lhs_hint = false} : vector<256x1536xbf16>, vector<1536x64xbf16>, vector<256x64xf32> -> vector<256x64xf32>
    %div3A_285 = vector.broadcast %broadcast_in_dim3A_281 : vector<256x1xf32> to vector<256x64xf32>
    %div3A_286 = arith.divf %dot_general3A_284, %div3A_285 : vector<256x64xf32>
    %convert_element_type3A_287 = arith.truncf %div3A_286 : vector<256x64xf32> to vector<256x64xbf16>
    %slice3A_288 = vector.extract_strided_slice %get3A_6 {offsets = [0, 704], sizes = [256, 64], strides = [1, 1]} : vector<256x1024xbf16> to vector<256x64xbf16>
    %slice3A_289 = vector.extract_strided_slice %get3A_9 {offsets = [0, 320], sizes = [1536, 64], strides = [1, 1]} : vector<1536x512xbf16> to vector<1536x64xbf16>
    %slice3A_290 = vector.extract_strided_slice %get3A_12 {offsets = [0, 320], sizes = [1536, 64], strides = [1, 1]} : vector<1536x512xbf16> to vector<1536x64xbf16>
    %dot_general3A_291 = arith.constant dense<0.000000e+00> : vector<256x1536xf32>
    %dot_general3A_292 = tpu.matmul %slice3A_288, %slice3A_289, %dot_general3A_291 {dimension_numbers = #tpu.dot_dimension_numbers<[1], [1], [0], [0], [0, 0, 1, 0], [], []>, transpose_lhs_hint = false} : vector<256x64xbf16>, vector<1536x64xbf16>, vector<256x1536xf32> -> vector<256x1536xf32>
    %mul3A_293 = arith.constant 1.250000e-01 : f32
    %mul3A_294 = vector.broadcast %mul3A_293 : f32 to vector<256x1536xf32>
    %mul3A_295 = arith.mulf %dot_general3A_292, %mul3A_294 : vector<256x1536xf32>
    %jit3A_296 = arith.constant -1.000000e+30 : f32
    %broadcast_in_dim3A_297 = vector.broadcast %jit3A_296 : f32 to vector<256x1536xf32>
    %select_n3A_298 = arith.select %ge3A, %mul3A_295, %broadcast_in_dim3A_297 : vector<256x1536xi1>, vector<256x1536xf32>
    %reduce_max3A_299 = arith.constant dense<0xFF800000> : vector<256xf32>
    %reduce_max3A_300 = vector.multi_reduction <maximumf>, %select_n3A_298, %reduce_max3A_299 [1] : vector<256x1536xf32> to vector<256xf32>
    %broadcast_in_dim3A_301 = vector.shape_cast %reduce_max3A_300 : vector<256xf32> to vector<256x1xf32>
    %sub3A_302 = vector.broadcast %broadcast_in_dim3A_301 : vector<256x1xf32> to vector<256x1536xf32>
    %sub3A_303 = arith.subf %select_n3A_298, %sub3A_302 : vector<256x1536xf32>
    %exp3A_304 = math.exp %sub3A_303 : vector<256x1536xf32>
    %reduce_sum3A_305 = arith.constant dense<0.000000e+00> : vector<256xf32>
    %reduce_sum3A_306 = vector.multi_reduction <add>, %exp3A_304, %reduce_sum3A_305 [1] : vector<256x1536xf32> to vector<256xf32>
    %broadcast_in_dim3A_307 = vector.shape_cast %reduce_sum3A_306 : vector<256xf32> to vector<256x1xf32>
    %convert_element_type3A_308 = arith.truncf %exp3A_304 : vector<256x1536xf32> to vector<256x1536xbf16>
    %dot_general3A_309 = arith.constant dense<0.000000e+00> : vector<256x64xf32>
    %dot_general3A_310 = tpu.matmul %convert_element_type3A_308, %slice3A_290, %dot_general3A_309 {dimension_numbers = #tpu.dot_dimension_numbers<[1], [0], [0], [1], [0, 0, 1, 1], [], []>, transpose_lhs_hint = false} : vector<256x1536xbf16>, vector<1536x64xbf16>, vector<256x64xf32> -> vector<256x64xf32>
    %div3A_311 = vector.broadcast %broadcast_in_dim3A_307 : vector<256x1xf32> to vector<256x64xf32>
    %div3A_312 = arith.divf %dot_general3A_310, %div3A_311 : vector<256x64xf32>
    %convert_element_type3A_313 = arith.truncf %div3A_312 : vector<256x64xf32> to vector<256x64xbf16>
    %slice3A_314 = vector.extract_strided_slice %get3A_6 {offsets = [0, 768], sizes = [256, 64], strides = [1, 1]} : vector<256x1024xbf16> to vector<256x64xbf16>
    %slice3A_315 = vector.extract_strided_slice %get3A_9 {offsets = [0, 384], sizes = [1536, 64], strides = [1, 1]} : vector<1536x512xbf16> to vector<1536x64xbf16>
    %slice3A_316 = vector.extract_strided_slice %get3A_12 {offsets = [0, 384], sizes = [1536, 64], strides = [1, 1]} : vector<1536x512xbf16> to vector<1536x64xbf16>
    %dot_general3A_317 = arith.constant dense<0.000000e+00> : vector<256x1536xf32>
    %dot_general3A_318 = tpu.matmul %slice3A_314, %slice3A_315, %dot_general3A_317 {dimension_numbers = #tpu.dot_dimension_numbers<[1], [1], [0], [0], [0, 0, 1, 0], [], []>, transpose_lhs_hint = false} : vector<256x64xbf16>, vector<1536x64xbf16>, vector<256x1536xf32> -> vector<256x1536xf32>
    %mul3A_319 = arith.constant 1.250000e-01 : f32
    %mul3A_320 = vector.broadcast %mul3A_319 : f32 to vector<256x1536xf32>
    %mul3A_321 = arith.mulf %dot_general3A_318, %mul3A_320 : vector<256x1536xf32>
    %jit3A_322 = arith.constant -1.000000e+30 : f32
    %broadcast_in_dim3A_323 = vector.broadcast %jit3A_322 : f32 to vector<256x1536xf32>
    %select_n3A_324 = arith.select %ge3A, %mul3A_321, %broadcast_in_dim3A_323 : vector<256x1536xi1>, vector<256x1536xf32>
    %reduce_max3A_325 = arith.constant dense<0xFF800000> : vector<256xf32>
    %reduce_max3A_326 = vector.multi_reduction <maximumf>, %select_n3A_324, %reduce_max3A_325 [1] : vector<256x1536xf32> to vector<256xf32>
    %broadcast_in_dim3A_327 = vector.shape_cast %reduce_max3A_326 : vector<256xf32> to vector<256x1xf32>
    %sub3A_328 = vector.broadcast %broadcast_in_dim3A_327 : vector<256x1xf32> to vector<256x1536xf32>
    %sub3A_329 = arith.subf %select_n3A_324, %sub3A_328 : vector<256x1536xf32>
    %exp3A_330 = math.exp %sub3A_329 : vector<256x1536xf32>
    %reduce_sum3A_331 = arith.constant dense<0.000000e+00> : vector<256xf32>
    %reduce_sum3A_332 = vector.multi_reduction <add>, %exp3A_330, %reduce_sum3A_331 [1] : vector<256x1536xf32> to vector<256xf32>
    %broadcast_in_dim3A_333 = vector.shape_cast %reduce_sum3A_332 : vector<256xf32> to vector<256x1xf32>
    %convert_element_type3A_334 = arith.truncf %exp3A_330 : vector<256x1536xf32> to vector<256x1536xbf16>
    %dot_general3A_335 = arith.constant dense<0.000000e+00> : vector<256x64xf32>
    %dot_general3A_336 = tpu.matmul %convert_element_type3A_334, %slice3A_316, %dot_general3A_335 {dimension_numbers = #tpu.dot_dimension_numbers<[1], [0], [0], [1], [0, 0, 1, 1], [], []>, transpose_lhs_hint = false} : vector<256x1536xbf16>, vector<1536x64xbf16>, vector<256x64xf32> -> vector<256x64xf32>
    %div3A_337 = vector.broadcast %broadcast_in_dim3A_333 : vector<256x1xf32> to vector<256x64xf32>
    %div3A_338 = arith.divf %dot_general3A_336, %div3A_337 : vector<256x64xf32>
    %convert_element_type3A_339 = arith.truncf %div3A_338 : vector<256x64xf32> to vector<256x64xbf16>
    %slice3A_340 = vector.extract_strided_slice %get3A_6 {offsets = [0, 832], sizes = [256, 64], strides = [1, 1]} : vector<256x1024xbf16> to vector<256x64xbf16>
    %slice3A_341 = vector.extract_strided_slice %get3A_9 {offsets = [0, 384], sizes = [1536, 64], strides = [1, 1]} : vector<1536x512xbf16> to vector<1536x64xbf16>
    %slice3A_342 = vector.extract_strided_slice %get3A_12 {offsets = [0, 384], sizes = [1536, 64], strides = [1, 1]} : vector<1536x512xbf16> to vector<1536x64xbf16>
    %dot_general3A_343 = arith.constant dense<0.000000e+00> : vector<256x1536xf32>
    %dot_general3A_344 = tpu.matmul %slice3A_340, %slice3A_341, %dot_general3A_343 {dimension_numbers = #tpu.dot_dimension_numbers<[1], [1], [0], [0], [0, 0, 1, 0], [], []>, transpose_lhs_hint = false} : vector<256x64xbf16>, vector<1536x64xbf16>, vector<256x1536xf32> -> vector<256x1536xf32>
    %mul3A_345 = arith.constant 1.250000e-01 : f32
    %mul3A_346 = vector.broadcast %mul3A_345 : f32 to vector<256x1536xf32>
    %mul3A_347 = arith.mulf %dot_general3A_344, %mul3A_346 : vector<256x1536xf32>
    %jit3A_348 = arith.constant -1.000000e+30 : f32
    %broadcast_in_dim3A_349 = vector.broadcast %jit3A_348 : f32 to vector<256x1536xf32>
    %select_n3A_350 = arith.select %ge3A, %mul3A_347, %broadcast_in_dim3A_349 : vector<256x1536xi1>, vector<256x1536xf32>
    %reduce_max3A_351 = arith.constant dense<0xFF800000> : vector<256xf32>
    %reduce_max3A_352 = vector.multi_reduction <maximumf>, %select_n3A_350, %reduce_max3A_351 [1] : vector<256x1536xf32> to vector<256xf32>
    %broadcast_in_dim3A_353 = vector.shape_cast %reduce_max3A_352 : vector<256xf32> to vector<256x1xf32>
    %sub3A_354 = vector.broadcast %broadcast_in_dim3A_353 : vector<256x1xf32> to vector<256x1536xf32>
    %sub3A_355 = arith.subf %select_n3A_350, %sub3A_354 : vector<256x1536xf32>
    %exp3A_356 = math.exp %sub3A_355 : vector<256x1536xf32>
    %reduce_sum3A_357 = arith.constant dense<0.000000e+00> : vector<256xf32>
    %reduce_sum3A_358 = vector.multi_reduction <add>, %exp3A_356, %reduce_sum3A_357 [1] : vector<256x1536xf32> to vector<256xf32>
    %broadcast_in_dim3A_359 = vector.shape_cast %reduce_sum3A_358 : vector<256xf32> to vector<256x1xf32>
    %convert_element_type3A_360 = arith.truncf %exp3A_356 : vector<256x1536xf32> to vector<256x1536xbf16>
    %dot_general3A_361 = arith.constant dense<0.000000e+00> : vector<256x64xf32>
    %dot_general3A_362 = tpu.matmul %convert_element_type3A_360, %slice3A_342, %dot_general3A_361 {dimension_numbers = #tpu.dot_dimension_numbers<[1], [0], [0], [1], [0, 0, 1, 1], [], []>, transpose_lhs_hint = false} : vector<256x1536xbf16>, vector<1536x64xbf16>, vector<256x64xf32> -> vector<256x64xf32>
    %div3A_363 = vector.broadcast %broadcast_in_dim3A_359 : vector<256x1xf32> to vector<256x64xf32>
    %div3A_364 = arith.divf %dot_general3A_362, %div3A_363 : vector<256x64xf32>
    %convert_element_type3A_365 = arith.truncf %div3A_364 : vector<256x64xf32> to vector<256x64xbf16>
    %slice3A_366 = vector.extract_strided_slice %get3A_6 {offsets = [0, 896], sizes = [256, 64], strides = [1, 1]} : vector<256x1024xbf16> to vector<256x64xbf16>
    %slice3A_367 = vector.extract_strided_slice %get3A_9 {offsets = [0, 448], sizes = [1536, 64], strides = [1, 1]} : vector<1536x512xbf16> to vector<1536x64xbf16>
    %slice3A_368 = vector.extract_strided_slice %get3A_12 {offsets = [0, 448], sizes = [1536, 64], strides = [1, 1]} : vector<1536x512xbf16> to vector<1536x64xbf16>
    %dot_general3A_369 = arith.constant dense<0.000000e+00> : vector<256x1536xf32>
    %dot_general3A_370 = tpu.matmul %slice3A_366, %slice3A_367, %dot_general3A_369 {dimension_numbers = #tpu.dot_dimension_numbers<[1], [1], [0], [0], [0, 0, 1, 0], [], []>, transpose_lhs_hint = false} : vector<256x64xbf16>, vector<1536x64xbf16>, vector<256x1536xf32> -> vector<256x1536xf32>
    %mul3A_371 = arith.constant 1.250000e-01 : f32
    %mul3A_372 = vector.broadcast %mul3A_371 : f32 to vector<256x1536xf32>
    %mul3A_373 = arith.mulf %dot_general3A_370, %mul3A_372 : vector<256x1536xf32>
    %jit3A_374 = arith.constant -1.000000e+30 : f32
    %broadcast_in_dim3A_375 = vector.broadcast %jit3A_374 : f32 to vector<256x1536xf32>
    %select_n3A_376 = arith.select %ge3A, %mul3A_373, %broadcast_in_dim3A_375 : vector<256x1536xi1>, vector<256x1536xf32>
    %reduce_max3A_377 = arith.constant dense<0xFF800000> : vector<256xf32>
    %reduce_max3A_378 = vector.multi_reduction <maximumf>, %select_n3A_376, %reduce_max3A_377 [1] : vector<256x1536xf32> to vector<256xf32>
    %broadcast_in_dim3A_379 = vector.shape_cast %reduce_max3A_378 : vector<256xf32> to vector<256x1xf32>
    %sub3A_380 = vector.broadcast %broadcast_in_dim3A_379 : vector<256x1xf32> to vector<256x1536xf32>
    %sub3A_381 = arith.subf %select_n3A_376, %sub3A_380 : vector<256x1536xf32>
    %exp3A_382 = math.exp %sub3A_381 : vector<256x1536xf32>
    %reduce_sum3A_383 = arith.constant dense<0.000000e+00> : vector<256xf32>
    %reduce_sum3A_384 = vector.multi_reduction <add>, %exp3A_382, %reduce_sum3A_383 [1] : vector<256x1536xf32> to vector<256xf32>
    %broadcast_in_dim3A_385 = vector.shape_cast %reduce_sum3A_384 : vector<256xf32> to vector<256x1xf32>
    %convert_element_type3A_386 = arith.truncf %exp3A_382 : vector<256x1536xf32> to vector<256x1536xbf16>
    %dot_general3A_387 = arith.constant dense<0.000000e+00> : vector<256x64xf32>
    %dot_general3A_388 = tpu.matmul %convert_element_type3A_386, %slice3A_368, %dot_general3A_387 {dimension_numbers = #tpu.dot_dimension_numbers<[1], [0], [0], [1], [0, 0, 1, 1], [], []>, transpose_lhs_hint = false} : vector<256x1536xbf16>, vector<1536x64xbf16>, vector<256x64xf32> -> vector<256x64xf32>
    %div3A_389 = vector.broadcast %broadcast_in_dim3A_385 : vector<256x1xf32> to vector<256x64xf32>
    %div3A_390 = arith.divf %dot_general3A_388, %div3A_389 : vector<256x64xf32>
    %convert_element_type3A_391 = arith.truncf %div3A_390 : vector<256x64xf32> to vector<256x64xbf16>
    %slice3A_392 = vector.extract_strided_slice %get3A_6 {offsets = [0, 960], sizes = [256, 64], strides = [1, 1]} : vector<256x1024xbf16> to vector<256x64xbf16>
    %slice3A_393 = vector.extract_strided_slice %get3A_9 {offsets = [0, 448], sizes = [1536, 64], strides = [1, 1]} : vector<1536x512xbf16> to vector<1536x64xbf16>
    %slice3A_394 = vector.extract_strided_slice %get3A_12 {offsets = [0, 448], sizes = [1536, 64], strides = [1, 1]} : vector<1536x512xbf16> to vector<1536x64xbf16>
    %dot_general3A_395 = arith.constant dense<0.000000e+00> : vector<256x1536xf32>
    %dot_general3A_396 = tpu.matmul %slice3A_392, %slice3A_393, %dot_general3A_395 {dimension_numbers = #tpu.dot_dimension_numbers<[1], [1], [0], [0], [0, 0, 1, 0], [], []>, transpose_lhs_hint = false} : vector<256x64xbf16>, vector<1536x64xbf16>, vector<256x1536xf32> -> vector<256x1536xf32>
    %mul3A_397 = arith.constant 1.250000e-01 : f32
    %mul3A_398 = vector.broadcast %mul3A_397 : f32 to vector<256x1536xf32>
    %mul3A_399 = arith.mulf %dot_general3A_396, %mul3A_398 : vector<256x1536xf32>
    %jit3A_400 = arith.constant -1.000000e+30 : f32
    %broadcast_in_dim3A_401 = vector.broadcast %jit3A_400 : f32 to vector<256x1536xf32>
    %select_n3A_402 = arith.select %ge3A, %mul3A_399, %broadcast_in_dim3A_401 : vector<256x1536xi1>, vector<256x1536xf32>
    %reduce_max3A_403 = arith.constant dense<0xFF800000> : vector<256xf32>
    %reduce_max3A_404 = vector.multi_reduction <maximumf>, %select_n3A_402, %reduce_max3A_403 [1] : vector<256x1536xf32> to vector<256xf32>
    %broadcast_in_dim3A_405 = vector.shape_cast %reduce_max3A_404 : vector<256xf32> to vector<256x1xf32>
    %sub3A_406 = vector.broadcast %broadcast_in_dim3A_405 : vector<256x1xf32> to vector<256x1536xf32>
    %sub3A_407 = arith.subf %select_n3A_402, %sub3A_406 : vector<256x1536xf32>
    %exp3A_408 = math.exp %sub3A_407 : vector<256x1536xf32>
    %reduce_sum3A_409 = arith.constant dense<0.000000e+00> : vector<256xf32>
    %reduce_sum3A_410 = vector.multi_reduction <add>, %exp3A_408, %reduce_sum3A_409 [1] : vector<256x1536xf32> to vector<256xf32>
    %broadcast_in_dim3A_411 = vector.shape_cast %reduce_sum3A_410 : vector<256xf32> to vector<256x1xf32>
    %convert_element_type3A_412 = arith.truncf %exp3A_408 : vector<256x1536xf32> to vector<256x1536xbf16>
    %dot_general3A_413 = arith.constant dense<0.000000e+00> : vector<256x64xf32>
    %dot_general3A_414 = tpu.matmul %convert_element_type3A_412, %slice3A_394, %dot_general3A_413 {dimension_numbers = #tpu.dot_dimension_numbers<[1], [0], [0], [1], [0, 0, 1, 1], [], []>, transpose_lhs_hint = false} : vector<256x1536xbf16>, vector<1536x64xbf16>, vector<256x64xf32> -> vector<256x64xf32>
    %div3A_415 = vector.broadcast %broadcast_in_dim3A_411 : vector<256x1xf32> to vector<256x64xf32>
    %div3A_416 = arith.divf %dot_general3A_414, %div3A_415 : vector<256x64xf32>
    %convert_element_type3A_417 = arith.truncf %div3A_416 : vector<256x64xf32> to vector<256x64xbf16>
    %concatenate3A = tpu.concatenate %convert_element_type3A_27, %convert_element_type3A_53, %convert_element_type3A_79, %convert_element_type3A_105, %convert_element_type3A_131, %convert_element_type3A_157, %convert_element_type3A_183, %convert_element_type3A_209, %convert_element_type3A_235, %convert_element_type3A_261, %convert_element_type3A_287, %convert_element_type3A_313, %convert_element_type3A_339, %convert_element_type3A_365, %convert_element_type3A_391, %convert_element_type3A_417 in 1 : vector<256x64xbf16>, vector<256x64xbf16>, vector<256x64xbf16>, vector<256x64xbf16>, vector<256x64xbf16>, vector<256x64xbf16>, vector<256x64xbf16>, vector<256x64xbf16>, vector<256x64xbf16>, vector<256x64xbf16>, vector<256x64xbf16>, vector<256x64xbf16>, vector<256x64xbf16>, vector<256x64xbf16>, vector<256x64xbf16>, vector<256x64xbf16> -> vector<256x1024xbf16>
    %swap3A = arith.constant 0 : index
    %swap3A_418 = arith.constant 0 : index
    %swap3A_419 = vector.load %arg4[%swap3A, %swap3A_418] : memref<256x1024xbf16, #tpu.memory_space<vmem>>, vector<256x1024xbf16>
    tpu.vector_store %arg4[%swap3A, %swap3A_418], %concatenate3A {strides = array<i32>} : memref<256x1024xbf16, #tpu.memory_space<vmem>>, vector<256x1024xbf16>,
    return
  }
  func.func @transform_0(%arg0: i32) -> (i32, i32) {
    %add3A = arith.constant 4 : i32
    %add3A_0 = arith.addi %add3A, %arg0 : i32
    %c0_i32 = arith.constant 0 : i32
    %c0_i32_1 = arith.constant 0 : i32
    return %add3A_0, %c0_i32 : i32, i32
  }
  func.func @transform_1(%arg0: i32) -> (i32, i32) {
    %c0_i32 = arith.constant 0 : i32
    %c0_i32_0 = arith.constant 0 : i32
    %c0_i32_1 = arith.constant 0 : i32
    return %c0_i32, %c0_i32_0 : i32, i32
  }
  func.func @transform_2(%arg0: i32) -> (i32, i32) {
    %c0_i32 = arith.constant 0 : i32
    %c0_i32_0 = arith.constant 0 : i32
    %c0_i32_1 = arith.constant 0 : i32
    return %c0_i32, %c0_i32_0 : i32, i32
  }
  func.func @transform_3(%arg0: i32) -> (i32, i32) {
    %c0_i32 = arith.constant 0 : i32
    %c0_i32_0 = arith.constant 0 : i32
    return %arg0, %c0_i32 : i32, i32
  }
}

module attributes {stable_mosaic.version = 14 : i64} {
  func.func @_attn_body(%arg0: i32, %arg1: memref<256x1024xbf16, #tpu.memory_space<vmem>>, %arg2: memref<1024x512xbf16, #tpu.memory_space<vmem>>, %arg3: memref<1024x512xbf16, #tpu.memory_space<vmem>>, %arg4: memref<256x1024xbf16, #tpu.memory_space<vmem>>) attributes {dimension_semantics = [#tpu.dimension_semantics<arbitrary>], iteration_bounds = array<i64: 2>, scalar_prefetch = 0 : i64, scratch_operands = 0 : i64, tpu.core_type = #tpu.core_type<tc>, window_params = [{transform_indices = @transform_0, window_bounds = array<i64: 256, 1024>}, {transform_indices = @transform_1, window_bounds = array<i64: 1024, 512>}, {transform_indices = @transform_2, window_bounds = array<i64: 1024, 512>}, {transform_indices = @transform_3, window_bounds = array<i64: 256, 1024>}]} {
    %add3A = arith.constant 2 : i32
    %add3A_0 = arith.addi %add3A, %arg0 : i32
    %mul3A = arith.constant 256 : i32
    %mul3A_1 = arith.muli %add3A_0, %mul3A : i32
    %iota3A = tpu.iota {dimensions = array<i32: 0>} : vector<256x1024xi32>
    %add3A_2 = vector.broadcast %mul3A_1 : i32 to vector<256x1024xi32>
    %add3A_3 = arith.addi %add3A_2, %iota3A : vector<256x1024xi32>
    %iota3A_4 = tpu.iota {dimensions = array<i32: 1>} : vector<256x1024xi32>
    %ge3A = arith.cmpi sge, %add3A_3, %iota3A_4 : vector<256x1024xi32>
    %get3A = arith.constant 0 : index
    %get3A_5 = arith.constant 0 : index
    %get3A_6 = vector.load %arg1[%get3A, %get3A_5] : memref<256x1024xbf16, #tpu.memory_space<vmem>>, vector<256x1024xbf16>
    %get3A_7 = arith.constant 0 : index
    %get3A_8 = arith.constant 0 : index
    %get3A_9 = vector.load %arg2[%get3A_7, %get3A_8] : memref<1024x512xbf16, #tpu.memory_space<vmem>>, vector<1024x512xbf16>
    %get3A_10 = arith.constant 0 : index
    %get3A_11 = arith.constant 0 : index
    %get3A_12 = vector.load %arg3[%get3A_10, %get3A_11] : memref<1024x512xbf16, #tpu.memory_space<vmem>>, vector<1024x512xbf16>
    %slice3A = vector.extract_strided_slice %get3A_6 {offsets = [0, 0], sizes = [256, 64], strides = [1, 1]} : vector<256x1024xbf16> to vector<256x64xbf16>
    %slice3A_13 = vector.extract_strided_slice %get3A_9 {offsets = [0, 0], sizes = [1024, 64], strides = [1, 1]} : vector<1024x512xbf16> to vector<1024x64xbf16>
    %slice3A_14 = vector.extract_strided_slice %get3A_12 {offsets = [0, 0], sizes = [1024, 64], strides = [1, 1]} : vector<1024x512xbf16> to vector<1024x64xbf16>
    %dot_general3A = arith.constant dense<0.000000e+00> : vector<256x1024xf32>
    %dot_general3A_15 = tpu.matmul %slice3A, %slice3A_13, %dot_general3A {dimension_numbers = #tpu.dot_dimension_numbers<[1], [1], [0], [0], [0, 0, 1, 0], [], []>, transpose_lhs_hint = false} : vector<256x64xbf16>, vector<1024x64xbf16>, vector<256x1024xf32> -> vector<256x1024xf32>
    %mul3A_16 = arith.constant 1.250000e-01 : f32
    %mul3A_17 = vector.broadcast %mul3A_16 : f32 to vector<256x1024xf32>
    %mul3A_18 = arith.mulf %dot_general3A_15, %mul3A_17 : vector<256x1024xf32>
    %jit3A = arith.constant -1.000000e+30 : f32
    %broadcast_in_dim3A = vector.broadcast %jit3A : f32 to vector<256x1024xf32>
    %select_n3A = arith.select %ge3A, %mul3A_18, %broadcast_in_dim3A : vector<256x1024xi1>, vector<256x1024xf32>
    %reduce_max3A = arith.constant dense<0xFF800000> : vector<256xf32>
    %reduce_max3A_19 = vector.multi_reduction <maximumf>, %select_n3A, %reduce_max3A [1] : vector<256x1024xf32> to vector<256xf32>
    %broadcast_in_dim3A_20 = vector.shape_cast %reduce_max3A_19 : vector<256xf32> to vector<256x1xf32>
    %sub3A = vector.broadcast %broadcast_in_dim3A_20 : vector<256x1xf32> to vector<256x1024xf32>
    %sub3A_21 = arith.subf %select_n3A, %sub3A : vector<256x1024xf32>
    %exp3A = math.exp %sub3A_21 : vector<256x1024xf32>
    %reduce_sum3A = arith.constant dense<0.000000e+00> : vector<256xf32>
    %reduce_sum3A_22 = vector.multi_reduction <add>, %exp3A, %reduce_sum3A [1] : vector<256x1024xf32> to vector<256xf32>
    %broadcast_in_dim3A_23 = vector.shape_cast %reduce_sum3A_22 : vector<256xf32> to vector<256x1xf32>
    %convert_element_type3A = arith.truncf %exp3A : vector<256x1024xf32> to vector<256x1024xbf16>
    %dot_general3A_24 = arith.constant dense<0.000000e+00> : vector<256x64xf32>
    %dot_general3A_25 = tpu.matmul %convert_element_type3A, %slice3A_14, %dot_general3A_24 {dimension_numbers = #tpu.dot_dimension_numbers<[1], [0], [0], [1], [0, 0, 1, 1], [], []>, transpose_lhs_hint = false} : vector<256x1024xbf16>, vector<1024x64xbf16>, vector<256x64xf32> -> vector<256x64xf32>
    %div3A = vector.broadcast %broadcast_in_dim3A_23 : vector<256x1xf32> to vector<256x64xf32>
    %div3A_26 = arith.divf %dot_general3A_25, %div3A : vector<256x64xf32>
    %convert_element_type3A_27 = arith.truncf %div3A_26 : vector<256x64xf32> to vector<256x64xbf16>
    %slice3A_28 = vector.extract_strided_slice %get3A_6 {offsets = [0, 64], sizes = [256, 64], strides = [1, 1]} : vector<256x1024xbf16> to vector<256x64xbf16>
    %slice3A_29 = vector.extract_strided_slice %get3A_9 {offsets = [0, 0], sizes = [1024, 64], strides = [1, 1]} : vector<1024x512xbf16> to vector<1024x64xbf16>
    %slice3A_30 = vector.extract_strided_slice %get3A_12 {offsets = [0, 0], sizes = [1024, 64], strides = [1, 1]} : vector<1024x512xbf16> to vector<1024x64xbf16>
    %dot_general3A_31 = arith.constant dense<0.000000e+00> : vector<256x1024xf32>
    %dot_general3A_32 = tpu.matmul %slice3A_28, %slice3A_29, %dot_general3A_31 {dimension_numbers = #tpu.dot_dimension_numbers<[1], [1], [0], [0], [0, 0, 1, 0], [], []>, transpose_lhs_hint = false} : vector<256x64xbf16>, vector<1024x64xbf16>, vector<256x1024xf32> -> vector<256x1024xf32>
    %mul3A_33 = arith.constant 1.250000e-01 : f32
    %mul3A_34 = vector.broadcast %mul3A_33 : f32 to vector<256x1024xf32>
    %mul3A_35 = arith.mulf %dot_general3A_32, %mul3A_34 : vector<256x1024xf32>
    %jit3A_36 = arith.constant -1.000000e+30 : f32
    %broadcast_in_dim3A_37 = vector.broadcast %jit3A_36 : f32 to vector<256x1024xf32>
    %select_n3A_38 = arith.select %ge3A, %mul3A_35, %broadcast_in_dim3A_37 : vector<256x1024xi1>, vector<256x1024xf32>
    %reduce_max3A_39 = arith.constant dense<0xFF800000> : vector<256xf32>
    %reduce_max3A_40 = vector.multi_reduction <maximumf>, %select_n3A_38, %reduce_max3A_39 [1] : vector<256x1024xf32> to vector<256xf32>
    %broadcast_in_dim3A_41 = vector.shape_cast %reduce_max3A_40 : vector<256xf32> to vector<256x1xf32>
    %sub3A_42 = vector.broadcast %broadcast_in_dim3A_41 : vector<256x1xf32> to vector<256x1024xf32>
    %sub3A_43 = arith.subf %select_n3A_38, %sub3A_42 : vector<256x1024xf32>
    %exp3A_44 = math.exp %sub3A_43 : vector<256x1024xf32>
    %reduce_sum3A_45 = arith.constant dense<0.000000e+00> : vector<256xf32>
    %reduce_sum3A_46 = vector.multi_reduction <add>, %exp3A_44, %reduce_sum3A_45 [1] : vector<256x1024xf32> to vector<256xf32>
    %broadcast_in_dim3A_47 = vector.shape_cast %reduce_sum3A_46 : vector<256xf32> to vector<256x1xf32>
    %convert_element_type3A_48 = arith.truncf %exp3A_44 : vector<256x1024xf32> to vector<256x1024xbf16>
    %dot_general3A_49 = arith.constant dense<0.000000e+00> : vector<256x64xf32>
    %dot_general3A_50 = tpu.matmul %convert_element_type3A_48, %slice3A_30, %dot_general3A_49 {dimension_numbers = #tpu.dot_dimension_numbers<[1], [0], [0], [1], [0, 0, 1, 1], [], []>, transpose_lhs_hint = false} : vector<256x1024xbf16>, vector<1024x64xbf16>, vector<256x64xf32> -> vector<256x64xf32>
    %div3A_51 = vector.broadcast %broadcast_in_dim3A_47 : vector<256x1xf32> to vector<256x64xf32>
    %div3A_52 = arith.divf %dot_general3A_50, %div3A_51 : vector<256x64xf32>
    %convert_element_type3A_53 = arith.truncf %div3A_52 : vector<256x64xf32> to vector<256x64xbf16>
    %slice3A_54 = vector.extract_strided_slice %get3A_6 {offsets = [0, 128], sizes = [256, 64], strides = [1, 1]} : vector<256x1024xbf16> to vector<256x64xbf16>
    %slice3A_55 = vector.extract_strided_slice %get3A_9 {offsets = [0, 64], sizes = [1024, 64], strides = [1, 1]} : vector<1024x512xbf16> to vector<1024x64xbf16>
    %slice3A_56 = vector.extract_strided_slice %get3A_12 {offsets = [0, 64], sizes = [1024, 64], strides = [1, 1]} : vector<1024x512xbf16> to vector<1024x64xbf16>
    %dot_general3A_57 = arith.constant dense<0.000000e+00> : vector<256x1024xf32>
    %dot_general3A_58 = tpu.matmul %slice3A_54, %slice3A_55, %dot_general3A_57 {dimension_numbers = #tpu.dot_dimension_numbers<[1], [1], [0], [0], [0, 0, 1, 0], [], []>, transpose_lhs_hint = false} : vector<256x64xbf16>, vector<1024x64xbf16>, vector<256x1024xf32> -> vector<256x1024xf32>
    %mul3A_59 = arith.constant 1.250000e-01 : f32
    %mul3A_60 = vector.broadcast %mul3A_59 : f32 to vector<256x1024xf32>
    %mul3A_61 = arith.mulf %dot_general3A_58, %mul3A_60 : vector<256x1024xf32>
    %jit3A_62 = arith.constant -1.000000e+30 : f32
    %broadcast_in_dim3A_63 = vector.broadcast %jit3A_62 : f32 to vector<256x1024xf32>
    %select_n3A_64 = arith.select %ge3A, %mul3A_61, %broadcast_in_dim3A_63 : vector<256x1024xi1>, vector<256x1024xf32>
    %reduce_max3A_65 = arith.constant dense<0xFF800000> : vector<256xf32>
    %reduce_max3A_66 = vector.multi_reduction <maximumf>, %select_n3A_64, %reduce_max3A_65 [1] : vector<256x1024xf32> to vector<256xf32>
    %broadcast_in_dim3A_67 = vector.shape_cast %reduce_max3A_66 : vector<256xf32> to vector<256x1xf32>
    %sub3A_68 = vector.broadcast %broadcast_in_dim3A_67 : vector<256x1xf32> to vector<256x1024xf32>
    %sub3A_69 = arith.subf %select_n3A_64, %sub3A_68 : vector<256x1024xf32>
    %exp3A_70 = math.exp %sub3A_69 : vector<256x1024xf32>
    %reduce_sum3A_71 = arith.constant dense<0.000000e+00> : vector<256xf32>
    %reduce_sum3A_72 = vector.multi_reduction <add>, %exp3A_70, %reduce_sum3A_71 [1] : vector<256x1024xf32> to vector<256xf32>
    %broadcast_in_dim3A_73 = vector.shape_cast %reduce_sum3A_72 : vector<256xf32> to vector<256x1xf32>
    %convert_element_type3A_74 = arith.truncf %exp3A_70 : vector<256x1024xf32> to vector<256x1024xbf16>
    %dot_general3A_75 = arith.constant dense<0.000000e+00> : vector<256x64xf32>
    %dot_general3A_76 = tpu.matmul %convert_element_type3A_74, %slice3A_56, %dot_general3A_75 {dimension_numbers = #tpu.dot_dimension_numbers<[1], [0], [0], [1], [0, 0, 1, 1], [], []>, transpose_lhs_hint = false} : vector<256x1024xbf16>, vector<1024x64xbf16>, vector<256x64xf32> -> vector<256x64xf32>
    %div3A_77 = vector.broadcast %broadcast_in_dim3A_73 : vector<256x1xf32> to vector<256x64xf32>
    %div3A_78 = arith.divf %dot_general3A_76, %div3A_77 : vector<256x64xf32>
    %convert_element_type3A_79 = arith.truncf %div3A_78 : vector<256x64xf32> to vector<256x64xbf16>
    %slice3A_80 = vector.extract_strided_slice %get3A_6 {offsets = [0, 192], sizes = [256, 64], strides = [1, 1]} : vector<256x1024xbf16> to vector<256x64xbf16>
    %slice3A_81 = vector.extract_strided_slice %get3A_9 {offsets = [0, 64], sizes = [1024, 64], strides = [1, 1]} : vector<1024x512xbf16> to vector<1024x64xbf16>
    %slice3A_82 = vector.extract_strided_slice %get3A_12 {offsets = [0, 64], sizes = [1024, 64], strides = [1, 1]} : vector<1024x512xbf16> to vector<1024x64xbf16>
    %dot_general3A_83 = arith.constant dense<0.000000e+00> : vector<256x1024xf32>
    %dot_general3A_84 = tpu.matmul %slice3A_80, %slice3A_81, %dot_general3A_83 {dimension_numbers = #tpu.dot_dimension_numbers<[1], [1], [0], [0], [0, 0, 1, 0], [], []>, transpose_lhs_hint = false} : vector<256x64xbf16>, vector<1024x64xbf16>, vector<256x1024xf32> -> vector<256x1024xf32>
    %mul3A_85 = arith.constant 1.250000e-01 : f32
    %mul3A_86 = vector.broadcast %mul3A_85 : f32 to vector<256x1024xf32>
    %mul3A_87 = arith.mulf %dot_general3A_84, %mul3A_86 : vector<256x1024xf32>
    %jit3A_88 = arith.constant -1.000000e+30 : f32
    %broadcast_in_dim3A_89 = vector.broadcast %jit3A_88 : f32 to vector<256x1024xf32>
    %select_n3A_90 = arith.select %ge3A, %mul3A_87, %broadcast_in_dim3A_89 : vector<256x1024xi1>, vector<256x1024xf32>
    %reduce_max3A_91 = arith.constant dense<0xFF800000> : vector<256xf32>
    %reduce_max3A_92 = vector.multi_reduction <maximumf>, %select_n3A_90, %reduce_max3A_91 [1] : vector<256x1024xf32> to vector<256xf32>
    %broadcast_in_dim3A_93 = vector.shape_cast %reduce_max3A_92 : vector<256xf32> to vector<256x1xf32>
    %sub3A_94 = vector.broadcast %broadcast_in_dim3A_93 : vector<256x1xf32> to vector<256x1024xf32>
    %sub3A_95 = arith.subf %select_n3A_90, %sub3A_94 : vector<256x1024xf32>
    %exp3A_96 = math.exp %sub3A_95 : vector<256x1024xf32>
    %reduce_sum3A_97 = arith.constant dense<0.000000e+00> : vector<256xf32>
    %reduce_sum3A_98 = vector.multi_reduction <add>, %exp3A_96, %reduce_sum3A_97 [1] : vector<256x1024xf32> to vector<256xf32>
    %broadcast_in_dim3A_99 = vector.shape_cast %reduce_sum3A_98 : vector<256xf32> to vector<256x1xf32>
    %convert_element_type3A_100 = arith.truncf %exp3A_96 : vector<256x1024xf32> to vector<256x1024xbf16>
    %dot_general3A_101 = arith.constant dense<0.000000e+00> : vector<256x64xf32>
    %dot_general3A_102 = tpu.matmul %convert_element_type3A_100, %slice3A_82, %dot_general3A_101 {dimension_numbers = #tpu.dot_dimension_numbers<[1], [0], [0], [1], [0, 0, 1, 1], [], []>, transpose_lhs_hint = false} : vector<256x1024xbf16>, vector<1024x64xbf16>, vector<256x64xf32> -> vector<256x64xf32>
    %div3A_103 = vector.broadcast %broadcast_in_dim3A_99 : vector<256x1xf32> to vector<256x64xf32>
    %div3A_104 = arith.divf %dot_general3A_102, %div3A_103 : vector<256x64xf32>
    %convert_element_type3A_105 = arith.truncf %div3A_104 : vector<256x64xf32> to vector<256x64xbf16>
    %slice3A_106 = vector.extract_strided_slice %get3A_6 {offsets = [0, 256], sizes = [256, 64], strides = [1, 1]} : vector<256x1024xbf16> to vector<256x64xbf16>
    %slice3A_107 = vector.extract_strided_slice %get3A_9 {offsets = [0, 128], sizes = [1024, 64], strides = [1, 1]} : vector<1024x512xbf16> to vector<1024x64xbf16>
    %slice3A_108 = vector.extract_strided_slice %get3A_12 {offsets = [0, 128], sizes = [1024, 64], strides = [1, 1]} : vector<1024x512xbf16> to vector<1024x64xbf16>
    %dot_general3A_109 = arith.constant dense<0.000000e+00> : vector<256x1024xf32>
    %dot_general3A_110 = tpu.matmul %slice3A_106, %slice3A_107, %dot_general3A_109 {dimension_numbers = #tpu.dot_dimension_numbers<[1], [1], [0], [0], [0, 0, 1, 0], [], []>, transpose_lhs_hint = false} : vector<256x64xbf16>, vector<1024x64xbf16>, vector<256x1024xf32> -> vector<256x1024xf32>
    %mul3A_111 = arith.constant 1.250000e-01 : f32
    %mul3A_112 = vector.broadcast %mul3A_111 : f32 to vector<256x1024xf32>
    %mul3A_113 = arith.mulf %dot_general3A_110, %mul3A_112 : vector<256x1024xf32>
    %jit3A_114 = arith.constant -1.000000e+30 : f32
    %broadcast_in_dim3A_115 = vector.broadcast %jit3A_114 : f32 to vector<256x1024xf32>
    %select_n3A_116 = arith.select %ge3A, %mul3A_113, %broadcast_in_dim3A_115 : vector<256x1024xi1>, vector<256x1024xf32>
    %reduce_max3A_117 = arith.constant dense<0xFF800000> : vector<256xf32>
    %reduce_max3A_118 = vector.multi_reduction <maximumf>, %select_n3A_116, %reduce_max3A_117 [1] : vector<256x1024xf32> to vector<256xf32>
    %broadcast_in_dim3A_119 = vector.shape_cast %reduce_max3A_118 : vector<256xf32> to vector<256x1xf32>
    %sub3A_120 = vector.broadcast %broadcast_in_dim3A_119 : vector<256x1xf32> to vector<256x1024xf32>
    %sub3A_121 = arith.subf %select_n3A_116, %sub3A_120 : vector<256x1024xf32>
    %exp3A_122 = math.exp %sub3A_121 : vector<256x1024xf32>
    %reduce_sum3A_123 = arith.constant dense<0.000000e+00> : vector<256xf32>
    %reduce_sum3A_124 = vector.multi_reduction <add>, %exp3A_122, %reduce_sum3A_123 [1] : vector<256x1024xf32> to vector<256xf32>
    %broadcast_in_dim3A_125 = vector.shape_cast %reduce_sum3A_124 : vector<256xf32> to vector<256x1xf32>
    %convert_element_type3A_126 = arith.truncf %exp3A_122 : vector<256x1024xf32> to vector<256x1024xbf16>
    %dot_general3A_127 = arith.constant dense<0.000000e+00> : vector<256x64xf32>
    %dot_general3A_128 = tpu.matmul %convert_element_type3A_126, %slice3A_108, %dot_general3A_127 {dimension_numbers = #tpu.dot_dimension_numbers<[1], [0], [0], [1], [0, 0, 1, 1], [], []>, transpose_lhs_hint = false} : vector<256x1024xbf16>, vector<1024x64xbf16>, vector<256x64xf32> -> vector<256x64xf32>
    %div3A_129 = vector.broadcast %broadcast_in_dim3A_125 : vector<256x1xf32> to vector<256x64xf32>
    %div3A_130 = arith.divf %dot_general3A_128, %div3A_129 : vector<256x64xf32>
    %convert_element_type3A_131 = arith.truncf %div3A_130 : vector<256x64xf32> to vector<256x64xbf16>
    %slice3A_132 = vector.extract_strided_slice %get3A_6 {offsets = [0, 320], sizes = [256, 64], strides = [1, 1]} : vector<256x1024xbf16> to vector<256x64xbf16>
    %slice3A_133 = vector.extract_strided_slice %get3A_9 {offsets = [0, 128], sizes = [1024, 64], strides = [1, 1]} : vector<1024x512xbf16> to vector<1024x64xbf16>
    %slice3A_134 = vector.extract_strided_slice %get3A_12 {offsets = [0, 128], sizes = [1024, 64], strides = [1, 1]} : vector<1024x512xbf16> to vector<1024x64xbf16>
    %dot_general3A_135 = arith.constant dense<0.000000e+00> : vector<256x1024xf32>
    %dot_general3A_136 = tpu.matmul %slice3A_132, %slice3A_133, %dot_general3A_135 {dimension_numbers = #tpu.dot_dimension_numbers<[1], [1], [0], [0], [0, 0, 1, 0], [], []>, transpose_lhs_hint = false} : vector<256x64xbf16>, vector<1024x64xbf16>, vector<256x1024xf32> -> vector<256x1024xf32>
    %mul3A_137 = arith.constant 1.250000e-01 : f32
    %mul3A_138 = vector.broadcast %mul3A_137 : f32 to vector<256x1024xf32>
    %mul3A_139 = arith.mulf %dot_general3A_136, %mul3A_138 : vector<256x1024xf32>
    %jit3A_140 = arith.constant -1.000000e+30 : f32
    %broadcast_in_dim3A_141 = vector.broadcast %jit3A_140 : f32 to vector<256x1024xf32>
    %select_n3A_142 = arith.select %ge3A, %mul3A_139, %broadcast_in_dim3A_141 : vector<256x1024xi1>, vector<256x1024xf32>
    %reduce_max3A_143 = arith.constant dense<0xFF800000> : vector<256xf32>
    %reduce_max3A_144 = vector.multi_reduction <maximumf>, %select_n3A_142, %reduce_max3A_143 [1] : vector<256x1024xf32> to vector<256xf32>
    %broadcast_in_dim3A_145 = vector.shape_cast %reduce_max3A_144 : vector<256xf32> to vector<256x1xf32>
    %sub3A_146 = vector.broadcast %broadcast_in_dim3A_145 : vector<256x1xf32> to vector<256x1024xf32>
    %sub3A_147 = arith.subf %select_n3A_142, %sub3A_146 : vector<256x1024xf32>
    %exp3A_148 = math.exp %sub3A_147 : vector<256x1024xf32>
    %reduce_sum3A_149 = arith.constant dense<0.000000e+00> : vector<256xf32>
    %reduce_sum3A_150 = vector.multi_reduction <add>, %exp3A_148, %reduce_sum3A_149 [1] : vector<256x1024xf32> to vector<256xf32>
    %broadcast_in_dim3A_151 = vector.shape_cast %reduce_sum3A_150 : vector<256xf32> to vector<256x1xf32>
    %convert_element_type3A_152 = arith.truncf %exp3A_148 : vector<256x1024xf32> to vector<256x1024xbf16>
    %dot_general3A_153 = arith.constant dense<0.000000e+00> : vector<256x64xf32>
    %dot_general3A_154 = tpu.matmul %convert_element_type3A_152, %slice3A_134, %dot_general3A_153 {dimension_numbers = #tpu.dot_dimension_numbers<[1], [0], [0], [1], [0, 0, 1, 1], [], []>, transpose_lhs_hint = false} : vector<256x1024xbf16>, vector<1024x64xbf16>, vector<256x64xf32> -> vector<256x64xf32>
    %div3A_155 = vector.broadcast %broadcast_in_dim3A_151 : vector<256x1xf32> to vector<256x64xf32>
    %div3A_156 = arith.divf %dot_general3A_154, %div3A_155 : vector<256x64xf32>
    %convert_element_type3A_157 = arith.truncf %div3A_156 : vector<256x64xf32> to vector<256x64xbf16>
    %slice3A_158 = vector.extract_strided_slice %get3A_6 {offsets = [0, 384], sizes = [256, 64], strides = [1, 1]} : vector<256x1024xbf16> to vector<256x64xbf16>
    %slice3A_159 = vector.extract_strided_slice %get3A_9 {offsets = [0, 192], sizes = [1024, 64], strides = [1, 1]} : vector<1024x512xbf16> to vector<1024x64xbf16>
    %slice3A_160 = vector.extract_strided_slice %get3A_12 {offsets = [0, 192], sizes = [1024, 64], strides = [1, 1]} : vector<1024x512xbf16> to vector<1024x64xbf16>
    %dot_general3A_161 = arith.constant dense<0.000000e+00> : vector<256x1024xf32>
    %dot_general3A_162 = tpu.matmul %slice3A_158, %slice3A_159, %dot_general3A_161 {dimension_numbers = #tpu.dot_dimension_numbers<[1], [1], [0], [0], [0, 0, 1, 0], [], []>, transpose_lhs_hint = false} : vector<256x64xbf16>, vector<1024x64xbf16>, vector<256x1024xf32> -> vector<256x1024xf32>
    %mul3A_163 = arith.constant 1.250000e-01 : f32
    %mul3A_164 = vector.broadcast %mul3A_163 : f32 to vector<256x1024xf32>
    %mul3A_165 = arith.mulf %dot_general3A_162, %mul3A_164 : vector<256x1024xf32>
    %jit3A_166 = arith.constant -1.000000e+30 : f32
    %broadcast_in_dim3A_167 = vector.broadcast %jit3A_166 : f32 to vector<256x1024xf32>
    %select_n3A_168 = arith.select %ge3A, %mul3A_165, %broadcast_in_dim3A_167 : vector<256x1024xi1>, vector<256x1024xf32>
    %reduce_max3A_169 = arith.constant dense<0xFF800000> : vector<256xf32>
    %reduce_max3A_170 = vector.multi_reduction <maximumf>, %select_n3A_168, %reduce_max3A_169 [1] : vector<256x1024xf32> to vector<256xf32>
    %broadcast_in_dim3A_171 = vector.shape_cast %reduce_max3A_170 : vector<256xf32> to vector<256x1xf32>
    %sub3A_172 = vector.broadcast %broadcast_in_dim3A_171 : vector<256x1xf32> to vector<256x1024xf32>
    %sub3A_173 = arith.subf %select_n3A_168, %sub3A_172 : vector<256x1024xf32>
    %exp3A_174 = math.exp %sub3A_173 : vector<256x1024xf32>
    %reduce_sum3A_175 = arith.constant dense<0.000000e+00> : vector<256xf32>
    %reduce_sum3A_176 = vector.multi_reduction <add>, %exp3A_174, %reduce_sum3A_175 [1] : vector<256x1024xf32> to vector<256xf32>
    %broadcast_in_dim3A_177 = vector.shape_cast %reduce_sum3A_176 : vector<256xf32> to vector<256x1xf32>
    %convert_element_type3A_178 = arith.truncf %exp3A_174 : vector<256x1024xf32> to vector<256x1024xbf16>
    %dot_general3A_179 = arith.constant dense<0.000000e+00> : vector<256x64xf32>
    %dot_general3A_180 = tpu.matmul %convert_element_type3A_178, %slice3A_160, %dot_general3A_179 {dimension_numbers = #tpu.dot_dimension_numbers<[1], [0], [0], [1], [0, 0, 1, 1], [], []>, transpose_lhs_hint = false} : vector<256x1024xbf16>, vector<1024x64xbf16>, vector<256x64xf32> -> vector<256x64xf32>
    %div3A_181 = vector.broadcast %broadcast_in_dim3A_177 : vector<256x1xf32> to vector<256x64xf32>
    %div3A_182 = arith.divf %dot_general3A_180, %div3A_181 : vector<256x64xf32>
    %convert_element_type3A_183 = arith.truncf %div3A_182 : vector<256x64xf32> to vector<256x64xbf16>
    %slice3A_184 = vector.extract_strided_slice %get3A_6 {offsets = [0, 448], sizes = [256, 64], strides = [1, 1]} : vector<256x1024xbf16> to vector<256x64xbf16>
    %slice3A_185 = vector.extract_strided_slice %get3A_9 {offsets = [0, 192], sizes = [1024, 64], strides = [1, 1]} : vector<1024x512xbf16> to vector<1024x64xbf16>
    %slice3A_186 = vector.extract_strided_slice %get3A_12 {offsets = [0, 192], sizes = [1024, 64], strides = [1, 1]} : vector<1024x512xbf16> to vector<1024x64xbf16>
    %dot_general3A_187 = arith.constant dense<0.000000e+00> : vector<256x1024xf32>
    %dot_general3A_188 = tpu.matmul %slice3A_184, %slice3A_185, %dot_general3A_187 {dimension_numbers = #tpu.dot_dimension_numbers<[1], [1], [0], [0], [0, 0, 1, 0], [], []>, transpose_lhs_hint = false} : vector<256x64xbf16>, vector<1024x64xbf16>, vector<256x1024xf32> -> vector<256x1024xf32>
    %mul3A_189 = arith.constant 1.250000e-01 : f32
    %mul3A_190 = vector.broadcast %mul3A_189 : f32 to vector<256x1024xf32>
    %mul3A_191 = arith.mulf %dot_general3A_188, %mul3A_190 : vector<256x1024xf32>
    %jit3A_192 = arith.constant -1.000000e+30 : f32
    %broadcast_in_dim3A_193 = vector.broadcast %jit3A_192 : f32 to vector<256x1024xf32>
    %select_n3A_194 = arith.select %ge3A, %mul3A_191, %broadcast_in_dim3A_193 : vector<256x1024xi1>, vector<256x1024xf32>
    %reduce_max3A_195 = arith.constant dense<0xFF800000> : vector<256xf32>
    %reduce_max3A_196 = vector.multi_reduction <maximumf>, %select_n3A_194, %reduce_max3A_195 [1] : vector<256x1024xf32> to vector<256xf32>
    %broadcast_in_dim3A_197 = vector.shape_cast %reduce_max3A_196 : vector<256xf32> to vector<256x1xf32>
    %sub3A_198 = vector.broadcast %broadcast_in_dim3A_197 : vector<256x1xf32> to vector<256x1024xf32>
    %sub3A_199 = arith.subf %select_n3A_194, %sub3A_198 : vector<256x1024xf32>
    %exp3A_200 = math.exp %sub3A_199 : vector<256x1024xf32>
    %reduce_sum3A_201 = arith.constant dense<0.000000e+00> : vector<256xf32>
    %reduce_sum3A_202 = vector.multi_reduction <add>, %exp3A_200, %reduce_sum3A_201 [1] : vector<256x1024xf32> to vector<256xf32>
    %broadcast_in_dim3A_203 = vector.shape_cast %reduce_sum3A_202 : vector<256xf32> to vector<256x1xf32>
    %convert_element_type3A_204 = arith.truncf %exp3A_200 : vector<256x1024xf32> to vector<256x1024xbf16>
    %dot_general3A_205 = arith.constant dense<0.000000e+00> : vector<256x64xf32>
    %dot_general3A_206 = tpu.matmul %convert_element_type3A_204, %slice3A_186, %dot_general3A_205 {dimension_numbers = #tpu.dot_dimension_numbers<[1], [0], [0], [1], [0, 0, 1, 1], [], []>, transpose_lhs_hint = false} : vector<256x1024xbf16>, vector<1024x64xbf16>, vector<256x64xf32> -> vector<256x64xf32>
    %div3A_207 = vector.broadcast %broadcast_in_dim3A_203 : vector<256x1xf32> to vector<256x64xf32>
    %div3A_208 = arith.divf %dot_general3A_206, %div3A_207 : vector<256x64xf32>
    %convert_element_type3A_209 = arith.truncf %div3A_208 : vector<256x64xf32> to vector<256x64xbf16>
    %slice3A_210 = vector.extract_strided_slice %get3A_6 {offsets = [0, 512], sizes = [256, 64], strides = [1, 1]} : vector<256x1024xbf16> to vector<256x64xbf16>
    %slice3A_211 = vector.extract_strided_slice %get3A_9 {offsets = [0, 256], sizes = [1024, 64], strides = [1, 1]} : vector<1024x512xbf16> to vector<1024x64xbf16>
    %slice3A_212 = vector.extract_strided_slice %get3A_12 {offsets = [0, 256], sizes = [1024, 64], strides = [1, 1]} : vector<1024x512xbf16> to vector<1024x64xbf16>
    %dot_general3A_213 = arith.constant dense<0.000000e+00> : vector<256x1024xf32>
    %dot_general3A_214 = tpu.matmul %slice3A_210, %slice3A_211, %dot_general3A_213 {dimension_numbers = #tpu.dot_dimension_numbers<[1], [1], [0], [0], [0, 0, 1, 0], [], []>, transpose_lhs_hint = false} : vector<256x64xbf16>, vector<1024x64xbf16>, vector<256x1024xf32> -> vector<256x1024xf32>
    %mul3A_215 = arith.constant 1.250000e-01 : f32
    %mul3A_216 = vector.broadcast %mul3A_215 : f32 to vector<256x1024xf32>
    %mul3A_217 = arith.mulf %dot_general3A_214, %mul3A_216 : vector<256x1024xf32>
    %jit3A_218 = arith.constant -1.000000e+30 : f32
    %broadcast_in_dim3A_219 = vector.broadcast %jit3A_218 : f32 to vector<256x1024xf32>
    %select_n3A_220 = arith.select %ge3A, %mul3A_217, %broadcast_in_dim3A_219 : vector<256x1024xi1>, vector<256x1024xf32>
    %reduce_max3A_221 = arith.constant dense<0xFF800000> : vector<256xf32>
    %reduce_max3A_222 = vector.multi_reduction <maximumf>, %select_n3A_220, %reduce_max3A_221 [1] : vector<256x1024xf32> to vector<256xf32>
    %broadcast_in_dim3A_223 = vector.shape_cast %reduce_max3A_222 : vector<256xf32> to vector<256x1xf32>
    %sub3A_224 = vector.broadcast %broadcast_in_dim3A_223 : vector<256x1xf32> to vector<256x1024xf32>
    %sub3A_225 = arith.subf %select_n3A_220, %sub3A_224 : vector<256x1024xf32>
    %exp3A_226 = math.exp %sub3A_225 : vector<256x1024xf32>
    %reduce_sum3A_227 = arith.constant dense<0.000000e+00> : vector<256xf32>
    %reduce_sum3A_228 = vector.multi_reduction <add>, %exp3A_226, %reduce_sum3A_227 [1] : vector<256x1024xf32> to vector<256xf32>
    %broadcast_in_dim3A_229 = vector.shape_cast %reduce_sum3A_228 : vector<256xf32> to vector<256x1xf32>
    %convert_element_type3A_230 = arith.truncf %exp3A_226 : vector<256x1024xf32> to vector<256x1024xbf16>
    %dot_general3A_231 = arith.constant dense<0.000000e+00> : vector<256x64xf32>
    %dot_general3A_232 = tpu.matmul %convert_element_type3A_230, %slice3A_212, %dot_general3A_231 {dimension_numbers = #tpu.dot_dimension_numbers<[1], [0], [0], [1], [0, 0, 1, 1], [], []>, transpose_lhs_hint = false} : vector<256x1024xbf16>, vector<1024x64xbf16>, vector<256x64xf32> -> vector<256x64xf32>
    %div3A_233 = vector.broadcast %broadcast_in_dim3A_229 : vector<256x1xf32> to vector<256x64xf32>
    %div3A_234 = arith.divf %dot_general3A_232, %div3A_233 : vector<256x64xf32>
    %convert_element_type3A_235 = arith.truncf %div3A_234 : vector<256x64xf32> to vector<256x64xbf16>
    %slice3A_236 = vector.extract_strided_slice %get3A_6 {offsets = [0, 576], sizes = [256, 64], strides = [1, 1]} : vector<256x1024xbf16> to vector<256x64xbf16>
    %slice3A_237 = vector.extract_strided_slice %get3A_9 {offsets = [0, 256], sizes = [1024, 64], strides = [1, 1]} : vector<1024x512xbf16> to vector<1024x64xbf16>
    %slice3A_238 = vector.extract_strided_slice %get3A_12 {offsets = [0, 256], sizes = [1024, 64], strides = [1, 1]} : vector<1024x512xbf16> to vector<1024x64xbf16>
    %dot_general3A_239 = arith.constant dense<0.000000e+00> : vector<256x1024xf32>
    %dot_general3A_240 = tpu.matmul %slice3A_236, %slice3A_237, %dot_general3A_239 {dimension_numbers = #tpu.dot_dimension_numbers<[1], [1], [0], [0], [0, 0, 1, 0], [], []>, transpose_lhs_hint = false} : vector<256x64xbf16>, vector<1024x64xbf16>, vector<256x1024xf32> -> vector<256x1024xf32>
    %mul3A_241 = arith.constant 1.250000e-01 : f32
    %mul3A_242 = vector.broadcast %mul3A_241 : f32 to vector<256x1024xf32>
    %mul3A_243 = arith.mulf %dot_general3A_240, %mul3A_242 : vector<256x1024xf32>
    %jit3A_244 = arith.constant -1.000000e+30 : f32
    %broadcast_in_dim3A_245 = vector.broadcast %jit3A_244 : f32 to vector<256x1024xf32>
    %select_n3A_246 = arith.select %ge3A, %mul3A_243, %broadcast_in_dim3A_245 : vector<256x1024xi1>, vector<256x1024xf32>
    %reduce_max3A_247 = arith.constant dense<0xFF800000> : vector<256xf32>
    %reduce_max3A_248 = vector.multi_reduction <maximumf>, %select_n3A_246, %reduce_max3A_247 [1] : vector<256x1024xf32> to vector<256xf32>
    %broadcast_in_dim3A_249 = vector.shape_cast %reduce_max3A_248 : vector<256xf32> to vector<256x1xf32>
    %sub3A_250 = vector.broadcast %broadcast_in_dim3A_249 : vector<256x1xf32> to vector<256x1024xf32>
    %sub3A_251 = arith.subf %select_n3A_246, %sub3A_250 : vector<256x1024xf32>
    %exp3A_252 = math.exp %sub3A_251 : vector<256x1024xf32>
    %reduce_sum3A_253 = arith.constant dense<0.000000e+00> : vector<256xf32>
    %reduce_sum3A_254 = vector.multi_reduction <add>, %exp3A_252, %reduce_sum3A_253 [1] : vector<256x1024xf32> to vector<256xf32>
    %broadcast_in_dim3A_255 = vector.shape_cast %reduce_sum3A_254 : vector<256xf32> to vector<256x1xf32>
    %convert_element_type3A_256 = arith.truncf %exp3A_252 : vector<256x1024xf32> to vector<256x1024xbf16>
    %dot_general3A_257 = arith.constant dense<0.000000e+00> : vector<256x64xf32>
    %dot_general3A_258 = tpu.matmul %convert_element_type3A_256, %slice3A_238, %dot_general3A_257 {dimension_numbers = #tpu.dot_dimension_numbers<[1], [0], [0], [1], [0, 0, 1, 1], [], []>, transpose_lhs_hint = false} : vector<256x1024xbf16>, vector<1024x64xbf16>, vector<256x64xf32> -> vector<256x64xf32>
    %div3A_259 = vector.broadcast %broadcast_in_dim3A_255 : vector<256x1xf32> to vector<256x64xf32>
    %div3A_260 = arith.divf %dot_general3A_258, %div3A_259 : vector<256x64xf32>
    %convert_element_type3A_261 = arith.truncf %div3A_260 : vector<256x64xf32> to vector<256x64xbf16>
    %slice3A_262 = vector.extract_strided_slice %get3A_6 {offsets = [0, 640], sizes = [256, 64], strides = [1, 1]} : vector<256x1024xbf16> to vector<256x64xbf16>
    %slice3A_263 = vector.extract_strided_slice %get3A_9 {offsets = [0, 320], sizes = [1024, 64], strides = [1, 1]} : vector<1024x512xbf16> to vector<1024x64xbf16>
    %slice3A_264 = vector.extract_strided_slice %get3A_12 {offsets = [0, 320], sizes = [1024, 64], strides = [1, 1]} : vector<1024x512xbf16> to vector<1024x64xbf16>
    %dot_general3A_265 = arith.constant dense<0.000000e+00> : vector<256x1024xf32>
    %dot_general3A_266 = tpu.matmul %slice3A_262, %slice3A_263, %dot_general3A_265 {dimension_numbers = #tpu.dot_dimension_numbers<[1], [1], [0], [0], [0, 0, 1, 0], [], []>, transpose_lhs_hint = false} : vector<256x64xbf16>, vector<1024x64xbf16>, vector<256x1024xf32> -> vector<256x1024xf32>
    %mul3A_267 = arith.constant 1.250000e-01 : f32
    %mul3A_268 = vector.broadcast %mul3A_267 : f32 to vector<256x1024xf32>
    %mul3A_269 = arith.mulf %dot_general3A_266, %mul3A_268 : vector<256x1024xf32>
    %jit3A_270 = arith.constant -1.000000e+30 : f32
    %broadcast_in_dim3A_271 = vector.broadcast %jit3A_270 : f32 to vector<256x1024xf32>
    %select_n3A_272 = arith.select %ge3A, %mul3A_269, %broadcast_in_dim3A_271 : vector<256x1024xi1>, vector<256x1024xf32>
    %reduce_max3A_273 = arith.constant dense<0xFF800000> : vector<256xf32>
    %reduce_max3A_274 = vector.multi_reduction <maximumf>, %select_n3A_272, %reduce_max3A_273 [1] : vector<256x1024xf32> to vector<256xf32>
    %broadcast_in_dim3A_275 = vector.shape_cast %reduce_max3A_274 : vector<256xf32> to vector<256x1xf32>
    %sub3A_276 = vector.broadcast %broadcast_in_dim3A_275 : vector<256x1xf32> to vector<256x1024xf32>
    %sub3A_277 = arith.subf %select_n3A_272, %sub3A_276 : vector<256x1024xf32>
    %exp3A_278 = math.exp %sub3A_277 : vector<256x1024xf32>
    %reduce_sum3A_279 = arith.constant dense<0.000000e+00> : vector<256xf32>
    %reduce_sum3A_280 = vector.multi_reduction <add>, %exp3A_278, %reduce_sum3A_279 [1] : vector<256x1024xf32> to vector<256xf32>
    %broadcast_in_dim3A_281 = vector.shape_cast %reduce_sum3A_280 : vector<256xf32> to vector<256x1xf32>
    %convert_element_type3A_282 = arith.truncf %exp3A_278 : vector<256x1024xf32> to vector<256x1024xbf16>
    %dot_general3A_283 = arith.constant dense<0.000000e+00> : vector<256x64xf32>
    %dot_general3A_284 = tpu.matmul %convert_element_type3A_282, %slice3A_264, %dot_general3A_283 {dimension_numbers = #tpu.dot_dimension_numbers<[1], [0], [0], [1], [0, 0, 1, 1], [], []>, transpose_lhs_hint = false} : vector<256x1024xbf16>, vector<1024x64xbf16>, vector<256x64xf32> -> vector<256x64xf32>
    %div3A_285 = vector.broadcast %broadcast_in_dim3A_281 : vector<256x1xf32> to vector<256x64xf32>
    %div3A_286 = arith.divf %dot_general3A_284, %div3A_285 : vector<256x64xf32>
    %convert_element_type3A_287 = arith.truncf %div3A_286 : vector<256x64xf32> to vector<256x64xbf16>
    %slice3A_288 = vector.extract_strided_slice %get3A_6 {offsets = [0, 704], sizes = [256, 64], strides = [1, 1]} : vector<256x1024xbf16> to vector<256x64xbf16>
    %slice3A_289 = vector.extract_strided_slice %get3A_9 {offsets = [0, 320], sizes = [1024, 64], strides = [1, 1]} : vector<1024x512xbf16> to vector<1024x64xbf16>
    %slice3A_290 = vector.extract_strided_slice %get3A_12 {offsets = [0, 320], sizes = [1024, 64], strides = [1, 1]} : vector<1024x512xbf16> to vector<1024x64xbf16>
    %dot_general3A_291 = arith.constant dense<0.000000e+00> : vector<256x1024xf32>
    %dot_general3A_292 = tpu.matmul %slice3A_288, %slice3A_289, %dot_general3A_291 {dimension_numbers = #tpu.dot_dimension_numbers<[1], [1], [0], [0], [0, 0, 1, 0], [], []>, transpose_lhs_hint = false} : vector<256x64xbf16>, vector<1024x64xbf16>, vector<256x1024xf32> -> vector<256x1024xf32>
    %mul3A_293 = arith.constant 1.250000e-01 : f32
    %mul3A_294 = vector.broadcast %mul3A_293 : f32 to vector<256x1024xf32>
    %mul3A_295 = arith.mulf %dot_general3A_292, %mul3A_294 : vector<256x1024xf32>
    %jit3A_296 = arith.constant -1.000000e+30 : f32
    %broadcast_in_dim3A_297 = vector.broadcast %jit3A_296 : f32 to vector<256x1024xf32>
    %select_n3A_298 = arith.select %ge3A, %mul3A_295, %broadcast_in_dim3A_297 : vector<256x1024xi1>, vector<256x1024xf32>
    %reduce_max3A_299 = arith.constant dense<0xFF800000> : vector<256xf32>
    %reduce_max3A_300 = vector.multi_reduction <maximumf>, %select_n3A_298, %reduce_max3A_299 [1] : vector<256x1024xf32> to vector<256xf32>
    %broadcast_in_dim3A_301 = vector.shape_cast %reduce_max3A_300 : vector<256xf32> to vector<256x1xf32>
    %sub3A_302 = vector.broadcast %broadcast_in_dim3A_301 : vector<256x1xf32> to vector<256x1024xf32>
    %sub3A_303 = arith.subf %select_n3A_298, %sub3A_302 : vector<256x1024xf32>
    %exp3A_304 = math.exp %sub3A_303 : vector<256x1024xf32>
    %reduce_sum3A_305 = arith.constant dense<0.000000e+00> : vector<256xf32>
    %reduce_sum3A_306 = vector.multi_reduction <add>, %exp3A_304, %reduce_sum3A_305 [1] : vector<256x1024xf32> to vector<256xf32>
    %broadcast_in_dim3A_307 = vector.shape_cast %reduce_sum3A_306 : vector<256xf32> to vector<256x1xf32>
    %convert_element_type3A_308 = arith.truncf %exp3A_304 : vector<256x1024xf32> to vector<256x1024xbf16>
    %dot_general3A_309 = arith.constant dense<0.000000e+00> : vector<256x64xf32>
    %dot_general3A_310 = tpu.matmul %convert_element_type3A_308, %slice3A_290, %dot_general3A_309 {dimension_numbers = #tpu.dot_dimension_numbers<[1], [0], [0], [1], [0, 0, 1, 1], [], []>, transpose_lhs_hint = false} : vector<256x1024xbf16>, vector<1024x64xbf16>, vector<256x64xf32> -> vector<256x64xf32>
    %div3A_311 = vector.broadcast %broadcast_in_dim3A_307 : vector<256x1xf32> to vector<256x64xf32>
    %div3A_312 = arith.divf %dot_general3A_310, %div3A_311 : vector<256x64xf32>
    %convert_element_type3A_313 = arith.truncf %div3A_312 : vector<256x64xf32> to vector<256x64xbf16>
    %slice3A_314 = vector.extract_strided_slice %get3A_6 {offsets = [0, 768], sizes = [256, 64], strides = [1, 1]} : vector<256x1024xbf16> to vector<256x64xbf16>
    %slice3A_315 = vector.extract_strided_slice %get3A_9 {offsets = [0, 384], sizes = [1024, 64], strides = [1, 1]} : vector<1024x512xbf16> to vector<1024x64xbf16>
    %slice3A_316 = vector.extract_strided_slice %get3A_12 {offsets = [0, 384], sizes = [1024, 64], strides = [1, 1]} : vector<1024x512xbf16> to vector<1024x64xbf16>
    %dot_general3A_317 = arith.constant dense<0.000000e+00> : vector<256x1024xf32>
    %dot_general3A_318 = tpu.matmul %slice3A_314, %slice3A_315, %dot_general3A_317 {dimension_numbers = #tpu.dot_dimension_numbers<[1], [1], [0], [0], [0, 0, 1, 0], [], []>, transpose_lhs_hint = false} : vector<256x64xbf16>, vector<1024x64xbf16>, vector<256x1024xf32> -> vector<256x1024xf32>
    %mul3A_319 = arith.constant 1.250000e-01 : f32
    %mul3A_320 = vector.broadcast %mul3A_319 : f32 to vector<256x1024xf32>
    %mul3A_321 = arith.mulf %dot_general3A_318, %mul3A_320 : vector<256x1024xf32>
    %jit3A_322 = arith.constant -1.000000e+30 : f32
    %broadcast_in_dim3A_323 = vector.broadcast %jit3A_322 : f32 to vector<256x1024xf32>
    %select_n3A_324 = arith.select %ge3A, %mul3A_321, %broadcast_in_dim3A_323 : vector<256x1024xi1>, vector<256x1024xf32>
    %reduce_max3A_325 = arith.constant dense<0xFF800000> : vector<256xf32>
    %reduce_max3A_326 = vector.multi_reduction <maximumf>, %select_n3A_324, %reduce_max3A_325 [1] : vector<256x1024xf32> to vector<256xf32>
    %broadcast_in_dim3A_327 = vector.shape_cast %reduce_max3A_326 : vector<256xf32> to vector<256x1xf32>
    %sub3A_328 = vector.broadcast %broadcast_in_dim3A_327 : vector<256x1xf32> to vector<256x1024xf32>
    %sub3A_329 = arith.subf %select_n3A_324, %sub3A_328 : vector<256x1024xf32>
    %exp3A_330 = math.exp %sub3A_329 : vector<256x1024xf32>
    %reduce_sum3A_331 = arith.constant dense<0.000000e+00> : vector<256xf32>
    %reduce_sum3A_332 = vector.multi_reduction <add>, %exp3A_330, %reduce_sum3A_331 [1] : vector<256x1024xf32> to vector<256xf32>
    %broadcast_in_dim3A_333 = vector.shape_cast %reduce_sum3A_332 : vector<256xf32> to vector<256x1xf32>
    %convert_element_type3A_334 = arith.truncf %exp3A_330 : vector<256x1024xf32> to vector<256x1024xbf16>
    %dot_general3A_335 = arith.constant dense<0.000000e+00> : vector<256x64xf32>
    %dot_general3A_336 = tpu.matmul %convert_element_type3A_334, %slice3A_316, %dot_general3A_335 {dimension_numbers = #tpu.dot_dimension_numbers<[1], [0], [0], [1], [0, 0, 1, 1], [], []>, transpose_lhs_hint = false} : vector<256x1024xbf16>, vector<1024x64xbf16>, vector<256x64xf32> -> vector<256x64xf32>
    %div3A_337 = vector.broadcast %broadcast_in_dim3A_333 : vector<256x1xf32> to vector<256x64xf32>
    %div3A_338 = arith.divf %dot_general3A_336, %div3A_337 : vector<256x64xf32>
    %convert_element_type3A_339 = arith.truncf %div3A_338 : vector<256x64xf32> to vector<256x64xbf16>
    %slice3A_340 = vector.extract_strided_slice %get3A_6 {offsets = [0, 832], sizes = [256, 64], strides = [1, 1]} : vector<256x1024xbf16> to vector<256x64xbf16>
    %slice3A_341 = vector.extract_strided_slice %get3A_9 {offsets = [0, 384], sizes = [1024, 64], strides = [1, 1]} : vector<1024x512xbf16> to vector<1024x64xbf16>
    %slice3A_342 = vector.extract_strided_slice %get3A_12 {offsets = [0, 384], sizes = [1024, 64], strides = [1, 1]} : vector<1024x512xbf16> to vector<1024x64xbf16>
    %dot_general3A_343 = arith.constant dense<0.000000e+00> : vector<256x1024xf32>
    %dot_general3A_344 = tpu.matmul %slice3A_340, %slice3A_341, %dot_general3A_343 {dimension_numbers = #tpu.dot_dimension_numbers<[1], [1], [0], [0], [0, 0, 1, 0], [], []>, transpose_lhs_hint = false} : vector<256x64xbf16>, vector<1024x64xbf16>, vector<256x1024xf32> -> vector<256x1024xf32>
    %mul3A_345 = arith.constant 1.250000e-01 : f32
    %mul3A_346 = vector.broadcast %mul3A_345 : f32 to vector<256x1024xf32>
    %mul3A_347 = arith.mulf %dot_general3A_344, %mul3A_346 : vector<256x1024xf32>
    %jit3A_348 = arith.constant -1.000000e+30 : f32
    %broadcast_in_dim3A_349 = vector.broadcast %jit3A_348 : f32 to vector<256x1024xf32>
    %select_n3A_350 = arith.select %ge3A, %mul3A_347, %broadcast_in_dim3A_349 : vector<256x1024xi1>, vector<256x1024xf32>
    %reduce_max3A_351 = arith.constant dense<0xFF800000> : vector<256xf32>
    %reduce_max3A_352 = vector.multi_reduction <maximumf>, %select_n3A_350, %reduce_max3A_351 [1] : vector<256x1024xf32> to vector<256xf32>
    %broadcast_in_dim3A_353 = vector.shape_cast %reduce_max3A_352 : vector<256xf32> to vector<256x1xf32>
    %sub3A_354 = vector.broadcast %broadcast_in_dim3A_353 : vector<256x1xf32> to vector<256x1024xf32>
    %sub3A_355 = arith.subf %select_n3A_350, %sub3A_354 : vector<256x1024xf32>
    %exp3A_356 = math.exp %sub3A_355 : vector<256x1024xf32>
    %reduce_sum3A_357 = arith.constant dense<0.000000e+00> : vector<256xf32>
    %reduce_sum3A_358 = vector.multi_reduction <add>, %exp3A_356, %reduce_sum3A_357 [1] : vector<256x1024xf32> to vector<256xf32>
    %broadcast_in_dim3A_359 = vector.shape_cast %reduce_sum3A_358 : vector<256xf32> to vector<256x1xf32>
    %convert_element_type3A_360 = arith.truncf %exp3A_356 : vector<256x1024xf32> to vector<256x1024xbf16>
    %dot_general3A_361 = arith.constant dense<0.000000e+00> : vector<256x64xf32>
    %dot_general3A_362 = tpu.matmul %convert_element_type3A_360, %slice3A_342, %dot_general3A_361 {dimension_numbers = #tpu.dot_dimension_numbers<[1], [0], [0], [1], [0, 0, 1, 1], [], []>, transpose_lhs_hint = false} : vector<256x1024xbf16>, vector<1024x64xbf16>, vector<256x64xf32> -> vector<256x64xf32>
    %div3A_363 = vector.broadcast %broadcast_in_dim3A_359 : vector<256x1xf32> to vector<256x64xf32>
    %div3A_364 = arith.divf %dot_general3A_362, %div3A_363 : vector<256x64xf32>
    %convert_element_type3A_365 = arith.truncf %div3A_364 : vector<256x64xf32> to vector<256x64xbf16>
    %slice3A_366 = vector.extract_strided_slice %get3A_6 {offsets = [0, 896], sizes = [256, 64], strides = [1, 1]} : vector<256x1024xbf16> to vector<256x64xbf16>
    %slice3A_367 = vector.extract_strided_slice %get3A_9 {offsets = [0, 448], sizes = [1024, 64], strides = [1, 1]} : vector<1024x512xbf16> to vector<1024x64xbf16>
    %slice3A_368 = vector.extract_strided_slice %get3A_12 {offsets = [0, 448], sizes = [1024, 64], strides = [1, 1]} : vector<1024x512xbf16> to vector<1024x64xbf16>
    %dot_general3A_369 = arith.constant dense<0.000000e+00> : vector<256x1024xf32>
    %dot_general3A_370 = tpu.matmul %slice3A_366, %slice3A_367, %dot_general3A_369 {dimension_numbers = #tpu.dot_dimension_numbers<[1], [1], [0], [0], [0, 0, 1, 0], [], []>, transpose_lhs_hint = false} : vector<256x64xbf16>, vector<1024x64xbf16>, vector<256x1024xf32> -> vector<256x1024xf32>
    %mul3A_371 = arith.constant 1.250000e-01 : f32
    %mul3A_372 = vector.broadcast %mul3A_371 : f32 to vector<256x1024xf32>
    %mul3A_373 = arith.mulf %dot_general3A_370, %mul3A_372 : vector<256x1024xf32>
    %jit3A_374 = arith.constant -1.000000e+30 : f32
    %broadcast_in_dim3A_375 = vector.broadcast %jit3A_374 : f32 to vector<256x1024xf32>
    %select_n3A_376 = arith.select %ge3A, %mul3A_373, %broadcast_in_dim3A_375 : vector<256x1024xi1>, vector<256x1024xf32>
    %reduce_max3A_377 = arith.constant dense<0xFF800000> : vector<256xf32>
    %reduce_max3A_378 = vector.multi_reduction <maximumf>, %select_n3A_376, %reduce_max3A_377 [1] : vector<256x1024xf32> to vector<256xf32>
    %broadcast_in_dim3A_379 = vector.shape_cast %reduce_max3A_378 : vector<256xf32> to vector<256x1xf32>
    %sub3A_380 = vector.broadcast %broadcast_in_dim3A_379 : vector<256x1xf32> to vector<256x1024xf32>
    %sub3A_381 = arith.subf %select_n3A_376, %sub3A_380 : vector<256x1024xf32>
    %exp3A_382 = math.exp %sub3A_381 : vector<256x1024xf32>
    %reduce_sum3A_383 = arith.constant dense<0.000000e+00> : vector<256xf32>
    %reduce_sum3A_384 = vector.multi_reduction <add>, %exp3A_382, %reduce_sum3A_383 [1] : vector<256x1024xf32> to vector<256xf32>
    %broadcast_in_dim3A_385 = vector.shape_cast %reduce_sum3A_384 : vector<256xf32> to vector<256x1xf32>
    %convert_element_type3A_386 = arith.truncf %exp3A_382 : vector<256x1024xf32> to vector<256x1024xbf16>
    %dot_general3A_387 = arith.constant dense<0.000000e+00> : vector<256x64xf32>
    %dot_general3A_388 = tpu.matmul %convert_element_type3A_386, %slice3A_368, %dot_general3A_387 {dimension_numbers = #tpu.dot_dimension_numbers<[1], [0], [0], [1], [0, 0, 1, 1], [], []>, transpose_lhs_hint = false} : vector<256x1024xbf16>, vector<1024x64xbf16>, vector<256x64xf32> -> vector<256x64xf32>
    %div3A_389 = vector.broadcast %broadcast_in_dim3A_385 : vector<256x1xf32> to vector<256x64xf32>
    %div3A_390 = arith.divf %dot_general3A_388, %div3A_389 : vector<256x64xf32>
    %convert_element_type3A_391 = arith.truncf %div3A_390 : vector<256x64xf32> to vector<256x64xbf16>
    %slice3A_392 = vector.extract_strided_slice %get3A_6 {offsets = [0, 960], sizes = [256, 64], strides = [1, 1]} : vector<256x1024xbf16> to vector<256x64xbf16>
    %slice3A_393 = vector.extract_strided_slice %get3A_9 {offsets = [0, 448], sizes = [1024, 64], strides = [1, 1]} : vector<1024x512xbf16> to vector<1024x64xbf16>
    %slice3A_394 = vector.extract_strided_slice %get3A_12 {offsets = [0, 448], sizes = [1024, 64], strides = [1, 1]} : vector<1024x512xbf16> to vector<1024x64xbf16>
    %dot_general3A_395 = arith.constant dense<0.000000e+00> : vector<256x1024xf32>
    %dot_general3A_396 = tpu.matmul %slice3A_392, %slice3A_393, %dot_general3A_395 {dimension_numbers = #tpu.dot_dimension_numbers<[1], [1], [0], [0], [0, 0, 1, 0], [], []>, transpose_lhs_hint = false} : vector<256x64xbf16>, vector<1024x64xbf16>, vector<256x1024xf32> -> vector<256x1024xf32>
    %mul3A_397 = arith.constant 1.250000e-01 : f32
    %mul3A_398 = vector.broadcast %mul3A_397 : f32 to vector<256x1024xf32>
    %mul3A_399 = arith.mulf %dot_general3A_396, %mul3A_398 : vector<256x1024xf32>
    %jit3A_400 = arith.constant -1.000000e+30 : f32
    %broadcast_in_dim3A_401 = vector.broadcast %jit3A_400 : f32 to vector<256x1024xf32>
    %select_n3A_402 = arith.select %ge3A, %mul3A_399, %broadcast_in_dim3A_401 : vector<256x1024xi1>, vector<256x1024xf32>
    %reduce_max3A_403 = arith.constant dense<0xFF800000> : vector<256xf32>
    %reduce_max3A_404 = vector.multi_reduction <maximumf>, %select_n3A_402, %reduce_max3A_403 [1] : vector<256x1024xf32> to vector<256xf32>
    %broadcast_in_dim3A_405 = vector.shape_cast %reduce_max3A_404 : vector<256xf32> to vector<256x1xf32>
    %sub3A_406 = vector.broadcast %broadcast_in_dim3A_405 : vector<256x1xf32> to vector<256x1024xf32>
    %sub3A_407 = arith.subf %select_n3A_402, %sub3A_406 : vector<256x1024xf32>
    %exp3A_408 = math.exp %sub3A_407 : vector<256x1024xf32>
    %reduce_sum3A_409 = arith.constant dense<0.000000e+00> : vector<256xf32>
    %reduce_sum3A_410 = vector.multi_reduction <add>, %exp3A_408, %reduce_sum3A_409 [1] : vector<256x1024xf32> to vector<256xf32>
    %broadcast_in_dim3A_411 = vector.shape_cast %reduce_sum3A_410 : vector<256xf32> to vector<256x1xf32>
    %convert_element_type3A_412 = arith.truncf %exp3A_408 : vector<256x1024xf32> to vector<256x1024xbf16>
    %dot_general3A_413 = arith.constant dense<0.000000e+00> : vector<256x64xf32>
    %dot_general3A_414 = tpu.matmul %convert_element_type3A_412, %slice3A_394, %dot_general3A_413 {dimension_numbers = #tpu.dot_dimension_numbers<[1], [0], [0], [1], [0, 0, 1, 1], [], []>, transpose_lhs_hint = false} : vector<256x1024xbf16>, vector<1024x64xbf16>, vector<256x64xf32> -> vector<256x64xf32>
    %div3A_415 = vector.broadcast %broadcast_in_dim3A_411 : vector<256x1xf32> to vector<256x64xf32>
    %div3A_416 = arith.divf %dot_general3A_414, %div3A_415 : vector<256x64xf32>
    %convert_element_type3A_417 = arith.truncf %div3A_416 : vector<256x64xf32> to vector<256x64xbf16>
    %concatenate3A = tpu.concatenate %convert_element_type3A_27, %convert_element_type3A_53, %convert_element_type3A_79, %convert_element_type3A_105, %convert_element_type3A_131, %convert_element_type3A_157, %convert_element_type3A_183, %convert_element_type3A_209, %convert_element_type3A_235, %convert_element_type3A_261, %convert_element_type3A_287, %convert_element_type3A_313, %convert_element_type3A_339, %convert_element_type3A_365, %convert_element_type3A_391, %convert_element_type3A_417 in 1 : vector<256x64xbf16>, vector<256x64xbf16>, vector<256x64xbf16>, vector<256x64xbf16>, vector<256x64xbf16>, vector<256x64xbf16>, vector<256x64xbf16>, vector<256x64xbf16>, vector<256x64xbf16>, vector<256x64xbf16>, vector<256x64xbf16>, vector<256x64xbf16>, vector<256x64xbf16>, vector<256x64xbf16>, vector<256x64xbf16>, vector<256x64xbf16> -> vector<256x1024xbf16>
    %swap3A = arith.constant 0 : index
    %swap3A_418 = arith.constant 0 : index
    %swap3A_419 = vector.load %arg4[%swap3A, %swap3A_418] : memref<256x1024xbf16, #tpu.memory_space<vmem>>, vector<256x1024xbf16>
    tpu.vector_store %arg4[%swap3A, %swap3A_418], %concatenate3A {strides = array<i32>} : memref<256x1024xbf16, #tpu.memory_space<vmem>>, vector<256x1024xbf16>,
    return
  }
  func.func @transform_0(%arg0: i32) -> (i32, i32) {
    %add3A = arith.constant 2 : i32
    %add3A_0 = arith.addi %add3A, %arg0 : i32
    %c0_i32 = arith.constant 0 : i32
    %c0_i32_1 = arith.constant 0 : i32
    return %add3A_0, %c0_i32 : i32, i32
  }
  func.func @transform_1(%arg0: i32) -> (i32, i32) {
    %c0_i32 = arith.constant 0 : i32
    %c0_i32_0 = arith.constant 0 : i32
    %c0_i32_1 = arith.constant 0 : i32
    return %c0_i32, %c0_i32_0 : i32, i32
  }
  func.func @transform_2(%arg0: i32) -> (i32, i32) {
    %c0_i32 = arith.constant 0 : i32
    %c0_i32_0 = arith.constant 0 : i32
    %c0_i32_1 = arith.constant 0 : i32
    return %c0_i32, %c0_i32_0 : i32, i32
  }
  func.func @transform_3(%arg0: i32) -> (i32, i32) {
    %c0_i32 = arith.constant 0 : i32
    %c0_i32_0 = arith.constant 0 : i32
    return %arg0, %c0_i32 : i32, i32
  }
}

module attributes {stable_mosaic.version = 14 : i64} {
  func.func @_attn_body(%arg0: i32, %arg1: memref<256x1024xbf16, #tpu.memory_space<vmem>>, %arg2: memref<512x512xbf16, #tpu.memory_space<vmem>>, %arg3: memref<512x512xbf16, #tpu.memory_space<vmem>>, %arg4: memref<256x1024xbf16, #tpu.memory_space<vmem>>) attributes {dimension_semantics = [#tpu.dimension_semantics<arbitrary>], iteration_bounds = array<i64: 2>, scalar_prefetch = 0 : i64, scratch_operands = 0 : i64, tpu.core_type = #tpu.core_type<tc>, window_params = [{transform_indices = @transform_0, window_bounds = array<i64: 256, 1024>}, {transform_indices = @transform_1, window_bounds = array<i64: 512, 512>}, {transform_indices = @transform_2, window_bounds = array<i64: 512, 512>}, {transform_indices = @transform_3, window_bounds = array<i64: 256, 1024>}]} {
    %add3A = arith.constant 0 : i32
    %add3A_0 = arith.addi %add3A, %arg0 : i32
    %mul3A = arith.constant 256 : i32
    %mul3A_1 = arith.muli %add3A_0, %mul3A : i32
    %iota3A = tpu.iota {dimensions = array<i32: 0>} : vector<256x512xi32>
    %add3A_2 = vector.broadcast %mul3A_1 : i32 to vector<256x512xi32>
    %add3A_3 = arith.addi %add3A_2, %iota3A : vector<256x512xi32>
    %iota3A_4 = tpu.iota {dimensions = array<i32: 1>} : vector<256x512xi32>
    %ge3A = arith.cmpi sge, %add3A_3, %iota3A_4 : vector<256x512xi32>
    %get3A = arith.constant 0 : index
    %get3A_5 = arith.constant 0 : index
    %get3A_6 = vector.load %arg1[%get3A, %get3A_5] : memref<256x1024xbf16, #tpu.memory_space<vmem>>, vector<256x1024xbf16>
    %get3A_7 = arith.constant 0 : index
    %get3A_8 = arith.constant 0 : index
    %get3A_9 = vector.load %arg2[%get3A_7, %get3A_8] : memref<512x512xbf16, #tpu.memory_space<vmem>>, vector<512x512xbf16>
    %get3A_10 = arith.constant 0 : index
    %get3A_11 = arith.constant 0 : index
    %get3A_12 = vector.load %arg3[%get3A_10, %get3A_11] : memref<512x512xbf16, #tpu.memory_space<vmem>>, vector<512x512xbf16>
    %slice3A = vector.extract_strided_slice %get3A_6 {offsets = [0, 0], sizes = [256, 64], strides = [1, 1]} : vector<256x1024xbf16> to vector<256x64xbf16>
    %slice3A_13 = vector.extract_strided_slice %get3A_9 {offsets = [0, 0], sizes = [512, 64], strides = [1, 1]} : vector<512x512xbf16> to vector<512x64xbf16>
    %slice3A_14 = vector.extract_strided_slice %get3A_12 {offsets = [0, 0], sizes = [512, 64], strides = [1, 1]} : vector<512x512xbf16> to vector<512x64xbf16>
    %dot_general3A = arith.constant dense<0.000000e+00> : vector<256x512xf32>
    %dot_general3A_15 = tpu.matmul %slice3A, %slice3A_13, %dot_general3A {dimension_numbers = #tpu.dot_dimension_numbers<[1], [1], [0], [0], [0, 0, 1, 0], [], []>, transpose_lhs_hint = false} : vector<256x64xbf16>, vector<512x64xbf16>, vector<256x512xf32> -> vector<256x512xf32>
    %mul3A_16 = arith.constant 1.250000e-01 : f32
    %mul3A_17 = vector.broadcast %mul3A_16 : f32 to vector<256x512xf32>
    %mul3A_18 = arith.mulf %dot_general3A_15, %mul3A_17 : vector<256x512xf32>
    %jit3A = arith.constant -1.000000e+30 : f32
    %broadcast_in_dim3A = vector.broadcast %jit3A : f32 to vector<256x512xf32>
    %select_n3A = arith.select %ge3A, %mul3A_18, %broadcast_in_dim3A : vector<256x512xi1>, vector<256x512xf32>
    %reduce_max3A = arith.constant dense<0xFF800000> : vector<256xf32>
    %reduce_max3A_19 = vector.multi_reduction <maximumf>, %select_n3A, %reduce_max3A [1] : vector<256x512xf32> to vector<256xf32>
    %broadcast_in_dim3A_20 = vector.shape_cast %reduce_max3A_19 : vector<256xf32> to vector<256x1xf32>
    %sub3A = vector.broadcast %broadcast_in_dim3A_20 : vector<256x1xf32> to vector<256x512xf32>
    %sub3A_21 = arith.subf %select_n3A, %sub3A : vector<256x512xf32>
    %exp3A = math.exp %sub3A_21 : vector<256x512xf32>
    %reduce_sum3A = arith.constant dense<0.000000e+00> : vector<256xf32>
    %reduce_sum3A_22 = vector.multi_reduction <add>, %exp3A, %reduce_sum3A [1] : vector<256x512xf32> to vector<256xf32>
    %broadcast_in_dim3A_23 = vector.shape_cast %reduce_sum3A_22 : vector<256xf32> to vector<256x1xf32>
    %convert_element_type3A = arith.truncf %exp3A : vector<256x512xf32> to vector<256x512xbf16>
    %dot_general3A_24 = arith.constant dense<0.000000e+00> : vector<256x64xf32>
    %dot_general3A_25 = tpu.matmul %convert_element_type3A, %slice3A_14, %dot_general3A_24 {dimension_numbers = #tpu.dot_dimension_numbers<[1], [0], [0], [1], [0, 0, 1, 1], [], []>, transpose_lhs_hint = false} : vector<256x512xbf16>, vector<512x64xbf16>, vector<256x64xf32> -> vector<256x64xf32>
    %div3A = vector.broadcast %broadcast_in_dim3A_23 : vector<256x1xf32> to vector<256x64xf32>
    %div3A_26 = arith.divf %dot_general3A_25, %div3A : vector<256x64xf32>
    %convert_element_type3A_27 = arith.truncf %div3A_26 : vector<256x64xf32> to vector<256x64xbf16>
    %slice3A_28 = vector.extract_strided_slice %get3A_6 {offsets = [0, 64], sizes = [256, 64], strides = [1, 1]} : vector<256x1024xbf16> to vector<256x64xbf16>
    %slice3A_29 = vector.extract_strided_slice %get3A_9 {offsets = [0, 0], sizes = [512, 64], strides = [1, 1]} : vector<512x512xbf16> to vector<512x64xbf16>
    %slice3A_30 = vector.extract_strided_slice %get3A_12 {offsets = [0, 0], sizes = [512, 64], strides = [1, 1]} : vector<512x512xbf16> to vector<512x64xbf16>
    %dot_general3A_31 = arith.constant dense<0.000000e+00> : vector<256x512xf32>
    %dot_general3A_32 = tpu.matmul %slice3A_28, %slice3A_29, %dot_general3A_31 {dimension_numbers = #tpu.dot_dimension_numbers<[1], [1], [0], [0], [0, 0, 1, 0], [], []>, transpose_lhs_hint = false} : vector<256x64xbf16>, vector<512x64xbf16>, vector<256x512xf32> -> vector<256x512xf32>
    %mul3A_33 = arith.constant 1.250000e-01 : f32
    %mul3A_34 = vector.broadcast %mul3A_33 : f32 to vector<256x512xf32>
    %mul3A_35 = arith.mulf %dot_general3A_32, %mul3A_34 : vector<256x512xf32>
    %jit3A_36 = arith.constant -1.000000e+30 : f32
    %broadcast_in_dim3A_37 = vector.broadcast %jit3A_36 : f32 to vector<256x512xf32>
    %select_n3A_38 = arith.select %ge3A, %mul3A_35, %broadcast_in_dim3A_37 : vector<256x512xi1>, vector<256x512xf32>
    %reduce_max3A_39 = arith.constant dense<0xFF800000> : vector<256xf32>
    %reduce_max3A_40 = vector.multi_reduction <maximumf>, %select_n3A_38, %reduce_max3A_39 [1] : vector<256x512xf32> to vector<256xf32>
    %broadcast_in_dim3A_41 = vector.shape_cast %reduce_max3A_40 : vector<256xf32> to vector<256x1xf32>
    %sub3A_42 = vector.broadcast %broadcast_in_dim3A_41 : vector<256x1xf32> to vector<256x512xf32>
    %sub3A_43 = arith.subf %select_n3A_38, %sub3A_42 : vector<256x512xf32>
    %exp3A_44 = math.exp %sub3A_43 : vector<256x512xf32>
    %reduce_sum3A_45 = arith.constant dense<0.000000e+00> : vector<256xf32>
    %reduce_sum3A_46 = vector.multi_reduction <add>, %exp3A_44, %reduce_sum3A_45 [1] : vector<256x512xf32> to vector<256xf32>
    %broadcast_in_dim3A_47 = vector.shape_cast %reduce_sum3A_46 : vector<256xf32> to vector<256x1xf32>
    %convert_element_type3A_48 = arith.truncf %exp3A_44 : vector<256x512xf32> to vector<256x512xbf16>
    %dot_general3A_49 = arith.constant dense<0.000000e+00> : vector<256x64xf32>
    %dot_general3A_50 = tpu.matmul %convert_element_type3A_48, %slice3A_30, %dot_general3A_49 {dimension_numbers = #tpu.dot_dimension_numbers<[1], [0], [0], [1], [0, 0, 1, 1], [], []>, transpose_lhs_hint = false} : vector<256x512xbf16>, vector<512x64xbf16>, vector<256x64xf32> -> vector<256x64xf32>
    %div3A_51 = vector.broadcast %broadcast_in_dim3A_47 : vector<256x1xf32> to vector<256x64xf32>
    %div3A_52 = arith.divf %dot_general3A_50, %div3A_51 : vector<256x64xf32>
    %convert_element_type3A_53 = arith.truncf %div3A_52 : vector<256x64xf32> to vector<256x64xbf16>
    %slice3A_54 = vector.extract_strided_slice %get3A_6 {offsets = [0, 128], sizes = [256, 64], strides = [1, 1]} : vector<256x1024xbf16> to vector<256x64xbf16>
    %slice3A_55 = vector.extract_strided_slice %get3A_9 {offsets = [0, 64], sizes = [512, 64], strides = [1, 1]} : vector<512x512xbf16> to vector<512x64xbf16>
    %slice3A_56 = vector.extract_strided_slice %get3A_12 {offsets = [0, 64], sizes = [512, 64], strides = [1, 1]} : vector<512x512xbf16> to vector<512x64xbf16>
    %dot_general3A_57 = arith.constant dense<0.000000e+00> : vector<256x512xf32>
    %dot_general3A_58 = tpu.matmul %slice3A_54, %slice3A_55, %dot_general3A_57 {dimension_numbers = #tpu.dot_dimension_numbers<[1], [1], [0], [0], [0, 0, 1, 0], [], []>, transpose_lhs_hint = false} : vector<256x64xbf16>, vector<512x64xbf16>, vector<256x512xf32> -> vector<256x512xf32>
    %mul3A_59 = arith.constant 1.250000e-01 : f32
    %mul3A_60 = vector.broadcast %mul3A_59 : f32 to vector<256x512xf32>
    %mul3A_61 = arith.mulf %dot_general3A_58, %mul3A_60 : vector<256x512xf32>
    %jit3A_62 = arith.constant -1.000000e+30 : f32
    %broadcast_in_dim3A_63 = vector.broadcast %jit3A_62 : f32 to vector<256x512xf32>
    %select_n3A_64 = arith.select %ge3A, %mul3A_61, %broadcast_in_dim3A_63 : vector<256x512xi1>, vector<256x512xf32>
    %reduce_max3A_65 = arith.constant dense<0xFF800000> : vector<256xf32>
    %reduce_max3A_66 = vector.multi_reduction <maximumf>, %select_n3A_64, %reduce_max3A_65 [1] : vector<256x512xf32> to vector<256xf32>
    %broadcast_in_dim3A_67 = vector.shape_cast %reduce_max3A_66 : vector<256xf32> to vector<256x1xf32>
    %sub3A_68 = vector.broadcast %broadcast_in_dim3A_67 : vector<256x1xf32> to vector<256x512xf32>
    %sub3A_69 = arith.subf %select_n3A_64, %sub3A_68 : vector<256x512xf32>
    %exp3A_70 = math.exp %sub3A_69 : vector<256x512xf32>
    %reduce_sum3A_71 = arith.constant dense<0.000000e+00> : vector<256xf32>
    %reduce_sum3A_72 = vector.multi_reduction <add>, %exp3A_70, %reduce_sum3A_71 [1] : vector<256x512xf32> to vector<256xf32>
    %broadcast_in_dim3A_73 = vector.shape_cast %reduce_sum3A_72 : vector<256xf32> to vector<256x1xf32>
    %convert_element_type3A_74 = arith.truncf %exp3A_70 : vector<256x512xf32> to vector<256x512xbf16>
    %dot_general3A_75 = arith.constant dense<0.000000e+00> : vector<256x64xf32>
    %dot_general3A_76 = tpu.matmul %convert_element_type3A_74, %slice3A_56, %dot_general3A_75 {dimension_numbers = #tpu.dot_dimension_numbers<[1], [0], [0], [1], [0, 0, 1, 1], [], []>, transpose_lhs_hint = false} : vector<256x512xbf16>, vector<512x64xbf16>, vector<256x64xf32> -> vector<256x64xf32>
    %div3A_77 = vector.broadcast %broadcast_in_dim3A_73 : vector<256x1xf32> to vector<256x64xf32>
    %div3A_78 = arith.divf %dot_general3A_76, %div3A_77 : vector<256x64xf32>
    %convert_element_type3A_79 = arith.truncf %div3A_78 : vector<256x64xf32> to vector<256x64xbf16>
    %slice3A_80 = vector.extract_strided_slice %get3A_6 {offsets = [0, 192], sizes = [256, 64], strides = [1, 1]} : vector<256x1024xbf16> to vector<256x64xbf16>
    %slice3A_81 = vector.extract_strided_slice %get3A_9 {offsets = [0, 64], sizes = [512, 64], strides = [1, 1]} : vector<512x512xbf16> to vector<512x64xbf16>
    %slice3A_82 = vector.extract_strided_slice %get3A_12 {offsets = [0, 64], sizes = [512, 64], strides = [1, 1]} : vector<512x512xbf16> to vector<512x64xbf16>
    %dot_general3A_83 = arith.constant dense<0.000000e+00> : vector<256x512xf32>
    %dot_general3A_84 = tpu.matmul %slice3A_80, %slice3A_81, %dot_general3A_83 {dimension_numbers = #tpu.dot_dimension_numbers<[1], [1], [0], [0], [0, 0, 1, 0], [], []>, transpose_lhs_hint = false} : vector<256x64xbf16>, vector<512x64xbf16>, vector<256x512xf32> -> vector<256x512xf32>
    %mul3A_85 = arith.constant 1.250000e-01 : f32
    %mul3A_86 = vector.broadcast %mul3A_85 : f32 to vector<256x512xf32>
    %mul3A_87 = arith.mulf %dot_general3A_84, %mul3A_86 : vector<256x512xf32>
    %jit3A_88 = arith.constant -1.000000e+30 : f32
    %broadcast_in_dim3A_89 = vector.broadcast %jit3A_88 : f32 to vector<256x512xf32>
    %select_n3A_90 = arith.select %ge3A, %mul3A_87, %broadcast_in_dim3A_89 : vector<256x512xi1>, vector<256x512xf32>
    %reduce_max3A_91 = arith.constant dense<0xFF800000> : vector<256xf32>
    %reduce_max3A_92 = vector.multi_reduction <maximumf>, %select_n3A_90, %reduce_max3A_91 [1] : vector<256x512xf32> to vector<256xf32>
    %broadcast_in_dim3A_93 = vector.shape_cast %reduce_max3A_92 : vector<256xf32> to vector<256x1xf32>
    %sub3A_94 = vector.broadcast %broadcast_in_dim3A_93 : vector<256x1xf32> to vector<256x512xf32>
    %sub3A_95 = arith.subf %select_n3A_90, %sub3A_94 : vector<256x512xf32>
    %exp3A_96 = math.exp %sub3A_95 : vector<256x512xf32>
    %reduce_sum3A_97 = arith.constant dense<0.000000e+00> : vector<256xf32>
    %reduce_sum3A_98 = vector.multi_reduction <add>, %exp3A_96, %reduce_sum3A_97 [1] : vector<256x512xf32> to vector<256xf32>
    %broadcast_in_dim3A_99 = vector.shape_cast %reduce_sum3A_98 : vector<256xf32> to vector<256x1xf32>
    %convert_element_type3A_100 = arith.truncf %exp3A_96 : vector<256x512xf32> to vector<256x512xbf16>
    %dot_general3A_101 = arith.constant dense<0.000000e+00> : vector<256x64xf32>
    %dot_general3A_102 = tpu.matmul %convert_element_type3A_100, %slice3A_82, %dot_general3A_101 {dimension_numbers = #tpu.dot_dimension_numbers<[1], [0], [0], [1], [0, 0, 1, 1], [], []>, transpose_lhs_hint = false} : vector<256x512xbf16>, vector<512x64xbf16>, vector<256x64xf32> -> vector<256x64xf32>
    %div3A_103 = vector.broadcast %broadcast_in_dim3A_99 : vector<256x1xf32> to vector<256x64xf32>
    %div3A_104 = arith.divf %dot_general3A_102, %div3A_103 : vector<256x64xf32>
    %convert_element_type3A_105 = arith.truncf %div3A_104 : vector<256x64xf32> to vector<256x64xbf16>
    %slice3A_106 = vector.extract_strided_slice %get3A_6 {offsets = [0, 256], sizes = [256, 64], strides = [1, 1]} : vector<256x1024xbf16> to vector<256x64xbf16>
    %slice3A_107 = vector.extract_strided_slice %get3A_9 {offsets = [0, 128], sizes = [512, 64], strides = [1, 1]} : vector<512x512xbf16> to vector<512x64xbf16>
    %slice3A_108 = vector.extract_strided_slice %get3A_12 {offsets = [0, 128], sizes = [512, 64], strides = [1, 1]} : vector<512x512xbf16> to vector<512x64xbf16>
    %dot_general3A_109 = arith.constant dense<0.000000e+00> : vector<256x512xf32>
    %dot_general3A_110 = tpu.matmul %slice3A_106, %slice3A_107, %dot_general3A_109 {dimension_numbers = #tpu.dot_dimension_numbers<[1], [1], [0], [0], [0, 0, 1, 0], [], []>, transpose_lhs_hint = false} : vector<256x64xbf16>, vector<512x64xbf16>, vector<256x512xf32> -> vector<256x512xf32>
    %mul3A_111 = arith.constant 1.250000e-01 : f32
    %mul3A_112 = vector.broadcast %mul3A_111 : f32 to vector<256x512xf32>
    %mul3A_113 = arith.mulf %dot_general3A_110, %mul3A_112 : vector<256x512xf32>
    %jit3A_114 = arith.constant -1.000000e+30 : f32
    %broadcast_in_dim3A_115 = vector.broadcast %jit3A_114 : f32 to vector<256x512xf32>
    %select_n3A_116 = arith.select %ge3A, %mul3A_113, %broadcast_in_dim3A_115 : vector<256x512xi1>, vector<256x512xf32>
    %reduce_max3A_117 = arith.constant dense<0xFF800000> : vector<256xf32>
    %reduce_max3A_118 = vector.multi_reduction <maximumf>, %select_n3A_116, %reduce_max3A_117 [1] : vector<256x512xf32> to vector<256xf32>
    %broadcast_in_dim3A_119 = vector.shape_cast %reduce_max3A_118 : vector<256xf32> to vector<256x1xf32>
    %sub3A_120 = vector.broadcast %broadcast_in_dim3A_119 : vector<256x1xf32> to vector<256x512xf32>
    %sub3A_121 = arith.subf %select_n3A_116, %sub3A_120 : vector<256x512xf32>
    %exp3A_122 = math.exp %sub3A_121 : vector<256x512xf32>
    %reduce_sum3A_123 = arith.constant dense<0.000000e+00> : vector<256xf32>
    %reduce_sum3A_124 = vector.multi_reduction <add>, %exp3A_122, %reduce_sum3A_123 [1] : vector<256x512xf32> to vector<256xf32>
    %broadcast_in_dim3A_125 = vector.shape_cast %reduce_sum3A_124 : vector<256xf32> to vector<256x1xf32>
    %convert_element_type3A_126 = arith.truncf %exp3A_122 : vector<256x512xf32> to vector<256x512xbf16>
    %dot_general3A_127 = arith.constant dense<0.000000e+00> : vector<256x64xf32>
    %dot_general3A_128 = tpu.matmul %convert_element_type3A_126, %slice3A_108, %dot_general3A_127 {dimension_numbers = #tpu.dot_dimension_numbers<[1], [0], [0], [1], [0, 0, 1, 1], [], []>, transpose_lhs_hint = false} : vector<256x512xbf16>, vector<512x64xbf16>, vector<256x64xf32> -> vector<256x64xf32>
    %div3A_129 = vector.broadcast %broadcast_in_dim3A_125 : vector<256x1xf32> to vector<256x64xf32>
    %div3A_130 = arith.divf %dot_general3A_128, %div3A_129 : vector<256x64xf32>
    %convert_element_type3A_131 = arith.truncf %div3A_130 : vector<256x64xf32> to vector<256x64xbf16>
    %slice3A_132 = vector.extract_strided_slice %get3A_6 {offsets = [0, 320], sizes = [256, 64], strides = [1, 1]} : vector<256x1024xbf16> to vector<256x64xbf16>
    %slice3A_133 = vector.extract_strided_slice %get3A_9 {offsets = [0, 128], sizes = [512, 64], strides = [1, 1]} : vector<512x512xbf16> to vector<512x64xbf16>
    %slice3A_134 = vector.extract_strided_slice %get3A_12 {offsets = [0, 128], sizes = [512, 64], strides = [1, 1]} : vector<512x512xbf16> to vector<512x64xbf16>
    %dot_general3A_135 = arith.constant dense<0.000000e+00> : vector<256x512xf32>
    %dot_general3A_136 = tpu.matmul %slice3A_132, %slice3A_133, %dot_general3A_135 {dimension_numbers = #tpu.dot_dimension_numbers<[1], [1], [0], [0], [0, 0, 1, 0], [], []>, transpose_lhs_hint = false} : vector<256x64xbf16>, vector<512x64xbf16>, vector<256x512xf32> -> vector<256x512xf32>
    %mul3A_137 = arith.constant 1.250000e-01 : f32
    %mul3A_138 = vector.broadcast %mul3A_137 : f32 to vector<256x512xf32>
    %mul3A_139 = arith.mulf %dot_general3A_136, %mul3A_138 : vector<256x512xf32>
    %jit3A_140 = arith.constant -1.000000e+30 : f32
    %broadcast_in_dim3A_141 = vector.broadcast %jit3A_140 : f32 to vector<256x512xf32>
    %select_n3A_142 = arith.select %ge3A, %mul3A_139, %broadcast_in_dim3A_141 : vector<256x512xi1>, vector<256x512xf32>
    %reduce_max3A_143 = arith.constant dense<0xFF800000> : vector<256xf32>
    %reduce_max3A_144 = vector.multi_reduction <maximumf>, %select_n3A_142, %reduce_max3A_143 [1] : vector<256x512xf32> to vector<256xf32>
    %broadcast_in_dim3A_145 = vector.shape_cast %reduce_max3A_144 : vector<256xf32> to vector<256x1xf32>
    %sub3A_146 = vector.broadcast %broadcast_in_dim3A_145 : vector<256x1xf32> to vector<256x512xf32>
    %sub3A_147 = arith.subf %select_n3A_142, %sub3A_146 : vector<256x512xf32>
    %exp3A_148 = math.exp %sub3A_147 : vector<256x512xf32>
    %reduce_sum3A_149 = arith.constant dense<0.000000e+00> : vector<256xf32>
    %reduce_sum3A_150 = vector.multi_reduction <add>, %exp3A_148, %reduce_sum3A_149 [1] : vector<256x512xf32> to vector<256xf32>
    %broadcast_in_dim3A_151 = vector.shape_cast %reduce_sum3A_150 : vector<256xf32> to vector<256x1xf32>
    %convert_element_type3A_152 = arith.truncf %exp3A_148 : vector<256x512xf32> to vector<256x512xbf16>
    %dot_general3A_153 = arith.constant dense<0.000000e+00> : vector<256x64xf32>
    %dot_general3A_154 = tpu.matmul %convert_element_type3A_152, %slice3A_134, %dot_general3A_153 {dimension_numbers = #tpu.dot_dimension_numbers<[1], [0], [0], [1], [0, 0, 1, 1], [], []>, transpose_lhs_hint = false} : vector<256x512xbf16>, vector<512x64xbf16>, vector<256x64xf32> -> vector<256x64xf32>
    %div3A_155 = vector.broadcast %broadcast_in_dim3A_151 : vector<256x1xf32> to vector<256x64xf32>
    %div3A_156 = arith.divf %dot_general3A_154, %div3A_155 : vector<256x64xf32>
    %convert_element_type3A_157 = arith.truncf %div3A_156 : vector<256x64xf32> to vector<256x64xbf16>
    %slice3A_158 = vector.extract_strided_slice %get3A_6 {offsets = [0, 384], sizes = [256, 64], strides = [1, 1]} : vector<256x1024xbf16> to vector<256x64xbf16>
    %slice3A_159 = vector.extract_strided_slice %get3A_9 {offsets = [0, 192], sizes = [512, 64], strides = [1, 1]} : vector<512x512xbf16> to vector<512x64xbf16>
    %slice3A_160 = vector.extract_strided_slice %get3A_12 {offsets = [0, 192], sizes = [512, 64], strides = [1, 1]} : vector<512x512xbf16> to vector<512x64xbf16>
    %dot_general3A_161 = arith.constant dense<0.000000e+00> : vector<256x512xf32>
    %dot_general3A_162 = tpu.matmul %slice3A_158, %slice3A_159, %dot_general3A_161 {dimension_numbers = #tpu.dot_dimension_numbers<[1], [1], [0], [0], [0, 0, 1, 0], [], []>, transpose_lhs_hint = false} : vector<256x64xbf16>, vector<512x64xbf16>, vector<256x512xf32> -> vector<256x512xf32>
    %mul3A_163 = arith.constant 1.250000e-01 : f32
    %mul3A_164 = vector.broadcast %mul3A_163 : f32 to vector<256x512xf32>
    %mul3A_165 = arith.mulf %dot_general3A_162, %mul3A_164 : vector<256x512xf32>
    %jit3A_166 = arith.constant -1.000000e+30 : f32
    %broadcast_in_dim3A_167 = vector.broadcast %jit3A_166 : f32 to vector<256x512xf32>
    %select_n3A_168 = arith.select %ge3A, %mul3A_165, %broadcast_in_dim3A_167 : vector<256x512xi1>, vector<256x512xf32>
    %reduce_max3A_169 = arith.constant dense<0xFF800000> : vector<256xf32>
    %reduce_max3A_170 = vector.multi_reduction <maximumf>, %select_n3A_168, %reduce_max3A_169 [1] : vector<256x512xf32> to vector<256xf32>
    %broadcast_in_dim3A_171 = vector.shape_cast %reduce_max3A_170 : vector<256xf32> to vector<256x1xf32>
    %sub3A_172 = vector.broadcast %broadcast_in_dim3A_171 : vector<256x1xf32> to vector<256x512xf32>
    %sub3A_173 = arith.subf %select_n3A_168, %sub3A_172 : vector<256x512xf32>
    %exp3A_174 = math.exp %sub3A_173 : vector<256x512xf32>
    %reduce_sum3A_175 = arith.constant dense<0.000000e+00> : vector<256xf32>
    %reduce_sum3A_176 = vector.multi_reduction <add>, %exp3A_174, %reduce_sum3A_175 [1] : vector<256x512xf32> to vector<256xf32>
    %broadcast_in_dim3A_177 = vector.shape_cast %reduce_sum3A_176 : vector<256xf32> to vector<256x1xf32>
    %convert_element_type3A_178 = arith.truncf %exp3A_174 : vector<256x512xf32> to vector<256x512xbf16>
    %dot_general3A_179 = arith.constant dense<0.000000e+00> : vector<256x64xf32>
    %dot_general3A_180 = tpu.matmul %convert_element_type3A_178, %slice3A_160, %dot_general3A_179 {dimension_numbers = #tpu.dot_dimension_numbers<[1], [0], [0], [1], [0, 0, 1, 1], [], []>, transpose_lhs_hint = false} : vector<256x512xbf16>, vector<512x64xbf16>, vector<256x64xf32> -> vector<256x64xf32>
    %div3A_181 = vector.broadcast %broadcast_in_dim3A_177 : vector<256x1xf32> to vector<256x64xf32>
    %div3A_182 = arith.divf %dot_general3A_180, %div3A_181 : vector<256x64xf32>
    %convert_element_type3A_183 = arith.truncf %div3A_182 : vector<256x64xf32> to vector<256x64xbf16>
    %slice3A_184 = vector.extract_strided_slice %get3A_6 {offsets = [0, 448], sizes = [256, 64], strides = [1, 1]} : vector<256x1024xbf16> to vector<256x64xbf16>
    %slice3A_185 = vector.extract_strided_slice %get3A_9 {offsets = [0, 192], sizes = [512, 64], strides = [1, 1]} : vector<512x512xbf16> to vector<512x64xbf16>
    %slice3A_186 = vector.extract_strided_slice %get3A_12 {offsets = [0, 192], sizes = [512, 64], strides = [1, 1]} : vector<512x512xbf16> to vector<512x64xbf16>
    %dot_general3A_187 = arith.constant dense<0.000000e+00> : vector<256x512xf32>
    %dot_general3A_188 = tpu.matmul %slice3A_184, %slice3A_185, %dot_general3A_187 {dimension_numbers = #tpu.dot_dimension_numbers<[1], [1], [0], [0], [0, 0, 1, 0], [], []>, transpose_lhs_hint = false} : vector<256x64xbf16>, vector<512x64xbf16>, vector<256x512xf32> -> vector<256x512xf32>
    %mul3A_189 = arith.constant 1.250000e-01 : f32
    %mul3A_190 = vector.broadcast %mul3A_189 : f32 to vector<256x512xf32>
    %mul3A_191 = arith.mulf %dot_general3A_188, %mul3A_190 : vector<256x512xf32>
    %jit3A_192 = arith.constant -1.000000e+30 : f32
    %broadcast_in_dim3A_193 = vector.broadcast %jit3A_192 : f32 to vector<256x512xf32>
    %select_n3A_194 = arith.select %ge3A, %mul3A_191, %broadcast_in_dim3A_193 : vector<256x512xi1>, vector<256x512xf32>
    %reduce_max3A_195 = arith.constant dense<0xFF800000> : vector<256xf32>
    %reduce_max3A_196 = vector.multi_reduction <maximumf>, %select_n3A_194, %reduce_max3A_195 [1] : vector<256x512xf32> to vector<256xf32>
    %broadcast_in_dim3A_197 = vector.shape_cast %reduce_max3A_196 : vector<256xf32> to vector<256x1xf32>
    %sub3A_198 = vector.broadcast %broadcast_in_dim3A_197 : vector<256x1xf32> to vector<256x512xf32>
    %sub3A_199 = arith.subf %select_n3A_194, %sub3A_198 : vector<256x512xf32>
    %exp3A_200 = math.exp %sub3A_199 : vector<256x512xf32>
    %reduce_sum3A_201 = arith.constant dense<0.000000e+00> : vector<256xf32>
    %reduce_sum3A_202 = vector.multi_reduction <add>, %exp3A_200, %reduce_sum3A_201 [1] : vector<256x512xf32> to vector<256xf32>
    %broadcast_in_dim3A_203 = vector.shape_cast %reduce_sum3A_202 : vector<256xf32> to vector<256x1xf32>
    %convert_element_type3A_204 = arith.truncf %exp3A_200 : vector<256x512xf32> to vector<256x512xbf16>
    %dot_general3A_205 = arith.constant dense<0.000000e+00> : vector<256x64xf32>
    %dot_general3A_206 = tpu.matmul %convert_element_type3A_204, %slice3A_186, %dot_general3A_205 {dimension_numbers = #tpu.dot_dimension_numbers<[1], [0], [0], [1], [0, 0, 1, 1], [], []>, transpose_lhs_hint = false} : vector<256x512xbf16>, vector<512x64xbf16>, vector<256x64xf32> -> vector<256x64xf32>
    %div3A_207 = vector.broadcast %broadcast_in_dim3A_203 : vector<256x1xf32> to vector<256x64xf32>
    %div3A_208 = arith.divf %dot_general3A_206, %div3A_207 : vector<256x64xf32>
    %convert_element_type3A_209 = arith.truncf %div3A_208 : vector<256x64xf32> to vector<256x64xbf16>
    %slice3A_210 = vector.extract_strided_slice %get3A_6 {offsets = [0, 512], sizes = [256, 64], strides = [1, 1]} : vector<256x1024xbf16> to vector<256x64xbf16>
    %slice3A_211 = vector.extract_strided_slice %get3A_9 {offsets = [0, 256], sizes = [512, 64], strides = [1, 1]} : vector<512x512xbf16> to vector<512x64xbf16>
    %slice3A_212 = vector.extract_strided_slice %get3A_12 {offsets = [0, 256], sizes = [512, 64], strides = [1, 1]} : vector<512x512xbf16> to vector<512x64xbf16>
    %dot_general3A_213 = arith.constant dense<0.000000e+00> : vector<256x512xf32>
    %dot_general3A_214 = tpu.matmul %slice3A_210, %slice3A_211, %dot_general3A_213 {dimension_numbers = #tpu.dot_dimension_numbers<[1], [1], [0], [0], [0, 0, 1, 0], [], []>, transpose_lhs_hint = false} : vector<256x64xbf16>, vector<512x64xbf16>, vector<256x512xf32> -> vector<256x512xf32>
    %mul3A_215 = arith.constant 1.250000e-01 : f32
    %mul3A_216 = vector.broadcast %mul3A_215 : f32 to vector<256x512xf32>
    %mul3A_217 = arith.mulf %dot_general3A_214, %mul3A_216 : vector<256x512xf32>
    %jit3A_218 = arith.constant -1.000000e+30 : f32
    %broadcast_in_dim3A_219 = vector.broadcast %jit3A_218 : f32 to vector<256x512xf32>
    %select_n3A_220 = arith.select %ge3A, %mul3A_217, %broadcast_in_dim3A_219 : vector<256x512xi1>, vector<256x512xf32>
    %reduce_max3A_221 = arith.constant dense<0xFF800000> : vector<256xf32>
    %reduce_max3A_222 = vector.multi_reduction <maximumf>, %select_n3A_220, %reduce_max3A_221 [1] : vector<256x512xf32> to vector<256xf32>
    %broadcast_in_dim3A_223 = vector.shape_cast %reduce_max3A_222 : vector<256xf32> to vector<256x1xf32>
    %sub3A_224 = vector.broadcast %broadcast_in_dim3A_223 : vector<256x1xf32> to vector<256x512xf32>
    %sub3A_225 = arith.subf %select_n3A_220, %sub3A_224 : vector<256x512xf32>
    %exp3A_226 = math.exp %sub3A_225 : vector<256x512xf32>
    %reduce_sum3A_227 = arith.constant dense<0.000000e+00> : vector<256xf32>
    %reduce_sum3A_228 = vector.multi_reduction <add>, %exp3A_226, %reduce_sum3A_227 [1] : vector<256x512xf32> to vector<256xf32>
    %broadcast_in_dim3A_229 = vector.shape_cast %reduce_sum3A_228 : vector<256xf32> to vector<256x1xf32>
    %convert_element_type3A_230 = arith.truncf %exp3A_226 : vector<256x512xf32> to vector<256x512xbf16>
    %dot_general3A_231 = arith.constant dense<0.000000e+00> : vector<256x64xf32>
    %dot_general3A_232 = tpu.matmul %convert_element_type3A_230, %slice3A_212, %dot_general3A_231 {dimension_numbers = #tpu.dot_dimension_numbers<[1], [0], [0], [1], [0, 0, 1, 1], [], []>, transpose_lhs_hint = false} : vector<256x512xbf16>, vector<512x64xbf16>, vector<256x64xf32> -> vector<256x64xf32>
    %div3A_233 = vector.broadcast %broadcast_in_dim3A_229 : vector<256x1xf32> to vector<256x64xf32>
    %div3A_234 = arith.divf %dot_general3A_232, %div3A_233 : vector<256x64xf32>
    %convert_element_type3A_235 = arith.truncf %div3A_234 : vector<256x64xf32> to vector<256x64xbf16>
    %slice3A_236 = vector.extract_strided_slice %get3A_6 {offsets = [0, 576], sizes = [256, 64], strides = [1, 1]} : vector<256x1024xbf16> to vector<256x64xbf16>
    %slice3A_237 = vector.extract_strided_slice %get3A_9 {offsets = [0, 256], sizes = [512, 64], strides = [1, 1]} : vector<512x512xbf16> to vector<512x64xbf16>
    %slice3A_238 = vector.extract_strided_slice %get3A_12 {offsets = [0, 256], sizes = [512, 64], strides = [1, 1]} : vector<512x512xbf16> to vector<512x64xbf16>
    %dot_general3A_239 = arith.constant dense<0.000000e+00> : vector<256x512xf32>
    %dot_general3A_240 = tpu.matmul %slice3A_236, %slice3A_237, %dot_general3A_239 {dimension_numbers = #tpu.dot_dimension_numbers<[1], [1], [0], [0], [0, 0, 1, 0], [], []>, transpose_lhs_hint = false} : vector<256x64xbf16>, vector<512x64xbf16>, vector<256x512xf32> -> vector<256x512xf32>
    %mul3A_241 = arith.constant 1.250000e-01 : f32
    %mul3A_242 = vector.broadcast %mul3A_241 : f32 to vector<256x512xf32>
    %mul3A_243 = arith.mulf %dot_general3A_240, %mul3A_242 : vector<256x512xf32>
    %jit3A_244 = arith.constant -1.000000e+30 : f32
    %broadcast_in_dim3A_245 = vector.broadcast %jit3A_244 : f32 to vector<256x512xf32>
    %select_n3A_246 = arith.select %ge3A, %mul3A_243, %broadcast_in_dim3A_245 : vector<256x512xi1>, vector<256x512xf32>
    %reduce_max3A_247 = arith.constant dense<0xFF800000> : vector<256xf32>
    %reduce_max3A_248 = vector.multi_reduction <maximumf>, %select_n3A_246, %reduce_max3A_247 [1] : vector<256x512xf32> to vector<256xf32>
    %broadcast_in_dim3A_249 = vector.shape_cast %reduce_max3A_248 : vector<256xf32> to vector<256x1xf32>
    %sub3A_250 = vector.broadcast %broadcast_in_dim3A_249 : vector<256x1xf32> to vector<256x512xf32>
    %sub3A_251 = arith.subf %select_n3A_246, %sub3A_250 : vector<256x512xf32>
    %exp3A_252 = math.exp %sub3A_251 : vector<256x512xf32>
    %reduce_sum3A_253 = arith.constant dense<0.000000e+00> : vector<256xf32>
    %reduce_sum3A_254 = vector.multi_reduction <add>, %exp3A_252, %reduce_sum3A_253 [1] : vector<256x512xf32> to vector<256xf32>
    %broadcast_in_dim3A_255 = vector.shape_cast %reduce_sum3A_254 : vector<256xf32> to vector<256x1xf32>
    %convert_element_type3A_256 = arith.truncf %exp3A_252 : vector<256x512xf32> to vector<256x512xbf16>
    %dot_general3A_257 = arith.constant dense<0.000000e+00> : vector<256x64xf32>
    %dot_general3A_258 = tpu.matmul %convert_element_type3A_256, %slice3A_238, %dot_general3A_257 {dimension_numbers = #tpu.dot_dimension_numbers<[1], [0], [0], [1], [0, 0, 1, 1], [], []>, transpose_lhs_hint = false} : vector<256x512xbf16>, vector<512x64xbf16>, vector<256x64xf32> -> vector<256x64xf32>
    %div3A_259 = vector.broadcast %broadcast_in_dim3A_255 : vector<256x1xf32> to vector<256x64xf32>
    %div3A_260 = arith.divf %dot_general3A_258, %div3A_259 : vector<256x64xf32>
    %convert_element_type3A_261 = arith.truncf %div3A_260 : vector<256x64xf32> to vector<256x64xbf16>
    %slice3A_262 = vector.extract_strided_slice %get3A_6 {offsets = [0, 640], sizes = [256, 64], strides = [1, 1]} : vector<256x1024xbf16> to vector<256x64xbf16>
    %slice3A_263 = vector.extract_strided_slice %get3A_9 {offsets = [0, 320], sizes = [512, 64], strides = [1, 1]} : vector<512x512xbf16> to vector<512x64xbf16>
    %slice3A_264 = vector.extract_strided_slice %get3A_12 {offsets = [0, 320], sizes = [512, 64], strides = [1, 1]} : vector<512x512xbf16> to vector<512x64xbf16>
    %dot_general3A_265 = arith.constant dense<0.000000e+00> : vector<256x512xf32>
    %dot_general3A_266 = tpu.matmul %slice3A_262, %slice3A_263, %dot_general3A_265 {dimension_numbers = #tpu.dot_dimension_numbers<[1], [1], [0], [0], [0, 0, 1, 0], [], []>, transpose_lhs_hint = false} : vector<256x64xbf16>, vector<512x64xbf16>, vector<256x512xf32> -> vector<256x512xf32>
    %mul3A_267 = arith.constant 1.250000e-01 : f32
    %mul3A_268 = vector.broadcast %mul3A_267 : f32 to vector<256x512xf32>
    %mul3A_269 = arith.mulf %dot_general3A_266, %mul3A_268 : vector<256x512xf32>
    %jit3A_270 = arith.constant -1.000000e+30 : f32
    %broadcast_in_dim3A_271 = vector.broadcast %jit3A_270 : f32 to vector<256x512xf32>
    %select_n3A_272 = arith.select %ge3A, %mul3A_269, %broadcast_in_dim3A_271 : vector<256x512xi1>, vector<256x512xf32>
    %reduce_max3A_273 = arith.constant dense<0xFF800000> : vector<256xf32>
    %reduce_max3A_274 = vector.multi_reduction <maximumf>, %select_n3A_272, %reduce_max3A_273 [1] : vector<256x512xf32> to vector<256xf32>
    %broadcast_in_dim3A_275 = vector.shape_cast %reduce_max3A_274 : vector<256xf32> to vector<256x1xf32>
    %sub3A_276 = vector.broadcast %broadcast_in_dim3A_275 : vector<256x1xf32> to vector<256x512xf32>
    %sub3A_277 = arith.subf %select_n3A_272, %sub3A_276 : vector<256x512xf32>
    %exp3A_278 = math.exp %sub3A_277 : vector<256x512xf32>
    %reduce_sum3A_279 = arith.constant dense<0.000000e+00> : vector<256xf32>
    %reduce_sum3A_280 = vector.multi_reduction <add>, %exp3A_278, %reduce_sum3A_279 [1] : vector<256x512xf32> to vector<256xf32>
    %broadcast_in_dim3A_281 = vector.shape_cast %reduce_sum3A_280 : vector<256xf32> to vector<256x1xf32>
    %convert_element_type3A_282 = arith.truncf %exp3A_278 : vector<256x512xf32> to vector<256x512xbf16>
    %dot_general3A_283 = arith.constant dense<0.000000e+00> : vector<256x64xf32>
    %dot_general3A_284 = tpu.matmul %convert_element_type3A_282, %slice3A_264, %dot_general3A_283 {dimension_numbers = #tpu.dot_dimension_numbers<[1], [0], [0], [1], [0, 0, 1, 1], [], []>, transpose_lhs_hint = false} : vector<256x512xbf16>, vector<512x64xbf16>, vector<256x64xf32> -> vector<256x64xf32>
    %div3A_285 = vector.broadcast %broadcast_in_dim3A_281 : vector<256x1xf32> to vector<256x64xf32>
    %div3A_286 = arith.divf %dot_general3A_284, %div3A_285 : vector<256x64xf32>
    %convert_element_type3A_287 = arith.truncf %div3A_286 : vector<256x64xf32> to vector<256x64xbf16>
    %slice3A_288 = vector.extract_strided_slice %get3A_6 {offsets = [0, 704], sizes = [256, 64], strides = [1, 1]} : vector<256x1024xbf16> to vector<256x64xbf16>
    %slice3A_289 = vector.extract_strided_slice %get3A_9 {offsets = [0, 320], sizes = [512, 64], strides = [1, 1]} : vector<512x512xbf16> to vector<512x64xbf16>
    %slice3A_290 = vector.extract_strided_slice %get3A_12 {offsets = [0, 320], sizes = [512, 64], strides = [1, 1]} : vector<512x512xbf16> to vector<512x64xbf16>
    %dot_general3A_291 = arith.constant dense<0.000000e+00> : vector<256x512xf32>
    %dot_general3A_292 = tpu.matmul %slice3A_288, %slice3A_289, %dot_general3A_291 {dimension_numbers = #tpu.dot_dimension_numbers<[1], [1], [0], [0], [0, 0, 1, 0], [], []>, transpose_lhs_hint = false} : vector<256x64xbf16>, vector<512x64xbf16>, vector<256x512xf32> -> vector<256x512xf32>
    %mul3A_293 = arith.constant 1.250000e-01 : f32
    %mul3A_294 = vector.broadcast %mul3A_293 : f32 to vector<256x512xf32>
    %mul3A_295 = arith.mulf %dot_general3A_292, %mul3A_294 : vector<256x512xf32>
    %jit3A_296 = arith.constant -1.000000e+30 : f32
    %broadcast_in_dim3A_297 = vector.broadcast %jit3A_296 : f32 to vector<256x512xf32>
    %select_n3A_298 = arith.select %ge3A, %mul3A_295, %broadcast_in_dim3A_297 : vector<256x512xi1>, vector<256x512xf32>
    %reduce_max3A_299 = arith.constant dense<0xFF800000> : vector<256xf32>
    %reduce_max3A_300 = vector.multi_reduction <maximumf>, %select_n3A_298, %reduce_max3A_299 [1] : vector<256x512xf32> to vector<256xf32>
    %broadcast_in_dim3A_301 = vector.shape_cast %reduce_max3A_300 : vector<256xf32> to vector<256x1xf32>
    %sub3A_302 = vector.broadcast %broadcast_in_dim3A_301 : vector<256x1xf32> to vector<256x512xf32>
    %sub3A_303 = arith.subf %select_n3A_298, %sub3A_302 : vector<256x512xf32>
    %exp3A_304 = math.exp %sub3A_303 : vector<256x512xf32>
    %reduce_sum3A_305 = arith.constant dense<0.000000e+00> : vector<256xf32>
    %reduce_sum3A_306 = vector.multi_reduction <add>, %exp3A_304, %reduce_sum3A_305 [1] : vector<256x512xf32> to vector<256xf32>
    %broadcast_in_dim3A_307 = vector.shape_cast %reduce_sum3A_306 : vector<256xf32> to vector<256x1xf32>
    %convert_element_type3A_308 = arith.truncf %exp3A_304 : vector<256x512xf32> to vector<256x512xbf16>
    %dot_general3A_309 = arith.constant dense<0.000000e+00> : vector<256x64xf32>
    %dot_general3A_310 = tpu.matmul %convert_element_type3A_308, %slice3A_290, %dot_general3A_309 {dimension_numbers = #tpu.dot_dimension_numbers<[1], [0], [0], [1], [0, 0, 1, 1], [], []>, transpose_lhs_hint = false} : vector<256x512xbf16>, vector<512x64xbf16>, vector<256x64xf32> -> vector<256x64xf32>
    %div3A_311 = vector.broadcast %broadcast_in_dim3A_307 : vector<256x1xf32> to vector<256x64xf32>
    %div3A_312 = arith.divf %dot_general3A_310, %div3A_311 : vector<256x64xf32>
    %convert_element_type3A_313 = arith.truncf %div3A_312 : vector<256x64xf32> to vector<256x64xbf16>
    %slice3A_314 = vector.extract_strided_slice %get3A_6 {offsets = [0, 768], sizes = [256, 64], strides = [1, 1]} : vector<256x1024xbf16> to vector<256x64xbf16>
    %slice3A_315 = vector.extract_strided_slice %get3A_9 {offsets = [0, 384], sizes = [512, 64], strides = [1, 1]} : vector<512x512xbf16> to vector<512x64xbf16>
    %slice3A_316 = vector.extract_strided_slice %get3A_12 {offsets = [0, 384], sizes = [512, 64], strides = [1, 1]} : vector<512x512xbf16> to vector<512x64xbf16>
    %dot_general3A_317 = arith.constant dense<0.000000e+00> : vector<256x512xf32>
    %dot_general3A_318 = tpu.matmul %slice3A_314, %slice3A_315, %dot_general3A_317 {dimension_numbers = #tpu.dot_dimension_numbers<[1], [1], [0], [0], [0, 0, 1, 0], [], []>, transpose_lhs_hint = false} : vector<256x64xbf16>, vector<512x64xbf16>, vector<256x512xf32> -> vector<256x512xf32>
    %mul3A_319 = arith.constant 1.250000e-01 : f32
    %mul3A_320 = vector.broadcast %mul3A_319 : f32 to vector<256x512xf32>
    %mul3A_321 = arith.mulf %dot_general3A_318, %mul3A_320 : vector<256x512xf32>
    %jit3A_322 = arith.constant -1.000000e+30 : f32
    %broadcast_in_dim3A_323 = vector.broadcast %jit3A_322 : f32 to vector<256x512xf32>
    %select_n3A_324 = arith.select %ge3A, %mul3A_321, %broadcast_in_dim3A_323 : vector<256x512xi1>, vector<256x512xf32>
    %reduce_max3A_325 = arith.constant dense<0xFF800000> : vector<256xf32>
    %reduce_max3A_326 = vector.multi_reduction <maximumf>, %select_n3A_324, %reduce_max3A_325 [1] : vector<256x512xf32> to vector<256xf32>
    %broadcast_in_dim3A_327 = vector.shape_cast %reduce_max3A_326 : vector<256xf32> to vector<256x1xf32>
    %sub3A_328 = vector.broadcast %broadcast_in_dim3A_327 : vector<256x1xf32> to vector<256x512xf32>
    %sub3A_329 = arith.subf %select_n3A_324, %sub3A_328 : vector<256x512xf32>
    %exp3A_330 = math.exp %sub3A_329 : vector<256x512xf32>
    %reduce_sum3A_331 = arith.constant dense<0.000000e+00> : vector<256xf32>
    %reduce_sum3A_332 = vector.multi_reduction <add>, %exp3A_330, %reduce_sum3A_331 [1] : vector<256x512xf32> to vector<256xf32>
    %broadcast_in_dim3A_333 = vector.shape_cast %reduce_sum3A_332 : vector<256xf32> to vector<256x1xf32>
    %convert_element_type3A_334 = arith.truncf %exp3A_330 : vector<256x512xf32> to vector<256x512xbf16>
    %dot_general3A_335 = arith.constant dense<0.000000e+00> : vector<256x64xf32>
    %dot_general3A_336 = tpu.matmul %convert_element_type3A_334, %slice3A_316, %dot_general3A_335 {dimension_numbers = #tpu.dot_dimension_numbers<[1], [0], [0], [1], [0, 0, 1, 1], [], []>, transpose_lhs_hint = false} : vector<256x512xbf16>, vector<512x64xbf16>, vector<256x64xf32> -> vector<256x64xf32>
    %div3A_337 = vector.broadcast %broadcast_in_dim3A_333 : vector<256x1xf32> to vector<256x64xf32>
    %div3A_338 = arith.divf %dot_general3A_336, %div3A_337 : vector<256x64xf32>
    %convert_element_type3A_339 = arith.truncf %div3A_338 : vector<256x64xf32> to vector<256x64xbf16>
    %slice3A_340 = vector.extract_strided_slice %get3A_6 {offsets = [0, 832], sizes = [256, 64], strides = [1, 1]} : vector<256x1024xbf16> to vector<256x64xbf16>
    %slice3A_341 = vector.extract_strided_slice %get3A_9 {offsets = [0, 384], sizes = [512, 64], strides = [1, 1]} : vector<512x512xbf16> to vector<512x64xbf16>
    %slice3A_342 = vector.extract_strided_slice %get3A_12 {offsets = [0, 384], sizes = [512, 64], strides = [1, 1]} : vector<512x512xbf16> to vector<512x64xbf16>
    %dot_general3A_343 = arith.constant dense<0.000000e+00> : vector<256x512xf32>
    %dot_general3A_344 = tpu.matmul %slice3A_340, %slice3A_341, %dot_general3A_343 {dimension_numbers = #tpu.dot_dimension_numbers<[1], [1], [0], [0], [0, 0, 1, 0], [], []>, transpose_lhs_hint = false} : vector<256x64xbf16>, vector<512x64xbf16>, vector<256x512xf32> -> vector<256x512xf32>
    %mul3A_345 = arith.constant 1.250000e-01 : f32
    %mul3A_346 = vector.broadcast %mul3A_345 : f32 to vector<256x512xf32>
    %mul3A_347 = arith.mulf %dot_general3A_344, %mul3A_346 : vector<256x512xf32>
    %jit3A_348 = arith.constant -1.000000e+30 : f32
    %broadcast_in_dim3A_349 = vector.broadcast %jit3A_348 : f32 to vector<256x512xf32>
    %select_n3A_350 = arith.select %ge3A, %mul3A_347, %broadcast_in_dim3A_349 : vector<256x512xi1>, vector<256x512xf32>
    %reduce_max3A_351 = arith.constant dense<0xFF800000> : vector<256xf32>
    %reduce_max3A_352 = vector.multi_reduction <maximumf>, %select_n3A_350, %reduce_max3A_351 [1] : vector<256x512xf32> to vector<256xf32>
    %broadcast_in_dim3A_353 = vector.shape_cast %reduce_max3A_352 : vector<256xf32> to vector<256x1xf32>
    %sub3A_354 = vector.broadcast %broadcast_in_dim3A_353 : vector<256x1xf32> to vector<256x512xf32>
    %sub3A_355 = arith.subf %select_n3A_350, %sub3A_354 : vector<256x512xf32>
    %exp3A_356 = math.exp %sub3A_355 : vector<256x512xf32>
    %reduce_sum3A_357 = arith.constant dense<0.000000e+00> : vector<256xf32>
    %reduce_sum3A_358 = vector.multi_reduction <add>, %exp3A_356, %reduce_sum3A_357 [1] : vector<256x512xf32> to vector<256xf32>
    %broadcast_in_dim3A_359 = vector.shape_cast %reduce_sum3A_358 : vector<256xf32> to vector<256x1xf32>
    %convert_element_type3A_360 = arith.truncf %exp3A_356 : vector<256x512xf32> to vector<256x512xbf16>
    %dot_general3A_361 = arith.constant dense<0.000000e+00> : vector<256x64xf32>
    %dot_general3A_362 = tpu.matmul %convert_element_type3A_360, %slice3A_342, %dot_general3A_361 {dimension_numbers = #tpu.dot_dimension_numbers<[1], [0], [0], [1], [0, 0, 1, 1], [], []>, transpose_lhs_hint = false} : vector<256x512xbf16>, vector<512x64xbf16>, vector<256x64xf32> -> vector<256x64xf32>
    %div3A_363 = vector.broadcast %broadcast_in_dim3A_359 : vector<256x1xf32> to vector<256x64xf32>
    %div3A_364 = arith.divf %dot_general3A_362, %div3A_363 : vector<256x64xf32>
    %convert_element_type3A_365 = arith.truncf %div3A_364 : vector<256x64xf32> to vector<256x64xbf16>
    %slice3A_366 = vector.extract_strided_slice %get3A_6 {offsets = [0, 896], sizes = [256, 64], strides = [1, 1]} : vector<256x1024xbf16> to vector<256x64xbf16>
    %slice3A_367 = vector.extract_strided_slice %get3A_9 {offsets = [0, 448], sizes = [512, 64], strides = [1, 1]} : vector<512x512xbf16> to vector<512x64xbf16>
    %slice3A_368 = vector.extract_strided_slice %get3A_12 {offsets = [0, 448], sizes = [512, 64], strides = [1, 1]} : vector<512x512xbf16> to vector<512x64xbf16>
    %dot_general3A_369 = arith.constant dense<0.000000e+00> : vector<256x512xf32>
    %dot_general3A_370 = tpu.matmul %slice3A_366, %slice3A_367, %dot_general3A_369 {dimension_numbers = #tpu.dot_dimension_numbers<[1], [1], [0], [0], [0, 0, 1, 0], [], []>, transpose_lhs_hint = false} : vector<256x64xbf16>, vector<512x64xbf16>, vector<256x512xf32> -> vector<256x512xf32>
    %mul3A_371 = arith.constant 1.250000e-01 : f32
    %mul3A_372 = vector.broadcast %mul3A_371 : f32 to vector<256x512xf32>
    %mul3A_373 = arith.mulf %dot_general3A_370, %mul3A_372 : vector<256x512xf32>
    %jit3A_374 = arith.constant -1.000000e+30 : f32
    %broadcast_in_dim3A_375 = vector.broadcast %jit3A_374 : f32 to vector<256x512xf32>
    %select_n3A_376 = arith.select %ge3A, %mul3A_373, %broadcast_in_dim3A_375 : vector<256x512xi1>, vector<256x512xf32>
    %reduce_max3A_377 = arith.constant dense<0xFF800000> : vector<256xf32>
    %reduce_max3A_378 = vector.multi_reduction <maximumf>, %select_n3A_376, %reduce_max3A_377 [1] : vector<256x512xf32> to vector<256xf32>
    %broadcast_in_dim3A_379 = vector.shape_cast %reduce_max3A_378 : vector<256xf32> to vector<256x1xf32>
    %sub3A_380 = vector.broadcast %broadcast_in_dim3A_379 : vector<256x1xf32> to vector<256x512xf32>
    %sub3A_381 = arith.subf %select_n3A_376, %sub3A_380 : vector<256x512xf32>
    %exp3A_382 = math.exp %sub3A_381 : vector<256x512xf32>
    %reduce_sum3A_383 = arith.constant dense<0.000000e+00> : vector<256xf32>
    %reduce_sum3A_384 = vector.multi_reduction <add>, %exp3A_382, %reduce_sum3A_383 [1] : vector<256x512xf32> to vector<256xf32>
    %broadcast_in_dim3A_385 = vector.shape_cast %reduce_sum3A_384 : vector<256xf32> to vector<256x1xf32>
    %convert_element_type3A_386 = arith.truncf %exp3A_382 : vector<256x512xf32> to vector<256x512xbf16>
    %dot_general3A_387 = arith.constant dense<0.000000e+00> : vector<256x64xf32>
    %dot_general3A_388 = tpu.matmul %convert_element_type3A_386, %slice3A_368, %dot_general3A_387 {dimension_numbers = #tpu.dot_dimension_numbers<[1], [0], [0], [1], [0, 0, 1, 1], [], []>, transpose_lhs_hint = false} : vector<256x512xbf16>, vector<512x64xbf16>, vector<256x64xf32> -> vector<256x64xf32>
    %div3A_389 = vector.broadcast %broadcast_in_dim3A_385 : vector<256x1xf32> to vector<256x64xf32>
    %div3A_390 = arith.divf %dot_general3A_388, %div3A_389 : vector<256x64xf32>
    %convert_element_type3A_391 = arith.truncf %div3A_390 : vector<256x64xf32> to vector<256x64xbf16>
    %slice3A_392 = vector.extract_strided_slice %get3A_6 {offsets = [0, 960], sizes = [256, 64], strides = [1, 1]} : vector<256x1024xbf16> to vector<256x64xbf16>
    %slice3A_393 = vector.extract_strided_slice %get3A_9 {offsets = [0, 448], sizes = [512, 64], strides = [1, 1]} : vector<512x512xbf16> to vector<512x64xbf16>
    %slice3A_394 = vector.extract_strided_slice %get3A_12 {offsets = [0, 448], sizes = [512, 64], strides = [1, 1]} : vector<512x512xbf16> to vector<512x64xbf16>
    %dot_general3A_395 = arith.constant dense<0.000000e+00> : vector<256x512xf32>
    %dot_general3A_396 = tpu.matmul %slice3A_392, %slice3A_393, %dot_general3A_395 {dimension_numbers = #tpu.dot_dimension_numbers<[1], [1], [0], [0], [0, 0, 1, 0], [], []>, transpose_lhs_hint = false} : vector<256x64xbf16>, vector<512x64xbf16>, vector<256x512xf32> -> vector<256x512xf32>
    %mul3A_397 = arith.constant 1.250000e-01 : f32
    %mul3A_398 = vector.broadcast %mul3A_397 : f32 to vector<256x512xf32>
    %mul3A_399 = arith.mulf %dot_general3A_396, %mul3A_398 : vector<256x512xf32>
    %jit3A_400 = arith.constant -1.000000e+30 : f32
    %broadcast_in_dim3A_401 = vector.broadcast %jit3A_400 : f32 to vector<256x512xf32>
    %select_n3A_402 = arith.select %ge3A, %mul3A_399, %broadcast_in_dim3A_401 : vector<256x512xi1>, vector<256x512xf32>
    %reduce_max3A_403 = arith.constant dense<0xFF800000> : vector<256xf32>
    %reduce_max3A_404 = vector.multi_reduction <maximumf>, %select_n3A_402, %reduce_max3A_403 [1] : vector<256x512xf32> to vector<256xf32>
    %broadcast_in_dim3A_405 = vector.shape_cast %reduce_max3A_404 : vector<256xf32> to vector<256x1xf32>
    %sub3A_406 = vector.broadcast %broadcast_in_dim3A_405 : vector<256x1xf32> to vector<256x512xf32>
    %sub3A_407 = arith.subf %select_n3A_402, %sub3A_406 : vector<256x512xf32>
    %exp3A_408 = math.exp %sub3A_407 : vector<256x512xf32>
    %reduce_sum3A_409 = arith.constant dense<0.000000e+00> : vector<256xf32>
    %reduce_sum3A_410 = vector.multi_reduction <add>, %exp3A_408, %reduce_sum3A_409 [1] : vector<256x512xf32> to vector<256xf32>
    %broadcast_in_dim3A_411 = vector.shape_cast %reduce_sum3A_410 : vector<256xf32> to vector<256x1xf32>
    %convert_element_type3A_412 = arith.truncf %exp3A_408 : vector<256x512xf32> to vector<256x512xbf16>
    %dot_general3A_413 = arith.constant dense<0.000000e+00> : vector<256x64xf32>
    %dot_general3A_414 = tpu.matmul %convert_element_type3A_412, %slice3A_394, %dot_general3A_413 {dimension_numbers = #tpu.dot_dimension_numbers<[1], [0], [0], [1], [0, 0, 1, 1], [], []>, transpose_lhs_hint = false} : vector<256x512xbf16>, vector<512x64xbf16>, vector<256x64xf32> -> vector<256x64xf32>
    %div3A_415 = vector.broadcast %broadcast_in_dim3A_411 : vector<256x1xf32> to vector<256x64xf32>
    %div3A_416 = arith.divf %dot_general3A_414, %div3A_415 : vector<256x64xf32>
    %convert_element_type3A_417 = arith.truncf %div3A_416 : vector<256x64xf32> to vector<256x64xbf16>
    %concatenate3A = tpu.concatenate %convert_element_type3A_27, %convert_element_type3A_53, %convert_element_type3A_79, %convert_element_type3A_105, %convert_element_type3A_131, %convert_element_type3A_157, %convert_element_type3A_183, %convert_element_type3A_209, %convert_element_type3A_235, %convert_element_type3A_261, %convert_element_type3A_287, %convert_element_type3A_313, %convert_element_type3A_339, %convert_element_type3A_365, %convert_element_type3A_391, %convert_element_type3A_417 in 1 : vector<256x64xbf16>, vector<256x64xbf16>, vector<256x64xbf16>, vector<256x64xbf16>, vector<256x64xbf16>, vector<256x64xbf16>, vector<256x64xbf16>, vector<256x64xbf16>, vector<256x64xbf16>, vector<256x64xbf16>, vector<256x64xbf16>, vector<256x64xbf16>, vector<256x64xbf16>, vector<256x64xbf16>, vector<256x64xbf16>, vector<256x64xbf16> -> vector<256x1024xbf16>
    %swap3A = arith.constant 0 : index
    %swap3A_418 = arith.constant 0 : index
    %swap3A_419 = vector.load %arg4[%swap3A, %swap3A_418] : memref<256x1024xbf16, #tpu.memory_space<vmem>>, vector<256x1024xbf16>
    tpu.vector_store %arg4[%swap3A, %swap3A_418], %concatenate3A {strides = array<i32>} : memref<256x1024xbf16, #tpu.memory_space<vmem>>, vector<256x1024xbf16>,
    return
  }
  func.func @transform_0(%arg0: i32) -> (i32, i32) {
    %add3A = arith.constant 0 : i32
    %add3A_0 = arith.addi %add3A, %arg0 : i32
    %c0_i32 = arith.constant 0 : i32
    %c0_i32_1 = arith.constant 0 : i32
    return %add3A_0, %c0_i32 : i32, i32
  }
  func.func @transform_1(%arg0: i32) -> (i32, i32) {
    %c0_i32 = arith.constant 0 : i32
    %c0_i32_0 = arith.constant 0 : i32
    %c0_i32_1 = arith.constant 0 : i32
    return %c0_i32, %c0_i32_0 : i32, i32
  }
  func.func @transform_2(%arg0: i32) -> (i32, i32) {
    %c0_i32 = arith.constant 0 : i32
    %c0_i32_0 = arith.constant 0 : i32
    %c0_i32_1 = arith.constant 0 : i32
    return %c0_i32, %c0_i32_0 : i32, i32
  }
  func.func @transform_3(%arg0: i32) -> (i32, i32) {
    %c0_i32 = arith.constant 0 : i32
    %c0_i32_0 = arith.constant 0 : i32
    return %arg0, %c0_i32 : i32, i32
  }
}

module attributes {stable_mosaic.version = 14 : i64} {
  func.func @_post_body(%arg0: i32, %arg1: memref<256x1024xbf16, #tpu.memory_space<vmem>>, %arg2: memref<1024x1024xbf16, #tpu.memory_space<vmem>>, %arg3: memref<256x1024xf32, #tpu.memory_space<vmem>>, %arg4: memref<1x1024xf32, #tpu.memory_space<vmem>>, %arg5: memref<1024x8xf32, #tpu.memory_space<vmem>>, %arg6: memref<256x1024xf32, #tpu.memory_space<vmem>>, %arg7: memref<256x1024xf32, #tpu.memory_space<vmem>>, %arg8: memref<256x2xi32, #tpu.memory_space<vmem>>, %arg9: memref<256x2xf32, #tpu.memory_space<vmem>>, %arg10: memref<256x2xf32, #tpu.memory_space<vmem>>, %arg11: memref<1x8xf32, #tpu.memory_space<vmem>>, %arg12: memref<8x128xf32, #tpu.memory_space<vmem>>) attributes {dimension_semantics = [#tpu.dimension_semantics<arbitrary>], iteration_bounds = array<i64: 8>, scalar_prefetch = 0 : i64, scratch_operands = 1 : i64, tpu.core_type = #tpu.core_type<tc>, window_params = [{transform_indices = @transform_0, window_bounds = array<i64: 256, 1024>}, {pipeline_mode = #tpu.pipeline_mode<synchronous>, transform_indices = @transform_1, window_bounds = array<i64: 1024, 1024>}, {transform_indices = @transform_2, window_bounds = array<i64: 256, 1024>}, {pipeline_mode = #tpu.pipeline_mode<synchronous>, transform_indices = @transform_3, window_bounds = array<i64: 1, 1024>}, {pipeline_mode = #tpu.pipeline_mode<synchronous>, transform_indices = @transform_4, window_bounds = array<i64: 1024, 8>}, {transform_indices = @transform_5, window_bounds = array<i64: 256, 1024>}, {transform_indices = @transform_6, window_bounds = array<i64: 256, 1024>}, {transform_indices = @transform_7, window_bounds = array<i64: 256, 2>}, {transform_indices = @transform_8, window_bounds = array<i64: 256, 2>}, {transform_indices = @transform_9, window_bounds = array<i64: 256, 2>}, {pipeline_mode = #tpu.pipeline_mode<synchronous>, transform_indices = @transform_10, window_bounds = array<i64: 1, 8>}]} {
    %get3A = arith.constant 0 : index
    %get3A_0 = arith.constant 0 : index
    %get3A_1 = vector.load %arg1[%get3A, %get3A_0] : memref<256x1024xbf16, #tpu.memory_space<vmem>>, vector<256x1024xbf16>
    %get3A_2 = arith.constant 0 : index
    %get3A_3 = arith.constant 0 : index
    %get3A_4 = vector.load %arg2[%get3A_2, %get3A_3] : memref<1024x1024xbf16, #tpu.memory_space<vmem>>, vector<1024x1024xbf16>
    %dot_general3A = arith.constant dense<0.000000e+00> : vector<256x1024xf32>
    %dot_general3A_5 = tpu.matmul %get3A_1, %get3A_4, %dot_general3A {dimension_numbers = #tpu.dot_dimension_numbers<[1], [0], [0], [1], [0, 0, 1, 1], [], []>, transpose_lhs_hint = false} : vector<256x1024xbf16>, vector<1024x1024xbf16>, vector<256x1024xf32> -> vector<256x1024xf32>
    %get3A_6 = arith.constant 0 : index
    %get3A_7 = arith.constant 0 : index
    %get3A_8 = vector.load %arg3[%get3A_6, %get3A_7] : memref<256x1024xf32, #tpu.memory_space<vmem>>, vector<256x1024xf32>
    %add3A = arith.addf %get3A_8, %dot_general3A_5 : vector<256x1024xf32>
    %swap3A = arith.constant 0 : index
    %swap3A_9 = arith.constant 0 : index
    %swap3A_10 = vector.load %arg6[%swap3A, %swap3A_9] : memref<256x1024xf32, #tpu.memory_space<vmem>>, vector<256x1024xf32>
    tpu.vector_store %arg6[%swap3A, %swap3A_9], %add3A {strides = array<i32>} : memref<256x1024xf32, #tpu.memory_space<vmem>>, vector<256x1024xf32>,
    %get3A_11 = arith.constant 0 : index
    %get3A_12 = arith.constant 0 : index
    %get3A_13 = vector.load %arg4[%get3A_11, %get3A_12] : memref<1x1024xf32, #tpu.memory_space<vmem>>, vector<1x1024xf32>
    %square3A = arith.mulf %add3A, %add3A : vector<256x1024xf32>
    %reduce_sum3A = arith.constant dense<0.000000e+00> : vector<256xf32>
    %reduce_sum3A_14 = vector.multi_reduction <add>, %square3A, %reduce_sum3A [1] : vector<256x1024xf32> to vector<256xf32>
    %broadcast_in_dim3A = vector.shape_cast %reduce_sum3A_14 : vector<256xf32> to vector<256x1xf32>
    %div3A = arith.constant 1.024000e+03 : f32
    %div3A_15 = vector.broadcast %div3A : f32 to vector<256x1xf32>
    %div3A_16 = arith.divf %broadcast_in_dim3A, %div3A_15 : vector<256x1xf32>
    %add3A_17 = arith.constant 9.99999997E-7 : f32
    %add3A_18 = vector.broadcast %add3A_17 : f32 to vector<256x1xf32>
    %add3A_19 = arith.addf %div3A_16, %add3A_18 : vector<256x1xf32>
    %rsqrt3A = math.rsqrt %add3A_19 : vector<256x1xf32>
    %mul3A = vector.broadcast %rsqrt3A : vector<256x1xf32> to vector<256x1024xf32>
    %mul3A_20 = arith.mulf %add3A, %mul3A : vector<256x1024xf32>
    %mul3A_21 = vector.broadcast %get3A_13 : vector<1x1024xf32> to vector<256x1024xf32>
    %mul3A_22 = arith.mulf %mul3A_20, %mul3A_21 : vector<256x1024xf32>
    %swap3A_23 = arith.constant 0 : index
    %swap3A_24 = arith.constant 0 : index
    %swap3A_25 = vector.load %arg7[%swap3A_23, %swap3A_24] : memref<256x1024xf32, #tpu.memory_space<vmem>>, vector<256x1024xf32>
    tpu.vector_store %arg7[%swap3A_23, %swap3A_24], %mul3A_22 {strides = array<i32>} : memref<256x1024xf32, #tpu.memory_space<vmem>>, vector<256x1024xf32>,
    %get3A_26 = arith.constant 0 : index
    %get3A_27 = arith.constant 0 : index
    %get3A_28 = vector.load %arg5[%get3A_26, %get3A_27] : memref<1024x8xf32, #tpu.memory_space<vmem>>, vector<1024x8xf32>
    %dot_general3A_29 = arith.constant dense<0.000000e+00> : vector<256x8xf32>
    %dot_general3A_30 = tpu.matmul %mul3A_22, %get3A_28, %dot_general3A_29 {dimension_numbers = #tpu.dot_dimension_numbers<[1], [0], [0], [1], [0, 0, 1, 1], [], []>, transpose_lhs_hint = false} : vector<256x1024xf32>, vector<1024x8xf32>, vector<256x8xf32> -> vector<256x8xf32>
    %reduce_max3A = arith.constant dense<0xFF800000> : vector<256xf32>
    %reduce_max3A_31 = vector.multi_reduction <maximumf>, %dot_general3A_30, %reduce_max3A [1] : vector<256x8xf32> to vector<256xf32>
    %broadcast_in_dim3A_32 = vector.shape_cast %reduce_max3A_31 : vector<256xf32> to vector<256x1xf32>
    %sub3A = vector.broadcast %broadcast_in_dim3A_32 : vector<256x1xf32> to vector<256x8xf32>
    %sub3A_33 = arith.subf %dot_general3A_30, %sub3A : vector<256x8xf32>
    %exp3A = math.exp %sub3A_33 : vector<256x8xf32>
    %reduce_sum3A_34 = arith.constant dense<0.000000e+00> : vector<256xf32>
    %reduce_sum3A_35 = vector.multi_reduction <add>, %exp3A, %reduce_sum3A_34 [1] : vector<256x8xf32> to vector<256xf32>
    %broadcast_in_dim3A_36 = vector.shape_cast %reduce_sum3A_35 : vector<256xf32> to vector<256x1xf32>
    %div3A_37 = vector.broadcast %broadcast_in_dim3A_36 : vector<256x1xf32> to vector<256x8xf32>
    %div3A_38 = arith.divf %exp3A, %div3A_37 : vector<256x8xf32>
    %iota3A = tpu.iota {dimensions = array<i32: 1>} : vector<256x8xi32>
    %reduce_max3A_39 = arith.constant dense<0xFF800000> : vector<256xf32>
    %reduce_max3A_40 = vector.multi_reduction <maximumf>, %div3A_38, %reduce_max3A_39 [1] : vector<256x8xf32> to vector<256xf32>
    %broadcast_in_dim3A_41 = vector.shape_cast %reduce_max3A_40 : vector<256xf32> to vector<256x1xf32>
    %eq3A = vector.broadcast %broadcast_in_dim3A_41 : vector<256x1xf32> to vector<256x8xf32>
    %eq3A_42 = arith.cmpf oeq, %div3A_38, %eq3A : vector<256x8xf32>
    %jit3A = arith.constant 127 : i32
    %broadcast_in_dim3A_43 = vector.broadcast %jit3A : i32 to vector<256x8xi32>
    %select_n3A = arith.select %eq3A_42, %iota3A, %broadcast_in_dim3A_43 : vector<256x8xi1>, vector<256x8xi32>
    %reduce_min3A = arith.constant dense<2147483647> : vector<256xi32>
    %reduce_min3A_44 = vector.multi_reduction <minsi>, %select_n3A, %reduce_min3A [1] : vector<256x8xi32> to vector<256xi32>
    %broadcast_in_dim3A_45 = vector.shape_cast %reduce_min3A_44 : vector<256xi32> to vector<256x1xi32>
    %eq3A_46 = vector.broadcast %broadcast_in_dim3A_45 : vector<256x1xi32> to vector<256x8xi32>
    %eq3A_47 = arith.cmpi eq, %iota3A, %eq3A_46 : vector<256x8xi32>
    %jit3A_48 = arith.constant -1.000000e+00 : f32
    %broadcast_in_dim3A_49 = vector.broadcast %jit3A_48 : f32 to vector<256x8xf32>
    %select_n3A_50 = arith.select %eq3A_47, %broadcast_in_dim3A_49, %div3A_38 : vector<256x8xi1>, vector<256x8xf32>
    %reduce_max3A_51 = arith.constant dense<0xFF800000> : vector<256xf32>
    %reduce_max3A_52 = vector.multi_reduction <maximumf>, %select_n3A_50, %reduce_max3A_51 [1] : vector<256x8xf32> to vector<256xf32>
    %broadcast_in_dim3A_53 = vector.shape_cast %reduce_max3A_52 : vector<256xf32> to vector<256x1xf32>
    %eq3A_54 = vector.broadcast %broadcast_in_dim3A_53 : vector<256x1xf32> to vector<256x8xf32>
    %eq3A_55 = arith.cmpf oeq, %select_n3A_50, %eq3A_54 : vector<256x8xf32>
    %jit3A_56 = arith.constant 127 : i32
    %broadcast_in_dim3A_57 = vector.broadcast %jit3A_56 : i32 to vector<256x8xi32>
    %select_n3A_58 = arith.select %eq3A_55, %iota3A, %broadcast_in_dim3A_57 : vector<256x8xi1>, vector<256x8xi32>
    %reduce_min3A_59 = arith.constant dense<2147483647> : vector<256xi32>
    %reduce_min3A_60 = vector.multi_reduction <minsi>, %select_n3A_58, %reduce_min3A_59 [1] : vector<256x8xi32> to vector<256xi32>
    %broadcast_in_dim3A_61 = vector.shape_cast %reduce_min3A_60 : vector<256xi32> to vector<256x1xi32>
    %eq3A_62 = vector.broadcast %broadcast_in_dim3A_61 : vector<256x1xi32> to vector<256x8xi32>
    %eq3A_63 = arith.cmpi eq, %iota3A, %eq3A_62 : vector<256x8xi32>
    %or3A = arith.ori %eq3A_47, %eq3A_63 : vector<256x8xi1>
    %convert_element_type3A = arith.extui %or3A : vector<256x8xi1> to vector<256x8xi32>
    %convert_element_type3A_64 = arith.sitofp %convert_element_type3A : vector<256x8xi32> to vector<256x8xf32>
    %convert_element_type3A_65 = arith.truncf %convert_element_type3A_64 : vector<256x8xf32> to vector<256x8xbf16>
    %iota3A_66 = tpu.iota {dimensions = array<i32: 0>} : vector<256x256xi32>
    %iota3A_67 = tpu.iota {dimensions = array<i32: 1>} : vector<256x256xi32>
    %gt3A = arith.cmpi sgt, %iota3A_66, %iota3A_67 : vector<256x256xi32>
    %convert_element_type3A_68 = arith.extui %gt3A : vector<256x256xi1> to vector<256x256xi32>
    %convert_element_type3A_69 = arith.sitofp %convert_element_type3A_68 : vector<256x256xi32> to vector<256x256xf32>
    %convert_element_type3A_70 = arith.truncf %convert_element_type3A_69 : vector<256x256xf32> to vector<256x256xbf16>
    %dot_general3A_71 = arith.constant dense<0.000000e+00> : vector<256x8xf32>
    %dot_general3A_72 = tpu.matmul %convert_element_type3A_70, %convert_element_type3A_65, %dot_general3A_71 {dimension_numbers = #tpu.dot_dimension_numbers<[1], [0], [0], [1], [0, 0, 1, 1], [], []>, transpose_lhs_hint = false} : vector<256x256xbf16>, vector<256x8xbf16>, vector<256x8xf32> -> vector<256x8xf32>
    %eq3A_73 = arith.constant 0 : i32
    %eq3A_74 = arith.cmpi eq, %arg0, %eq3A_73 : i32
    %convert_element_type3A_75 = arith.extui %eq3A_74 : i1 to i32
    %cond3A = arith.constant 0 : i32
    %cond3A_76 = arith.cmpi ne, %convert_element_type3A_75, %cond3A : i32
    scf.if %cond3A_76 {
      %broadcast_in_dim3A_119 = arith.constant 0.000000e+00 : f32
      %broadcast_in_dim3A_120 = vector.broadcast %broadcast_in_dim3A_119 : f32 to vector<8x128xf32>
      %swap3A_121 = arith.constant 0 : index
      %swap3A_122 = arith.constant 0 : index
      %swap3A_123 = vector.load %arg12[%swap3A_121, %swap3A_122] : memref<8x128xf32, #tpu.memory_space<vmem>>, vector<8x128xf32>
      tpu.vector_store %arg12[%swap3A_121, %swap3A_122], %broadcast_in_dim3A_120 {strides = array<i32>} : memref<8x128xf32, #tpu.memory_space<vmem>>, vector<8x128xf32>,
    } else {
    }
    %get3A_77 = arith.constant 0 : index
    %get3A_78 = arith.constant 0 : index
    %get3A_79 = vector.load %arg12[%get3A_77, %get3A_78] : memref<8x128xf32, #tpu.memory_space<vmem>>, vector<1x8xf32>
    %add3A_80 = vector.broadcast %get3A_79 : vector<1x8xf32> to vector<256x8xf32>
    %add3A_81 = arith.addf %dot_general3A_72, %add3A_80 : vector<256x8xf32>
    %convert_element_type3A_82 = arith.extf %convert_element_type3A_65 : vector<256x8xbf16> to vector<256x8xf32>
    %reduce_sum3A_83 = arith.constant dense<0.000000e+00> : vector<8xf32>
    %reduce_sum3A_84 = vector.multi_reduction <add>, %convert_element_type3A_82, %reduce_sum3A_83 [0] : vector<256x8xf32> to vector<8xf32>
    %broadcast_in_dim3A_85 = vector.shape_cast %reduce_sum3A_84 : vector<8xf32> to vector<1x8xf32>
    %add3A_86 = arith.addf %get3A_79, %broadcast_in_dim3A_85 : vector<1x8xf32>
    %swap3A_87 = arith.constant 0 : index
    %swap3A_88 = arith.constant 0 : index
    %swap3A_89 = vector.load %arg12[%swap3A_87, %swap3A_88] : memref<8x128xf32, #tpu.memory_space<vmem>>, vector<1x8xf32>
    tpu.vector_store %arg12[%swap3A_87, %swap3A_88], %add3A_86 {strides = array<i32>} : memref<8x128xf32, #tpu.memory_space<vmem>>, vector<1x8xf32>,
    %swap3A_90 = arith.constant 0 : index
    %swap3A_91 = arith.constant 0 : index
    %swap3A_92 = vector.load %arg11[%swap3A_90, %swap3A_91] : memref<1x8xf32, #tpu.memory_space<vmem>>, vector<1x8xf32>
    tpu.vector_store %arg11[%swap3A_90, %swap3A_91], %add3A_86 {strides = array<i32>} : memref<1x8xf32, #tpu.memory_space<vmem>>, vector<1x8xf32>,
    %convert_element_type3A_93 = arith.extui %eq3A_47 : vector<256x8xi1> to vector<256x8xi32>
    %convert_element_type3A_94 = arith.sitofp %convert_element_type3A_93 : vector<256x8xi32> to vector<256x8xf32>
    %convert_element_type3A_95 = arith.extui %eq3A_63 : vector<256x8xi1> to vector<256x8xi32>
    %convert_element_type3A_96 = arith.sitofp %convert_element_type3A_95 : vector<256x8xi32> to vector<256x8xf32>
    %mul3A_97 = arith.mulf %add3A_81, %convert_element_type3A_94 : vector<256x8xf32>
    %reduce_sum3A_98 = arith.constant dense<0.000000e+00> : vector<256xf32>
    %reduce_sum3A_99 = vector.multi_reduction <add>, %mul3A_97, %reduce_sum3A_98 [1] : vector<256x8xf32> to vector<256xf32>
    %broadcast_in_dim3A_100 = vector.shape_cast %reduce_sum3A_99 : vector<256xf32> to vector<256x1xf32>
    %mul3A_101 = arith.mulf %add3A_81, %convert_element_type3A_96 : vector<256x8xf32>
    %reduce_sum3A_102 = arith.constant dense<0.000000e+00> : vector<256xf32>
    %reduce_sum3A_103 = vector.multi_reduction <add>, %mul3A_101, %reduce_sum3A_102 [1] : vector<256x8xf32> to vector<256xf32>
    %broadcast_in_dim3A_104 = vector.shape_cast %reduce_sum3A_103 : vector<256xf32> to vector<256x1xf32>
    %concatenate3A = tpu.concatenate %broadcast_in_dim3A_100, %broadcast_in_dim3A_104 in 1 : vector<256x1xf32>, vector<256x1xf32> -> vector<256x2xf32>
    %swap3A_105 = arith.constant 0 : index
    %swap3A_106 = arith.constant 0 : index
    %swap3A_107 = vector.load %arg9[%swap3A_105, %swap3A_106] : memref<256x2xf32, #tpu.memory_space<vmem>>, vector<256x2xf32>
    tpu.vector_store %arg9[%swap3A_105, %swap3A_106], %concatenate3A {strides = array<i32>} : memref<256x2xf32, #tpu.memory_space<vmem>>, vector<256x2xf32>,
    %concatenate3A_108 = tpu.concatenate %broadcast_in_dim3A_45, %broadcast_in_dim3A_61 in 1 : vector<256x1xi32>, vector<256x1xi32> -> vector<256x2xi32>
    %swap3A_109 = arith.constant 0 : index
    %swap3A_110 = arith.constant 0 : index
    %swap3A_111 = vector.load %arg8[%swap3A_109, %swap3A_110] : memref<256x2xi32, #tpu.memory_space<vmem>>, vector<256x2xi32>
    tpu.vector_store %arg8[%swap3A_109, %swap3A_110], %concatenate3A_108 {strides = array<i32>} : memref<256x2xi32, #tpu.memory_space<vmem>>, vector<256x2xi32>,
    %add3A_112 = arith.addf %broadcast_in_dim3A_41, %broadcast_in_dim3A_53 : vector<256x1xf32>
    %div3A_113 = arith.divf %broadcast_in_dim3A_41, %add3A_112 : vector<256x1xf32>
    %div3A_114 = arith.divf %broadcast_in_dim3A_53, %add3A_112 : vector<256x1xf32>
    %concatenate3A_115 = tpu.concatenate %div3A_113, %div3A_114 in 1 : vector<256x1xf32>, vector<256x1xf32> -> vector<256x2xf32>
    %swap3A_116 = arith.constant 0 : index
    %swap3A_117 = arith.constant 0 : index
    %swap3A_118 = vector.load %arg10[%swap3A_116, %swap3A_117] : memref<256x2xf32, #tpu.memory_space<vmem>>, vector<256x2xf32>
    tpu.vector_store %arg10[%swap3A_116, %swap3A_117], %concatenate3A_115 {strides = array<i32>} : memref<256x2xf32, #tpu.memory_space<vmem>>, vector<256x2xf32>,
    return
  }
  func.func @transform_0(%arg0: i32) -> (i32, i32) {
    %c0_i32 = arith.constant 0 : i32
    %c0_i32_0 = arith.constant 0 : i32
    return %arg0, %c0_i32 : i32, i32
  }
  func.func @transform_1(%arg0: i32) -> (i32, i32) {
    %c0_i32 = arith.constant 0 : i32
    %c0_i32_0 = arith.constant 0 : i32
    %c0_i32_1 = arith.constant 0 : i32
    return %c0_i32, %c0_i32_0 : i32, i32
  }
  func.func @transform_2(%arg0: i32) -> (i32, i32) {
    %c0_i32 = arith.constant 0 : i32
    %c0_i32_0 = arith.constant 0 : i32
    return %arg0, %c0_i32 : i32, i32
  }
  func.func @transform_3(%arg0: i32) -> (i32, i32) {
    %c0_i32 = arith.constant 0 : i32
    %c0_i32_0 = arith.constant 0 : i32
    %c0_i32_1 = arith.constant 0 : i32
    return %c0_i32, %c0_i32_0 : i32, i32
  }
  func.func @transform_4(%arg0: i32) -> (i32, i32) {
    %c0_i32 = arith.constant 0 : i32
    %c0_i32_0 = arith.constant 0 : i32
    %c0_i32_1 = arith.constant 0 : i32
    return %c0_i32, %c0_i32_0 : i32, i32
  }
  func.func @transform_5(%arg0: i32) -> (i32, i32) {
    %c0_i32 = arith.constant 0 : i32
    %c0_i32_0 = arith.constant 0 : i32
    return %arg0, %c0_i32 : i32, i32
  }
  func.func @transform_6(%arg0: i32) -> (i32, i32) {
    %c0_i32 = arith.constant 0 : i32
    %c0_i32_0 = arith.constant 0 : i32
    return %arg0, %c0_i32 : i32, i32
  }
  func.func @transform_7(%arg0: i32) -> (i32, i32) {
    %c0_i32 = arith.constant 0 : i32
    %c0_i32_0 = arith.constant 0 : i32
    return %arg0, %c0_i32 : i32, i32
  }
  func.func @transform_8(%arg0: i32) -> (i32, i32) {
    %c0_i32 = arith.constant 0 : i32
    %c0_i32_0 = arith.constant 0 : i32
    return %arg0, %c0_i32 : i32, i32
  }
  func.func @transform_9(%arg0: i32) -> (i32, i32) {
    %c0_i32 = arith.constant 0 : i32
    %c0_i32_0 = arith.constant 0 : i32
    return %arg0, %c0_i32 : i32, i32
  }
  func.func @transform_10(%arg0: i32) -> (i32, i32) {
    %c0_i32 = arith.constant 0 : i32
    %c0_i32_0 = arith.constant 0 : i32
    %c0_i32_1 = arith.constant 0 : i32
    return %c0_i32, %c0_i32_0 : i32, i32
  }
}

module attributes {stable_mosaic.version = 14 : i64} {
  func.func @_dest_body(%arg0: i32, %arg1: memref<1x8xf32, #tpu.memory_space<vmem>>, %arg2: memref<2048x2xi32, #tpu.memory_space<vmem>>, %arg3: memref<2048x2xf32, #tpu.memory_space<vmem>>, %arg4: memref<2048x2xi32, #tpu.memory_space<vmem>>, %arg5: memref<1x32xi32, #tpu.memory_space<vmem>>) attributes {dimension_semantics = [#tpu.dimension_semantics<arbitrary>], iteration_bounds = array<i64: 1>, scalar_prefetch = 0 : i64, scratch_operands = 0 : i64, tpu.core_type = #tpu.core_type<tc>, window_params = [{pipeline_mode = #tpu.pipeline_mode<synchronous>, transform_indices = @transform_0, window_bounds = array<i64: 1, 8>}, {pipeline_mode = #tpu.pipeline_mode<synchronous>, transform_indices = @transform_1, window_bounds = array<i64: 2048, 2>}, {pipeline_mode = #tpu.pipeline_mode<synchronous>, transform_indices = @transform_2, window_bounds = array<i64: 2048, 2>}, {pipeline_mode = #tpu.pipeline_mode<synchronous>, transform_indices = @transform_3, window_bounds = array<i64: 2048, 2>}, {pipeline_mode = #tpu.pipeline_mode<synchronous>, transform_indices = @transform_4, window_bounds = array<i64: 1, 32>}]} {
    %get3A = arith.constant 0 : index
    %get3A_0 = arith.constant 0 : index
    %get3A_1 = vector.load %arg1[%get3A, %get3A_0] : memref<1x8xf32, #tpu.memory_space<vmem>>, vector<1x8xf32>
    %add3A = arith.constant 2.550000e+02 : f32
    %add3A_2 = vector.broadcast %add3A : f32 to vector<1x8xf32>
    %add3A_3 = arith.addf %get3A_1, %add3A_2 : vector<1x8xf32>
    %div3A = arith.constant 2.560000e+02 : f32
    %div3A_4 = vector.broadcast %div3A : f32 to vector<1x8xf32>
    %div3A_5 = arith.divf %add3A_3, %div3A_4 : vector<1x8xf32>
    %floor3A = math.floor %div3A_5 : vector<1x8xf32>
    %mul3A = arith.constant 2.560000e+02 : f32
    %mul3A_6 = vector.broadcast %mul3A : f32 to vector<1x8xf32>
    %mul3A_7 = arith.mulf %floor3A, %mul3A_6 : vector<1x8xf32>
    %iota3A = tpu.iota {dimensions = array<i32: 0>} : vector<8x8xi32>
    %iota3A_8 = tpu.iota {dimensions = array<i32: 1>} : vector<8x8xi32>
    %lt3A = arith.cmpi slt, %iota3A, %iota3A_8 : vector<8x8xi32>
    %convert_element_type3A = arith.extui %lt3A : vector<8x8xi1> to vector<8x8xi32>
    %convert_element_type3A_9 = arith.sitofp %convert_element_type3A : vector<8x8xi32> to vector<8x8xf32>
    %dot_general3A = arith.constant dense<0.000000e+00> : vector<1x8xf32>
    %dot_general3A_10 = tpu.matmul %mul3A_7, %convert_element_type3A_9, %dot_general3A {dimension_numbers = #tpu.dot_dimension_numbers<[1], [0], [0], [1], [0, 0, 1, 1], [], []>, transpose_lhs_hint = false} : vector<1x8xf32>, vector<8x8xf32>, vector<1x8xf32> -> vector<1x8xf32>
    %get3A_11 = arith.constant 0 : index
    %get3A_12 = arith.constant 0 : index
    %get3A_13 = vector.load %arg2[%get3A_11, %get3A_12] : memref<2048x2xi32, #tpu.memory_space<vmem>>, vector<2048x2xi32>
    %get3A_14 = arith.constant 0 : index
    %get3A_15 = arith.constant 0 : index
    %get3A_16 = vector.load %arg3[%get3A_14, %get3A_15] : memref<2048x2xf32, #tpu.memory_space<vmem>>, vector<2048x2xf32>
    %iota3A_17 = tpu.iota {dimensions = array<i32: 1>} : vector<1x32xi32>
    %broadcast_in_dim3A = arith.constant 8 : i32
    %broadcast_in_dim3A_18 = vector.broadcast %broadcast_in_dim3A : i32 to vector<1x32xi32>
    %slice3A = vector.extract_strided_slice %dot_general3A_10 {offsets = [0, 0], sizes = [1, 1], strides = [1, 1]} : vector<1x8xf32> to vector<1x1xf32>
    %eq3A = arith.constant 0 : i32
    %eq3A_19 = vector.broadcast %eq3A : i32 to vector<2048x2xi32>
    %eq3A_20 = arith.cmpi eq, %get3A_13, %eq3A_19 : vector<2048x2xi32>
    %broadcast_in_dim3A_21 = vector.shape_cast %slice3A : vector<1x1xf32> to vector<1x1xf32>
    %broadcast_in_dim3A_22 = vector.broadcast %broadcast_in_dim3A_21 : vector<1x1xf32> to vector<2048x2xf32>
    %jit3A = arith.constant 0.000000e+00 : f32
    %broadcast_in_dim3A_23 = vector.broadcast %jit3A : f32 to vector<2048x2xf32>
    %select_n3A = arith.select %eq3A_20, %broadcast_in_dim3A_22, %broadcast_in_dim3A_23 : vector<2048x2xi1>, vector<2048x2xf32>
    %add3A_24 = arith.addf %get3A_16, %select_n3A : vector<2048x2xf32>
    %div3A_25 = arith.constant 2.560000e+02 : f32
    %div3A_26 = vector.broadcast %div3A_25 : f32 to vector<1x1xf32>
    %div3A_27 = arith.divf %slice3A, %div3A_26 : vector<1x1xf32>
    %convert_element_type3A_28 = arith.fptosi %div3A_27 : vector<1x1xf32> to vector<1x1xi32>
    %slice3A_29 = vector.extract_strided_slice %mul3A_7 {offsets = [0, 0], sizes = [1, 1], strides = [1, 1]} : vector<1x8xf32> to vector<1x1xf32>
    %div3A_30 = arith.constant 2.560000e+02 : f32
    %div3A_31 = vector.broadcast %div3A_30 : f32 to vector<1x1xf32>
    %div3A_32 = arith.divf %slice3A_29, %div3A_31 : vector<1x1xf32>
    %convert_element_type3A_33 = arith.fptosi %div3A_32 : vector<1x1xf32> to vector<1x1xi32>
    %ge3A = vector.broadcast %convert_element_type3A_28 : vector<1x1xi32> to vector<1x32xi32>
    %ge3A_34 = arith.cmpi sge, %iota3A_17, %ge3A : vector<1x32xi32>
    %add3A_35 = arith.addi %convert_element_type3A_28, %convert_element_type3A_33 : vector<1x1xi32>
    %lt3A_36 = vector.broadcast %add3A_35 : vector<1x1xi32> to vector<1x32xi32>
    %lt3A_37 = arith.cmpi slt, %iota3A_17, %lt3A_36 : vector<1x32xi32>
    %and3A = arith.andi %ge3A_34, %lt3A_37 : vector<1x32xi1>
    %jit3A_38 = arith.constant 0 : i32
    %broadcast_in_dim3A_39 = vector.broadcast %jit3A_38 : i32 to vector<1x32xi32>
    %select_n3A_40 = arith.select %and3A, %broadcast_in_dim3A_39, %broadcast_in_dim3A_18 : vector<1x32xi1>, vector<1x32xi32>
    %slice3A_41 = vector.extract_strided_slice %dot_general3A_10 {offsets = [0, 1], sizes = [1, 1], strides = [1, 1]} : vector<1x8xf32> to vector<1x1xf32>
    %eq3A_42 = arith.constant 1 : i32
    %eq3A_43 = vector.broadcast %eq3A_42 : i32 to vector<2048x2xi32>
    %eq3A_44 = arith.cmpi eq, %get3A_13, %eq3A_43 : vector<2048x2xi32>
    %broadcast_in_dim3A_45 = vector.shape_cast %slice3A_41 : vector<1x1xf32> to vector<1x1xf32>
    %broadcast_in_dim3A_46 = vector.broadcast %broadcast_in_dim3A_45 : vector<1x1xf32> to vector<2048x2xf32>
    %jit3A_47 = arith.constant 0.000000e+00 : f32
    %broadcast_in_dim3A_48 = vector.broadcast %jit3A_47 : f32 to vector<2048x2xf32>
    %select_n3A_49 = arith.select %eq3A_44, %broadcast_in_dim3A_46, %broadcast_in_dim3A_48 : vector<2048x2xi1>, vector<2048x2xf32>
    %add3A_50 = arith.addf %add3A_24, %select_n3A_49 : vector<2048x2xf32>
    %div3A_51 = arith.constant 2.560000e+02 : f32
    %div3A_52 = vector.broadcast %div3A_51 : f32 to vector<1x1xf32>
    %div3A_53 = arith.divf %slice3A_41, %div3A_52 : vector<1x1xf32>
    %convert_element_type3A_54 = arith.fptosi %div3A_53 : vector<1x1xf32> to vector<1x1xi32>
    %slice3A_55 = vector.extract_strided_slice %mul3A_7 {offsets = [0, 1], sizes = [1, 1], strides = [1, 1]} : vector<1x8xf32> to vector<1x1xf32>
    %div3A_56 = arith.constant 2.560000e+02 : f32
    %div3A_57 = vector.broadcast %div3A_56 : f32 to vector<1x1xf32>
    %div3A_58 = arith.divf %slice3A_55, %div3A_57 : vector<1x1xf32>
    %convert_element_type3A_59 = arith.fptosi %div3A_58 : vector<1x1xf32> to vector<1x1xi32>
    %ge3A_60 = vector.broadcast %convert_element_type3A_54 : vector<1x1xi32> to vector<1x32xi32>
    %ge3A_61 = arith.cmpi sge, %iota3A_17, %ge3A_60 : vector<1x32xi32>
    %add3A_62 = arith.addi %convert_element_type3A_54, %convert_element_type3A_59 : vector<1x1xi32>
    %lt3A_63 = vector.broadcast %add3A_62 : vector<1x1xi32> to vector<1x32xi32>
    %lt3A_64 = arith.cmpi slt, %iota3A_17, %lt3A_63 : vector<1x32xi32>
    %and3A_65 = arith.andi %ge3A_61, %lt3A_64 : vector<1x32xi1>
    %jit3A_66 = arith.constant 1 : i32
    %broadcast_in_dim3A_67 = vector.broadcast %jit3A_66 : i32 to vector<1x32xi32>
    %select_n3A_68 = arith.select %and3A_65, %broadcast_in_dim3A_67, %select_n3A_40 : vector<1x32xi1>, vector<1x32xi32>
    %slice3A_69 = vector.extract_strided_slice %dot_general3A_10 {offsets = [0, 2], sizes = [1, 1], strides = [1, 1]} : vector<1x8xf32> to vector<1x1xf32>
    %eq3A_70 = arith.constant 2 : i32
    %eq3A_71 = vector.broadcast %eq3A_70 : i32 to vector<2048x2xi32>
    %eq3A_72 = arith.cmpi eq, %get3A_13, %eq3A_71 : vector<2048x2xi32>
    %broadcast_in_dim3A_73 = vector.shape_cast %slice3A_69 : vector<1x1xf32> to vector<1x1xf32>
    %broadcast_in_dim3A_74 = vector.broadcast %broadcast_in_dim3A_73 : vector<1x1xf32> to vector<2048x2xf32>
    %jit3A_75 = arith.constant 0.000000e+00 : f32
    %broadcast_in_dim3A_76 = vector.broadcast %jit3A_75 : f32 to vector<2048x2xf32>
    %select_n3A_77 = arith.select %eq3A_72, %broadcast_in_dim3A_74, %broadcast_in_dim3A_76 : vector<2048x2xi1>, vector<2048x2xf32>
    %add3A_78 = arith.addf %add3A_50, %select_n3A_77 : vector<2048x2xf32>
    %div3A_79 = arith.constant 2.560000e+02 : f32
    %div3A_80 = vector.broadcast %div3A_79 : f32 to vector<1x1xf32>
    %div3A_81 = arith.divf %slice3A_69, %div3A_80 : vector<1x1xf32>
    %convert_element_type3A_82 = arith.fptosi %div3A_81 : vector<1x1xf32> to vector<1x1xi32>
    %slice3A_83 = vector.extract_strided_slice %mul3A_7 {offsets = [0, 2], sizes = [1, 1], strides = [1, 1]} : vector<1x8xf32> to vector<1x1xf32>
    %div3A_84 = arith.constant 2.560000e+02 : f32
    %div3A_85 = vector.broadcast %div3A_84 : f32 to vector<1x1xf32>
    %div3A_86 = arith.divf %slice3A_83, %div3A_85 : vector<1x1xf32>
    %convert_element_type3A_87 = arith.fptosi %div3A_86 : vector<1x1xf32> to vector<1x1xi32>
    %ge3A_88 = vector.broadcast %convert_element_type3A_82 : vector<1x1xi32> to vector<1x32xi32>
    %ge3A_89 = arith.cmpi sge, %iota3A_17, %ge3A_88 : vector<1x32xi32>
    %add3A_90 = arith.addi %convert_element_type3A_82, %convert_element_type3A_87 : vector<1x1xi32>
    %lt3A_91 = vector.broadcast %add3A_90 : vector<1x1xi32> to vector<1x32xi32>
    %lt3A_92 = arith.cmpi slt, %iota3A_17, %lt3A_91 : vector<1x32xi32>
    %and3A_93 = arith.andi %ge3A_89, %lt3A_92 : vector<1x32xi1>
    %jit3A_94 = arith.constant 2 : i32
    %broadcast_in_dim3A_95 = vector.broadcast %jit3A_94 : i32 to vector<1x32xi32>
    %select_n3A_96 = arith.select %and3A_93, %broadcast_in_dim3A_95, %select_n3A_68 : vector<1x32xi1>, vector<1x32xi32>
    %slice3A_97 = vector.extract_strided_slice %dot_general3A_10 {offsets = [0, 3], sizes = [1, 1], strides = [1, 1]} : vector<1x8xf32> to vector<1x1xf32>
    %eq3A_98 = arith.constant 3 : i32
    %eq3A_99 = vector.broadcast %eq3A_98 : i32 to vector<2048x2xi32>
    %eq3A_100 = arith.cmpi eq, %get3A_13, %eq3A_99 : vector<2048x2xi32>
    %broadcast_in_dim3A_101 = vector.shape_cast %slice3A_97 : vector<1x1xf32> to vector<1x1xf32>
    %broadcast_in_dim3A_102 = vector.broadcast %broadcast_in_dim3A_101 : vector<1x1xf32> to vector<2048x2xf32>
    %jit3A_103 = arith.constant 0.000000e+00 : f32
    %broadcast_in_dim3A_104 = vector.broadcast %jit3A_103 : f32 to vector<2048x2xf32>
    %select_n3A_105 = arith.select %eq3A_100, %broadcast_in_dim3A_102, %broadcast_in_dim3A_104 : vector<2048x2xi1>, vector<2048x2xf32>
    %add3A_106 = arith.addf %add3A_78, %select_n3A_105 : vector<2048x2xf32>
    %div3A_107 = arith.constant 2.560000e+02 : f32
    %div3A_108 = vector.broadcast %div3A_107 : f32 to vector<1x1xf32>
    %div3A_109 = arith.divf %slice3A_97, %div3A_108 : vector<1x1xf32>
    %convert_element_type3A_110 = arith.fptosi %div3A_109 : vector<1x1xf32> to vector<1x1xi32>
    %slice3A_111 = vector.extract_strided_slice %mul3A_7 {offsets = [0, 3], sizes = [1, 1], strides = [1, 1]} : vector<1x8xf32> to vector<1x1xf32>
    %div3A_112 = arith.constant 2.560000e+02 : f32
    %div3A_113 = vector.broadcast %div3A_112 : f32 to vector<1x1xf32>
    %div3A_114 = arith.divf %slice3A_111, %div3A_113 : vector<1x1xf32>
    %convert_element_type3A_115 = arith.fptosi %div3A_114 : vector<1x1xf32> to vector<1x1xi32>
    %ge3A_116 = vector.broadcast %convert_element_type3A_110 : vector<1x1xi32> to vector<1x32xi32>
    %ge3A_117 = arith.cmpi sge, %iota3A_17, %ge3A_116 : vector<1x32xi32>
    %add3A_118 = arith.addi %convert_element_type3A_110, %convert_element_type3A_115 : vector<1x1xi32>
    %lt3A_119 = vector.broadcast %add3A_118 : vector<1x1xi32> to vector<1x32xi32>
    %lt3A_120 = arith.cmpi slt, %iota3A_17, %lt3A_119 : vector<1x32xi32>
    %and3A_121 = arith.andi %ge3A_117, %lt3A_120 : vector<1x32xi1>
    %jit3A_122 = arith.constant 3 : i32
    %broadcast_in_dim3A_123 = vector.broadcast %jit3A_122 : i32 to vector<1x32xi32>
    %select_n3A_124 = arith.select %and3A_121, %broadcast_in_dim3A_123, %select_n3A_96 : vector<1x32xi1>, vector<1x32xi32>
    %slice3A_125 = vector.extract_strided_slice %dot_general3A_10 {offsets = [0, 4], sizes = [1, 1], strides = [1, 1]} : vector<1x8xf32> to vector<1x1xf32>
    %eq3A_126 = arith.constant 4 : i32
    %eq3A_127 = vector.broadcast %eq3A_126 : i32 to vector<2048x2xi32>
    %eq3A_128 = arith.cmpi eq, %get3A_13, %eq3A_127 : vector<2048x2xi32>
    %broadcast_in_dim3A_129 = vector.shape_cast %slice3A_125 : vector<1x1xf32> to vector<1x1xf32>
    %broadcast_in_dim3A_130 = vector.broadcast %broadcast_in_dim3A_129 : vector<1x1xf32> to vector<2048x2xf32>
    %jit3A_131 = arith.constant 0.000000e+00 : f32
    %broadcast_in_dim3A_132 = vector.broadcast %jit3A_131 : f32 to vector<2048x2xf32>
    %select_n3A_133 = arith.select %eq3A_128, %broadcast_in_dim3A_130, %broadcast_in_dim3A_132 : vector<2048x2xi1>, vector<2048x2xf32>
    %add3A_134 = arith.addf %add3A_106, %select_n3A_133 : vector<2048x2xf32>
    %div3A_135 = arith.constant 2.560000e+02 : f32
    %div3A_136 = vector.broadcast %div3A_135 : f32 to vector<1x1xf32>
    %div3A_137 = arith.divf %slice3A_125, %div3A_136 : vector<1x1xf32>
    %convert_element_type3A_138 = arith.fptosi %div3A_137 : vector<1x1xf32> to vector<1x1xi32>
    %slice3A_139 = vector.extract_strided_slice %mul3A_7 {offsets = [0, 4], sizes = [1, 1], strides = [1, 1]} : vector<1x8xf32> to vector<1x1xf32>
    %div3A_140 = arith.constant 2.560000e+02 : f32
    %div3A_141 = vector.broadcast %div3A_140 : f32 to vector<1x1xf32>
    %div3A_142 = arith.divf %slice3A_139, %div3A_141 : vector<1x1xf32>
    %convert_element_type3A_143 = arith.fptosi %div3A_142 : vector<1x1xf32> to vector<1x1xi32>
    %ge3A_144 = vector.broadcast %convert_element_type3A_138 : vector<1x1xi32> to vector<1x32xi32>
    %ge3A_145 = arith.cmpi sge, %iota3A_17, %ge3A_144 : vector<1x32xi32>
    %add3A_146 = arith.addi %convert_element_type3A_138, %convert_element_type3A_143 : vector<1x1xi32>
    %lt3A_147 = vector.broadcast %add3A_146 : vector<1x1xi32> to vector<1x32xi32>
    %lt3A_148 = arith.cmpi slt, %iota3A_17, %lt3A_147 : vector<1x32xi32>
    %and3A_149 = arith.andi %ge3A_145, %lt3A_148 : vector<1x32xi1>
    %jit3A_150 = arith.constant 4 : i32
    %broadcast_in_dim3A_151 = vector.broadcast %jit3A_150 : i32 to vector<1x32xi32>
    %select_n3A_152 = arith.select %and3A_149, %broadcast_in_dim3A_151, %select_n3A_124 : vector<1x32xi1>, vector<1x32xi32>
    %slice3A_153 = vector.extract_strided_slice %dot_general3A_10 {offsets = [0, 5], sizes = [1, 1], strides = [1, 1]} : vector<1x8xf32> to vector<1x1xf32>
    %eq3A_154 = arith.constant 5 : i32
    %eq3A_155 = vector.broadcast %eq3A_154 : i32 to vector<2048x2xi32>
    %eq3A_156 = arith.cmpi eq, %get3A_13, %eq3A_155 : vector<2048x2xi32>
    %broadcast_in_dim3A_157 = vector.shape_cast %slice3A_153 : vector<1x1xf32> to vector<1x1xf32>
    %broadcast_in_dim3A_158 = vector.broadcast %broadcast_in_dim3A_157 : vector<1x1xf32> to vector<2048x2xf32>
    %jit3A_159 = arith.constant 0.000000e+00 : f32
    %broadcast_in_dim3A_160 = vector.broadcast %jit3A_159 : f32 to vector<2048x2xf32>
    %select_n3A_161 = arith.select %eq3A_156, %broadcast_in_dim3A_158, %broadcast_in_dim3A_160 : vector<2048x2xi1>, vector<2048x2xf32>
    %add3A_162 = arith.addf %add3A_134, %select_n3A_161 : vector<2048x2xf32>
    %div3A_163 = arith.constant 2.560000e+02 : f32
    %div3A_164 = vector.broadcast %div3A_163 : f32 to vector<1x1xf32>
    %div3A_165 = arith.divf %slice3A_153, %div3A_164 : vector<1x1xf32>
    %convert_element_type3A_166 = arith.fptosi %div3A_165 : vector<1x1xf32> to vector<1x1xi32>
    %slice3A_167 = vector.extract_strided_slice %mul3A_7 {offsets = [0, 5], sizes = [1, 1], strides = [1, 1]} : vector<1x8xf32> to vector<1x1xf32>
    %div3A_168 = arith.constant 2.560000e+02 : f32
    %div3A_169 = vector.broadcast %div3A_168 : f32 to vector<1x1xf32>
    %div3A_170 = arith.divf %slice3A_167, %div3A_169 : vector<1x1xf32>
    %convert_element_type3A_171 = arith.fptosi %div3A_170 : vector<1x1xf32> to vector<1x1xi32>
    %ge3A_172 = vector.broadcast %convert_element_type3A_166 : vector<1x1xi32> to vector<1x32xi32>
    %ge3A_173 = arith.cmpi sge, %iota3A_17, %ge3A_172 : vector<1x32xi32>
    %add3A_174 = arith.addi %convert_element_type3A_166, %convert_element_type3A_171 : vector<1x1xi32>
    %lt3A_175 = vector.broadcast %add3A_174 : vector<1x1xi32> to vector<1x32xi32>
    %lt3A_176 = arith.cmpi slt, %iota3A_17, %lt3A_175 : vector<1x32xi32>
    %and3A_177 = arith.andi %ge3A_173, %lt3A_176 : vector<1x32xi1>
    %jit3A_178 = arith.constant 5 : i32
    %broadcast_in_dim3A_179 = vector.broadcast %jit3A_178 : i32 to vector<1x32xi32>
    %select_n3A_180 = arith.select %and3A_177, %broadcast_in_dim3A_179, %select_n3A_152 : vector<1x32xi1>, vector<1x32xi32>
    %slice3A_181 = vector.extract_strided_slice %dot_general3A_10 {offsets = [0, 6], sizes = [1, 1], strides = [1, 1]} : vector<1x8xf32> to vector<1x1xf32>
    %eq3A_182 = arith.constant 6 : i32
    %eq3A_183 = vector.broadcast %eq3A_182 : i32 to vector<2048x2xi32>
    %eq3A_184 = arith.cmpi eq, %get3A_13, %eq3A_183 : vector<2048x2xi32>
    %broadcast_in_dim3A_185 = vector.shape_cast %slice3A_181 : vector<1x1xf32> to vector<1x1xf32>
    %broadcast_in_dim3A_186 = vector.broadcast %broadcast_in_dim3A_185 : vector<1x1xf32> to vector<2048x2xf32>
    %jit3A_187 = arith.constant 0.000000e+00 : f32
    %broadcast_in_dim3A_188 = vector.broadcast %jit3A_187 : f32 to vector<2048x2xf32>
    %select_n3A_189 = arith.select %eq3A_184, %broadcast_in_dim3A_186, %broadcast_in_dim3A_188 : vector<2048x2xi1>, vector<2048x2xf32>
    %add3A_190 = arith.addf %add3A_162, %select_n3A_189 : vector<2048x2xf32>
    %div3A_191 = arith.constant 2.560000e+02 : f32
    %div3A_192 = vector.broadcast %div3A_191 : f32 to vector<1x1xf32>
    %div3A_193 = arith.divf %slice3A_181, %div3A_192 : vector<1x1xf32>
    %convert_element_type3A_194 = arith.fptosi %div3A_193 : vector<1x1xf32> to vector<1x1xi32>
    %slice3A_195 = vector.extract_strided_slice %mul3A_7 {offsets = [0, 6], sizes = [1, 1], strides = [1, 1]} : vector<1x8xf32> to vector<1x1xf32>
    %div3A_196 = arith.constant 2.560000e+02 : f32
    %div3A_197 = vector.broadcast %div3A_196 : f32 to vector<1x1xf32>
    %div3A_198 = arith.divf %slice3A_195, %div3A_197 : vector<1x1xf32>
    %convert_element_type3A_199 = arith.fptosi %div3A_198 : vector<1x1xf32> to vector<1x1xi32>
    %ge3A_200 = vector.broadcast %convert_element_type3A_194 : vector<1x1xi32> to vector<1x32xi32>
    %ge3A_201 = arith.cmpi sge, %iota3A_17, %ge3A_200 : vector<1x32xi32>
    %add3A_202 = arith.addi %convert_element_type3A_194, %convert_element_type3A_199 : vector<1x1xi32>
    %lt3A_203 = vector.broadcast %add3A_202 : vector<1x1xi32> to vector<1x32xi32>
    %lt3A_204 = arith.cmpi slt, %iota3A_17, %lt3A_203 : vector<1x32xi32>
    %and3A_205 = arith.andi %ge3A_201, %lt3A_204 : vector<1x32xi1>
    %jit3A_206 = arith.constant 6 : i32
    %broadcast_in_dim3A_207 = vector.broadcast %jit3A_206 : i32 to vector<1x32xi32>
    %select_n3A_208 = arith.select %and3A_205, %broadcast_in_dim3A_207, %select_n3A_180 : vector<1x32xi1>, vector<1x32xi32>
    %slice3A_209 = vector.extract_strided_slice %dot_general3A_10 {offsets = [0, 7], sizes = [1, 1], strides = [1, 1]} : vector<1x8xf32> to vector<1x1xf32>
    %eq3A_210 = arith.constant 7 : i32
    %eq3A_211 = vector.broadcast %eq3A_210 : i32 to vector<2048x2xi32>
    %eq3A_212 = arith.cmpi eq, %get3A_13, %eq3A_211 : vector<2048x2xi32>
    %broadcast_in_dim3A_213 = vector.shape_cast %slice3A_209 : vector<1x1xf32> to vector<1x1xf32>
    %broadcast_in_dim3A_214 = vector.broadcast %broadcast_in_dim3A_213 : vector<1x1xf32> to vector<2048x2xf32>
    %jit3A_215 = arith.constant 0.000000e+00 : f32
    %broadcast_in_dim3A_216 = vector.broadcast %jit3A_215 : f32 to vector<2048x2xf32>
    %select_n3A_217 = arith.select %eq3A_212, %broadcast_in_dim3A_214, %broadcast_in_dim3A_216 : vector<2048x2xi1>, vector<2048x2xf32>
    %add3A_218 = arith.addf %add3A_190, %select_n3A_217 : vector<2048x2xf32>
    %div3A_219 = arith.constant 2.560000e+02 : f32
    %div3A_220 = vector.broadcast %div3A_219 : f32 to vector<1x1xf32>
    %div3A_221 = arith.divf %slice3A_209, %div3A_220 : vector<1x1xf32>
    %convert_element_type3A_222 = arith.fptosi %div3A_221 : vector<1x1xf32> to vector<1x1xi32>
    %slice3A_223 = vector.extract_strided_slice %mul3A_7 {offsets = [0, 7], sizes = [1, 1], strides = [1, 1]} : vector<1x8xf32> to vector<1x1xf32>
    %div3A_224 = arith.constant 2.560000e+02 : f32
    %div3A_225 = vector.broadcast %div3A_224 : f32 to vector<1x1xf32>
    %div3A_226 = arith.divf %slice3A_223, %div3A_225 : vector<1x1xf32>
    %convert_element_type3A_227 = arith.fptosi %div3A_226 : vector<1x1xf32> to vector<1x1xi32>
    %ge3A_228 = vector.broadcast %convert_element_type3A_222 : vector<1x1xi32> to vector<1x32xi32>
    %ge3A_229 = arith.cmpi sge, %iota3A_17, %ge3A_228 : vector<1x32xi32>
    %add3A_230 = arith.addi %convert_element_type3A_222, %convert_element_type3A_227 : vector<1x1xi32>
    %lt3A_231 = vector.broadcast %add3A_230 : vector<1x1xi32> to vector<1x32xi32>
    %lt3A_232 = arith.cmpi slt, %iota3A_17, %lt3A_231 : vector<1x32xi32>
    %and3A_233 = arith.andi %ge3A_229, %lt3A_232 : vector<1x32xi1>
    %jit3A_234 = arith.constant 7 : i32
    %broadcast_in_dim3A_235 = vector.broadcast %jit3A_234 : i32 to vector<1x32xi32>
    %select_n3A_236 = arith.select %and3A_233, %broadcast_in_dim3A_235, %select_n3A_208 : vector<1x32xi1>, vector<1x32xi32>
    %convert_element_type3A_237 = arith.fptosi %add3A_218 : vector<2048x2xf32> to vector<2048x2xi32>
    %swap3A = arith.constant 0 : index
    %swap3A_238 = arith.constant 0 : index
    %swap3A_239 = vector.load %arg4[%swap3A, %swap3A_238] : memref<2048x2xi32, #tpu.memory_space<vmem>>, vector<2048x2xi32>
    tpu.vector_store %arg4[%swap3A, %swap3A_238], %convert_element_type3A_237 {strides = array<i32>} : memref<2048x2xi32, #tpu.memory_space<vmem>>, vector<2048x2xi32>,
    %swap3A_240 = arith.constant 0 : index
    %swap3A_241 = arith.constant 0 : index
    %swap3A_242 = vector.load %arg5[%swap3A_240, %swap3A_241] : memref<1x32xi32, #tpu.memory_space<vmem>>, vector<1x32xi32>
    tpu.vector_store %arg5[%swap3A_240, %swap3A_241], %select_n3A_236 {strides = array<i32>} : memref<1x32xi32, #tpu.memory_space<vmem>>, vector<1x32xi32>,
    return
  }
  func.func @transform_0(%arg0: i32) -> (i32, i32) {
    %c0_i32 = arith.constant 0 : i32
    %c0_i32_0 = arith.constant 0 : i32
    %c0_i32_1 = arith.constant 0 : i32
    return %c0_i32, %c0_i32_0 : i32, i32
  }
  func.func @transform_1(%arg0: i32) -> (i32, i32) {
    %c0_i32 = arith.constant 0 : i32
    %c0_i32_0 = arith.constant 0 : i32
    %c0_i32_1 = arith.constant 0 : i32
    return %c0_i32, %c0_i32_0 : i32, i32
  }
  func.func @transform_2(%arg0: i32) -> (i32, i32) {
    %c0_i32 = arith.constant 0 : i32
    %c0_i32_0 = arith.constant 0 : i32
    %c0_i32_1 = arith.constant 0 : i32
    return %c0_i32, %c0_i32_0 : i32, i32
  }
  func.func @transform_3(%arg0: i32) -> (i32, i32) {
    %c0_i32 = arith.constant 0 : i32
    %c0_i32_0 = arith.constant 0 : i32
    %c0_i32_1 = arith.constant 0 : i32
    return %c0_i32, %c0_i32_0 : i32, i32
  }
  func.func @transform_4(%arg0: i32) -> (i32, i32) {
    %c0_i32 = arith.constant 0 : i32
    %c0_i32_0 = arith.constant 0 : i32
    %c0_i32_1 = arith.constant 0 : i32
    return %c0_i32, %c0_i32_0 : i32, i32
  }
}

module attributes {stable_mosaic.version = 14 : i64} {
  func.func @_gmm_body(%arg0: i32, %arg1: memref<32xi32, #tpu.memory_space<smem>>, %arg2: memref<256x1024xf32, #tpu.memory_space<vmem>>, %arg3: memref<1x1024x512xf32, #tpu.memory_space<vmem>>, %arg4: memref<1x1024x512xf32, #tpu.memory_space<vmem>>, %arg5: memref<1x512x1024xf32, #tpu.memory_space<vmem>>, %arg6: memref<256x1024xf32, #tpu.memory_space<vmem>>) attributes {dimension_semantics = [#tpu.dimension_semantics<arbitrary>], iteration_bounds = array<i64: 24>, scalar_prefetch = 1 : i64, scratch_operands = 0 : i64, tpu.core_type = #tpu.core_type<tc>, window_params = [{transform_indices = @transform_0, window_bounds = array<i64: 256, 1024>}, {transform_indices = @transform_1, window_bounds = array<i64: 1, 1024, 512>}, {transform_indices = @transform_2, window_bounds = array<i64: 1, 1024, 512>}, {transform_indices = @transform_3, window_bounds = array<i64: 1, 512, 1024>}, {transform_indices = @transform_4, window_bounds = array<i64: 256, 1024>}]} {
    %get3A = arith.index_cast %arg0 : i32 to index
    %get3A_0 = memref.load %arg1[%get3A] : memref<32xi32, #tpu.memory_space<smem>>
    %lt3A = arith.constant 8 : i32
    %lt3A_1 = arith.cmpi slt, %get3A_0, %lt3A : i32
    %convert_element_type3A = arith.extui %lt3A_1 : i1 to i32
    %cond3A = arith.constant 0 : i32
    %cond3A_2 = arith.cmpi ne, %convert_element_type3A, %cond3A : i32
    scf.if %cond3A_2 {
      %get3A_3 = arith.constant 0 : index
      %get3A_4 = arith.constant 0 : index
      %get3A_5 = vector.load %arg2[%get3A_3, %get3A_4] : memref<256x1024xf32, #tpu.memory_space<vmem>>, vector<256x1024xf32>
      %convert_element_type3A_6 = arith.truncf %get3A_5 : vector<256x1024xf32> to vector<256x1024xbf16>
      %get3A_7 = arith.constant 0 : index
      %get3A_8 = arith.constant 0 : index
      %get3A_9 = arith.constant 0 : index
      %get3A_10 = vector.load %arg3[%get3A_7, %get3A_8, %get3A_9] : memref<1x1024x512xf32, #tpu.memory_space<vmem>>, vector<1x1024x512xf32>
      %get3A_11 = vector.shape_cast %get3A_10 : vector<1x1024x512xf32> to vector<1024x512xf32>
      %convert_element_type3A_12 = arith.truncf %get3A_11 : vector<1024x512xf32> to vector<1024x512xbf16>
      %get3A_13 = arith.constant 0 : index
      %get3A_14 = arith.constant 0 : index
      %get3A_15 = arith.constant 0 : index
      %get3A_16 = vector.load %arg4[%get3A_13, %get3A_14, %get3A_15] : memref<1x1024x512xf32, #tpu.memory_space<vmem>>, vector<1x1024x512xf32>
      %get3A_17 = vector.shape_cast %get3A_16 : vector<1x1024x512xf32> to vector<1024x512xf32>
      %convert_element_type3A_18 = arith.truncf %get3A_17 : vector<1024x512xf32> to vector<1024x512xbf16>
      %get3A_19 = arith.constant 0 : index
      %get3A_20 = arith.constant 0 : index
      %get3A_21 = arith.constant 0 : index
      %get3A_22 = vector.load %arg5[%get3A_19, %get3A_20, %get3A_21] : memref<1x512x1024xf32, #tpu.memory_space<vmem>>, vector<1x512x1024xf32>
      %get3A_23 = vector.shape_cast %get3A_22 : vector<1x512x1024xf32> to vector<512x1024xf32>
      %convert_element_type3A_24 = arith.truncf %get3A_23 : vector<512x1024xf32> to vector<512x1024xbf16>
      %dot_general3A = arith.constant dense<0.000000e+00> : vector<256x512xf32>
      %dot_general3A_25 = tpu.matmul %convert_element_type3A_6, %convert_element_type3A_12, %dot_general3A {dimension_numbers = #tpu.dot_dimension_numbers<[1], [0], [0], [1], [0, 0, 1, 1], [], []>, transpose_lhs_hint = false} : vector<256x1024xbf16>, vector<1024x512xbf16>, vector<256x512xf32> -> vector<256x512xf32>
      %dot_general3A_26 = arith.constant dense<0.000000e+00> : vector<256x512xf32>
      %dot_general3A_27 = tpu.matmul %convert_element_type3A_6, %convert_element_type3A_18, %dot_general3A_26 {dimension_numbers = #tpu.dot_dimension_numbers<[1], [0], [0], [1], [0, 0, 1, 1], [], []>, transpose_lhs_hint = false} : vector<256x1024xbf16>, vector<1024x512xbf16>, vector<256x512xf32> -> vector<256x512xf32>
      %logistic3A = arith.negf %dot_general3A_25 : vector<256x512xf32>
      %logistic3A_28 = math.exp %logistic3A : vector<256x512xf32>
      %logistic3A_29 = arith.constant 1.000000e+00 : f32
      %logistic3A_30 = vector.broadcast %logistic3A_29 : f32 to vector<256x512xf32>
      %logistic3A_31 = arith.addf %logistic3A_30, %logistic3A_28 : vector<256x512xf32>
      %logistic3A_32 = arith.divf %logistic3A_30, %logistic3A_31 : vector<256x512xf32>
      %mul3A = arith.mulf %dot_general3A_25, %logistic3A_32 : vector<256x512xf32>
      %mul3A_33 = arith.mulf %mul3A, %dot_general3A_27 : vector<256x512xf32>
      %convert_element_type3A_34 = arith.truncf %mul3A_33 : vector<256x512xf32> to vector<256x512xbf16>
      %dot_general3A_35 = arith.constant dense<0.000000e+00> : vector<256x1024xf32>
      %dot_general3A_36 = tpu.matmul %convert_element_type3A_34, %convert_element_type3A_24, %dot_general3A_35 {dimension_numbers = #tpu.dot_dimension_numbers<[1], [0], [0], [1], [0, 0, 1, 1], [], []>, transpose_lhs_hint = false} : vector<256x512xbf16>, vector<512x1024xbf16>, vector<256x1024xf32> -> vector<256x1024xf32>
      %swap3A = arith.constant 0 : index
      %swap3A_37 = arith.constant 0 : index
      %swap3A_38 = vector.load %arg6[%swap3A, %swap3A_37] : memref<256x1024xf32, #tpu.memory_space<vmem>>, vector<256x1024xf32>
      tpu.vector_store %arg6[%swap3A, %swap3A_37], %dot_general3A_36 {strides = array<i32>} : memref<256x1024xf32, #tpu.memory_space<vmem>>, vector<256x1024xf32>,
    } else {
    }
    return
  }
  func.func @transform_0(%arg0: i32, %arg1: memref<32xi32, #tpu.memory_space<smem>>) -> (i32, i32) {
    %c0_i32 = arith.constant 0 : i32
    %c0_i32_0 = arith.constant 0 : i32
    return %arg0, %c0_i32 : i32, i32
  }
  func.func @transform_1(%arg0: i32, %arg1: memref<32xi32, #tpu.memory_space<smem>>) -> (i32, i32, i32) {
    %get3A = arith.index_cast %arg0 : i32 to index
    %get3A_0 = memref.load %arg1[%get3A] : memref<32xi32, #tpu.memory_space<smem>>
    %min3A = arith.constant 7 : i32
    %min3A_1 = arith.minsi %get3A_0, %min3A : i32
    %c0_i32 = arith.constant 0 : i32
    %c0_i32_2 = arith.constant 0 : i32
    %c0_i32_3 = arith.constant 0 : i32
    return %min3A_1, %c0_i32, %c0_i32_2 : i32, i32, i32
  }
  func.func @transform_2(%arg0: i32, %arg1: memref<32xi32, #tpu.memory_space<smem>>) -> (i32, i32, i32) {
    %get3A = arith.index_cast %arg0 : i32 to index
    %get3A_0 = memref.load %arg1[%get3A] : memref<32xi32, #tpu.memory_space<smem>>
    %min3A = arith.constant 7 : i32
    %min3A_1 = arith.minsi %get3A_0, %min3A : i32
    %c0_i32 = arith.constant 0 : i32
    %c0_i32_2 = arith.constant 0 : i32
    %c0_i32_3 = arith.constant 0 : i32
    return %min3A_1, %c0_i32, %c0_i32_2 : i32, i32, i32
  }
  func.func @transform_3(%arg0: i32, %arg1: memref<32xi32, #tpu.memory_space<smem>>) -> (i32, i32, i32) {
    %get3A = arith.index_cast %arg0 : i32 to index
    %get3A_0 = memref.load %arg1[%get3A] : memref<32xi32, #tpu.memory_space<smem>>
    %min3A = arith.constant 7 : i32
    %min3A_1 = arith.minsi %get3A_0, %min3A : i32
    %c0_i32 = arith.constant 0 : i32
    %c0_i32_2 = arith.constant 0 : i32
    %c0_i32_3 = arith.constant 0 : i32
    return %min3A_1, %c0_i32, %c0_i32_2 : i32, i32, i32
  }
  func.func @transform_4(%arg0: i32, %arg1: memref<32xi32, #tpu.memory_space<smem>>) -> (i32, i32) {
    %c0_i32 = arith.constant 0 : i32
    %c0_i32_0 = arith.constant 0 : i32
    return %arg0, %c0_i32 : i32, i32
  }
}

module attributes {stable_mosaic.version = 14 : i64} {
  func.func @_combine_body(%arg0: i32, %arg1: memref<256x1024xf32, #tpu.memory_space<vmem>>, %arg2: memref<256x1024xf32, #tpu.memory_space<vmem>>, %arg3: memref<256x1024xf32, #tpu.memory_space<vmem>>, %arg4: memref<256x2xf32, #tpu.memory_space<vmem>>, %arg5: memref<256x1024xf32, #tpu.memory_space<vmem>>) attributes {dimension_semantics = [#tpu.dimension_semantics<arbitrary>], iteration_bounds = array<i64: 8>, scalar_prefetch = 0 : i64, scratch_operands = 0 : i64, tpu.core_type = #tpu.core_type<tc>, window_params = [{transform_indices = @transform_0, window_bounds = array<i64: 256, 1024>}, {transform_indices = @transform_1, window_bounds = array<i64: 256, 1024>}, {transform_indices = @transform_2, window_bounds = array<i64: 256, 1024>}, {transform_indices = @transform_3, window_bounds = array<i64: 256, 2>}, {transform_indices = @transform_4, window_bounds = array<i64: 256, 1024>}]} {
    %get3A = arith.constant 0 : index
    %get3A_0 = arith.constant 0 : index
    %get3A_1 = vector.load %arg1[%get3A, %get3A_0] : memref<256x1024xf32, #tpu.memory_space<vmem>>, vector<256x1024xf32>
    %get3A_2 = arith.constant 0 : index
    %get3A_3 = arith.constant 0 : index
    %get3A_4 = vector.load %arg4[%get3A_2, %get3A_3] : memref<256x2xf32, #tpu.memory_space<vmem>>, vector<256x2xf32>
    %slice3A = vector.extract_strided_slice %get3A_4 {offsets = [0, 0], sizes = [256, 1], strides = [1, 1]} : vector<256x2xf32> to vector<256x1xf32>
    %get3A_5 = arith.constant 0 : index
    %get3A_6 = arith.constant 0 : index
    %get3A_7 = vector.load %arg2[%get3A_5, %get3A_6] : memref<256x1024xf32, #tpu.memory_space<vmem>>, vector<256x1024xf32>
    %mul3A = vector.broadcast %slice3A : vector<256x1xf32> to vector<256x1024xf32>
    %mul3A_8 = arith.mulf %mul3A, %get3A_7 : vector<256x1024xf32>
    %add3A = arith.addf %get3A_1, %mul3A_8 : vector<256x1024xf32>
    %slice3A_9 = vector.extract_strided_slice %get3A_4 {offsets = [0, 1], sizes = [256, 1], strides = [1, 1]} : vector<256x2xf32> to vector<256x1xf32>
    %get3A_10 = arith.constant 0 : index
    %get3A_11 = arith.constant 0 : index
    %get3A_12 = vector.load %arg3[%get3A_10, %get3A_11] : memref<256x1024xf32, #tpu.memory_space<vmem>>, vector<256x1024xf32>
    %mul3A_13 = vector.broadcast %slice3A_9 : vector<256x1xf32> to vector<256x1024xf32>
    %mul3A_14 = arith.mulf %mul3A_13, %get3A_12 : vector<256x1024xf32>
    %add3A_15 = arith.addf %add3A, %mul3A_14 : vector<256x1024xf32>
    %swap3A = arith.constant 0 : index
    %swap3A_16 = arith.constant 0 : index
    %swap3A_17 = vector.load %arg5[%swap3A, %swap3A_16] : memref<256x1024xf32, #tpu.memory_space<vmem>>, vector<256x1024xf32>
    tpu.vector_store %arg5[%swap3A, %swap3A_16], %add3A_15 {strides = array<i32>} : memref<256x1024xf32, #tpu.memory_space<vmem>>, vector<256x1024xf32>,
    return
  }
  func.func @transform_0(%arg0: i32) -> (i32, i32) {
    %c0_i32 = arith.constant 0 : i32
    %c0_i32_0 = arith.constant 0 : i32
    return %arg0, %c0_i32 : i32, i32
  }
  func.func @transform_1(%arg0: i32) -> (i32, i32) {
    %c0_i32 = arith.constant 0 : i32
    %c0_i32_0 = arith.constant 0 : i32
    return %arg0, %c0_i32 : i32, i32
  }
  func.func @transform_2(%arg0: i32) -> (i32, i32) {
    %add3A = arith.constant 8 : i32
    %add3A_0 = arith.addi %arg0, %add3A : i32
    %c0_i32 = arith.constant 0 : i32
    %c0_i32_1 = arith.constant 0 : i32
    return %add3A_0, %c0_i32 : i32, i32
  }
  func.func @transform_3(%arg0: i32) -> (i32, i32) {
    %c0_i32 = arith.constant 0 : i32
    %c0_i32_0 = arith.constant 0 : i32
    return %arg0, %c0_i32 : i32, i32
  }
  func.func @transform_4(%arg0: i32) -> (i32, i32) {
    %c0_i32 = arith.constant 0 : i32
    %c0_i32_0 = arith.constant 0 : i32
    return %arg0, %c0_i32 : i32, i32
  }
}

</mosaic_0001>

<sc_bundles>
// kernel: kernel.13.cloned.1.call-start
scs
__scs_entry_jumppad:
0x0: {  	(pc) =	sbr.rel $0x88, $3  }
0x1: {  	(tag) =	ssettag $0x0;
	lr =	simm.s32 $0x1  }
0x2: {  	[smem:$0x3F92] =	sst lr;
	_ =	strace $0xD0000000  }
0x3: {  	_ = 	snop  }
0x4: {  	_ = 	snop  }
0x5: {  	_ = 	snop  }
0x6: {  	_ = 	snop  }
0x7: {  	_ = 	snop  }
__scs_overlays_trampoline_lowered:
0x8: {  	[smem:$0x3FA1] =	sst s0  }
0x9: {  	[smem:$0x3FA2] =	sst s1  }
0xa: {  	[smem:$0x3FA3] =	sst s2  }
0xb: {  	[smem:$0x3FA4] =	sst s3  }
0xc: {  	[smem:$0x3FA5] =	sst s4  }
0xd: {  	[smem:$0x3FA6] =	sst s5  }
0xe: {  	[smem:$0x3FA7] =	sst s6  }
0xf: {  	[smem:$0x3FA8] =	sst s7  }
0x10: {  	[smem:$0x3FA9] =	sst s8  }
0x11: {  	[smem:$0x3FAA] =	sst s9;
	s0 =	simm.s32 @!p0 $0x0  }
0x12: {  	s1 =	sld [smem:$0x3F90];
	s0 =	simm.s32 @p0 $0x1  }
0x13: {  	[smem:$0x3FAB] =	sst s0;
	s0 =	simm.s32 @!p1 $0x0  }
0x14: {  	s2 =	sld [smem:$0x3F8F];
	s0 =	simm.s32 @p1 $0x1  }
0x15: {  	[smem:$0x3FAC] =	sst s0;
	s0 =	simm.s32 @!p2 $0x0  }
0x16: {  	s3 =	sld [smem:$0x3FDB];
	s0 =	simm.s32 @p2 $0x1  }
0x17: {  	s4 =	simm.s32 $0x1BF5;
	[smem:$0x3FAE] =	sst s0  }
0x18: {  	s0 =	sld [smem:$0x3F91];
	_ =	swait.ge [sflag:s4], $0x0  }
0x19: {  	s7 =	sld [smem:$0x3F92]  }
0x1a: {  	s8 =	sadd.s32 $0xFFFFE003, lr  }
0x1b: {  	s9 =	sadd.s32 $0xFFFFFEF7, lr;
	s5 =	simm.s32 $0xFFFFFFFF;
	p2 =	slt.u32 s8, $0xFFFFF086  }
0x1c: {  	p1 =	slt.u32 s9, $0xF7A;
	s5 =	simm.s32 @!p2 $0x0  }
0x1d: {  	s5 =	simm.s32 @p1 $0x1;
	p0 =	seq.s32 s7, s2  }
0x1e: {  	s7 =	smul.u32 @!p0 $0xF7A, s2;
	p2 =	seq.s32 @!p0 s5, $0x0  }
0x1f: {  	s9 =	smul.u32 $0xF7A, s1;
	s8 =	simm.s32 @!p0 $0x1BF5;
	p2 =	por !p2, p0  }
0x20: {  	[sflag:s8] =	ssyncset.s32 @!p0 $0xFFFFF086;
	s6 =	sadd.s32 @!p0 s3, s7;
	s7 =	simm.s32 @!p0 $0x108  }
0x21: {  	s3 =	sadd.s32 s3, s9;
	s6 =	sadd.s32 @!p0 $0x88, s6;
	s7 =	simm.s32 @p2 $0x1082  }
0x22: {  	[simem:s7], [sflag:s8] =	dma.local @!p0 [hbm:s6], $0xF7A  }
0x23: {  	s9 =	sor.u32 $0xD0000000, s2;
	s6 =	simm.s32 $0x108;
	_ =	swait.ge @!p0 [sflag:s8], $0x0  }
0x24: {  	s3 =	sadd.s32 $0x88, s3;
	s6 =	simm.s32 @!p1 $0x1082;
	[sflag:s4] =	ssyncset.s32 $0xFFFFF086  }
0x25: {  	[simem:s6], [sflag:s4] =	dma.local [hbm:s3], $0xF7A  }
0x26: {  	[smem:$0x3F92] =	sst s1;
	(tag) =	ssettag s2;
	_ =	strace s9  }
0x27: {  	s1 =	sld [smem:$0x3FA2]  }
0x28: {  	s2 =	sld [smem:$0x3FA3]  }
0x29: {  	s4 =	sld [smem:$0x3FA5]  }
0x2a: {  	p0 =	seq.s32 s5, $0x0;
	s5 =	sld [smem:$0x3FA6]  }
0x2b: {  	s6 =	sld [smem:$0x3FA7]  }
0x2c: {  	s7 =	sld [smem:$0x3FA8]  }
0x2d: {  	s3 =	simm.s32 $0x108;
	s8 =	sld [smem:$0x3FA9]  }
0x2e: {  	s3 =	simm.s32 @!p0 $0x1082;
	s9 =	sld [smem:$0x3FAA]  }
0x2f: {  	lr =	sadd.s32 s0, s3;
	s0 =	sld [smem:$0x3FA1]  }
0x30: {  	s3 =	sld [smem:$0x3FA4]  }
0x31: {  	[smem:$0x3FAD] =	sst s10  }
0x32: {  	s10 =	sld [smem:$0x3FAB];
	_ =	sdelay $0x3  }
0x33: {  	p0 =	seq.s32 s10, $0x1;
	s10 =	sld [smem:$0x3FAD];
	_ =	sdelay $0x3  }
0x34: {  	[smem:$0x3FAD] =	sst s10  }
0x35: {  	s10 =	sld [smem:$0x3FAC];
	_ =	sdelay $0x3  }
0x36: {  	p1 =	seq.s32 s10, $0x1;
	s10 =	sld [smem:$0x3FAD];
	_ =	sdelay $0x3  }
0x37: {  	[smem:$0x3FAD] =	sst s10  }
0x38: {  	s10 =	sld [smem:$0x3FAE]  }
0x39: {  	_ = 	snop;
	(pc) =	sbr.ind lr, $3  }
0x3a: {  	_ = 	snop  }
0x3b: {  	_ = 	snop  }
0x3c: {  	p2 =	seq.s32 s10, $0x1;
	s10 =	sld [smem:$0x3FAD]  }
0x3d: {  	_ =	shalt  }
0x3e: {  	_ =	shalt  }
0x3f: {  	_ =	shalt  }
0x40: {  	_ =	shalt  }
0x41: {  	_ =	shalt  }
0x42: {  	_ =	shalt  }
0x43: {  	_ =	shalt  }
0x44: {  	_ =	shalt  }
0x45: {  	_ =	shalt  }
0x46: {  	_ =	shalt  }
0x47: {  	_ =	shalt  }
0x48: {  	_ =	shalt  }
0x49: {  	_ =	shalt  }
0x4a: {  	_ =	shalt  }
0x4b: {  	_ =	shalt  }
0x4c: {  	_ =	shalt  }
0x4d: {  	_ =	shalt  }
0x4e: {  	_ =	shalt  }
0x4f: {  	_ =	shalt  }
0x50: {  	_ =	shalt  }
0x51: {  	_ =	shalt  }
0x52: {  	_ =	shalt  }
0x53: {  	_ =	shalt  }
0x54: {  	_ =	shalt  }
0x55: {  	_ =	shalt  }
0x56: {  	_ =	shalt  }
0x57: {  	_ =	shalt  }
0x58: {  	_ =	shalt  }
0x59: {  	_ =	shalt  }
0x5a: {  	_ =	shalt  }
0x5b: {  	_ =	shalt  }
0x5c: {  	_ =	shalt  }
0x5d: {  	_ =	shalt  }
0x5e: {  	_ =	shalt  }
0x5f: {  	_ =	shalt  }
0x60: {  	_ =	shalt  }
0x61: {  	_ =	shalt  }
0x62: {  	_ =	shalt  }
0x63: {  	_ =	shalt  }
0x64: {  	_ =	shalt  }
0x65: {  	_ =	shalt  }
0x66: {  	_ =	shalt  }
0x67: {  	_ =	shalt  }
0x68: {  	_ =	shalt  }
0x69: {  	_ =	shalt  }
0x6a: {  	_ =	shalt  }
0x6b: {  	_ =	shalt  }
0x6c: {  	_ =	shalt  }
0x6d: {  	_ =	shalt  }
0x6e: {  	_ =	shalt  }
0x6f: {  	_ =	shalt  }
0x70: {  	_ =	shalt  }
0x71: {  	_ =	shalt  }
0x72: {  	_ =	shalt  }
0x73: {  	_ =	shalt  }
0x74: {  	_ =	shalt  }
0x75: {  	_ =	shalt  }
0x76: {  	_ =	shalt  }
0x77: {  	_ =	shalt  }
0x78: {  	_ =	shalt  }
0x79: {  	_ =	shalt  }
0x7a: {  	_ =	shalt  }
0x7b: {  	_ =	shalt  }
0x7c: {  	_ =	shalt  }
0x7d: {  	_ =	shalt  }
0x7e: {  	_ =	shalt  }
0x7f: {  	_ =	shalt  }
0x80: {  	_ =	shalt  }
0x81: {  	_ =	shalt  }
0x82: {  	_ =	shalt  }
0x83: {  	_ =	shalt  }
0x84: {  	_ =	shalt  }
0x85: {  	_ =	shalt  }
0x86: {  	_ =	shalt  }
0x87: {  	_ =	shalt  }
.Lfunc_end0:
.L_simem_size_0:
called_computation_lowered:
.L_overlay_start_0:
0x88: {  	s2 =	sld [smem:$0x3FD9]  }
0x89: {  	s3 =	sld [smem:$0x3FFE];
	_ =	sdelay $0x1  }
0x8a: {  	s1 =	srdreg.scid  }
0x8b: {  	s0 =	sand.u32 $0x1, s1  }
0x8c: {  	s17 =	sshll.u32 s0, $0xA;
	s2 =	sadd.s32 s3, s2  }
0x8d: {  	s2 =	sadd.s32 s2, s17  }
0x8e: {  	[smem:$0x3FB9] =	sst s2  }
0x8f: {  	_ = 	snop  }
0x90: {  	s2 =	sld [smem:$0x3FD0];
	(tm) =	ssettm $0x1  }
0x91: {  	s18 =	sld [smem:$0x3FFB];
	_ =	sdelay $0x3  }
0x92: {  	_ =	strace s18  }
0x93: {  	s3 =	sld [smem:$0x3FFC];
	_ =	sdelay $0x3  }
0x94: {  	_ =	strace s3  }
0x95: {  	s3 =	sld [smem:$0x3FFD];
	_ =	sdelay $0x3  }
0x96: {  	_ =	strace s3  }
0x97: {  	_ =	strace $0x8FFFFFFF  }
0x98: {  	s19 =	sld [smem:$0x3FDB];
	_ =	sdelay $0x1  }
0x99: {  	s4 =	simm.s32 $_scs_section_size  }
0x9a: {  	s5 =	simm.s32 $_size__tile_overlayer_lowered;
	s6 =	simm.s32 $_tile_overlayer_lowered  }
0x9b: {  	s22 =	simm.s32 $0x1BFF;
	s21 =	sshll.u32 s6, $0x1;
	s3 =	sadd.s32 s4, s19  }
0x9c: {  	s7 =	simm.s32 $0x0;
	s20 =	sshll.u32 s5, $0x1;
	s5 =	sadd.s32 s21, s3  }
0x9d: {  	[timem:s7], [sflag:s22] =	dma.local [hbm:s5], s20  }
0x9e: {  	_ =	swait.ge [sflag:s22], s20  }
0x9f: {  	s4 =	ssub.s32 $0x0, s20;
	[sflag:s22] =	ssyncset.done $0x0  }
0xa0: {  	[sflag:s22] =	ssyncadd.s32 s4;
	_ =	sdelay $0x1  }
0xa1: {  	s23 =	simm.s32 $0x1B8B  }
0xa2: {  	_ =	swait.ge [sflag:s23], $0x1  }
0xa3: {  	[sflag:s23] =	ssyncset.done $0x0  }
0xa4: {  	s25 =	simm.s32 $0x1B8E;
	s24 =	sld [smem:$0x3FFE];
	[sflag:s23] =	ssyncadd.s32 $0xFFFFFFFF  }
0xa5: {  	s26 =	simm.s32 $execute0_lowered;
	[smem:$0x3FD2] =	sst s25  }
0xa6: {  	s5 =	sshll.u32 s26, $0x1;
	_ =	strace $0x80000046;
	[dreg:$0x1] =	wrdreg $0xFFFFFFFF  }
0xa7: {  	s28 =	simm.s32 $_size_execute0_lowered;
	s3 =	sadd.s32 s3, s5;
	[dreg:$0x0] =	wrdreg $0x0  }
0xa8: {  	s5 =	sshll.u32 s28, $0x1;
	[dreg:$0x2] =	wrdreg s3  }
0xa9: {  	[dreg:$0x3] =	wrdreg s5  }
0xaa: {  	[dreg:$0x4] =	wrdreg $0xC0  }
0xab: {  	_ =	task [dreg:s7], $0x5FFFF  }
0xac: {  	[dreg:$0x1] =	wrdreg $0xFFFFFFFF  }
0xad: {  	[dreg:$0x0] =	wrdreg $0x60  }
0xae: {  	[dreg:$0x2] =	wrdreg s2  }
0xaf: {  	[dreg:$0x3] =	wrdreg s24  }
0xb0: {  	[dreg:$0x4] =	wrdreg $0x9  }
0xb1: {  	_ =	task.clear_ibuf [dreg:s7], $0x5FFFF;
	_ =	strace $0x90000046  }
0xb2: {  	s29 =	simm.s32 $0x9;
	_ =	strace $0x80000048  }
0xb3: {  	_ =	swait.ge [sflag:s29], $0x1  }
0xb4: {  	[sflag:s29] =	ssyncadd.s32 $0xFFFFFFFF  }
0xb5: {  	_ =	strace $0x90000048  }
0xb6: {  	_ =	sfence  }
0xb7: {  	s30 =	sld [smem:$0x0];
	_ =	sdelay $0x2  }
0xb8: {  	s31 =	sshll.u32 s1, $0xD;
	s1 =	sshrl.u32 s1, $0x2  }
0xb9: {  	s3 =	sand.u32 $0x4000, s31;
	s1 =	sadd.s32 s1, s30  }
0xba: {  	s0 =	sor.u32 s3, s0;
	s1 =	sshll.u32 s1, $0x11  }
0xbb: {  	s0 =	sor.u32 s1, s0  }
0xbc: {  	s0 =	sadd.s32 $0x8F2B, s0  }
0xbd: {  	[sflag:s0] =	ssyncadd.remote.s32 $0x1  }
0xbe: {  	_ =	sfence.sel $0xFFFF  }
0xbf: {  	[dreg:$0x0] =	wrdreg $0xFFFFFFFF;
	(pc) =	sbr.abs _section_cstart, $3  }
0xc0: {  	[dreg:$0x1] =	wrdreg $0xFFFFFFFF  }
0xc1: {  	_ =	task.clear_ibuf [dreg:s7], $0x2FFFF;
	_ =	strace $0x9FFFFFFF  }
0xc2: {  	(tm) =	ssettm $0x7FFFFFFF  }
0xc3: {  	_ =	shalt  }
tec
execute0_lowered:
.L_overlay_start_1:
0x0: {  	(tag) =	ssettag $0x1  }
0x1: {  	s0 =	srdreg.scid  }
0x2: {  	s1 =	rddreg [dreg:$0x0];
	s2 =	stileid.u32  }
0x3: {  	s4 =	rddreg [dreg:$0x1];
	s9 =	simm.s32 $0x2;
	s19 =	simm.s32 $0x1  }
0x4: {  	s21 =	simm.s32 $0x880;
	s22 =	simm.s32 $0x1080;
	s23 =	simm.s32 $0x1880  }
0x5: {  	s24 =	simm.s32 $0x2080;
	s25 =	simm.s32 $0x2880;
	s26 =	simm.s32 $0x3080  }
0x6: {  	s28 =	simm.s32 $0x3880;
	s29 =	simm.s32 $0x4080;
	s30 =	simm.s32 $0x4880  }
0x7: {  	s31 =	simm.s32 $0x5080;
	s11 =	simm.s32 $0x6880;
	s12 =	simm.s32 $0x7080  }
0x8: {  	s13 =	simm.s32 $0x8080;
	s14 =	simm.s32 $0x8880;
	s15 =	simm.s32 $0x9080  }
0x9: {  	s16 =	simm.s32 $0x9880;
	s17 =	simm.s32 $0xA080;
	s18 =	simm.s32 $0xA880  }
0xa: {  	s0 =	sand.u32 $0x1, s0;
	s3 =	sshll.u32 s2, $0x8;
	s2 =	simm.s32 $0x0  }
0xb: {  	s10 =	simm.s32 $0xB080;
	s5 =	sshll.u32 s0, $0x7;
	[smem:$0x7FF] =	sst s2  }
0xc: {  	s0 =	ssub.s32 $0x2, s0;
	s5 =	sor.u32 s5, s3;
	_ =	strace $0x80000047  }
0xd: {  	s7 =	sshrl.u32 s0, $0x1;
	s3 =	sshrl.u32 s5, $0x3;
	s5 =	sshll.u32 s5, $0x7  }
0xe: {  	s0 =	ssub.s32 s0, s7;
	s7 =	sadd.s32 $0x2F00, s4;
	s6 =	sadd.s32 s3, s4  }
0xf: {  	s3 =	sadd.s32 $0x2C00, s4;
	s5 =	sand.u32 $0x3C000, s5;
	s6 =	sadd.s32 $0x2A00, s6  }
0x10: {  	v2 =	vlaneseq.u32;
	s8 =	smax.u32 s0, $0x1;
	s1 =	sadd.s32 s1, s5;
	[dreg:$0x3] =	wrdreg s6  }
0x11: {  	vm0 =	vmmov $0xffff;
	v1 =	vshrl.u32 v2, $0x3;
	s5 =	sadd.s32 $0x2D00, s4;
	[dreg:$0x5] =	wrdreg s1;
	s1 =	sadd.s32 $0x2000, s1  }
0x12: {  	v0 =	vand.u32 $0x7, v2;
	v2 =	vor.u32 $0x8, v2;
	v1 =	vmul.u32 $0x8, v1;
	s6 =	sadd.s32 $0x2E00, s4;
	[dreg:$0x4] =	wrdreg s1;
	s1 =	simm.s32 $0x5880  }
.LBB2_1:
0x13: {  	s20 =	rddreg [dreg:$0x3]  }
0x14: {  	[tilespmem:s2], [sflag:$0x2] =	stream.linear.gather [hbm4b:s20+s2], $0x80, $0x38;
	[tilespmem:$0x10080] =	vst v63  }
0x15: {  	_ =	swait.ge [sflag:s9], $0x80  }
0x16: {  	[sflag:s9] =	ssyncset.done $0x0  }
0x17: {  	s0 =	simm.s32 $0x80;
	s4 =	rddreg [dreg:$0x5];
	[sflag:s9] =	ssyncadd.s32 $0xFFFFFF80  }
0x18: {  	[tilespmem:s0], [sflag:$0x2] =	stream.linear.gather [hbm4b:s4+s2], $0x10000, $0x38;
	[tilespmem:$0x10080] =	vst v63  }
0x19: {  	_ =	swait.ge [sflag:s9], $0x10000  }
0x1a: {  	[sflag:s9] =	ssyncset.done $0x0  }
0x1b: {  	[sflag:s9] =	ssyncadd.s32 $0xFFFF0000  }
0x1c: {  	v3 =	vld [tilespmem:$0x0];
	_ =	sdelay $0x4  }
0x1d: {  	v4 =	vshll.u32 v3, $0x3  }
0x1e: {  	v3 =	vand.u32 $0x7, v3;
	v4 =	vand.u32 $0xFFFFFFC0, v4  }
0x1f: {  	v3 =	vor.u32 v3, v4  }
0x20: {  	v4 =	vperm.xlane v3, v0;
	_ =	sdelay $0x1  }
0x21: {  	v4 =	vadd.s32 v1, v4;
	_ =	sdelay $0x4  }
0x22: {  	[hbm4b:s3+s2] =	stream.indirect_vreg.scatter [tilespmem:s0], [sflag:$0x1], $0x80, v4, vm0, $0xb8;
	[tilespmem:$0x10080] =	vst v63  }
0x23: {  	v3 =	vperm.xlane v3, v2  }
0x24: {  	[hbm4b:s5+s2] =	stream.indirect_vreg.scatter [tilespmem:s21], [sflag:$0x1], $0x80, v4, vm0, $0xb8;
	[tilespmem:$0x10080] =	vst v63  }
0x25: {  	v3 =	vadd.s32 v1, v3  }
0x26: {  	[hbm4b:s6+s2] =	stream.indirect_vreg.scatter [tilespmem:s22], [sflag:$0x1], $0x80, v4, vm0, $0xb8;
	[tilespmem:$0x10080] =	vst v63  }
0x27: {  	_ = 	snop  }
0x28: {  	[hbm4b:s7+s2] =	stream.indirect_vreg.scatter [tilespmem:s23], [sflag:$0x1], $0x80, v4, vm0, $0xb8;
	[tilespmem:$0x10080] =	vst v63  }
0x29: {  	_ = 	snop  }
0x2a: {  	[hbm4b:s3+s2] =	stream.indirect_vreg.scatter [tilespmem:s24], [sflag:$0x1], $0x80, v3, vm0, $0xb8;
	[tilespmem:$0x10080] =	vst v63  }
0x2b: {  	_ = 	snop  }
0x2c: {  	[hbm4b:s5+s2] =	stream.indirect_vreg.scatter [tilespmem:s25], [sflag:$0x1], $0x80, v3, vm0, $0xb8;
	[tilespmem:$0x10080] =	vst v63  }
0x2d: {  	_ = 	snop  }
0x2e: {  	[hbm4b:s6+s2] =	stream.indirect_vreg.scatter [tilespmem:s26], [sflag:$0x1], $0x80, v3, vm0, $0xb8;
	[tilespmem:$0x10080] =	vst v63  }
0x2f: {  	_ = 	snop  }
0x30: {  	[hbm4b:s7+s2] =	stream.indirect_vreg.scatter [tilespmem:s28], [sflag:$0x1], $0x80, v3, vm0, $0xb8;
	[tilespmem:$0x10080] =	vst v63  }
0x31: {  	v3 =	vld [tilespmem:$0x10];
	_ =	sdelay $0x4  }
0x32: {  	v57 =	vshll.u32 v3, $0x3  }
0x33: {  	v3 =	vand.u32 $0x7, v3;
	v4 =	vand.u32 $0xFFFFFFC0, v57  }
0x34: {  	v3 =	vor.u32 v3, v4  }
0x35: {  	v4 =	vperm.xlane v3, v0;
	_ =	sdelay $0x1  }
0x36: {  	v4 =	vadd.s32 v1, v4;
	_ =	sdelay $0x4  }
0x37: {  	[hbm4b:s3+s2] =	stream.indirect_vreg.scatter [tilespmem:s29], [sflag:$0x1], $0x80, v4, vm0, $0xb8;
	[tilespmem:$0x10080] =	vst v63  }
0x38: {  	v3 =	vperm.xlane v3, v2  }
0x39: {  	[hbm4b:s5+s2] =	stream.indirect_vreg.scatter [tilespmem:s30], [sflag:$0x1], $0x80, v4, vm0, $0xb8;
	[tilespmem:$0x10080] =	vst v63  }
0x3a: {  	v3 =	vadd.s32 v1, v3  }
0x3b: {  	[hbm4b:s6+s2] =	stream.indirect_vreg.scatter [tilespmem:s31], [sflag:$0x1], $0x80, v4, vm0, $0xb8;
	[tilespmem:$0x10080] =	vst v63  }
0x3c: {  	_ = 	snop  }
0x3d: {  	[hbm4b:s7+s2] =	stream.indirect_vreg.scatter [tilespmem:s1], [sflag:$0x1], $0x80, v4, vm0, $0xb8;
	[tilespmem:$0x10080] =	vst v63  }
0x3e: {  	s4 =	simm.s32 $0x6080  }
0x3f: {  	[hbm4b:s3+s2] =	stream.indirect_vreg.scatter [tilespmem:s4], [sflag:$0x1], $0x80, v3, vm0, $0xb8;
	[tilespmem:$0x10080] =	vst v63  }
0x40: {  	_ = 	snop  }
0x41: {  	[hbm4b:s5+s2] =	stream.indirect_vreg.scatter [tilespmem:s11], [sflag:$0x1], $0x80, v3, vm0, $0xb8;
	[tilespmem:$0x10080] =	vst v63  }
0x42: {  	_ = 	snop  }
0x43: {  	[hbm4b:s6+s2] =	stream.indirect_vreg.scatter [tilespmem:s12], [sflag:$0x1], $0x80, v3, vm0, $0xb8;
	[tilespmem:$0x10080] =	vst v63  }
0x44: {  	s4 =	simm.s32 $0x7880  }
0x45: {  	[hbm4b:s7+s2] =	stream.indirect_vreg.scatter [tilespmem:s4], [sflag:$0x1], $0x80, v3, vm0, $0xb8;
	[tilespmem:$0x10080] =	vst v63  }
0x46: {  	v3 =	vld [tilespmem:$0x20];
	_ =	sdelay $0x4  }
0x47: {  	v58 =	vshll.u32 v3, $0x3  }
0x48: {  	v3 =	vand.u32 $0x7, v3;
	v4 =	vand.u32 $0xFFFFFFC0, v58  }
0x49: {  	v3 =	vor.u32 v3, v4  }
0x4a: {  	v4 =	vperm.xlane v3, v0;
	_ =	sdelay $0x1  }
0x4b: {  	v4 =	vadd.s32 v1, v4;
	_ =	sdelay $0x4  }
0x4c: {  	[hbm4b:s3+s2] =	stream.indirect_vreg.scatter [tilespmem:s13], [sflag:$0x1], $0x80, v4, vm0, $0xb8;
	[tilespmem:$0x10080] =	vst v63  }
0x4d: {  	v3 =	vperm.xlane v3, v2  }
0x4e: {  	[hbm4b:s5+s2] =	stream.indirect_vreg.scatter [tilespmem:s14], [sflag:$0x1], $0x80, v4, vm0, $0xb8;
	[tilespmem:$0x10080] =	vst v63  }
0x4f: {  	v3 =	vadd.s32 v1, v3  }
0x50: {  	[hbm4b:s6+s2] =	stream.indirect_vreg.scatter [tilespmem:s15], [sflag:$0x1], $0x80, v4, vm0, $0xb8;
	[tilespmem:$0x10080] =	vst v63  }
0x51: {  	_ = 	snop  }
0x52: {  	[hbm4b:s7+s2] =	stream.indirect_vreg.scatter [tilespmem:s16], [sflag:$0x1], $0x80, v4, vm0, $0xb8;
	[tilespmem:$0x10080] =	vst v63  }
0x53: {  	_ = 	snop  }
0x54: {  	[hbm4b:s3+s2] =	stream.indirect_vreg.scatter [tilespmem:s17], [sflag:$0x1], $0x80, v3, vm0, $0xb8;
	[tilespmem:$0x10080] =	vst v63  }
0x55: {  	_ = 	snop  }
0x56: {  	[hbm4b:s5+s2] =	stream.indirect_vreg.scatter [tilespmem:s18], [sflag:$0x1], $0x80, v3, vm0, $0xb8;
	[tilespmem:$0x10080] =	vst v63  }
0x57: {  	_ = 	snop  }
0x58: {  	[hbm4b:s6+s2] =	stream.indirect_vreg.scatter [tilespmem:s10], [sflag:$0x1], $0x80, v3, vm0, $0xb8;
	[tilespmem:$0x10080] =	vst v63  }
0x59: {  	s20 =	simm.s32 $0xB880  }
0x5a: {  	[hbm4b:s7+s2] =	stream.indirect_vreg.scatter [tilespmem:s20], [sflag:$0x1], $0x80, v3, vm0, $0xb8;
	[tilespmem:$0x10080] =	vst v63  }
0x5b: {  	v3 =	vld [tilespmem:$0x30];
	_ =	sdelay $0x4  }
0x5c: {  	v59 =	vshll.u32 v3, $0x3  }
0x5d: {  	v3 =	vand.u32 $0x7, v3;
	v4 =	vand.u32 $0xFFFFFFC0, v59  }
0x5e: {  	v3 =	vor.u32 v3, v4  }
0x5f: {  	v4 =	vperm.xlane v3, v0;
	_ =	sdelay $0x1  }
0x60: {  	v4 =	vadd.s32 v1, v4;
	_ =	sdelay $0x3  }
0x61: {  	s20 =	simm.s32 $0xC080  }
0x62: {  	[hbm4b:s3+s2] =	stream.indirect_vreg.scatter [tilespmem:s20], [sflag:$0x1], $0x80, v4, vm0, $0xb8;
	[tilespmem:$0x10080] =	vst v63  }
0x63: {  	v3 =	vperm.xlane v3, v2;
	s20 =	simm.s32 $0xC880  }
0x64: {  	[hbm4b:s5+s2] =	stream.indirect_vreg.scatter [tilespmem:s20], [sflag:$0x1], $0x80, v4, vm0, $0xb8;
	[tilespmem:$0x10080] =	vst v63  }
0x65: {  	v3 =	vadd.s32 v1, v3;
	s20 =	simm.s32 $0xD080  }
0x66: {  	[hbm4b:s6+s2] =	stream.indirect_vreg.scatter [tilespmem:s20], [sflag:$0x1], $0x80, v4, vm0, $0xb8;
	[tilespmem:$0x10080] =	vst v63  }
0x67: {  	s20 =	simm.s32 $0xD880  }
0x68: {  	[hbm4b:s7+s2] =	stream.indirect_vreg.scatter [tilespmem:s20], [sflag:$0x1], $0x80, v4, vm0, $0xb8;
	[tilespmem:$0x10080] =	vst v63  }
0x69: {  	s20 =	simm.s32 $0xE080  }
0x6a: {  	[hbm4b:s3+s2] =	stream.indirect_vreg.scatter [tilespmem:s20], [sflag:$0x1], $0x80, v3, vm0, $0xb8;
	[tilespmem:$0x10080] =	vst v63  }
0x6b: {  	s20 =	simm.s32 $0xE880  }
0x6c: {  	[hbm4b:s5+s2] =	stream.indirect_vreg.scatter [tilespmem:s20], [sflag:$0x1], $0x80, v3, vm0, $0xb8;
	[tilespmem:$0x10080] =	vst v63  }
0x6d: {  	s20 =	simm.s32 $0xF080  }
0x6e: {  	[hbm4b:s6+s2] =	stream.indirect_vreg.scatter [tilespmem:s20], [sflag:$0x1], $0x80, v3, vm0, $0xb8;
	[tilespmem:$0x10080] =	vst v63  }
0x6f: {  	s20 =	simm.s32 $0xF880  }
0x70: {  	[hbm4b:s7+s2] =	stream.indirect_vreg.scatter [tilespmem:s20], [sflag:$0x1], $0x80, v3, vm0, $0xb8;
	[tilespmem:$0x10080] =	vst v63  }
0x71: {  	_ =	swait.ge [sflag:s19], $0x10000  }
0x72: {  	[sflag:s19] =	ssyncset.done $0x0  }
0x73: {  	s20 =	rddreg [dreg:$0x4];
	[sflag:s19] =	ssyncadd.s32 $0xFFFF0000  }
0x74: {  	[tilespmem:s0], [sflag:$0x2] =	stream.linear.gather [hbm4b:s20+s2], $0x10000, $0x38;
	[tilespmem:$0x10080] =	vst v63  }
0x75: {  	_ =	swait.ge [sflag:s9], $0x10000  }
0x76: {  	[sflag:s9] =	ssyncset.done $0x0  }
0x77: {  	[sflag:s9] =	ssyncadd.s32 $0xFFFF0000  }
0x78: {  	v3 =	vld [tilespmem:$0x40];
	_ =	sdelay $0x4  }
0x79: {  	v60 =	vshll.u32 v3, $0x3  }
0x7a: {  	v3 =	vand.u32 $0x7, v3;
	v4 =	vand.u32 $0xFFFFFFC0, v60  }
0x7b: {  	v3 =	vor.u32 v3, v4  }
0x7c: {  	v4 =	vperm.xlane v3, v0;
	_ =	sdelay $0x1  }
0x7d: {  	v4 =	vadd.s32 v1, v4;
	_ =	sdelay $0x4  }
0x7e: {  	[hbm4b:s3+s2] =	stream.indirect_vreg.scatter [tilespmem:s0], [sflag:$0x1], $0x80, v4, vm0, $0xb8;
	[tilespmem:$0x10080] =	vst v63  }
0x7f: {  	v3 =	vperm.xlane v3, v2  }
0x80: {  	[hbm4b:s5+s2] =	stream.indirect_vreg.scatter [tilespmem:s21], [sflag:$0x1], $0x80, v4, vm0, $0xb8;
	[tilespmem:$0x10080] =	vst v63  }
0x81: {  	v3 =	vadd.s32 v1, v3  }
0x82: {  	[hbm4b:s6+s2] =	stream.indirect_vreg.scatter [tilespmem:s22], [sflag:$0x1], $0x80, v4, vm0, $0xb8;
	[tilespmem:$0x10080] =	vst v63  }
0x83: {  	_ = 	snop  }
0x84: {  	[hbm4b:s7+s2] =	stream.indirect_vreg.scatter [tilespmem:s23], [sflag:$0x1], $0x80, v4, vm0, $0xb8;
	[tilespmem:$0x10080] =	vst v63  }
0x85: {  	_ = 	snop  }
0x86: {  	[hbm4b:s3+s2] =	stream.indirect_vreg.scatter [tilespmem:s24], [sflag:$0x1], $0x80, v3, vm0, $0xb8;
	[tilespmem:$0x10080] =	vst v63  }
0x87: {  	_ = 	snop  }
0x88: {  	[hbm4b:s5+s2] =	stream.indirect_vreg.scatter [tilespmem:s25], [sflag:$0x1], $0x80, v3, vm0, $0xb8;
	[tilespmem:$0x10080] =	vst v63  }
0x89: {  	_ = 	snop  }
0x8a: {  	[hbm4b:s6+s2] =	stream.indirect_vreg.scatter [tilespmem:s26], [sflag:$0x1], $0x80, v3, vm0, $0xb8;
	[tilespmem:$0x10080] =	vst v63  }
0x8b: {  	_ = 	snop  }
0x8c: {  	[hbm4b:s7+s2] =	stream.indirect_vreg.scatter [tilespmem:s28], [sflag:$0x1], $0x80, v3, vm0, $0xb8;
	[tilespmem:$0x10080] =	vst v63  }
0x8d: {  	v3 =	vld [tilespmem:$0x50];
	_ =	sdelay $0x4  }
0x8e: {  	v61 =	vshll.u32 v3, $0x3  }
0x8f: {  	v3 =	vand.u32 $0x7, v3;
	v4 =	vand.u32 $0xFFFFFFC0, v61  }
0x90: {  	v3 =	vor.u32 v3, v4  }
0x91: {  	v4 =	vperm.xlane v3, v0;
	_ =	sdelay $0x1  }
0x92: {  	v4 =	vadd.s32 v1, v4;
	_ =	sdelay $0x4  }
0x93: {  	[hbm4b:s3+s2] =	stream.indirect_vreg.scatter [tilespmem:s29], [sflag:$0x1], $0x80, v4, vm0, $0xb8;
	[tilespmem:$0x10080] =	vst v63  }
0x94: {  	v3 =	vperm.xlane v3, v2  }
0x95: {  	[hbm4b:s5+s2] =	stream.indirect_vreg.scatter [tilespmem:s30], [sflag:$0x1], $0x80, v4, vm0, $0xb8;
	[tilespmem:$0x10080] =	vst v63  }
0x96: {  	v3 =	vadd.s32 v1, v3  }
0x97: {  	[hbm4b:s6+s2] =	stream.indirect_vreg.scatter [tilespmem:s31], [sflag:$0x1], $0x80, v4, vm0, $0xb8;
	[tilespmem:$0x10080] =	vst v63  }
0x98: {  	_ = 	snop  }
0x99: {  	[hbm4b:s7+s2] =	stream.indirect_vreg.scatter [tilespmem:s1], [sflag:$0x1], $0x80, v4, vm0, $0xb8;
	[tilespmem:$0x10080] =	vst v63  }
0x9a: {  	s20 =	simm.s32 $0x6080  }
0x9b: {  	[hbm4b:s3+s2] =	stream.indirect_vreg.scatter [tilespmem:s20], [sflag:$0x1], $0x80, v3, vm0, $0xb8;
	[tilespmem:$0x10080] =	vst v63  }
0x9c: {  	_ = 	snop  }
0x9d: {  	[hbm4b:s5+s2] =	stream.indirect_vreg.scatter [tilespmem:s11], [sflag:$0x1], $0x80, v3, vm0, $0xb8;
	[tilespmem:$0x10080] =	vst v63  }
0x9e: {  	_ = 	snop  }
0x9f: {  	[hbm4b:s6+s2] =	stream.indirect_vreg.scatter [tilespmem:s12], [sflag:$0x1], $0x80, v3, vm0, $0xb8;
	[tilespmem:$0x10080] =	vst v63  }
0xa0: {  	_ = 	snop  }
0xa1: {  	[hbm4b:s7+s2] =	stream.indirect_vreg.scatter [tilespmem:s4], [sflag:$0x1], $0x80, v3, vm0, $0xb8;
	[tilespmem:$0x10080] =	vst v63  }
0xa2: {  	v3 =	vld [tilespmem:$0x60];
	_ =	sdelay $0x4  }
0xa3: {  	v62 =	vshll.u32 v3, $0x3  }
0xa4: {  	v3 =	vand.u32 $0x7, v3;
	v4 =	vand.u32 $0xFFFFFFC0, v62  }
0xa5: {  	v3 =	vor.u32 v3, v4  }
0xa6: {  	v4 =	vperm.xlane v3, v0;
	_ =	sdelay $0x1  }
0xa7: {  	v4 =	vadd.s32 v1, v4;
	_ =	sdelay $0x4  }
0xa8: {  	[hbm4b:s3+s2] =	stream.indirect_vreg.scatter [tilespmem:s13], [sflag:$0x1], $0x80, v4, vm0, $0xb8;
	[tilespmem:$0x10080] =	vst v63  }
0xa9: {  	v3 =	vperm.xlane v3, v2  }
0xaa: {  	[hbm4b:s5+s2] =	stream.indirect_vreg.scatter [tilespmem:s14], [sflag:$0x1], $0x80, v4, vm0, $0xb8;
	[tilespmem:$0x10080] =	vst v63  }
0xab: {  	v3 =	vadd.s32 v1, v3  }
0xac: {  	[hbm4b:s6+s2] =	stream.indirect_vreg.scatter [tilespmem:s15], [sflag:$0x1], $0x80, v4, vm0, $0xb8;
	[tilespmem:$0x10080] =	vst v63  }
0xad: {  	_ = 	snop  }
0xae: {  	[hbm4b:s7+s2] =	stream.indirect_vreg.scatter [tilespmem:s16], [sflag:$0x1], $0x80, v4, vm0, $0xb8;
	[tilespmem:$0x10080] =	vst v63  }
0xaf: {  	_ = 	snop  }
0xb0: {  	[hbm4b:s3+s2] =	stream.indirect_vreg.scatter [tilespmem:s17], [sflag:$0x1], $0x80, v3, vm0, $0xb8;
	[tilespmem:$0x10080] =	vst v63  }
0xb1: {  	_ = 	snop  }
0xb2: {  	[hbm4b:s5+s2] =	stream.indirect_vreg.scatter [tilespmem:s18], [sflag:$0x1], $0x80, v3, vm0, $0xb8;
	[tilespmem:$0x10080] =	vst v63  }
0xb3: {  	_ = 	snop  }
0xb4: {  	[hbm4b:s6+s2] =	stream.indirect_vreg.scatter [tilespmem:s10], [sflag:$0x1], $0x80, v3, vm0, $0xb8;
	[tilespmem:$0x10080] =	vst v63  }
0xb5: {  	s20 =	simm.s32 $0xB880  }
0xb6: {  	[hbm4b:s7+s2] =	stream.indirect_vreg.scatter [tilespmem:s20], [sflag:$0x1], $0x80, v3, vm0, $0xb8;
	[tilespmem:$0x10080] =	vst v63  }
0xb7: {  	v3 =	vld [tilespmem:$0x70];
	_ =	sdelay $0x4  }
0xb8: {  	v63 =	vshll.u32 v3, $0x3  }
0xb9: {  	v3 =	vand.u32 $0x7, v3;
	v4 =	vand.u32 $0xFFFFFFC0, v63  }
0xba: {  	v3 =	vor.u32 v3, v4  }
0xbb: {  	v4 =	vperm.xlane v3, v0;
	_ =	sdelay $0x1  }
0xbc: {  	v4 =	vadd.s32 v1, v4;
	_ =	sdelay $0x3  }
0xbd: {  	s4 =	simm.s32 $0xC080  }
0xbe: {  	[hbm4b:s3+s2] =	stream.indirect_vreg.scatter [tilespmem:s4], [sflag:$0x1], $0x80, v4, vm0, $0xb8;
	[tilespmem:$0x10080] =	vst v63  }
0xbf: {  	s20 =	simm.s32 $0xC880;
	v3 =	vperm.xlane v3, v2  }
0xc0: {  	[hbm4b:s5+s2] =	stream.indirect_vreg.scatter [tilespmem:s20], [sflag:$0x1], $0x80, v4, vm0, $0xb8;
	[tilespmem:$0x10080] =	vst v63  }
0xc1: {  	v3 =	vadd.s32 v1, v3;
	s4 =	simm.s32 $0xD080  }
0xc2: {  	[hbm4b:s6+s2] =	stream.indirect_vreg.scatter [tilespmem:s4], [sflag:$0x1], $0x80, v4, vm0, $0xb8;
	[tilespmem:$0x10080] =	vst v63  }
0xc3: {  	s20 =	simm.s32 $0xD880  }
0xc4: {  	[hbm4b:s7+s2] =	stream.indirect_vreg.scatter [tilespmem:s20], [sflag:$0x1], $0x80, v4, vm0, $0xb8;
	[tilespmem:$0x10080] =	vst v63  }
0xc5: {  	s4 =	simm.s32 $0xE080  }
0xc6: {  	[hbm4b:s3+s2] =	stream.indirect_vreg.scatter [tilespmem:s4], [sflag:$0x1], $0x80, v3, vm0, $0xb8;
	[tilespmem:$0x10080] =	vst v63  }
0xc7: {  	s20 =	simm.s32 $0xE880  }
0xc8: {  	[hbm4b:s5+s2] =	stream.indirect_vreg.scatter [tilespmem:s20], [sflag:$0x1], $0x80, v3, vm0, $0xb8;
	[tilespmem:$0x10080] =	vst v63  }
0xc9: {  	p0 =	sne.s32 s8, $0x1;
	s4 =	simm.s32 $0xF080  }
0xca: {  	[hbm4b:s6+s2] =	stream.indirect_vreg.scatter [tilespmem:s4], [sflag:$0x1], $0x80, v3, vm0, $0xb8;
	[tilespmem:$0x10080] =	vst v63  }
.Ltmp0:
0xcb: {  	s20 =	simm.s32 $0xF880;
	(pc) =	sbr.rel @p0 .LBB2_1-.Ltmp0, $4  }
0xcc: {  	[hbm4b:s7+s2] =	stream.indirect_vreg.scatter [tilespmem:s20], [sflag:$0x1], $0x80, v3, vm0, $0xb8;
	[tilespmem:$0x10080] =	vst v63  }
0xcd: {  	_ =	swait.ge [sflag:s19], $0x10000  }
0xce: {  	[sflag:s19] =	ssyncset.done $0x0  }
0xcf: {  	s8 =	sadd.s32 $0xFFFFFFFF, s8;
	[sflag:s19] =	ssyncadd.s32 $0xFFFF0000  }
0xd0: {  	_ =	sfence.sel $0x180000  }
0xd1: {  	[bflag:$0x0] =	sbarrier.arrive $0xFFFF  }
0xd2: {  	_ =	strace $0x90000047  }
0xd3: {  	s0 =	stileid.u32;
	[bflag:$0x2] =	sbarrier.arrive $0xFFFF  }
0xd4: {  	p0 =	sne.s32 s0, $0x0;
	s0 =	rddreg [dreg:$0x2]  }
0xd5: {  	s0 =	sadd.s32 @!p0 $0x100000, s0  }
0xd6: {  	[sflag:s0] =	ssyncadd.tile.s32 @!p0 $0x1;
	_ =	shalt  }
.Lfunc_end2:
_tile_overlayer_lowered:
.L_overlay_start_2:
0xd7: {  	(tag) =	ssettag $0x2  }
0xd8: {  	s0 =	rddreg [dreg:$0x0];
	s2 =	stileid.u32  }
0xd9: {  	s1 =	rddreg [dreg:$0x1];
	p0 =	sne.s32 s2, $0x0  }
0xda: {  	s3 =	rddreg [dreg:$0x2];
	[bflag:$0x3] =	sbarrier.arrive $0xFFFF;
	s2 =	simm.s32 @!p0 $0x1C02  }
0xdb: {  	[timem:s3], [sflag:s2] =	dma.local @!p0 [hbm:s0], s1  }
0xdc: {  	s0 =	simm.s32 @!p0 $0x2  }
0xdd: {  	_ =	swait.ge @!p0 [sflag:s0], s1  }
0xde: {  	s1 =	ssub.s32 @!p0 $0x0, s1;
	[sflag:s0] =	ssyncset.done @!p0 $0x0  }
0xdf: {  	[sflag:s0] =	ssyncadd.s32 @!p0 s1  }
0xe0: {  	[bflag:$0x3] =	sbarrier.arrive $0xFFFF  }
0xe1: {  	_ =	shalt  }

// kernel: kernel.16.cloned.1.call-start
scs
__scs_entry_jumppad:
0x0: {  	(pc) =	sbr.rel $0x88, $3  }
0x1: {  	(tag) =	ssettag $0x0;
	lr =	simm.s32 $0x1  }
0x2: {  	[smem:$0x3F92] =	sst lr;
	_ =	strace $0xD0000000  }
0x3: {  	_ = 	snop  }
0x4: {  	_ = 	snop  }
0x5: {  	_ = 	snop  }
0x6: {  	_ = 	snop  }
0x7: {  	_ = 	snop  }
__scs_overlays_trampoline_lowered:
0x8: {  	[smem:$0x3FA1] =	sst s0  }
0x9: {  	[smem:$0x3FA2] =	sst s1  }
0xa: {  	[smem:$0x3FA3] =	sst s2  }
0xb: {  	[smem:$0x3FA4] =	sst s3  }
0xc: {  	[smem:$0x3FA5] =	sst s4  }
0xd: {  	[smem:$0x3FA6] =	sst s5  }
0xe: {  	[smem:$0x3FA7] =	sst s6  }
0xf: {  	[smem:$0x3FA8] =	sst s7  }
0x10: {  	[smem:$0x3FA9] =	sst s8  }
0x11: {  	[smem:$0x3FAA] =	sst s9;
	s0 =	simm.s32 @!p0 $0x0  }
0x12: {  	s1 =	sld [smem:$0x3F90];
	s0 =	simm.s32 @p0 $0x1  }
0x13: {  	[smem:$0x3FAB] =	sst s0;
	s0 =	simm.s32 @!p1 $0x0  }
0x14: {  	s2 =	sld [smem:$0x3F8F];
	s0 =	simm.s32 @p1 $0x1  }
0x15: {  	[smem:$0x3FAC] =	sst s0;
	s0 =	simm.s32 @!p2 $0x0  }
0x16: {  	s3 =	sld [smem:$0x3FDB];
	s0 =	simm.s32 @p2 $0x1  }
0x17: {  	s4 =	simm.s32 $0x1BF5;
	[smem:$0x3FAE] =	sst s0  }
0x18: {  	s0 =	sld [smem:$0x3F91];
	_ =	swait.ge [sflag:s4], $0x0  }
0x19: {  	s7 =	sld [smem:$0x3F92]  }
0x1a: {  	s8 =	sadd.s32 $0xFFFFE003, lr  }
0x1b: {  	s9 =	sadd.s32 $0xFFFFFEF7, lr;
	s5 =	simm.s32 $0xFFFFFFFF;
	p2 =	slt.u32 s8, $0xFFFFF086  }
0x1c: {  	p1 =	slt.u32 s9, $0xF7A;
	s5 =	simm.s32 @!p2 $0x0  }
0x1d: {  	s5 =	simm.s32 @p1 $0x1;
	p0 =	seq.s32 s7, s2  }
0x1e: {  	s7 =	smul.u32 @!p0 $0xF7A, s2;
	p2 =	seq.s32 @!p0 s5, $0x0  }
0x1f: {  	s9 =	smul.u32 $0xF7A, s1;
	s8 =	simm.s32 @!p0 $0x1BF5;
	p2 =	por !p2, p0  }
0x20: {  	[sflag:s8] =	ssyncset.s32 @!p0 $0xFFFFF086;
	s6 =	sadd.s32 @!p0 s3, s7;
	s7 =	simm.s32 @!p0 $0x108  }
0x21: {  	s3 =	sadd.s32 s3, s9;
	s6 =	sadd.s32 @!p0 $0x88, s6;
	s7 =	simm.s32 @p2 $0x1082  }
0x22: {  	[simem:s7], [sflag:s8] =	dma.local @!p0 [hbm:s6], $0xF7A  }
0x23: {  	s9 =	sor.u32 $0xD0000000, s2;
	s6 =	simm.s32 $0x108;
	_ =	swait.ge @!p0 [sflag:s8], $0x0  }
0x24: {  	s3 =	sadd.s32 $0x88, s3;
	s6 =	simm.s32 @!p1 $0x1082;
	[sflag:s4] =	ssyncset.s32 $0xFFFFF086  }
0x25: {  	[simem:s6], [sflag:s4] =	dma.local [hbm:s3], $0xF7A  }
0x26: {  	[smem:$0x3F92] =	sst s1;
	(tag) =	ssettag s2;
	_ =	strace s9  }
0x27: {  	s1 =	sld [smem:$0x3FA2]  }
0x28: {  	s2 =	sld [smem:$0x3FA3]  }
0x29: {  	s4 =	sld [smem:$0x3FA5]  }
0x2a: {  	p0 =	seq.s32 s5, $0x0;
	s5 =	sld [smem:$0x3FA6]  }
0x2b: {  	s6 =	sld [smem:$0x3FA7]  }
0x2c: {  	s7 =	sld [smem:$0x3FA8]  }
0x2d: {  	s3 =	simm.s32 $0x108;
	s8 =	sld [smem:$0x3FA9]  }
0x2e: {  	s3 =	simm.s32 @!p0 $0x1082;
	s9 =	sld [smem:$0x3FAA]  }
0x2f: {  	lr =	sadd.s32 s0, s3;
	s0 =	sld [smem:$0x3FA1]  }
0x30: {  	s3 =	sld [smem:$0x3FA4]  }
0x31: {  	[smem:$0x3FAD] =	sst s10  }
0x32: {  	s10 =	sld [smem:$0x3FAB];
	_ =	sdelay $0x3  }
0x33: {  	p0 =	seq.s32 s10, $0x1;
	s10 =	sld [smem:$0x3FAD];
	_ =	sdelay $0x3  }
0x34: {  	[smem:$0x3FAD] =	sst s10  }
0x35: {  	s10 =	sld [smem:$0x3FAC];
	_ =	sdelay $0x3  }
0x36: {  	p1 =	seq.s32 s10, $0x1;
	s10 =	sld [smem:$0x3FAD];
	_ =	sdelay $0x3  }
0x37: {  	[smem:$0x3FAD] =	sst s10  }
0x38: {  	s10 =	sld [smem:$0x3FAE]  }
0x39: {  	_ = 	snop;
	(pc) =	sbr.ind lr, $3  }
0x3a: {  	_ = 	snop  }
0x3b: {  	_ = 	snop  }
0x3c: {  	p2 =	seq.s32 s10, $0x1;
	s10 =	sld [smem:$0x3FAD]  }
0x3d: {  	_ =	shalt  }
0x3e: {  	_ =	shalt  }
0x3f: {  	_ =	shalt  }
0x40: {  	_ =	shalt  }
0x41: {  	_ =	shalt  }
0x42: {  	_ =	shalt  }
0x43: {  	_ =	shalt  }
0x44: {  	_ =	shalt  }
0x45: {  	_ =	shalt  }
0x46: {  	_ =	shalt  }
0x47: {  	_ =	shalt  }
0x48: {  	_ =	shalt  }
0x49: {  	_ =	shalt  }
0x4a: {  	_ =	shalt  }
0x4b: {  	_ =	shalt  }
0x4c: {  	_ =	shalt  }
0x4d: {  	_ =	shalt  }
0x4e: {  	_ =	shalt  }
0x4f: {  	_ =	shalt  }
0x50: {  	_ =	shalt  }
0x51: {  	_ =	shalt  }
0x52: {  	_ =	shalt  }
0x53: {  	_ =	shalt  }
0x54: {  	_ =	shalt  }
0x55: {  	_ =	shalt  }
0x56: {  	_ =	shalt  }
0x57: {  	_ =	shalt  }
0x58: {  	_ =	shalt  }
0x59: {  	_ =	shalt  }
0x5a: {  	_ =	shalt  }
0x5b: {  	_ =	shalt  }
0x5c: {  	_ =	shalt  }
0x5d: {  	_ =	shalt  }
0x5e: {  	_ =	shalt  }
0x5f: {  	_ =	shalt  }
0x60: {  	_ =	shalt  }
0x61: {  	_ =	shalt  }
0x62: {  	_ =	shalt  }
0x63: {  	_ =	shalt  }
0x64: {  	_ =	shalt  }
0x65: {  	_ =	shalt  }
0x66: {  	_ =	shalt  }
0x67: {  	_ =	shalt  }
0x68: {  	_ =	shalt  }
0x69: {  	_ =	shalt  }
0x6a: {  	_ =	shalt  }
0x6b: {  	_ =	shalt  }
0x6c: {  	_ =	shalt  }
0x6d: {  	_ =	shalt  }
0x6e: {  	_ =	shalt  }
0x6f: {  	_ =	shalt  }
0x70: {  	_ =	shalt  }
0x71: {  	_ =	shalt  }
0x72: {  	_ =	shalt  }
0x73: {  	_ =	shalt  }
0x74: {  	_ =	shalt  }
0x75: {  	_ =	shalt  }
0x76: {  	_ =	shalt  }
0x77: {  	_ =	shalt  }
0x78: {  	_ =	shalt  }
0x79: {  	_ =	shalt  }
0x7a: {  	_ =	shalt  }
0x7b: {  	_ =	shalt  }
0x7c: {  	_ =	shalt  }
0x7d: {  	_ =	shalt  }
0x7e: {  	_ =	shalt  }
0x7f: {  	_ =	shalt  }
0x80: {  	_ =	shalt  }
0x81: {  	_ =	shalt  }
0x82: {  	_ =	shalt  }
0x83: {  	_ =	shalt  }
0x84: {  	_ =	shalt  }
0x85: {  	_ =	shalt  }
0x86: {  	_ =	shalt  }
0x87: {  	_ =	shalt  }
.Lfunc_end0:
.L_simem_size_0:
called_computation.1_lowered:
.L_overlay_start_0:
0x88: {  	s2 =	sld [smem:$0x3FD9]  }
0x89: {  	s3 =	sld [smem:$0x3FFE];
	_ =	sdelay $0x1  }
0x8a: {  	s1 =	srdreg.scid  }
0x8b: {  	s0 =	sand.u32 $0x1, s1  }
0x8c: {  	s16 =	sshll.u32 s0, $0xA;
	s2 =	sadd.s32 s3, s2  }
0x8d: {  	s2 =	sadd.s32 s2, s16  }
0x8e: {  	[smem:$0x3FB9] =	sst s2  }
0x8f: {  	_ = 	snop  }
0x90: {  	(tm) =	ssettm $0x1  }
0x91: {  	s17 =	sld [smem:$0x3FFB];
	_ =	sdelay $0x3  }
0x92: {  	_ =	strace s17  }
0x93: {  	s2 =	sld [smem:$0x3FFC];
	_ =	sdelay $0x3  }
0x94: {  	_ =	strace s2  }
0x95: {  	s2 =	sld [smem:$0x3FFD];
	_ =	sdelay $0x3  }
0x96: {  	_ =	strace s2  }
0x97: {  	_ =	strace $0x8FFFFFFF  }
0x98: {  	s18 =	sld [smem:$0x3FDB];
	_ =	sdelay $0x1  }
0x99: {  	s19 =	simm.s32 $_scs_section_size  }
0x9a: {  	s4 =	simm.s32 $_size__tile_overlayer_lowered;
	s5 =	simm.s32 $_tile_overlayer_lowered  }
0x9b: {  	s22 =	simm.s32 $0x1BFF;
	s21 =	sshll.u32 s5, $0x1;
	s2 =	sadd.s32 s19, s18  }
0x9c: {  	s6 =	simm.s32 $0x0;
	s20 =	sshll.u32 s4, $0x1;
	s4 =	sadd.s32 s21, s2  }
0x9d: {  	[timem:s6], [sflag:s22] =	dma.local [hbm:s4], s20  }
0x9e: {  	_ =	swait.ge [sflag:s22], s20  }
0x9f: {  	s3 =	ssub.s32 $0x0, s20;
	[sflag:s22] =	ssyncset.done $0x0  }
0xa0: {  	[sflag:s22] =	ssyncadd.s32 s3;
	_ =	sdelay $0x1  }
0xa1: {  	s23 =	simm.s32 $0x1B8B  }
0xa2: {  	_ =	swait.ge [sflag:s23], $0x1  }
0xa3: {  	[sflag:s23] =	ssyncset.done $0x0  }
0xa4: {  	s25 =	simm.s32 $0x1B8E;
	s24 =	sld [smem:$0x3FFE];
	[sflag:s23] =	ssyncadd.s32 $0xFFFFFFFF  }
0xa5: {  	s26 =	simm.s32 $execute0_lowered;
	[smem:$0x3FD2] =	sst s25  }
0xa6: {  	s4 =	sshll.u32 s26, $0x1;
	_ =	strace $0x80000049;
	[dreg:$0x1] =	wrdreg $0xFFFFFFFF  }
0xa7: {  	s28 =	simm.s32 $_size_execute0_lowered;
	s2 =	sadd.s32 s2, s4;
	[dreg:$0x0] =	wrdreg $0x0  }
0xa8: {  	s4 =	sshll.u32 s28, $0x1;
	[dreg:$0x2] =	wrdreg s2  }
0xa9: {  	[dreg:$0x3] =	wrdreg s4  }
0xaa: {  	[dreg:$0x4] =	wrdreg $0xC0  }
0xab: {  	_ =	task [dreg:s6], $0x5FFFF  }
0xac: {  	[dreg:$0x1] =	wrdreg $0xFFFFFFFF  }
0xad: {  	[dreg:$0x0] =	wrdreg $0x60  }
0xae: {  	[dreg:$0x2] =	wrdreg s24  }
0xaf: {  	[dreg:$0x3] =	wrdreg $0x9  }
0xb0: {  	_ =	task.clear_ibuf [dreg:s6], $0x4FFFF;
	_ =	strace $0x90000049  }
0xb1: {  	s29 =	simm.s32 $0x9;
	_ =	strace $0x8000004B  }
0xb2: {  	_ =	swait.ge [sflag:s29], $0x1  }
0xb3: {  	[sflag:s29] =	ssyncadd.s32 $0xFFFFFFFF  }
0xb4: {  	_ =	strace $0x9000004B  }
0xb5: {  	_ =	sfence  }
0xb6: {  	s30 =	sld [smem:$0x0];
	_ =	sdelay $0x2  }
0xb7: {  	s31 =	sshll.u32 s1, $0xD;
	s1 =	sshrl.u32 s1, $0x2  }
0xb8: {  	s3 =	sand.u32 $0x4000, s31;
	s1 =	sadd.s32 s1, s30  }
0xb9: {  	s0 =	sor.u32 s3, s0;
	s1 =	sshll.u32 s1, $0x11  }
0xba: {  	s0 =	sor.u32 s1, s0  }
0xbb: {  	s0 =	sadd.s32 $0x8F2B, s0  }
0xbc: {  	[sflag:s0] =	ssyncadd.remote.s32 $0x1  }
0xbd: {  	_ =	sfence.sel $0xFFFF  }
0xbe: {  	[dreg:$0x0] =	wrdreg $0xFFFFFFFF;
	(pc) =	sbr.abs _section_cstart, $3  }
0xbf: {  	[dreg:$0x1] =	wrdreg $0xFFFFFFFF  }
0xc0: {  	_ =	task.clear_ibuf [dreg:s6], $0x2FFFF;
	_ =	strace $0x9FFFFFFF  }
0xc1: {  	(tm) =	ssettm $0x7FFFFFFF  }
tec
execute0_lowered:
.L_overlay_start_1:
0x0: {  	(tag) =	ssettag $0x1  }
0x1: {  	s0 =	rddreg [dreg:$0x0]  }
0x2: {  	s1 =	srdreg.scid;
	s3 =	stileid.u32  }
0x3: {  	s2 =	simm.s32 $0x0;
	s18 =	simm.s32 $0x1;
	s20 =	simm.s32 $0x880  }
0x4: {  	s21 =	simm.s32 $0x1080;
	s22 =	simm.s32 $0x1880;
	s23 =	simm.s32 $0x2080  }
0x5: {  	s24 =	simm.s32 $0x2880;
	s25 =	simm.s32 $0x3080;
	s28 =	simm.s32 $0x4080  }
0x6: {  	s29 =	simm.s32 $0x4880;
	s30 =	simm.s32 $0x5080;
	s31 =	simm.s32 $0x5880  }
0x7: {  	s10 =	simm.s32 $0x7080;
	s11 =	simm.s32 $0x7880;
	s12 =	simm.s32 $0x8080  }
0x8: {  	s13 =	simm.s32 $0x8880;
	s14 =	simm.s32 $0x9080;
	s15 =	simm.s32 $0x9880  }
0x9: {  	s16 =	simm.s32 $0xA080;
	s17 =	simm.s32 $0xA880;
	s1 =	sand.u32 $0x1, s1  }
0xa: {  	s3 =	sshll.u32 s3, $0x8;
	[smem:$0x7FF] =	sst s2;
	s4 =	sshll.u32 s1, $0x7  }
0xb: {  	s9 =	simm.s32 $0xB080;
	_ =	strace $0x8000004A;
	s4 =	sor.u32 s4, s3  }
0xc: {  	s1 =	ssub.s32 $0x2, s1;
	s3 =	sadd.s32 $0xC2C00, s0;
	s5 =	sshrl.u32 s4, $0x3  }
0xd: {  	s6 =	sshrl.u32 s1, $0x1;
	s4 =	sshll.u32 s4, $0x7;
	s5 =	sadd.s32 s5, s0  }
0xe: {  	s1 =	ssub.s32 s1, s6;
	s7 =	sadd.s32 s4, s0;
	s5 =	sadd.s32 $0x2A00, s5  }
0xf: {  	s6 =	sadd.s32 $0xC2F00, s0;
	s8 =	sadd.s32 $0x2C00, s7;
	[dreg:$0x2] =	wrdreg s5  }
0x10: {  	v2 =	vlaneseq.u32;
	s4 =	sadd.s32 $0xC2D00, s0;
	s26 =	sadd.s32 $0x4C00, s7;
	[dreg:$0x3] =	wrdreg s8  }
0x11: {  	vm0 =	vmmov $0xffff;
	v1 =	vshrl.u32 v2, $0x3;
	s7 =	smax.u32 s1, $0x1;
	s5 =	sadd.s32 $0xC2E00, s0;
	[dreg:$0x4] =	wrdreg s26  }
0x12: {  	v0 =	vand.u32 $0x7, v2;
	v2 =	vor.u32 $0x8, v2;
	v1 =	vmul.u32 $0x8, v1;
	s8 =	simm.s32 $0x2;
	s0 =	simm.s32 $0x80;
	s26 =	simm.s32 $0x3880  }
.LBB2_1:
0x13: {  	s19 =	rddreg [dreg:$0x2]  }
0x14: {  	[tilespmem:s2], [sflag:$0x2] =	stream.linear.gather [hbm4b:s19+s2], $0x80, $0x38;
	[tilespmem:$0x10080] =	vst v63  }
0x15: {  	_ =	swait.ge [sflag:s8], $0x80  }
0x16: {  	[sflag:s8] =	ssyncset.done $0x0  }
0x17: {  	[sflag:s8] =	ssyncadd.s32 $0xFFFFFF80  }
0x18: {  	v3 =	vld [tilespmem:$0x0];
	_ =	sdelay $0x4  }
0x19: {  	v4 =	vshll.u32 v3, $0x3  }
0x1a: {  	v3 =	vand.u32 $0x7, v3;
	v4 =	vand.u32 $0xFFFFFFC0, v4  }
0x1b: {  	v3 =	vor.u32 v3, v4  }
0x1c: {  	v4 =	vperm.xlane v3, v0;
	_ =	sdelay $0x1  }
0x1d: {  	v4 =	vadd.s32 v1, v4;
	_ =	sdelay $0x4  }
0x1e: {  	[tilespmem:s0], [sflag:$0x1] =	stream.indirect_vreg.gather [hbm4b:s3+s2], $0x80, v4, vm0, $0xb8;
	[tilespmem:$0x10080] =	vst v63  }
0x1f: {  	v3 =	vperm.xlane v3, v2  }
0x20: {  	[tilespmem:s20], [sflag:$0x1] =	stream.indirect_vreg.gather [hbm4b:s4+s2], $0x80, v4, vm0, $0xb8;
	[tilespmem:$0x10080] =	vst v63  }
0x21: {  	v3 =	vadd.s32 v1, v3  }
0x22: {  	[tilespmem:s21], [sflag:$0x1] =	stream.indirect_vreg.gather [hbm4b:s5+s2], $0x80, v4, vm0, $0xb8;
	[tilespmem:$0x10080] =	vst v63  }
0x23: {  	_ = 	snop  }
0x24: {  	[tilespmem:s22], [sflag:$0x1] =	stream.indirect_vreg.gather [hbm4b:s6+s2], $0x80, v4, vm0, $0xb8;
	[tilespmem:$0x10080] =	vst v63  }
0x25: {  	_ = 	snop  }
0x26: {  	[tilespmem:s23], [sflag:$0x1] =	stream.indirect_vreg.gather [hbm4b:s3+s2], $0x80, v3, vm0, $0xb8;
	[tilespmem:$0x10080] =	vst v63  }
0x27: {  	_ = 	snop  }
0x28: {  	[tilespmem:s24], [sflag:$0x1] =	stream.indirect_vreg.gather [hbm4b:s4+s2], $0x80, v3, vm0, $0xb8;
	[tilespmem:$0x10080] =	vst v63  }
0x29: {  	_ = 	snop  }
0x2a: {  	[tilespmem:s25], [sflag:$0x1] =	stream.indirect_vreg.gather [hbm4b:s5+s2], $0x80, v3, vm0, $0xb8;
	[tilespmem:$0x10080] =	vst v63  }
0x2b: {  	_ = 	snop  }
0x2c: {  	[tilespmem:s26], [sflag:$0x1] =	stream.indirect_vreg.gather [hbm4b:s6+s2], $0x80, v3, vm0, $0xb8;
	[tilespmem:$0x10080] =	vst v63  }
0x2d: {  	v3 =	vld [tilespmem:$0x10];
	_ =	sdelay $0x4  }
0x2e: {  	v57 =	vshll.u32 v3, $0x3  }
0x2f: {  	v3 =	vand.u32 $0x7, v3;
	v4 =	vand.u32 $0xFFFFFFC0, v57  }
0x30: {  	v3 =	vor.u32 v3, v4  }
0x31: {  	v4 =	vperm.xlane v3, v0;
	_ =	sdelay $0x1  }
0x32: {  	v4 =	vadd.s32 v1, v4;
	_ =	sdelay $0x4  }
0x33: {  	[tilespmem:s28], [sflag:$0x1] =	stream.indirect_vreg.gather [hbm4b:s3+s2], $0x80, v4, vm0, $0xb8;
	[tilespmem:$0x10080] =	vst v63  }
0x34: {  	v3 =	vperm.xlane v3, v2  }
0x35: {  	[tilespmem:s29], [sflag:$0x1] =	stream.indirect_vreg.gather [hbm4b:s4+s2], $0x80, v4, vm0, $0xb8;
	[tilespmem:$0x10080] =	vst v63  }
0x36: {  	v3 =	vadd.s32 v1, v3  }
0x37: {  	[tilespmem:s30], [sflag:$0x1] =	stream.indirect_vreg.gather [hbm4b:s5+s2], $0x80, v4, vm0, $0xb8;
	[tilespmem:$0x10080] =	vst v63  }
0x38: {  	_ = 	snop  }
0x39: {  	[tilespmem:s31], [sflag:$0x1] =	stream.indirect_vreg.gather [hbm4b:s6+s2], $0x80, v4, vm0, $0xb8;
	[tilespmem:$0x10080] =	vst v63  }
0x3a: {  	s1 =	simm.s32 $0x6080  }
0x3b: {  	[tilespmem:s1], [sflag:$0x1] =	stream.indirect_vreg.gather [hbm4b:s3+s2], $0x80, v3, vm0, $0xb8;
	[tilespmem:$0x10080] =	vst v63  }
0x3c: {  	s1 =	simm.s32 $0x6880  }
0x3d: {  	[tilespmem:s1], [sflag:$0x1] =	stream.indirect_vreg.gather [hbm4b:s4+s2], $0x80, v3, vm0, $0xb8;
	[tilespmem:$0x10080] =	vst v63  }
0x3e: {  	_ = 	snop  }
0x3f: {  	[tilespmem:s10], [sflag:$0x1] =	stream.indirect_vreg.gather [hbm4b:s5+s2], $0x80, v3, vm0, $0xb8;
	[tilespmem:$0x10080] =	vst v63  }
0x40: {  	_ = 	snop  }
0x41: {  	[tilespmem:s11], [sflag:$0x1] =	stream.indirect_vreg.gather [hbm4b:s6+s2], $0x80, v3, vm0, $0xb8;
	[tilespmem:$0x10080] =	vst v63  }
0x42: {  	v3 =	vld [tilespmem:$0x20];
	_ =	sdelay $0x4  }
0x43: {  	v58 =	vshll.u32 v3, $0x3  }
0x44: {  	v3 =	vand.u32 $0x7, v3;
	v4 =	vand.u32 $0xFFFFFFC0, v58  }
0x45: {  	v3 =	vor.u32 v3, v4  }
0x46: {  	v4 =	vperm.xlane v3, v0;
	_ =	sdelay $0x1  }
0x47: {  	v4 =	vadd.s32 v1, v4;
	_ =	sdelay $0x4  }
0x48: {  	[tilespmem:s12], [sflag:$0x1] =	stream.indirect_vreg.gather [hbm4b:s3+s2], $0x80, v4, vm0, $0xb8;
	[tilespmem:$0x10080] =	vst v63  }
0x49: {  	v3 =	vperm.xlane v3, v2  }
0x4a: {  	[tilespmem:s13], [sflag:$0x1] =	stream.indirect_vreg.gather [hbm4b:s4+s2], $0x80, v4, vm0, $0xb8;
	[tilespmem:$0x10080] =	vst v63  }
0x4b: {  	v3 =	vadd.s32 v1, v3  }
0x4c: {  	[tilespmem:s14], [sflag:$0x1] =	stream.indirect_vreg.gather [hbm4b:s5+s2], $0x80, v4, vm0, $0xb8;
	[tilespmem:$0x10080] =	vst v63  }
0x4d: {  	_ = 	snop  }
0x4e: {  	[tilespmem:s15], [sflag:$0x1] =	stream.indirect_vreg.gather [hbm4b:s6+s2], $0x80, v4, vm0, $0xb8;
	[tilespmem:$0x10080] =	vst v63  }
0x4f: {  	_ = 	snop  }
0x50: {  	[tilespmem:s16], [sflag:$0x1] =	stream.indirect_vreg.gather [hbm4b:s3+s2], $0x80, v3, vm0, $0xb8;
	[tilespmem:$0x10080] =	vst v63  }
0x51: {  	_ = 	snop  }
0x52: {  	[tilespmem:s17], [sflag:$0x1] =	stream.indirect_vreg.gather [hbm4b:s4+s2], $0x80, v3, vm0, $0xb8;
	[tilespmem:$0x10080] =	vst v63  }
0x53: {  	_ = 	snop  }
0x54: {  	[tilespmem:s9], [sflag:$0x1] =	stream.indirect_vreg.gather [hbm4b:s5+s2], $0x80, v3, vm0, $0xb8;
	[tilespmem:$0x10080] =	vst v63  }
0x55: {  	s19 =	simm.s32 $0xB880  }
0x56: {  	[tilespmem:s19], [sflag:$0x1] =	stream.indirect_vreg.gather [hbm4b:s6+s2], $0x80, v3, vm0, $0xb8;
	[tilespmem:$0x10080] =	vst v63  }
0x57: {  	v3 =	vld [tilespmem:$0x30];
	_ =	sdelay $0x4  }
0x58: {  	v59 =	vshll.u32 v3, $0x3  }
0x59: {  	v3 =	vand.u32 $0x7, v3;
	v4 =	vand.u32 $0xFFFFFFC0, v59  }
0x5a: {  	v3 =	vor.u32 v3, v4  }
0x5b: {  	v4 =	vperm.xlane v3, v0;
	_ =	sdelay $0x1  }
0x5c: {  	v4 =	vadd.s32 v1, v4;
	_ =	sdelay $0x3  }
0x5d: {  	s19 =	simm.s32 $0xC080  }
0x5e: {  	[tilespmem:s19], [sflag:$0x1] =	stream.indirect_vreg.gather [hbm4b:s3+s2], $0x80, v4, vm0, $0xb8;
	[tilespmem:$0x10080] =	vst v63  }
0x5f: {  	v3 =	vperm.xlane v3, v2;
	s19 =	simm.s32 $0xC880  }
0x60: {  	[tilespmem:s19], [sflag:$0x1] =	stream.indirect_vreg.gather [hbm4b:s4+s2], $0x80, v4, vm0, $0xb8;
	[tilespmem:$0x10080] =	vst v63  }
0x61: {  	v3 =	vadd.s32 v1, v3;
	s19 =	simm.s32 $0xD080  }
0x62: {  	[tilespmem:s19], [sflag:$0x1] =	stream.indirect_vreg.gather [hbm4b:s5+s2], $0x80, v4, vm0, $0xb8;
	[tilespmem:$0x10080] =	vst v63  }
0x63: {  	s19 =	simm.s32 $0xD880  }
0x64: {  	[tilespmem:s19], [sflag:$0x1] =	stream.indirect_vreg.gather [hbm4b:s6+s2], $0x80, v4, vm0, $0xb8;
	[tilespmem:$0x10080] =	vst v63  }
0x65: {  	s19 =	simm.s32 $0xE080  }
0x66: {  	[tilespmem:s19], [sflag:$0x1] =	stream.indirect_vreg.gather [hbm4b:s3+s2], $0x80, v3, vm0, $0xb8;
	[tilespmem:$0x10080] =	vst v63  }
0x67: {  	s19 =	simm.s32 $0xE880  }
0x68: {  	[tilespmem:s19], [sflag:$0x1] =	stream.indirect_vreg.gather [hbm4b:s4+s2], $0x80, v3, vm0, $0xb8;
	[tilespmem:$0x10080] =	vst v63  }
0x69: {  	s19 =	simm.s32 $0xF080  }
0x6a: {  	[tilespmem:s19], [sflag:$0x1] =	stream.indirect_vreg.gather [hbm4b:s5+s2], $0x80, v3, vm0, $0xb8;
	[tilespmem:$0x10080] =	vst v63  }
0x6b: {  	s19 =	simm.s32 $0xF880  }
0x6c: {  	[tilespmem:s19], [sflag:$0x1] =	stream.indirect_vreg.gather [hbm4b:s6+s2], $0x80, v3, vm0, $0xb8;
	[tilespmem:$0x10080] =	vst v63  }
0x6d: {  	_ =	swait.ge [sflag:s18], $0x10000  }
0x6e: {  	[sflag:s18] =	ssyncset.done $0x0  }
0x6f: {  	s19 =	rddreg [dreg:$0x3];
	[sflag:s18] =	ssyncadd.s32 $0xFFFF0000  }
0x70: {  	[hbm4b:s19+s2] =	stream.linear.scatter [tilespmem:s0], [sflag:$0x2], $0x10000, $0x38;
	[tilespmem:$0x10080] =	vst v63  }
0x71: {  	_ =	swait.ge [sflag:s8], $0x10000  }
0x72: {  	[sflag:s8] =	ssyncset.done $0x0  }
0x73: {  	[sflag:s8] =	ssyncadd.s32 $0xFFFF0000  }
0x74: {  	v3 =	vld [tilespmem:$0x40];
	_ =	sdelay $0x4  }
0x75: {  	v60 =	vshll.u32 v3, $0x3  }
0x76: {  	v3 =	vand.u32 $0x7, v3;
	v4 =	vand.u32 $0xFFFFFFC0, v60  }
0x77: {  	v3 =	vor.u32 v3, v4  }
0x78: {  	v4 =	vperm.xlane v3, v0;
	_ =	sdelay $0x1  }
0x79: {  	v4 =	vadd.s32 v1, v4;
	_ =	sdelay $0x4  }
0x7a: {  	[tilespmem:s0], [sflag:$0x1] =	stream.indirect_vreg.gather [hbm4b:s3+s2], $0x80, v4, vm0, $0xb8;
	[tilespmem:$0x10080] =	vst v63  }
0x7b: {  	v3 =	vperm.xlane v3, v2  }
0x7c: {  	[tilespmem:s20], [sflag:$0x1] =	stream.indirect_vreg.gather [hbm4b:s4+s2], $0x80, v4, vm0, $0xb8;
	[tilespmem:$0x10080] =	vst v63  }
0x7d: {  	v3 =	vadd.s32 v1, v3  }
0x7e: {  	[tilespmem:s21], [sflag:$0x1] =	stream.indirect_vreg.gather [hbm4b:s5+s2], $0x80, v4, vm0, $0xb8;
	[tilespmem:$0x10080] =	vst v63  }
0x7f: {  	_ = 	snop  }
0x80: {  	[tilespmem:s22], [sflag:$0x1] =	stream.indirect_vreg.gather [hbm4b:s6+s2], $0x80, v4, vm0, $0xb8;
	[tilespmem:$0x10080] =	vst v63  }
0x81: {  	_ = 	snop  }
0x82: {  	[tilespmem:s23], [sflag:$0x1] =	stream.indirect_vreg.gather [hbm4b:s3+s2], $0x80, v3, vm0, $0xb8;
	[tilespmem:$0x10080] =	vst v63  }
0x83: {  	_ = 	snop  }
0x84: {  	[tilespmem:s24], [sflag:$0x1] =	stream.indirect_vreg.gather [hbm4b:s4+s2], $0x80, v3, vm0, $0xb8;
	[tilespmem:$0x10080] =	vst v63  }
0x85: {  	_ = 	snop  }
0x86: {  	[tilespmem:s25], [sflag:$0x1] =	stream.indirect_vreg.gather [hbm4b:s5+s2], $0x80, v3, vm0, $0xb8;
	[tilespmem:$0x10080] =	vst v63  }
0x87: {  	_ = 	snop  }
0x88: {  	[tilespmem:s26], [sflag:$0x1] =	stream.indirect_vreg.gather [hbm4b:s6+s2], $0x80, v3, vm0, $0xb8;
	[tilespmem:$0x10080] =	vst v63  }
0x89: {  	v3 =	vld [tilespmem:$0x50];
	_ =	sdelay $0x4  }
0x8a: {  	v61 =	vshll.u32 v3, $0x3  }
0x8b: {  	v3 =	vand.u32 $0x7, v3;
	v4 =	vand.u32 $0xFFFFFFC0, v61  }
0x8c: {  	v3 =	vor.u32 v3, v4  }
0x8d: {  	v4 =	vperm.xlane v3, v0;
	_ =	sdelay $0x1  }
0x8e: {  	v4 =	vadd.s32 v1, v4;
	_ =	sdelay $0x4  }
0x8f: {  	[tilespmem:s28], [sflag:$0x1] =	stream.indirect_vreg.gather [hbm4b:s3+s2], $0x80, v4, vm0, $0xb8;
	[tilespmem:$0x10080] =	vst v63  }
0x90: {  	v3 =	vperm.xlane v3, v2  }
0x91: {  	[tilespmem:s29], [sflag:$0x1] =	stream.indirect_vreg.gather [hbm4b:s4+s2], $0x80, v4, vm0, $0xb8;
	[tilespmem:$0x10080] =	vst v63  }
0x92: {  	v3 =	vadd.s32 v1, v3  }
0x93: {  	[tilespmem:s30], [sflag:$0x1] =	stream.indirect_vreg.gather [hbm4b:s5+s2], $0x80, v4, vm0, $0xb8;
	[tilespmem:$0x10080] =	vst v63  }
0x94: {  	_ = 	snop  }
0x95: {  	[tilespmem:s31], [sflag:$0x1] =	stream.indirect_vreg.gather [hbm4b:s6+s2], $0x80, v4, vm0, $0xb8;
	[tilespmem:$0x10080] =	vst v63  }
0x96: {  	s19 =	simm.s32 $0x6080  }
0x97: {  	[tilespmem:s19], [sflag:$0x1] =	stream.indirect_vreg.gather [hbm4b:s3+s2], $0x80, v3, vm0, $0xb8;
	[tilespmem:$0x10080] =	vst v63  }
0x98: {  	_ = 	snop  }
0x99: {  	[tilespmem:s1], [sflag:$0x1] =	stream.indirect_vreg.gather [hbm4b:s4+s2], $0x80, v3, vm0, $0xb8;
	[tilespmem:$0x10080] =	vst v63  }
0x9a: {  	_ = 	snop  }
0x9b: {  	[tilespmem:s10], [sflag:$0x1] =	stream.indirect_vreg.gather [hbm4b:s5+s2], $0x80, v3, vm0, $0xb8;
	[tilespmem:$0x10080] =	vst v63  }
0x9c: {  	_ = 	snop  }
0x9d: {  	[tilespmem:s11], [sflag:$0x1] =	stream.indirect_vreg.gather [hbm4b:s6+s2], $0x80, v3, vm0, $0xb8;
	[tilespmem:$0x10080] =	vst v63  }
0x9e: {  	v3 =	vld [tilespmem:$0x60];
	_ =	sdelay $0x4  }
0x9f: {  	v62 =	vshll.u32 v3, $0x3  }
0xa0: {  	v3 =	vand.u32 $0x7, v3;
	v4 =	vand.u32 $0xFFFFFFC0, v62  }
0xa1: {  	v3 =	vor.u32 v3, v4  }
0xa2: {  	v4 =	vperm.xlane v3, v0;
	_ =	sdelay $0x1  }
0xa3: {  	v4 =	vadd.s32 v1, v4;
	_ =	sdelay $0x4  }
0xa4: {  	[tilespmem:s12], [sflag:$0x1] =	stream.indirect_vreg.gather [hbm4b:s3+s2], $0x80, v4, vm0, $0xb8;
	[tilespmem:$0x10080] =	vst v63  }
0xa5: {  	v3 =	vperm.xlane v3, v2  }
0xa6: {  	[tilespmem:s13], [sflag:$0x1] =	stream.indirect_vreg.gather [hbm4b:s4+s2], $0x80, v4, vm0, $0xb8;
	[tilespmem:$0x10080] =	vst v63  }
0xa7: {  	v3 =	vadd.s32 v1, v3  }
0xa8: {  	[tilespmem:s14], [sflag:$0x1] =	stream.indirect_vreg.gather [hbm4b:s5+s2], $0x80, v4, vm0, $0xb8;
	[tilespmem:$0x10080] =	vst v63  }
0xa9: {  	_ = 	snop  }
0xaa: {  	[tilespmem:s15], [sflag:$0x1] =	stream.indirect_vreg.gather [hbm4b:s6+s2], $0x80, v4, vm0, $0xb8;
	[tilespmem:$0x10080] =	vst v63  }
0xab: {  	_ = 	snop  }
0xac: {  	[tilespmem:s16], [sflag:$0x1] =	stream.indirect_vreg.gather [hbm4b:s3+s2], $0x80, v3, vm0, $0xb8;
	[tilespmem:$0x10080] =	vst v63  }
0xad: {  	_ = 	snop  }
0xae: {  	[tilespmem:s17], [sflag:$0x1] =	stream.indirect_vreg.gather [hbm4b:s4+s2], $0x80, v3, vm0, $0xb8;
	[tilespmem:$0x10080] =	vst v63  }
0xaf: {  	_ = 	snop  }
0xb0: {  	[tilespmem:s9], [sflag:$0x1] =	stream.indirect_vreg.gather [hbm4b:s5+s2], $0x80, v3, vm0, $0xb8;
	[tilespmem:$0x10080] =	vst v63  }
0xb1: {  	s19 =	simm.s32 $0xB880  }
0xb2: {  	[tilespmem:s19], [sflag:$0x1] =	stream.indirect_vreg.gather [hbm4b:s6+s2], $0x80, v3, vm0, $0xb8;
	[tilespmem:$0x10080] =	vst v63  }
0xb3: {  	v3 =	vld [tilespmem:$0x70];
	_ =	sdelay $0x4  }
0xb4: {  	v63 =	vshll.u32 v3, $0x3  }
0xb5: {  	v3 =	vand.u32 $0x7, v3;
	v4 =	vand.u32 $0xFFFFFFC0, v63  }
0xb6: {  	v3 =	vor.u32 v3, v4  }
0xb7: {  	v4 =	vperm.xlane v3, v0;
	_ =	sdelay $0x1  }
0xb8: {  	v4 =	vadd.s32 v1, v4;
	_ =	sdelay $0x3  }
0xb9: {  	s19 =	simm.s32 $0xC080  }
0xba: {  	[tilespmem:s19], [sflag:$0x1] =	stream.indirect_vreg.gather [hbm4b:s3+s2], $0x80, v4, vm0, $0xb8;
	[tilespmem:$0x10080] =	vst v63  }
0xbb: {  	v3 =	vperm.xlane v3, v2;
	s19 =	simm.s32 $0xC880  }
0xbc: {  	[tilespmem:s19], [sflag:$0x1] =	stream.indirect_vreg.gather [hbm4b:s4+s2], $0x80, v4, vm0, $0xb8;
	[tilespmem:$0x10080] =	vst v63  }
0xbd: {  	v3 =	vadd.s32 v1, v3;
	s19 =	simm.s32 $0xD080  }
0xbe: {  	[tilespmem:s19], [sflag:$0x1] =	stream.indirect_vreg.gather [hbm4b:s5+s2], $0x80, v4, vm0, $0xb8;
	[tilespmem:$0x10080] =	vst v63  }
0xbf: {  	s19 =	simm.s32 $0xD880  }
0xc0: {  	[tilespmem:s19], [sflag:$0x1] =	stream.indirect_vreg.gather [hbm4b:s6+s2], $0x80, v4, vm0, $0xb8;
	[tilespmem:$0x10080] =	vst v63  }
0xc1: {  	s19 =	simm.s32 $0xE080  }
0xc2: {  	[tilespmem:s19], [sflag:$0x1] =	stream.indirect_vreg.gather [hbm4b:s3+s2], $0x80, v3, vm0, $0xb8;
	[tilespmem:$0x10080] =	vst v63  }
0xc3: {  	s19 =	simm.s32 $0xE880  }
0xc4: {  	[tilespmem:s19], [sflag:$0x1] =	stream.indirect_vreg.gather [hbm4b:s4+s2], $0x80, v3, vm0, $0xb8;
	[tilespmem:$0x10080] =	vst v63  }
0xc5: {  	s19 =	simm.s32 $0xF080  }
0xc6: {  	[tilespmem:s19], [sflag:$0x1] =	stream.indirect_vreg.gather [hbm4b:s5+s2], $0x80, v3, vm0, $0xb8;
	[tilespmem:$0x10080] =	vst v63  }
0xc7: {  	s19 =	simm.s32 $0xF880  }
0xc8: {  	[tilespmem:s19], [sflag:$0x1] =	stream.indirect_vreg.gather [hbm4b:s6+s2], $0x80, v3, vm0, $0xb8;
	[tilespmem:$0x10080] =	vst v63  }
0xc9: {  	_ =	swait.ge [sflag:s18], $0x10000  }
0xca: {  	p0 =	sne.s32 s7, $0x1;
	[sflag:s18] =	ssyncset.done $0x0  }
.Ltmp0:
0xcb: {  	s1 =	rddreg [dreg:$0x4];
	[sflag:s18] =	ssyncadd.s32 $0xFFFF0000;
	(pc) =	sbr.rel @p0 .LBB2_1-.Ltmp0, $4  }
0xcc: {  	[hbm4b:s1+s2] =	stream.linear.scatter [tilespmem:s0], [sflag:$0x2], $0x10000, $0x38;
	[tilespmem:$0x10080] =	vst v63  }
0xcd: {  	_ =	swait.ge [sflag:s8], $0x10000  }
0xce: {  	[sflag:s8] =	ssyncset.done $0x0  }
0xcf: {  	s7 =	sadd.s32 $0xFFFFFFFF, s7;
	[sflag:s8] =	ssyncadd.s32 $0xFFFF0000  }
0xd0: {  	_ =	sfence.sel $0x180000  }
0xd1: {  	[bflag:$0x0] =	sbarrier.arrive $0xFFFF  }
0xd2: {  	_ =	strace $0x9000004A  }
0xd3: {  	s0 =	stileid.u32;
	[bflag:$0x2] =	sbarrier.arrive $0xFFFF  }
0xd4: {  	p0 =	sne.s32 s0, $0x0;
	s0 =	rddreg [dreg:$0x1]  }
0xd5: {  	s0 =	sadd.s32 @!p0 $0x100000, s0  }
0xd6: {  	[sflag:s0] =	ssyncadd.tile.s32 @!p0 $0x1;
	_ =	shalt  }
.Lfunc_end2:
_tile_overlayer_lowered:
.L_overlay_start_2:
0xd7: {  	(tag) =	ssettag $0x2  }
0xd8: {  	s0 =	rddreg [dreg:$0x0];
	s2 =	stileid.u32  }
0xd9: {  	s1 =	rddreg [dreg:$0x1];
	p0 =	sne.s32 s2, $0x0  }
0xda: {  	s3 =	rddreg [dreg:$0x2];
	[bflag:$0x3] =	sbarrier.arrive $0xFFFF;
	s2 =	simm.s32 @!p0 $0x1C02  }
0xdb: {  	[timem:s3], [sflag:s2] =	dma.local @!p0 [hbm:s0], s1  }
0xdc: {  	s0 =	simm.s32 @!p0 $0x2  }
0xdd: {  	_ =	swait.ge @!p0 [sflag:s0], s1  }
0xde: {  	s1 =	ssub.s32 @!p0 $0x0, s1;
	[sflag:s0] =	ssyncset.done @!p0 $0x0  }
0xdf: {  	[sflag:s0] =	ssyncadd.s32 @!p0 s1  }
0xe0: {  	[bflag:$0x3] =	sbarrier.arrive $0xFFFF  }
0xe1: {  	_ =	shalt  }

</sc_bundles>
